<compile_context>
chip_gen: v7x
topology: tpu7x:2x2x1
jax: 0.10.2.dev20260603
libtpu: 0.0.44.dev20260713+nightly
codegen_flags: <defaults>
</compile_context>

<pallas_src>
import functools

import jax
import jax.numpy as jnp
from jax import lax
from jax.experimental import pallas as pl
from jax.experimental.pallas import tpu as pltpu
from jax.experimental.pallas import tpu_sc as plsc

N = 1048576
NUM_CORES = 2
NUM_SUBCORES = 16
NUM_WORKERS = NUM_CORES * NUM_SUBCORES
PER_WORKER = N // NUM_WORKERS
CHUNK = 4096
LANES = 16
NUM_SETS = 3

SIZES = (1024, 3072) + (CHUNK,) * 6 + (3072, 1024)
OFFSETS = tuple(sum(SIZES[:i]) for i in range(len(SIZES)))
NUM_CHUNKS = len(SIZES)
assert sum(SIZES) == PER_WORKER


def _sort_chunk(in_bufs, out_bufs, size):

    def inner(i, c):
        for u in range(2):
            s = i * (2 * LANES) + u * LANES
            a = in_bufs[0][pl.ds(s, LANES)]
            b = in_bufs[1][pl.ds(s, LANES)]
            cc = in_bufs[2][pl.ds(s, LANES)]
            d = in_bufs[3][pl.ds(s, LANES)]
            lo1 = jnp.minimum(a, b)
            hi1 = jnp.maximum(a, b)
            lo2 = jnp.minimum(cc, d)
            hi2 = jnp.maximum(cc, d)
            o0 = jnp.minimum(lo1, lo2)
            o3 = jnp.maximum(hi1, hi2)
            m1 = jnp.maximum(lo1, lo2)
            m2 = jnp.minimum(hi1, hi2)
            out_bufs[0][pl.ds(s, LANES)] = o0
            out_bufs[1][pl.ds(s, LANES)] = jnp.minimum(m1, m2)
            out_bufs[2][pl.ds(s, LANES)] = jnp.maximum(m1, m2)
            out_bufs[3][pl.ds(s, LANES)] = o3
        return c

    lax.fori_loop(0, size // LANES // 2, inner, 0)


def _body(x1h, x2h, x3h, x4h, outh, *scratch):
    nb = NUM_SETS * 4
    in_bufs = tuple(tuple(scratch[st * 4 + j] for j in range(4))
                    for st in range(NUM_SETS))
    out_bufs = tuple(tuple(scratch[nb + st * 4 + j] for j in range(4))
                     for st in range(NUM_SETS))
    insems = scratch[2 * nb:2 * nb + NUM_SETS]
    outsems = scratch[2 * nb + NUM_SETS:]
    wid = lax.axis_index("s") * NUM_CORES + lax.axis_index("c")
    base = wid * PER_WORKER
    xs = (x1h, x2h, x3h, x4h)

    in_handles = [None] * NUM_SETS
    out_handles = [None] * NUM_SETS

    def start_inputs(ci):
        st = ci % NUM_SETS
        off = base + OFFSETS[ci]
        sz = SIZES[ci]
        in_handles[st] = [
            pltpu.async_copy(xs[j].at[pl.ds(off, sz)],
                             in_bufs[st][j].at[pl.ds(0, sz)], insems[st])
            for j in range(4)
        ]

    def start_outputs(ci):
        st = ci % NUM_SETS
        off = base + OFFSETS[ci]
        sz = SIZES[ci]
        out_handles[st] = [
            pltpu.async_copy(out_bufs[st][j].at[pl.ds(0, sz)],
                             outh.at[j, pl.ds(off, sz)], outsems[st])
            for j in range(4)
        ]

    for ci in range(min(NUM_SETS, NUM_CHUNKS)):
        start_inputs(ci)
    for ci in range(NUM_CHUNKS):
        st = ci % NUM_SETS
        for h in in_handles[st]:
            h.wait()
        if ci >= NUM_SETS:
            for h in out_handles[st]:
                h.wait()
        _sort_chunk(in_bufs[st], out_bufs[st], SIZES[ci])
        nxt = ci + NUM_SETS
        if nxt < NUM_CHUNKS:
            start_inputs(nxt)
        start_outputs(ci)
    for st in range(NUM_SETS):
        if out_handles[st] is not None:
            for h in out_handles[st]:
                h.wait()


def kernel(x1, x2, x3, x4):
    mesh = plsc.VectorSubcoreMesh(core_axis_name="c", subcore_axis_name="s")
    run = functools.partial(
        pl.kernel,
        mesh=mesh,
        out_type=jax.ShapeDtypeStruct((4, N), jnp.float32),
        scratch_types=(
            [pltpu.VMEM((CHUNK,), jnp.float32) for _ in range(NUM_SETS * 8)]
            + [pltpu.SemaphoreType.DMA for _ in range(NUM_SETS * 2)]
        ),
    )(_body)
    return run(x1, x2, x3, x4)

# --- scband reference (transcript-rebuilt; emitter-appended) ---
"""Pipeline reference for scband-grid-coord-pts-sort-20684562497916 (READ-ONLY COPY).

The authoritative reference and input builder live on the scoring server;
editing this copy changes nothing except your own understanding.
"""

import jax, jax.numpy as jnp
import numpy as np

N = 1048576

def setup_inputs(seed: int = 0) -> dict:
    key = jax.random.key(seed)
    k1, k2, k3, k4 = jax.random.split(key, 4)
    x1 = jax.random.normal(k1, (N,), dtype=jnp.float32)
    x2 = jax.random.normal(k2, (N,), dtype=jnp.float32)
    x3 = jax.random.normal(k3, (N,), dtype=jnp.float32)
    x4 = jax.random.normal(k4, (N,), dtype=jnp.float32)
    return {"x1": x1, "x2": x2, "x3": x3, "x4": x4}

def reference(x1, x2, x3, x4):
    x1 = x1.reshape(-1, 1)
    x2 = x2.reshape(-1, 1)
    x3 = x3.reshape(-1, 1)
    x4 = x4.reshape(-1, 1)
    concatenated = jnp.concatenate((x1, x2, x3, x4), axis=1)
    value = jnp.sort(concatenated, axis=1)
    return value.T

if __name__ == "__main__":
    import jax
    _d = setup_inputs()
    print(jax.jit(kernel)(*tuple(_d.values())))

</pallas_src>

<mosaic_0001>
#map = affine_map<(d0, d1) -> (0)>
#map1 = affine_map<(d0, d1) -> (0, 0)>
module attributes {stable_mosaic.version = 14 : i64} {
  func.func @_body(%arg0: i32, %arg1: i32, %arg2: memref<1048576xf32, #tpu.memory_space<hbm>>, %arg3: memref<1048576xf32, #tpu.memory_space<hbm>>, %arg4: memref<1048576xf32, #tpu.memory_space<hbm>>, %arg5: memref<1048576xf32, #tpu.memory_space<hbm>>, %arg6: memref<4x1048576xf32, #tpu.memory_space<hbm>>, %arg7: memref<4096xf32, #tpu.memory_space<vmem>>, %arg8: memref<4096xf32, #tpu.memory_space<vmem>>, %arg9: memref<4096xf32, #tpu.memory_space<vmem>>, %arg10: memref<4096xf32, #tpu.memory_space<vmem>>, %arg11: memref<4096xf32, #tpu.memory_space<vmem>>, %arg12: memref<4096xf32, #tpu.memory_space<vmem>>, %arg13: memref<4096xf32, #tpu.memory_space<vmem>>, %arg14: memref<4096xf32, #tpu.memory_space<vmem>>, %arg15: memref<4096xf32, #tpu.memory_space<vmem>>, %arg16: memref<4096xf32, #tpu.memory_space<vmem>>, %arg17: memref<4096xf32, #tpu.memory_space<vmem>>, %arg18: memref<4096xf32, #tpu.memory_space<vmem>>, %arg19: memref<4096xf32, #tpu.memory_space<vmem>>, %arg20: memref<4096xf32, #tpu.memory_space<vmem>>, %arg21: memref<4096xf32, #tpu.memory_space<vmem>>, %arg22: memref<4096xf32, #tpu.memory_space<vmem>>, %arg23: memref<4096xf32, #tpu.memory_space<vmem>>, %arg24: memref<4096xf32, #tpu.memory_space<vmem>>, %arg25: memref<4096xf32, #tpu.memory_space<vmem>>, %arg26: memref<4096xf32, #tpu.memory_space<vmem>>, %arg27: memref<4096xf32, #tpu.memory_space<vmem>>, %arg28: memref<4096xf32, #tpu.memory_space<vmem>>, %arg29: memref<4096xf32, #tpu.memory_space<vmem>>, %arg30: memref<4096xf32, #tpu.memory_space<vmem>>, %arg31: memref<!tpu.dma_semaphore, #tpu.memory_space<semaphore_mem>>, %arg32: memref<!tpu.dma_semaphore, #tpu.memory_space<semaphore_mem>>, %arg33: memref<!tpu.dma_semaphore, #tpu.memory_space<semaphore_mem>>, %arg34: memref<!tpu.dma_semaphore, #tpu.memory_space<semaphore_mem>>, %arg35: memref<!tpu.dma_semaphore, #tpu.memory_space<semaphore_mem>>, %arg36: memref<!tpu.dma_semaphore, #tpu.memory_space<semaphore_mem>>) attributes {dimension_semantics = [#tpu.dimension_semantics<core_parallel>, #tpu.dimension_semantics<subcore_parallel>], iteration_bounds = array<i64: 2, 16>, scalar_prefetch = 0 : i64, scratch_operands = 30 : i64, tpu.core_type = #tpu.core_type<sc_vector_subcore>, window_params = [{transform_indices = #map}, {transform_indices = #map}, {transform_indices = #map}, {transform_indices = #map}, {transform_indices = #map1}]} {
    %mul3A = arith.constant 2 : i32
    %mul3A_0 = arith.muli %arg1, %mul3A : i32
    %add3A = arith.addi %mul3A_0, %arg0 : i32
    %mul3A_1 = arith.constant 32768 : i32
    %mul3A_2 = arith.muli %add3A, %mul3A_1 : i32
    %add3A_3 = arith.constant 0 : i32
    %add3A_4 = arith.addi %mul3A_2, %add3A_3 : i32
    %dma_start3A = arith.constant 0 : i32
    %dma_start3A_5 = tpu.memref_slice %arg7[%dma_start3A] : memref<4096xf32, #tpu.memory_space<vmem>> -> memref<1024xf32, #tpu.memory_space<vmem>>
    %dma_start3A_6 = tpu.memref_slice %arg2[%add3A_4] : memref<1048576xf32, #tpu.memory_space<hbm>> -> memref<1024xf32, #tpu.memory_space<hbm>>
    %dma_start3A_7 = arith.constant 0 : i32
    %dma_start3A_8 = tpu.memref_slice %arg7[%dma_start3A_7] : memref<4096xf32, #tpu.memory_space<vmem>> -> memref<1024xf32, #tpu.memory_space<vmem>>
    %dma_start3A_9 = tpu.memref_slice %arg2[%add3A_4] : memref<1048576xf32, #tpu.memory_space<hbm>> -> memref<1024xf32, #tpu.memory_space<hbm>>
    tpu.enqueue_dma source(%dma_start3A_9 : memref<1024xf32, #tpu.memory_space<hbm>>) target(%dma_start3A_8 : memref<1024xf32, #tpu.memory_space<vmem>>) target_semaphore(%arg31 : memref<!tpu.dma_semaphore, #tpu.memory_space<semaphore_mem>>)
    %dma_start3A_10 = arith.constant 0 : i32
    %dma_start3A_11 = tpu.memref_slice %arg8[%dma_start3A_10] : memref<4096xf32, #tpu.memory_space<vmem>> -> memref<1024xf32, #tpu.memory_space<vmem>>
    %dma_start3A_12 = tpu.memref_slice %arg3[%add3A_4] : memref<1048576xf32, #tpu.memory_space<hbm>> -> memref<1024xf32, #tpu.memory_space<hbm>>
    %dma_start3A_13 = arith.constant 0 : i32
    %dma_start3A_14 = tpu.memref_slice %arg8[%dma_start3A_13] : memref<4096xf32, #tpu.memory_space<vmem>> -> memref<1024xf32, #tpu.memory_space<vmem>>
    %dma_start3A_15 = tpu.memref_slice %arg3[%add3A_4] : memref<1048576xf32, #tpu.memory_space<hbm>> -> memref<1024xf32, #tpu.memory_space<hbm>>
    tpu.enqueue_dma source(%dma_start3A_15 : memref<1024xf32, #tpu.memory_space<hbm>>) target(%dma_start3A_14 : memref<1024xf32, #tpu.memory_space<vmem>>) target_semaphore(%arg31 : memref<!tpu.dma_semaphore, #tpu.memory_space<semaphore_mem>>)
    %dma_start3A_16 = arith.constant 0 : i32
    %dma_start3A_17 = tpu.memref_slice %arg9[%dma_start3A_16] : memref<4096xf32, #tpu.memory_space<vmem>> -> memref<1024xf32, #tpu.memory_space<vmem>>
    %dma_start3A_18 = tpu.memref_slice %arg4[%add3A_4] : memref<1048576xf32, #tpu.memory_space<hbm>> -> memref<1024xf32, #tpu.memory_space<hbm>>
    %dma_start3A_19 = arith.constant 0 : i32
    %dma_start3A_20 = tpu.memref_slice %arg9[%dma_start3A_19] : memref<4096xf32, #tpu.memory_space<vmem>> -> memref<1024xf32, #tpu.memory_space<vmem>>
    %dma_start3A_21 = tpu.memref_slice %arg4[%add3A_4] : memref<1048576xf32, #tpu.memory_space<hbm>> -> memref<1024xf32, #tpu.memory_space<hbm>>
    tpu.enqueue_dma source(%dma_start3A_21 : memref<1024xf32, #tpu.memory_space<hbm>>) target(%dma_start3A_20 : memref<1024xf32, #tpu.memory_space<vmem>>) target_semaphore(%arg31 : memref<!tpu.dma_semaphore, #tpu.memory_space<semaphore_mem>>)
    %dma_start3A_22 = arith.constant 0 : i32
    %dma_start3A_23 = tpu.memref_slice %arg10[%dma_start3A_22] : memref<4096xf32, #tpu.memory_space<vmem>> -> memref<1024xf32, #tpu.memory_space<vmem>>
    %dma_start3A_24 = tpu.memref_slice %arg5[%add3A_4] : memref<1048576xf32, #tpu.memory_space<hbm>> -> memref<1024xf32, #tpu.memory_space<hbm>>
    %dma_start3A_25 = arith.constant 0 : i32
    %dma_start3A_26 = tpu.memref_slice %arg10[%dma_start3A_25] : memref<4096xf32, #tpu.memory_space<vmem>> -> memref<1024xf32, #tpu.memory_space<vmem>>
    %dma_start3A_27 = tpu.memref_slice %arg5[%add3A_4] : memref<1048576xf32, #tpu.memory_space<hbm>> -> memref<1024xf32, #tpu.memory_space<hbm>>
    tpu.enqueue_dma source(%dma_start3A_27 : memref<1024xf32, #tpu.memory_space<hbm>>) target(%dma_start3A_26 : memref<1024xf32, #tpu.memory_space<vmem>>) target_semaphore(%arg31 : memref<!tpu.dma_semaphore, #tpu.memory_space<semaphore_mem>>)
    %add3A_28 = arith.constant 1024 : i32
    %add3A_29 = arith.addi %mul3A_2, %add3A_28 : i32
    %dma_start3A_30 = arith.constant 0 : i32
    %dma_start3A_31 = tpu.memref_slice %arg11[%dma_start3A_30] : memref<4096xf32, #tpu.memory_space<vmem>> -> memref<3072xf32, #tpu.memory_space<vmem>>
    %dma_start3A_32 = tpu.memref_slice %arg2[%add3A_29] : memref<1048576xf32, #tpu.memory_space<hbm>> -> memref<3072xf32, #tpu.memory_space<hbm>>
    %dma_start3A_33 = arith.constant 0 : i32
    %dma_start3A_34 = tpu.memref_slice %arg11[%dma_start3A_33] : memref<4096xf32, #tpu.memory_space<vmem>> -> memref<3072xf32, #tpu.memory_space<vmem>>
    %dma_start3A_35 = tpu.memref_slice %arg2[%add3A_29] : memref<1048576xf32, #tpu.memory_space<hbm>> -> memref<3072xf32, #tpu.memory_space<hbm>>
    tpu.enqueue_dma source(%dma_start3A_35 : memref<3072xf32, #tpu.memory_space<hbm>>) target(%dma_start3A_34 : memref<3072xf32, #tpu.memory_space<vmem>>) target_semaphore(%arg32 : memref<!tpu.dma_semaphore, #tpu.memory_space<semaphore_mem>>)
    %dma_start3A_36 = arith.constant 0 : i32
    %dma_start3A_37 = tpu.memref_slice %arg12[%dma_start3A_36] : memref<4096xf32, #tpu.memory_space<vmem>> -> memref<3072xf32, #tpu.memory_space<vmem>>
    %dma_start3A_38 = tpu.memref_slice %arg3[%add3A_29] : memref<1048576xf32, #tpu.memory_space<hbm>> -> memref<3072xf32, #tpu.memory_space<hbm>>
    %dma_start3A_39 = arith.constant 0 : i32
    %dma_start3A_40 = tpu.memref_slice %arg12[%dma_start3A_39] : memref<4096xf32, #tpu.memory_space<vmem>> -> memref<3072xf32, #tpu.memory_space<vmem>>
    %dma_start3A_41 = tpu.memref_slice %arg3[%add3A_29] : memref<1048576xf32, #tpu.memory_space<hbm>> -> memref<3072xf32, #tpu.memory_space<hbm>>
    tpu.enqueue_dma source(%dma_start3A_41 : memref<3072xf32, #tpu.memory_space<hbm>>) target(%dma_start3A_40 : memref<3072xf32, #tpu.memory_space<vmem>>) target_semaphore(%arg32 : memref<!tpu.dma_semaphore, #tpu.memory_space<semaphore_mem>>)
    %dma_start3A_42 = arith.constant 0 : i32
    %dma_start3A_43 = tpu.memref_slice %arg13[%dma_start3A_42] : memref<4096xf32, #tpu.memory_space<vmem>> -> memref<3072xf32, #tpu.memory_space<vmem>>
    %dma_start3A_44 = tpu.memref_slice %arg4[%add3A_29] : memref<1048576xf32, #tpu.memory_space<hbm>> -> memref<3072xf32, #tpu.memory_space<hbm>>
    %dma_start3A_45 = arith.constant 0 : i32
    %dma_start3A_46 = tpu.memref_slice %arg13[%dma_start3A_45] : memref<4096xf32, #tpu.memory_space<vmem>> -> memref<3072xf32, #tpu.memory_space<vmem>>
    %dma_start3A_47 = tpu.memref_slice %arg4[%add3A_29] : memref<1048576xf32, #tpu.memory_space<hbm>> -> memref<3072xf32, #tpu.memory_space<hbm>>
    tpu.enqueue_dma source(%dma_start3A_47 : memref<3072xf32, #tpu.memory_space<hbm>>) target(%dma_start3A_46 : memref<3072xf32, #tpu.memory_space<vmem>>) target_semaphore(%arg32 : memref<!tpu.dma_semaphore, #tpu.memory_space<semaphore_mem>>)
    %dma_start3A_48 = arith.constant 0 : i32
    %dma_start3A_49 = tpu.memref_slice %arg14[%dma_start3A_48] : memref<4096xf32, #tpu.memory_space<vmem>> -> memref<3072xf32, #tpu.memory_space<vmem>>
    %dma_start3A_50 = tpu.memref_slice %arg5[%add3A_29] : memref<1048576xf32, #tpu.memory_space<hbm>> -> memref<3072xf32, #tpu.memory_space<hbm>>
    %dma_start3A_51 = arith.constant 0 : i32
    %dma_start3A_52 = tpu.memref_slice %arg14[%dma_start3A_51] : memref<4096xf32, #tpu.memory_space<vmem>> -> memref<3072xf32, #tpu.memory_space<vmem>>
    %dma_start3A_53 = tpu.memref_slice %arg5[%add3A_29] : memref<1048576xf32, #tpu.memory_space<hbm>> -> memref<3072xf32, #tpu.memory_space<hbm>>
    tpu.enqueue_dma source(%dma_start3A_53 : memref<3072xf32, #tpu.memory_space<hbm>>) target(%dma_start3A_52 : memref<3072xf32, #tpu.memory_space<vmem>>) target_semaphore(%arg32 : memref<!tpu.dma_semaphore, #tpu.memory_space<semaphore_mem>>)
    %add3A_54 = arith.constant 4096 : i32
    %add3A_55 = arith.addi %mul3A_2, %add3A_54 : i32
    %dma_start3A_56 = arith.constant 0 : i32
    %dma_start3A_57 = tpu.memref_slice %arg15[%dma_start3A_56] : memref<4096xf32, #tpu.memory_space<vmem>> -> memref<4096xf32, #tpu.memory_space<vmem>>
    %dma_start3A_58 = tpu.memref_slice %arg2[%add3A_55] : memref<1048576xf32, #tpu.memory_space<hbm>> -> memref<4096xf32, #tpu.memory_space<hbm>>
    %dma_start3A_59 = arith.constant 0 : i32
    %dma_start3A_60 = tpu.memref_slice %arg15[%dma_start3A_59] : memref<4096xf32, #tpu.memory_space<vmem>> -> memref<4096xf32, #tpu.memory_space<vmem>>
    %dma_start3A_61 = tpu.memref_slice %arg2[%add3A_55] : memref<1048576xf32, #tpu.memory_space<hbm>> -> memref<4096xf32, #tpu.memory_space<hbm>>
    tpu.enqueue_dma source(%dma_start3A_61 : memref<4096xf32, #tpu.memory_space<hbm>>) target(%dma_start3A_60 : memref<4096xf32, #tpu.memory_space<vmem>>) target_semaphore(%arg33 : memref<!tpu.dma_semaphore, #tpu.memory_space<semaphore_mem>>)
    %dma_start3A_62 = arith.constant 0 : i32
    %dma_start3A_63 = tpu.memref_slice %arg16[%dma_start3A_62] : memref<4096xf32, #tpu.memory_space<vmem>> -> memref<4096xf32, #tpu.memory_space<vmem>>
    %dma_start3A_64 = tpu.memref_slice %arg3[%add3A_55] : memref<1048576xf32, #tpu.memory_space<hbm>> -> memref<4096xf32, #tpu.memory_space<hbm>>
    %dma_start3A_65 = arith.constant 0 : i32
    %dma_start3A_66 = tpu.memref_slice %arg16[%dma_start3A_65] : memref<4096xf32, #tpu.memory_space<vmem>> -> memref<4096xf32, #tpu.memory_space<vmem>>
    %dma_start3A_67 = tpu.memref_slice %arg3[%add3A_55] : memref<1048576xf32, #tpu.memory_space<hbm>> -> memref<4096xf32, #tpu.memory_space<hbm>>
    tpu.enqueue_dma source(%dma_start3A_67 : memref<4096xf32, #tpu.memory_space<hbm>>) target(%dma_start3A_66 : memref<4096xf32, #tpu.memory_space<vmem>>) target_semaphore(%arg33 : memref<!tpu.dma_semaphore, #tpu.memory_space<semaphore_mem>>)
    %dma_start3A_68 = arith.constant 0 : i32
    %dma_start3A_69 = tpu.memref_slice %arg17[%dma_start3A_68] : memref<4096xf32, #tpu.memory_space<vmem>> -> memref<4096xf32, #tpu.memory_space<vmem>>
    %dma_start3A_70 = tpu.memref_slice %arg4[%add3A_55] : memref<1048576xf32, #tpu.memory_space<hbm>> -> memref<4096xf32, #tpu.memory_space<hbm>>
    %dma_start3A_71 = arith.constant 0 : i32
    %dma_start3A_72 = tpu.memref_slice %arg17[%dma_start3A_71] : memref<4096xf32, #tpu.memory_space<vmem>> -> memref<4096xf32, #tpu.memory_space<vmem>>
    %dma_start3A_73 = tpu.memref_slice %arg4[%add3A_55] : memref<1048576xf32, #tpu.memory_space<hbm>> -> memref<4096xf32, #tpu.memory_space<hbm>>
    tpu.enqueue_dma source(%dma_start3A_73 : memref<4096xf32, #tpu.memory_space<hbm>>) target(%dma_start3A_72 : memref<4096xf32, #tpu.memory_space<vmem>>) target_semaphore(%arg33 : memref<!tpu.dma_semaphore, #tpu.memory_space<semaphore_mem>>)
    %dma_start3A_74 = arith.constant 0 : i32
    %dma_start3A_75 = tpu.memref_slice %arg18[%dma_start3A_74] : memref<4096xf32, #tpu.memory_space<vmem>> -> memref<4096xf32, #tpu.memory_space<vmem>>
    %dma_start3A_76 = tpu.memref_slice %arg5[%add3A_55] : memref<1048576xf32, #tpu.memory_space<hbm>> -> memref<4096xf32, #tpu.memory_space<hbm>>
    %dma_start3A_77 = arith.constant 0 : i32
    %dma_start3A_78 = tpu.memref_slice %arg18[%dma_start3A_77] : memref<4096xf32, #tpu.memory_space<vmem>> -> memref<4096xf32, #tpu.memory_space<vmem>>
    %dma_start3A_79 = tpu.memref_slice %arg5[%add3A_55] : memref<1048576xf32, #tpu.memory_space<hbm>> -> memref<4096xf32, #tpu.memory_space<hbm>>
    tpu.enqueue_dma source(%dma_start3A_79 : memref<4096xf32, #tpu.memory_space<hbm>>) target(%dma_start3A_78 : memref<4096xf32, #tpu.memory_space<vmem>>) target_semaphore(%arg33 : memref<!tpu.dma_semaphore, #tpu.memory_space<semaphore_mem>>)
    %dma_wait3A = arith.constant 0 : i32
    %dma_wait3A_80 = tpu.memref_slice %arg7[%dma_wait3A] : memref<4096xf32, #tpu.memory_space<vmem>> -> memref<1024xf32, #tpu.memory_space<vmem>>
    %dma_wait3A_81 = tpu.memref_slice %arg2[%add3A_4] : memref<1048576xf32, #tpu.memory_space<hbm>> -> memref<1024xf32, #tpu.memory_space<hbm>>
    %dma_wait3A_82 = arith.constant 0 : i32
    %dma_wait3A_83 = tpu.memref_slice %arg7[%dma_wait3A_82] : memref<4096xf32, #tpu.memory_space<vmem>> -> memref<1024xf32, #tpu.memory_space<vmem>>
    %dma_wait3A_84 = tpu.memref_slice %arg2[%add3A_4] : memref<1048576xf32, #tpu.memory_space<hbm>> -> memref<1024xf32, #tpu.memory_space<hbm>>
    tpu.wait_dma2 semaphore(%arg31 : memref<!tpu.dma_semaphore, #tpu.memory_space<semaphore_mem>>) src(%dma_wait3A_84 : memref<1024xf32, #tpu.memory_space<hbm>>) dst(%dma_wait3A_83 : memref<1024xf32, #tpu.memory_space<vmem>>)
    %dma_wait3A_85 = arith.constant 0 : i32
    %dma_wait3A_86 = tpu.memref_slice %arg8[%dma_wait3A_85] : memref<4096xf32, #tpu.memory_space<vmem>> -> memref<1024xf32, #tpu.memory_space<vmem>>
    %dma_wait3A_87 = tpu.memref_slice %arg3[%add3A_4] : memref<1048576xf32, #tpu.memory_space<hbm>> -> memref<1024xf32, #tpu.memory_space<hbm>>
    %dma_wait3A_88 = arith.constant 0 : i32
    %dma_wait3A_89 = tpu.memref_slice %arg8[%dma_wait3A_88] : memref<4096xf32, #tpu.memory_space<vmem>> -> memref<1024xf32, #tpu.memory_space<vmem>>
    %dma_wait3A_90 = tpu.memref_slice %arg3[%add3A_4] : memref<1048576xf32, #tpu.memory_space<hbm>> -> memref<1024xf32, #tpu.memory_space<hbm>>
    tpu.wait_dma2 semaphore(%arg31 : memref<!tpu.dma_semaphore, #tpu.memory_space<semaphore_mem>>) src(%dma_wait3A_90 : memref<1024xf32, #tpu.memory_space<hbm>>) dst(%dma_wait3A_89 : memref<1024xf32, #tpu.memory_space<vmem>>)
    %dma_wait3A_91 = arith.constant 0 : i32
    %dma_wait3A_92 = tpu.memref_slice %arg9[%dma_wait3A_91] : memref<4096xf32, #tpu.memory_space<vmem>> -> memref<1024xf32, #tpu.memory_space<vmem>>
    %dma_wait3A_93 = tpu.memref_slice %arg4[%add3A_4] : memref<1048576xf32, #tpu.memory_space<hbm>> -> memref<1024xf32, #tpu.memory_space<hbm>>
    %dma_wait3A_94 = arith.constant 0 : i32
    %dma_wait3A_95 = tpu.memref_slice %arg9[%dma_wait3A_94] : memref<4096xf32, #tpu.memory_space<vmem>> -> memref<1024xf32, #tpu.memory_space<vmem>>
    %dma_wait3A_96 = tpu.memref_slice %arg4[%add3A_4] : memref<1048576xf32, #tpu.memory_space<hbm>> -> memref<1024xf32, #tpu.memory_space<hbm>>
    tpu.wait_dma2 semaphore(%arg31 : memref<!tpu.dma_semaphore, #tpu.memory_space<semaphore_mem>>) src(%dma_wait3A_96 : memref<1024xf32, #tpu.memory_space<hbm>>) dst(%dma_wait3A_95 : memref<1024xf32, #tpu.memory_space<vmem>>)
    %dma_wait3A_97 = arith.constant 0 : i32
    %dma_wait3A_98 = tpu.memref_slice %arg10[%dma_wait3A_97] : memref<4096xf32, #tpu.memory_space<vmem>> -> memref<1024xf32, #tpu.memory_space<vmem>>
    %dma_wait3A_99 = tpu.memref_slice %arg5[%add3A_4] : memref<1048576xf32, #tpu.memory_space<hbm>> -> memref<1024xf32, #tpu.memory_space<hbm>>
    %dma_wait3A_100 = arith.constant 0 : i32
    %dma_wait3A_101 = tpu.memref_slice %arg10[%dma_wait3A_100] : memref<4096xf32, #tpu.memory_space<vmem>> -> memref<1024xf32, #tpu.memory_space<vmem>>
    %dma_wait3A_102 = tpu.memref_slice %arg5[%add3A_4] : memref<1048576xf32, #tpu.memory_space<hbm>> -> memref<1024xf32, #tpu.memory_space<hbm>>
    tpu.wait_dma2 semaphore(%arg31 : memref<!tpu.dma_semaphore, #tpu.memory_space<semaphore_mem>>) src(%dma_wait3A_102 : memref<1024xf32, #tpu.memory_space<hbm>>) dst(%dma_wait3A_101 : memref<1024xf32, #tpu.memory_space<vmem>>)
    %scan3A = arith.constant 0 : i32
    %scan3A_103 = arith.constant 0 : i32
    %scan3A_104 = arith.constant 32 : i32
    %scan3A_105 = arith.addi %scan3A_103, %scan3A_104 : i32
    %scan3A_106 = arith.constant 1 : i32
    scf.for %scan3A_1300 = %scan3A_103 to %scan3A_105 step %scan3A_106  : i32 {
      %mul3A_1301 = arith.constant 32 : i32
      %mul3A_1302 = arith.muli %scan3A_1300, %mul3A_1301 : i32
      %add3A_1303 = arith.constant 0 : i32
      %add3A_1304 = arith.addi %mul3A_1302, %add3A_1303 : i32
      %get3A = arith.index_cast %add3A_1304 : i32 to index
      %get3A_1305 = tpu.vector_load %arg7[%get3A] {strides = array<i32>} : memref<4096xf32, #tpu.memory_space<vmem>>, vector<16xf32>,
      %get3A_1306 = vector.shape_cast %get3A_1305 : vector<16xf32> to vector<16xf32>
      %get3A_1307 = arith.index_cast %add3A_1304 : i32 to index
      %get3A_1308 = tpu.vector_load %arg8[%get3A_1307] {strides = array<i32>} : memref<4096xf32, #tpu.memory_space<vmem>>, vector<16xf32>,
      %get3A_1309 = vector.shape_cast %get3A_1308 : vector<16xf32> to vector<16xf32>
      %get3A_1310 = arith.index_cast %add3A_1304 : i32 to index
      %get3A_1311 = tpu.vector_load %arg9[%get3A_1310] {strides = array<i32>} : memref<4096xf32, #tpu.memory_space<vmem>>, vector<16xf32>,
      %get3A_1312 = vector.shape_cast %get3A_1311 : vector<16xf32> to vector<16xf32>
      %get3A_1313 = arith.index_cast %add3A_1304 : i32 to index
      %get3A_1314 = tpu.vector_load %arg10[%get3A_1313] {strides = array<i32>} : memref<4096xf32, #tpu.memory_space<vmem>>, vector<16xf32>,
      %get3A_1315 = vector.shape_cast %get3A_1314 : vector<16xf32> to vector<16xf32>
      %min3A = arith.minimumf %get3A_1306, %get3A_1309 : vector<16xf32>
      %max3A = arith.maximumf %get3A_1306, %get3A_1309 : vector<16xf32>
      %min3A_1316 = arith.minimumf %get3A_1312, %get3A_1315 : vector<16xf32>
      %max3A_1317 = arith.maximumf %get3A_1312, %get3A_1315 : vector<16xf32>
      %min3A_1318 = arith.minimumf %min3A, %min3A_1316 : vector<16xf32>
      %max3A_1319 = arith.maximumf %max3A, %max3A_1317 : vector<16xf32>
      %max3A_1320 = arith.maximumf %min3A, %min3A_1316 : vector<16xf32>
      %min3A_1321 = arith.minimumf %max3A, %max3A_1317 : vector<16xf32>
      %swap3A = arith.index_cast %add3A_1304 : i32 to index
      %swap3A_1322 = tpu.vector_load %arg19[%swap3A] {strides = array<i32>} : memref<4096xf32, #tpu.memory_space<vmem>>, vector<16xf32>,
      %swap3A_1323 = vector.shape_cast %swap3A_1322 : vector<16xf32> to vector<16xf32>
      %swap3A_1324 = vector.shape_cast %min3A_1318 : vector<16xf32> to vector<16xf32>
      tpu.vector_store %arg19[%swap3A], %swap3A_1324 {strides = array<i32>} : memref<4096xf32, #tpu.memory_space<vmem>>, vector<16xf32>,
      %min3A_1325 = arith.minimumf %max3A_1320, %min3A_1321 : vector<16xf32>
      %swap3A_1326 = arith.index_cast %add3A_1304 : i32 to index
      %swap3A_1327 = tpu.vector_load %arg20[%swap3A_1326] {strides = array<i32>} : memref<4096xf32, #tpu.memory_space<vmem>>, vector<16xf32>,
      %swap3A_1328 = vector.shape_cast %swap3A_1327 : vector<16xf32> to vector<16xf32>
      %swap3A_1329 = vector.shape_cast %min3A_1325 : vector<16xf32> to vector<16xf32>
      tpu.vector_store %arg20[%swap3A_1326], %swap3A_1329 {strides = array<i32>} : memref<4096xf32, #tpu.memory_space<vmem>>, vector<16xf32>,
      %max3A_1330 = arith.maximumf %max3A_1320, %min3A_1321 : vector<16xf32>
      %swap3A_1331 = arith.index_cast %add3A_1304 : i32 to index
      %swap3A_1332 = tpu.vector_load %arg21[%swap3A_1331] {strides = array<i32>} : memref<4096xf32, #tpu.memory_space<vmem>>, vector<16xf32>,
      %swap3A_1333 = vector.shape_cast %swap3A_1332 : vector<16xf32> to vector<16xf32>
      %swap3A_1334 = vector.shape_cast %max3A_1330 : vector<16xf32> to vector<16xf32>
      tpu.vector_store %arg21[%swap3A_1331], %swap3A_1334 {strides = array<i32>} : memref<4096xf32, #tpu.memory_space<vmem>>, vector<16xf32>,
      %swap3A_1335 = arith.index_cast %add3A_1304 : i32 to index
      %swap3A_1336 = tpu.vector_load %arg22[%swap3A_1335] {strides = array<i32>} : memref<4096xf32, #tpu.memory_space<vmem>>, vector<16xf32>,
      %swap3A_1337 = vector.shape_cast %swap3A_1336 : vector<16xf32> to vector<16xf32>
      %swap3A_1338 = vector.shape_cast %max3A_1319 : vector<16xf32> to vector<16xf32>
      tpu.vector_store %arg22[%swap3A_1335], %swap3A_1338 {strides = array<i32>} : memref<4096xf32, #tpu.memory_space<vmem>>, vector<16xf32>,
      %mul3A_1339 = arith.constant 32 : i32
      %mul3A_1340 = arith.muli %scan3A_1300, %mul3A_1339 : i32
      %add3A_1341 = arith.constant 16 : i32
      %add3A_1342 = arith.addi %mul3A_1340, %add3A_1341 : i32
      %get3A_1343 = arith.index_cast %add3A_1342 : i32 to index
      %get3A_1344 = tpu.vector_load %arg7[%get3A_1343] {strides = array<i32>} : memref<4096xf32, #tpu.memory_space<vmem>>, vector<16xf32>,
      %get3A_1345 = vector.shape_cast %get3A_1344 : vector<16xf32> to vector<16xf32>
      %get3A_1346 = arith.index_cast %add3A_1342 : i32 to index
      %get3A_1347 = tpu.vector_load %arg8[%get3A_1346] {strides = array<i32>} : memref<4096xf32, #tpu.memory_space<vmem>>, vector<16xf32>,
      %get3A_1348 = vector.shape_cast %get3A_1347 : vector<16xf32> to vector<16xf32>
      %get3A_1349 = arith.index_cast %add3A_1342 : i32 to index
      %get3A_1350 = tpu.vector_load %arg9[%get3A_1349] {strides = array<i32>} : memref<4096xf32, #tpu.memory_space<vmem>>, vector<16xf32>,
      %get3A_1351 = vector.shape_cast %get3A_1350 : vector<16xf32> to vector<16xf32>
      %get3A_1352 = arith.index_cast %add3A_1342 : i32 to index
      %get3A_1353 = tpu.vector_load %arg10[%get3A_1352] {strides = array<i32>} : memref<4096xf32, #tpu.memory_space<vmem>>, vector<16xf32>,
      %get3A_1354 = vector.shape_cast %get3A_1353 : vector<16xf32> to vector<16xf32>
      %min3A_1355 = arith.minimumf %get3A_1345, %get3A_1348 : vector<16xf32>
      %max3A_1356 = arith.maximumf %get3A_1345, %get3A_1348 : vector<16xf32>
      %min3A_1357 = arith.minimumf %get3A_1351, %get3A_1354 : vector<16xf32>
      %max3A_1358 = arith.maximumf %get3A_1351, %get3A_1354 : vector<16xf32>
      %min3A_1359 = arith.minimumf %min3A_1355, %min3A_1357 : vector<16xf32>
      %max3A_1360 = arith.maximumf %max3A_1356, %max3A_1358 : vector<16xf32>
      %max3A_1361 = arith.maximumf %min3A_1355, %min3A_1357 : vector<16xf32>
      %min3A_1362 = arith.minimumf %max3A_1356, %max3A_1358 : vector<16xf32>
      %swap3A_1363 = arith.index_cast %add3A_1342 : i32 to index
      %swap3A_1364 = tpu.vector_load %arg19[%swap3A_1363] {strides = array<i32>} : memref<4096xf32, #tpu.memory_space<vmem>>, vector<16xf32>,
      %swap3A_1365 = vector.shape_cast %swap3A_1364 : vector<16xf32> to vector<16xf32>
      %swap3A_1366 = vector.shape_cast %min3A_1359 : vector<16xf32> to vector<16xf32>
      tpu.vector_store %arg19[%swap3A_1363], %swap3A_1366 {strides = array<i32>} : memref<4096xf32, #tpu.memory_space<vmem>>, vector<16xf32>,
      %min3A_1367 = arith.minimumf %max3A_1361, %min3A_1362 : vector<16xf32>
      %swap3A_1368 = arith.index_cast %add3A_1342 : i32 to index
      %swap3A_1369 = tpu.vector_load %arg20[%swap3A_1368] {strides = array<i32>} : memref<4096xf32, #tpu.memory_space<vmem>>, vector<16xf32>,
      %swap3A_1370 = vector.shape_cast %swap3A_1369 : vector<16xf32> to vector<16xf32>
      %swap3A_1371 = vector.shape_cast %min3A_1367 : vector<16xf32> to vector<16xf32>
      tpu.vector_store %arg20[%swap3A_1368], %swap3A_1371 {strides = array<i32>} : memref<4096xf32, #tpu.memory_space<vmem>>, vector<16xf32>,
      %max3A_1372 = arith.maximumf %max3A_1361, %min3A_1362 : vector<16xf32>
      %swap3A_1373 = arith.index_cast %add3A_1342 : i32 to index
      %swap3A_1374 = tpu.vector_load %arg21[%swap3A_1373] {strides = array<i32>} : memref<4096xf32, #tpu.memory_space<vmem>>, vector<16xf32>,
      %swap3A_1375 = vector.shape_cast %swap3A_1374 : vector<16xf32> to vector<16xf32>
      %swap3A_1376 = vector.shape_cast %max3A_1372 : vector<16xf32> to vector<16xf32>
      tpu.vector_store %arg21[%swap3A_1373], %swap3A_1376 {strides = array<i32>} : memref<4096xf32, #tpu.memory_space<vmem>>, vector<16xf32>,
      %swap3A_1377 = arith.index_cast %add3A_1342 : i32 to index
      %swap3A_1378 = tpu.vector_load %arg22[%swap3A_1377] {strides = array<i32>} : memref<4096xf32, #tpu.memory_space<vmem>>, vector<16xf32>,
      %swap3A_1379 = vector.shape_cast %swap3A_1378 : vector<16xf32> to vector<16xf32>
      %swap3A_1380 = vector.shape_cast %max3A_1360 : vector<16xf32> to vector<16xf32>
      tpu.vector_store %arg22[%swap3A_1377], %swap3A_1380 {strides = array<i32>} : memref<4096xf32, #tpu.memory_space<vmem>>, vector<16xf32>,
    }
    %scan3A_107 = arith.constant 32 : i32
    %add3A_108 = arith.constant 8192 : i32
    %add3A_109 = arith.addi %mul3A_2, %add3A_108 : i32
    %dma_start3A_110 = arith.constant 0 : i32
    %dma_start3A_111 = tpu.memref_slice %arg7[%dma_start3A_110] : memref<4096xf32, #tpu.memory_space<vmem>> -> memref<4096xf32, #tpu.memory_space<vmem>>
    %dma_start3A_112 = tpu.memref_slice %arg2[%add3A_109] : memref<1048576xf32, #tpu.memory_space<hbm>> -> memref<4096xf32, #tpu.memory_space<hbm>>
    %dma_start3A_113 = arith.constant 0 : i32
    %dma_start3A_114 = tpu.memref_slice %arg7[%dma_start3A_113] : memref<4096xf32, #tpu.memory_space<vmem>> -> memref<4096xf32, #tpu.memory_space<vmem>>
    %dma_start3A_115 = tpu.memref_slice %arg2[%add3A_109] : memref<1048576xf32, #tpu.memory_space<hbm>> -> memref<4096xf32, #tpu.memory_space<hbm>>
    tpu.enqueue_dma source(%dma_start3A_115 : memref<4096xf32, #tpu.memory_space<hbm>>) target(%dma_start3A_114 : memref<4096xf32, #tpu.memory_space<vmem>>) target_semaphore(%arg31 : memref<!tpu.dma_semaphore, #tpu.memory_space<semaphore_mem>>)
    %dma_start3A_116 = arith.constant 0 : i32
    %dma_start3A_117 = tpu.memref_slice %arg8[%dma_start3A_116] : memref<4096xf32, #tpu.memory_space<vmem>> -> memref<4096xf32, #tpu.memory_space<vmem>>
    %dma_start3A_118 = tpu.memref_slice %arg3[%add3A_109] : memref<1048576xf32, #tpu.memory_space<hbm>> -> memref<4096xf32, #tpu.memory_space<hbm>>
    %dma_start3A_119 = arith.constant 0 : i32
    %dma_start3A_120 = tpu.memref_slice %arg8[%dma_start3A_119] : memref<4096xf32, #tpu.memory_space<vmem>> -> memref<4096xf32, #tpu.memory_space<vmem>>
    %dma_start3A_121 = tpu.memref_slice %arg3[%add3A_109] : memref<1048576xf32, #tpu.memory_space<hbm>> -> memref<4096xf32, #tpu.memory_space<hbm>>
    tpu.enqueue_dma source(%dma_start3A_121 : memref<4096xf32, #tpu.memory_space<hbm>>) target(%dma_start3A_120 : memref<4096xf32, #tpu.memory_space<vmem>>) target_semaphore(%arg31 : memref<!tpu.dma_semaphore, #tpu.memory_space<semaphore_mem>>)
    %dma_start3A_122 = arith.constant 0 : i32
    %dma_start3A_123 = tpu.memref_slice %arg9[%dma_start3A_122] : memref<4096xf32, #tpu.memory_space<vmem>> -> memref<4096xf32, #tpu.memory_space<vmem>>
    %dma_start3A_124 = tpu.memref_slice %arg4[%add3A_109] : memref<1048576xf32, #tpu.memory_space<hbm>> -> memref<4096xf32, #tpu.memory_space<hbm>>
    %dma_start3A_125 = arith.constant 0 : i32
    %dma_start3A_126 = tpu.memref_slice %arg9[%dma_start3A_125] : memref<4096xf32, #tpu.memory_space<vmem>> -> memref<4096xf32, #tpu.memory_space<vmem>>
    %dma_start3A_127 = tpu.memref_slice %arg4[%add3A_109] : memref<1048576xf32, #tpu.memory_space<hbm>> -> memref<4096xf32, #tpu.memory_space<hbm>>
    tpu.enqueue_dma source(%dma_start3A_127 : memref<4096xf32, #tpu.memory_space<hbm>>) target(%dma_start3A_126 : memref<4096xf32, #tpu.memory_space<vmem>>) target_semaphore(%arg31 : memref<!tpu.dma_semaphore, #tpu.memory_space<semaphore_mem>>)
    %dma_start3A_128 = arith.constant 0 : i32
    %dma_start3A_129 = tpu.memref_slice %arg10[%dma_start3A_128] : memref<4096xf32, #tpu.memory_space<vmem>> -> memref<4096xf32, #tpu.memory_space<vmem>>
    %dma_start3A_130 = tpu.memref_slice %arg5[%add3A_109] : memref<1048576xf32, #tpu.memory_space<hbm>> -> memref<4096xf32, #tpu.memory_space<hbm>>
    %dma_start3A_131 = arith.constant 0 : i32
    %dma_start3A_132 = tpu.memref_slice %arg10[%dma_start3A_131] : memref<4096xf32, #tpu.memory_space<vmem>> -> memref<4096xf32, #tpu.memory_space<vmem>>
    %dma_start3A_133 = tpu.memref_slice %arg5[%add3A_109] : memref<1048576xf32, #tpu.memory_space<hbm>> -> memref<4096xf32, #tpu.memory_space<hbm>>
    tpu.enqueue_dma source(%dma_start3A_133 : memref<4096xf32, #tpu.memory_space<hbm>>) target(%dma_start3A_132 : memref<4096xf32, #tpu.memory_space<vmem>>) target_semaphore(%arg31 : memref<!tpu.dma_semaphore, #tpu.memory_space<semaphore_mem>>)
    %add3A_134 = arith.constant 0 : i32
    %add3A_135 = arith.addi %mul3A_2, %add3A_134 : i32
    %dma_start3A_136 = arith.constant 0 : i32
    %dma_start3A_137 = arith.constant 0 : i32
    %dma_start3A_138 = tpu.memref_slice %arg19[%dma_start3A_137] : memref<4096xf32, #tpu.memory_space<vmem>> -> memref<1024xf32, #tpu.memory_space<vmem>>
    %dma_start3A_139 = tpu.memref_slice %arg6[%dma_start3A_136, %add3A_135] : memref<4x1048576xf32, #tpu.memory_space<hbm>> -> memref<1x1024xf32, #tpu.memory_space<hbm>>
    %dma_start3A_140 = tpu.memref_squeeze %dma_start3A_139 : memref<1x1024xf32, #tpu.memory_space<hbm>> -> memref<1024xf32, #tpu.memory_space<hbm>>
    %dma_start3A_141 = tpu.memref_slice %arg6[%dma_start3A_136, %add3A_135] : memref<4x1048576xf32, #tpu.memory_space<hbm>> -> memref<1x1024xf32, #tpu.memory_space<hbm>>
    %dma_start3A_142 = tpu.memref_squeeze %dma_start3A_141 : memref<1x1024xf32, #tpu.memory_space<hbm>> -> memref<1024xf32, #tpu.memory_space<hbm>>
    %dma_start3A_143 = arith.constant 0 : i32
    %dma_start3A_144 = tpu.memref_slice %arg19[%dma_start3A_143] : memref<4096xf32, #tpu.memory_space<vmem>> -> memref<1024xf32, #tpu.memory_space<vmem>>
    tpu.enqueue_dma source(%dma_start3A_144 : memref<1024xf32, #tpu.memory_space<vmem>>) target(%dma_start3A_142 : memref<1024xf32, #tpu.memory_space<hbm>>) target_semaphore(%arg34 : memref<!tpu.dma_semaphore, #tpu.memory_space<semaphore_mem>>)
    %dma_start3A_145 = arith.constant 1 : i32
    %dma_start3A_146 = arith.constant 0 : i32
    %dma_start3A_147 = tpu.memref_slice %arg20[%dma_start3A_146] : memref<4096xf32, #tpu.memory_space<vmem>> -> memref<1024xf32, #tpu.memory_space<vmem>>
    %dma_start3A_148 = tpu.memref_slice %arg6[%dma_start3A_145, %add3A_135] : memref<4x1048576xf32, #tpu.memory_space<hbm>> -> memref<1x1024xf32, #tpu.memory_space<hbm>>
    %dma_start3A_149 = tpu.memref_squeeze %dma_start3A_148 : memref<1x1024xf32, #tpu.memory_space<hbm>> -> memref<1024xf32, #tpu.memory_space<hbm>>
    %dma_start3A_150 = tpu.memref_slice %arg6[%dma_start3A_145, %add3A_135] : memref<4x1048576xf32, #tpu.memory_space<hbm>> -> memref<1x1024xf32, #tpu.memory_space<hbm>>
    %dma_start3A_151 = tpu.memref_squeeze %dma_start3A_150 : memref<1x1024xf32, #tpu.memory_space<hbm>> -> memref<1024xf32, #tpu.memory_space<hbm>>
    %dma_start3A_152 = arith.constant 0 : i32
    %dma_start3A_153 = tpu.memref_slice %arg20[%dma_start3A_152] : memref<4096xf32, #tpu.memory_space<vmem>> -> memref<1024xf32, #tpu.memory_space<vmem>>
    tpu.enqueue_dma source(%dma_start3A_153 : memref<1024xf32, #tpu.memory_space<vmem>>) target(%dma_start3A_151 : memref<1024xf32, #tpu.memory_space<hbm>>) target_semaphore(%arg34 : memref<!tpu.dma_semaphore, #tpu.memory_space<semaphore_mem>>)
    %dma_start3A_154 = arith.constant 2 : i32
    %dma_start3A_155 = arith.constant 0 : i32
    %dma_start3A_156 = tpu.memref_slice %arg21[%dma_start3A_155] : memref<4096xf32, #tpu.memory_space<vmem>> -> memref<1024xf32, #tpu.memory_space<vmem>>
    %dma_start3A_157 = tpu.memref_slice %arg6[%dma_start3A_154, %add3A_135] : memref<4x1048576xf32, #tpu.memory_space<hbm>> -> memref<1x1024xf32, #tpu.memory_space<hbm>>
    %dma_start3A_158 = tpu.memref_squeeze %dma_start3A_157 : memref<1x1024xf32, #tpu.memory_space<hbm>> -> memref<1024xf32, #tpu.memory_space<hbm>>
    %dma_start3A_159 = tpu.memref_slice %arg6[%dma_start3A_154, %add3A_135] : memref<4x1048576xf32, #tpu.memory_space<hbm>> -> memref<1x1024xf32, #tpu.memory_space<hbm>>
    %dma_start3A_160 = tpu.memref_squeeze %dma_start3A_159 : memref<1x1024xf32, #tpu.memory_space<hbm>> -> memref<1024xf32, #tpu.memory_space<hbm>>
    %dma_start3A_161 = arith.constant 0 : i32
    %dma_start3A_162 = tpu.memref_slice %arg21[%dma_start3A_161] : memref<4096xf32, #tpu.memory_space<vmem>> -> memref<1024xf32, #tpu.memory_space<vmem>>
    tpu.enqueue_dma source(%dma_start3A_162 : memref<1024xf32, #tpu.memory_space<vmem>>) target(%dma_start3A_160 : memref<1024xf32, #tpu.memory_space<hbm>>) target_semaphore(%arg34 : memref<!tpu.dma_semaphore, #tpu.memory_space<semaphore_mem>>)
    %dma_start3A_163 = arith.constant 3 : i32
    %dma_start3A_164 = arith.constant 0 : i32
    %dma_start3A_165 = tpu.memref_slice %arg22[%dma_start3A_164] : memref<4096xf32, #tpu.memory_space<vmem>> -> memref<1024xf32, #tpu.memory_space<vmem>>
    %dma_start3A_166 = tpu.memref_slice %arg6[%dma_start3A_163, %add3A_135] : memref<4x1048576xf32, #tpu.memory_space<hbm>> -> memref<1x1024xf32, #tpu.memory_space<hbm>>
    %dma_start3A_167 = tpu.memref_squeeze %dma_start3A_166 : memref<1x1024xf32, #tpu.memory_space<hbm>> -> memref<1024xf32, #tpu.memory_space<hbm>>
    %dma_start3A_168 = tpu.memref_slice %arg6[%dma_start3A_163, %add3A_135] : memref<4x1048576xf32, #tpu.memory_space<hbm>> -> memref<1x1024xf32, #tpu.memory_space<hbm>>
    %dma_start3A_169 = tpu.memref_squeeze %dma_start3A_168 : memref<1x1024xf32, #tpu.memory_space<hbm>> -> memref<1024xf32, #tpu.memory_space<hbm>>
    %dma_start3A_170 = arith.constant 0 : i32
    %dma_start3A_171 = tpu.memref_slice %arg22[%dma_start3A_170] : memref<4096xf32, #tpu.memory_space<vmem>> -> memref<1024xf32, #tpu.memory_space<vmem>>
    tpu.enqueue_dma source(%dma_start3A_171 : memref<1024xf32, #tpu.memory_space<vmem>>) target(%dma_start3A_169 : memref<1024xf32, #tpu.memory_space<hbm>>) target_semaphore(%arg34 : memref<!tpu.dma_semaphore, #tpu.memory_space<semaphore_mem>>)
    %dma_wait3A_172 = arith.constant 0 : i32
    %dma_wait3A_173 = tpu.memref_slice %arg11[%dma_wait3A_172] : memref<4096xf32, #tpu.memory_space<vmem>> -> memref<3072xf32, #tpu.memory_space<vmem>>
    %dma_wait3A_174 = tpu.memref_slice %arg2[%add3A_29] : memref<1048576xf32, #tpu.memory_space<hbm>> -> memref<3072xf32, #tpu.memory_space<hbm>>
    %dma_wait3A_175 = arith.constant 0 : i32
    %dma_wait3A_176 = tpu.memref_slice %arg11[%dma_wait3A_175] : memref<4096xf32, #tpu.memory_space<vmem>> -> memref<3072xf32, #tpu.memory_space<vmem>>
    %dma_wait3A_177 = tpu.memref_slice %arg2[%add3A_29] : memref<1048576xf32, #tpu.memory_space<hbm>> -> memref<3072xf32, #tpu.memory_space<hbm>>
    tpu.wait_dma2 semaphore(%arg32 : memref<!tpu.dma_semaphore, #tpu.memory_space<semaphore_mem>>) src(%dma_wait3A_177 : memref<3072xf32, #tpu.memory_space<hbm>>) dst(%dma_wait3A_176 : memref<3072xf32, #tpu.memory_space<vmem>>)
    %dma_wait3A_178 = arith.constant 0 : i32
    %dma_wait3A_179 = tpu.memref_slice %arg12[%dma_wait3A_178] : memref<4096xf32, #tpu.memory_space<vmem>> -> memref<3072xf32, #tpu.memory_space<vmem>>
    %dma_wait3A_180 = tpu.memref_slice %arg3[%add3A_29] : memref<1048576xf32, #tpu.memory_space<hbm>> -> memref<3072xf32, #tpu.memory_space<hbm>>
    %dma_wait3A_181 = arith.constant 0 : i32
    %dma_wait3A_182 = tpu.memref_slice %arg12[%dma_wait3A_181] : memref<4096xf32, #tpu.memory_space<vmem>> -> memref<3072xf32, #tpu.memory_space<vmem>>
    %dma_wait3A_183 = tpu.memref_slice %arg3[%add3A_29] : memref<1048576xf32, #tpu.memory_space<hbm>> -> memref<3072xf32, #tpu.memory_space<hbm>>
    tpu.wait_dma2 semaphore(%arg32 : memref<!tpu.dma_semaphore, #tpu.memory_space<semaphore_mem>>) src(%dma_wait3A_183 : memref<3072xf32, #tpu.memory_space<hbm>>) dst(%dma_wait3A_182 : memref<3072xf32, #tpu.memory_space<vmem>>)
    %dma_wait3A_184 = arith.constant 0 : i32
    %dma_wait3A_185 = tpu.memref_slice %arg13[%dma_wait3A_184] : memref<4096xf32, #tpu.memory_space<vmem>> -> memref<3072xf32, #tpu.memory_space<vmem>>
    %dma_wait3A_186 = tpu.memref_slice %arg4[%add3A_29] : memref<1048576xf32, #tpu.memory_space<hbm>> -> memref<3072xf32, #tpu.memory_space<hbm>>
    %dma_wait3A_187 = arith.constant 0 : i32
    %dma_wait3A_188 = tpu.memref_slice %arg13[%dma_wait3A_187] : memref<4096xf32, #tpu.memory_space<vmem>> -> memref<3072xf32, #tpu.memory_space<vmem>>
    %dma_wait3A_189 = tpu.memref_slice %arg4[%add3A_29] : memref<1048576xf32, #tpu.memory_space<hbm>> -> memref<3072xf32, #tpu.memory_space<hbm>>
    tpu.wait_dma2 semaphore(%arg32 : memref<!tpu.dma_semaphore, #tpu.memory_space<semaphore_mem>>) src(%dma_wait3A_189 : memref<3072xf32, #tpu.memory_space<hbm>>) dst(%dma_wait3A_188 : memref<3072xf32, #tpu.memory_space<vmem>>)
    %dma_wait3A_190 = arith.constant 0 : i32
    %dma_wait3A_191 = tpu.memref_slice %arg14[%dma_wait3A_190] : memref<4096xf32, #tpu.memory_space<vmem>> -> memref<3072xf32, #tpu.memory_space<vmem>>
    %dma_wait3A_192 = tpu.memref_slice %arg5[%add3A_29] : memref<1048576xf32, #tpu.memory_space<hbm>> -> memref<3072xf32, #tpu.memory_space<hbm>>
    %dma_wait3A_193 = arith.constant 0 : i32
    %dma_wait3A_194 = tpu.memref_slice %arg14[%dma_wait3A_193] : memref<4096xf32, #tpu.memory_space<vmem>> -> memref<3072xf32, #tpu.memory_space<vmem>>
    %dma_wait3A_195 = tpu.memref_slice %arg5[%add3A_29] : memref<1048576xf32, #tpu.memory_space<hbm>> -> memref<3072xf32, #tpu.memory_space<hbm>>
    tpu.wait_dma2 semaphore(%arg32 : memref<!tpu.dma_semaphore, #tpu.memory_space<semaphore_mem>>) src(%dma_wait3A_195 : memref<3072xf32, #tpu.memory_space<hbm>>) dst(%dma_wait3A_194 : memref<3072xf32, #tpu.memory_space<vmem>>)
    %scan3A_196 = arith.constant 0 : i32
    %scan3A_197 = arith.constant 0 : i32
    %scan3A_198 = arith.constant 96 : i32
    %scan3A_199 = arith.addi %scan3A_197, %scan3A_198 : i32
    %scan3A_200 = arith.constant 1 : i32
    scf.for %scan3A_1300 = %scan3A_197 to %scan3A_199 step %scan3A_200  : i32 {
      %mul3A_1301 = arith.constant 32 : i32
      %mul3A_1302 = arith.muli %scan3A_1300, %mul3A_1301 : i32
      %add3A_1303 = arith.constant 0 : i32
      %add3A_1304 = arith.addi %mul3A_1302, %add3A_1303 : i32
      %get3A = arith.index_cast %add3A_1304 : i32 to index
      %get3A_1305 = tpu.vector_load %arg11[%get3A] {strides = array<i32>} : memref<4096xf32, #tpu.memory_space<vmem>>, vector<16xf32>,
      %get3A_1306 = vector.shape_cast %get3A_1305 : vector<16xf32> to vector<16xf32>
      %get3A_1307 = arith.index_cast %add3A_1304 : i32 to index
      %get3A_1308 = tpu.vector_load %arg12[%get3A_1307] {strides = array<i32>} : memref<4096xf32, #tpu.memory_space<vmem>>, vector<16xf32>,
      %get3A_1309 = vector.shape_cast %get3A_1308 : vector<16xf32> to vector<16xf32>
      %get3A_1310 = arith.index_cast %add3A_1304 : i32 to index
      %get3A_1311 = tpu.vector_load %arg13[%get3A_1310] {strides = array<i32>} : memref<4096xf32, #tpu.memory_space<vmem>>, vector<16xf32>,
      %get3A_1312 = vector.shape_cast %get3A_1311 : vector<16xf32> to vector<16xf32>
      %get3A_1313 = arith.index_cast %add3A_1304 : i32 to index
      %get3A_1314 = tpu.vector_load %arg14[%get3A_1313] {strides = array<i32>} : memref<4096xf32, #tpu.memory_space<vmem>>, vector<16xf32>,
      %get3A_1315 = vector.shape_cast %get3A_1314 : vector<16xf32> to vector<16xf32>
      %min3A = arith.minimumf %get3A_1306, %get3A_1309 : vector<16xf32>
      %max3A = arith.maximumf %get3A_1306, %get3A_1309 : vector<16xf32>
      %min3A_1316 = arith.minimumf %get3A_1312, %get3A_1315 : vector<16xf32>
      %max3A_1317 = arith.maximumf %get3A_1312, %get3A_1315 : vector<16xf32>
      %min3A_1318 = arith.minimumf %min3A, %min3A_1316 : vector<16xf32>
      %max3A_1319 = arith.maximumf %max3A, %max3A_1317 : vector<16xf32>
      %max3A_1320 = arith.maximumf %min3A, %min3A_1316 : vector<16xf32>
      %min3A_1321 = arith.minimumf %max3A, %max3A_1317 : vector<16xf32>
      %swap3A = arith.index_cast %add3A_1304 : i32 to index
      %swap3A_1322 = tpu.vector_load %arg23[%swap3A] {strides = array<i32>} : memref<4096xf32, #tpu.memory_space<vmem>>, vector<16xf32>,
      %swap3A_1323 = vector.shape_cast %swap3A_1322 : vector<16xf32> to vector<16xf32>
      %swap3A_1324 = vector.shape_cast %min3A_1318 : vector<16xf32> to vector<16xf32>
      tpu.vector_store %arg23[%swap3A], %swap3A_1324 {strides = array<i32>} : memref<4096xf32, #tpu.memory_space<vmem>>, vector<16xf32>,
      %min3A_1325 = arith.minimumf %max3A_1320, %min3A_1321 : vector<16xf32>
      %swap3A_1326 = arith.index_cast %add3A_1304 : i32 to index
      %swap3A_1327 = tpu.vector_load %arg24[%swap3A_1326] {strides = array<i32>} : memref<4096xf32, #tpu.memory_space<vmem>>, vector<16xf32>,
      %swap3A_1328 = vector.shape_cast %swap3A_1327 : vector<16xf32> to vector<16xf32>
      %swap3A_1329 = vector.shape_cast %min3A_1325 : vector<16xf32> to vector<16xf32>
      tpu.vector_store %arg24[%swap3A_1326], %swap3A_1329 {strides = array<i32>} : memref<4096xf32, #tpu.memory_space<vmem>>, vector<16xf32>,
      %max3A_1330 = arith.maximumf %max3A_1320, %min3A_1321 : vector<16xf32>
      %swap3A_1331 = arith.index_cast %add3A_1304 : i32 to index
      %swap3A_1332 = tpu.vector_load %arg25[%swap3A_1331] {strides = array<i32>} : memref<4096xf32, #tpu.memory_space<vmem>>, vector<16xf32>,
      %swap3A_1333 = vector.shape_cast %swap3A_1332 : vector<16xf32> to vector<16xf32>
      %swap3A_1334 = vector.shape_cast %max3A_1330 : vector<16xf32> to vector<16xf32>
      tpu.vector_store %arg25[%swap3A_1331], %swap3A_1334 {strides = array<i32>} : memref<4096xf32, #tpu.memory_space<vmem>>, vector<16xf32>,
      %swap3A_1335 = arith.index_cast %add3A_1304 : i32 to index
      %swap3A_1336 = tpu.vector_load %arg26[%swap3A_1335] {strides = array<i32>} : memref<4096xf32, #tpu.memory_space<vmem>>, vector<16xf32>,
      %swap3A_1337 = vector.shape_cast %swap3A_1336 : vector<16xf32> to vector<16xf32>
      %swap3A_1338 = vector.shape_cast %max3A_1319 : vector<16xf32> to vector<16xf32>
      tpu.vector_store %arg26[%swap3A_1335], %swap3A_1338 {strides = array<i32>} : memref<4096xf32, #tpu.memory_space<vmem>>, vector<16xf32>,
      %mul3A_1339 = arith.constant 32 : i32
      %mul3A_1340 = arith.muli %scan3A_1300, %mul3A_1339 : i32
      %add3A_1341 = arith.constant 16 : i32
      %add3A_1342 = arith.addi %mul3A_1340, %add3A_1341 : i32
      %get3A_1343 = arith.index_cast %add3A_1342 : i32 to index
      %get3A_1344 = tpu.vector_load %arg11[%get3A_1343] {strides = array<i32>} : memref<4096xf32, #tpu.memory_space<vmem>>, vector<16xf32>,
      %get3A_1345 = vector.shape_cast %get3A_1344 : vector<16xf32> to vector<16xf32>
      %get3A_1346 = arith.index_cast %add3A_1342 : i32 to index
      %get3A_1347 = tpu.vector_load %arg12[%get3A_1346] {strides = array<i32>} : memref<4096xf32, #tpu.memory_space<vmem>>, vector<16xf32>,
      %get3A_1348 = vector.shape_cast %get3A_1347 : vector<16xf32> to vector<16xf32>
      %get3A_1349 = arith.index_cast %add3A_1342 : i32 to index
      %get3A_1350 = tpu.vector_load %arg13[%get3A_1349] {strides = array<i32>} : memref<4096xf32, #tpu.memory_space<vmem>>, vector<16xf32>,
      %get3A_1351 = vector.shape_cast %get3A_1350 : vector<16xf32> to vector<16xf32>
      %get3A_1352 = arith.index_cast %add3A_1342 : i32 to index
      %get3A_1353 = tpu.vector_load %arg14[%get3A_1352] {strides = array<i32>} : memref<4096xf32, #tpu.memory_space<vmem>>, vector<16xf32>,
      %get3A_1354 = vector.shape_cast %get3A_1353 : vector<16xf32> to vector<16xf32>
      %min3A_1355 = arith.minimumf %get3A_1345, %get3A_1348 : vector<16xf32>
      %max3A_1356 = arith.maximumf %get3A_1345, %get3A_1348 : vector<16xf32>
      %min3A_1357 = arith.minimumf %get3A_1351, %get3A_1354 : vector<16xf32>
      %max3A_1358 = arith.maximumf %get3A_1351, %get3A_1354 : vector<16xf32>
      %min3A_1359 = arith.minimumf %min3A_1355, %min3A_1357 : vector<16xf32>
      %max3A_1360 = arith.maximumf %max3A_1356, %max3A_1358 : vector<16xf32>
      %max3A_1361 = arith.maximumf %min3A_1355, %min3A_1357 : vector<16xf32>
      %min3A_1362 = arith.minimumf %max3A_1356, %max3A_1358 : vector<16xf32>
      %swap3A_1363 = arith.index_cast %add3A_1342 : i32 to index
      %swap3A_1364 = tpu.vector_load %arg23[%swap3A_1363] {strides = array<i32>} : memref<4096xf32, #tpu.memory_space<vmem>>, vector<16xf32>,
      %swap3A_1365 = vector.shape_cast %swap3A_1364 : vector<16xf32> to vector<16xf32>
      %swap3A_1366 = vector.shape_cast %min3A_1359 : vector<16xf32> to vector<16xf32>
      tpu.vector_store %arg23[%swap3A_1363], %swap3A_1366 {strides = array<i32>} : memref<4096xf32, #tpu.memory_space<vmem>>, vector<16xf32>,
      %min3A_1367 = arith.minimumf %max3A_1361, %min3A_1362 : vector<16xf32>
      %swap3A_1368 = arith.index_cast %add3A_1342 : i32 to index
      %swap3A_1369 = tpu.vector_load %arg24[%swap3A_1368] {strides = array<i32>} : memref<4096xf32, #tpu.memory_space<vmem>>, vector<16xf32>,
      %swap3A_1370 = vector.shape_cast %swap3A_1369 : vector<16xf32> to vector<16xf32>
      %swap3A_1371 = vector.shape_cast %min3A_1367 : vector<16xf32> to vector<16xf32>
      tpu.vector_store %arg24[%swap3A_1368], %swap3A_1371 {strides = array<i32>} : memref<4096xf32, #tpu.memory_space<vmem>>, vector<16xf32>,
      %max3A_1372 = arith.maximumf %max3A_1361, %min3A_1362 : vector<16xf32>
      %swap3A_1373 = arith.index_cast %add3A_1342 : i32 to index
      %swap3A_1374 = tpu.vector_load %arg25[%swap3A_1373] {strides = array<i32>} : memref<4096xf32, #tpu.memory_space<vmem>>, vector<16xf32>,
      %swap3A_1375 = vector.shape_cast %swap3A_1374 : vector<16xf32> to vector<16xf32>
      %swap3A_1376 = vector.shape_cast %max3A_1372 : vector<16xf32> to vector<16xf32>
      tpu.vector_store %arg25[%swap3A_1373], %swap3A_1376 {strides = array<i32>} : memref<4096xf32, #tpu.memory_space<vmem>>, vector<16xf32>,
      %swap3A_1377 = arith.index_cast %add3A_1342 : i32 to index
      %swap3A_1378 = tpu.vector_load %arg26[%swap3A_1377] {strides = array<i32>} : memref<4096xf32, #tpu.memory_space<vmem>>, vector<16xf32>,
      %swap3A_1379 = vector.shape_cast %swap3A_1378 : vector<16xf32> to vector<16xf32>
      %swap3A_1380 = vector.shape_cast %max3A_1360 : vector<16xf32> to vector<16xf32>
      tpu.vector_store %arg26[%swap3A_1377], %swap3A_1380 {strides = array<i32>} : memref<4096xf32, #tpu.memory_space<vmem>>, vector<16xf32>,
    }
    %scan3A_201 = arith.constant 96 : i32
    %add3A_202 = arith.constant 12288 : i32
    %add3A_203 = arith.addi %mul3A_2, %add3A_202 : i32
    %dma_start3A_204 = arith.constant 0 : i32
    %dma_start3A_205 = tpu.memref_slice %arg11[%dma_start3A_204] : memref<4096xf32, #tpu.memory_space<vmem>> -> memref<4096xf32, #tpu.memory_space<vmem>>
    %dma_start3A_206 = tpu.memref_slice %arg2[%add3A_203] : memref<1048576xf32, #tpu.memory_space<hbm>> -> memref<4096xf32, #tpu.memory_space<hbm>>
    %dma_start3A_207 = arith.constant 0 : i32
    %dma_start3A_208 = tpu.memref_slice %arg11[%dma_start3A_207] : memref<4096xf32, #tpu.memory_space<vmem>> -> memref<4096xf32, #tpu.memory_space<vmem>>
    %dma_start3A_209 = tpu.memref_slice %arg2[%add3A_203] : memref<1048576xf32, #tpu.memory_space<hbm>> -> memref<4096xf32, #tpu.memory_space<hbm>>
    tpu.enqueue_dma source(%dma_start3A_209 : memref<4096xf32, #tpu.memory_space<hbm>>) target(%dma_start3A_208 : memref<4096xf32, #tpu.memory_space<vmem>>) target_semaphore(%arg32 : memref<!tpu.dma_semaphore, #tpu.memory_space<semaphore_mem>>)
    %dma_start3A_210 = arith.constant 0 : i32
    %dma_start3A_211 = tpu.memref_slice %arg12[%dma_start3A_210] : memref<4096xf32, #tpu.memory_space<vmem>> -> memref<4096xf32, #tpu.memory_space<vmem>>
    %dma_start3A_212 = tpu.memref_slice %arg3[%add3A_203] : memref<1048576xf32, #tpu.memory_space<hbm>> -> memref<4096xf32, #tpu.memory_space<hbm>>
    %dma_start3A_213 = arith.constant 0 : i32
    %dma_start3A_214 = tpu.memref_slice %arg12[%dma_start3A_213] : memref<4096xf32, #tpu.memory_space<vmem>> -> memref<4096xf32, #tpu.memory_space<vmem>>
    %dma_start3A_215 = tpu.memref_slice %arg3[%add3A_203] : memref<1048576xf32, #tpu.memory_space<hbm>> -> memref<4096xf32, #tpu.memory_space<hbm>>
    tpu.enqueue_dma source(%dma_start3A_215 : memref<4096xf32, #tpu.memory_space<hbm>>) target(%dma_start3A_214 : memref<4096xf32, #tpu.memory_space<vmem>>) target_semaphore(%arg32 : memref<!tpu.dma_semaphore, #tpu.memory_space<semaphore_mem>>)
    %dma_start3A_216 = arith.constant 0 : i32
    %dma_start3A_217 = tpu.memref_slice %arg13[%dma_start3A_216] : memref<4096xf32, #tpu.memory_space<vmem>> -> memref<4096xf32, #tpu.memory_space<vmem>>
    %dma_start3A_218 = tpu.memref_slice %arg4[%add3A_203] : memref<1048576xf32, #tpu.memory_space<hbm>> -> memref<4096xf32, #tpu.memory_space<hbm>>
    %dma_start3A_219 = arith.constant 0 : i32
    %dma_start3A_220 = tpu.memref_slice %arg13[%dma_start3A_219] : memref<4096xf32, #tpu.memory_space<vmem>> -> memref<4096xf32, #tpu.memory_space<vmem>>
    %dma_start3A_221 = tpu.memref_slice %arg4[%add3A_203] : memref<1048576xf32, #tpu.memory_space<hbm>> -> memref<4096xf32, #tpu.memory_space<hbm>>
    tpu.enqueue_dma source(%dma_start3A_221 : memref<4096xf32, #tpu.memory_space<hbm>>) target(%dma_start3A_220 : memref<4096xf32, #tpu.memory_space<vmem>>) target_semaphore(%arg32 : memref<!tpu.dma_semaphore, #tpu.memory_space<semaphore_mem>>)
    %dma_start3A_222 = arith.constant 0 : i32
    %dma_start3A_223 = tpu.memref_slice %arg14[%dma_start3A_222] : memref<4096xf32, #tpu.memory_space<vmem>> -> memref<4096xf32, #tpu.memory_space<vmem>>
    %dma_start3A_224 = tpu.memref_slice %arg5[%add3A_203] : memref<1048576xf32, #tpu.memory_space<hbm>> -> memref<4096xf32, #tpu.memory_space<hbm>>
    %dma_start3A_225 = arith.constant 0 : i32
    %dma_start3A_226 = tpu.memref_slice %arg14[%dma_start3A_225] : memref<4096xf32, #tpu.memory_space<vmem>> -> memref<4096xf32, #tpu.memory_space<vmem>>
    %dma_start3A_227 = tpu.memref_slice %arg5[%add3A_203] : memref<1048576xf32, #tpu.memory_space<hbm>> -> memref<4096xf32, #tpu.memory_space<hbm>>
    tpu.enqueue_dma source(%dma_start3A_227 : memref<4096xf32, #tpu.memory_space<hbm>>) target(%dma_start3A_226 : memref<4096xf32, #tpu.memory_space<vmem>>) target_semaphore(%arg32 : memref<!tpu.dma_semaphore, #tpu.memory_space<semaphore_mem>>)
    %add3A_228 = arith.constant 1024 : i32
    %add3A_229 = arith.addi %mul3A_2, %add3A_228 : i32
    %dma_start3A_230 = arith.constant 0 : i32
    %dma_start3A_231 = arith.constant 0 : i32
    %dma_start3A_232 = tpu.memref_slice %arg23[%dma_start3A_231] : memref<4096xf32, #tpu.memory_space<vmem>> -> memref<3072xf32, #tpu.memory_space<vmem>>
    %dma_start3A_233 = tpu.memref_slice %arg6[%dma_start3A_230, %add3A_229] : memref<4x1048576xf32, #tpu.memory_space<hbm>> -> memref<1x3072xf32, #tpu.memory_space<hbm>>
    %dma_start3A_234 = tpu.memref_squeeze %dma_start3A_233 : memref<1x3072xf32, #tpu.memory_space<hbm>> -> memref<3072xf32, #tpu.memory_space<hbm>>
    %dma_start3A_235 = tpu.memref_slice %arg6[%dma_start3A_230, %add3A_229] : memref<4x1048576xf32, #tpu.memory_space<hbm>> -> memref<1x3072xf32, #tpu.memory_space<hbm>>
    %dma_start3A_236 = tpu.memref_squeeze %dma_start3A_235 : memref<1x3072xf32, #tpu.memory_space<hbm>> -> memref<3072xf32, #tpu.memory_space<hbm>>
    %dma_start3A_237 = arith.constant 0 : i32
    %dma_start3A_238 = tpu.memref_slice %arg23[%dma_start3A_237] : memref<4096xf32, #tpu.memory_space<vmem>> -> memref<3072xf32, #tpu.memory_space<vmem>>
    tpu.enqueue_dma source(%dma_start3A_238 : memref<3072xf32, #tpu.memory_space<vmem>>) target(%dma_start3A_236 : memref<3072xf32, #tpu.memory_space<hbm>>) target_semaphore(%arg35 : memref<!tpu.dma_semaphore, #tpu.memory_space<semaphore_mem>>)
    %dma_start3A_239 = arith.constant 1 : i32
    %dma_start3A_240 = arith.constant 0 : i32
    %dma_start3A_241 = tpu.memref_slice %arg24[%dma_start3A_240] : memref<4096xf32, #tpu.memory_space<vmem>> -> memref<3072xf32, #tpu.memory_space<vmem>>
    %dma_start3A_242 = tpu.memref_slice %arg6[%dma_start3A_239, %add3A_229] : memref<4x1048576xf32, #tpu.memory_space<hbm>> -> memref<1x3072xf32, #tpu.memory_space<hbm>>
    %dma_start3A_243 = tpu.memref_squeeze %dma_start3A_242 : memref<1x3072xf32, #tpu.memory_space<hbm>> -> memref<3072xf32, #tpu.memory_space<hbm>>
    %dma_start3A_244 = tpu.memref_slice %arg6[%dma_start3A_239, %add3A_229] : memref<4x1048576xf32, #tpu.memory_space<hbm>> -> memref<1x3072xf32, #tpu.memory_space<hbm>>
    %dma_start3A_245 = tpu.memref_squeeze %dma_start3A_244 : memref<1x3072xf32, #tpu.memory_space<hbm>> -> memref<3072xf32, #tpu.memory_space<hbm>>
    %dma_start3A_246 = arith.constant 0 : i32
    %dma_start3A_247 = tpu.memref_slice %arg24[%dma_start3A_246] : memref<4096xf32, #tpu.memory_space<vmem>> -> memref<3072xf32, #tpu.memory_space<vmem>>
    tpu.enqueue_dma source(%dma_start3A_247 : memref<3072xf32, #tpu.memory_space<vmem>>) target(%dma_start3A_245 : memref<3072xf32, #tpu.memory_space<hbm>>) target_semaphore(%arg35 : memref<!tpu.dma_semaphore, #tpu.memory_space<semaphore_mem>>)
    %dma_start3A_248 = arith.constant 2 : i32
    %dma_start3A_249 = arith.constant 0 : i32
    %dma_start3A_250 = tpu.memref_slice %arg25[%dma_start3A_249] : memref<4096xf32, #tpu.memory_space<vmem>> -> memref<3072xf32, #tpu.memory_space<vmem>>
    %dma_start3A_251 = tpu.memref_slice %arg6[%dma_start3A_248, %add3A_229] : memref<4x1048576xf32, #tpu.memory_space<hbm>> -> memref<1x3072xf32, #tpu.memory_space<hbm>>
    %dma_start3A_252 = tpu.memref_squeeze %dma_start3A_251 : memref<1x3072xf32, #tpu.memory_space<hbm>> -> memref<3072xf32, #tpu.memory_space<hbm>>
    %dma_start3A_253 = tpu.memref_slice %arg6[%dma_start3A_248, %add3A_229] : memref<4x1048576xf32, #tpu.memory_space<hbm>> -> memref<1x3072xf32, #tpu.memory_space<hbm>>
    %dma_start3A_254 = tpu.memref_squeeze %dma_start3A_253 : memref<1x3072xf32, #tpu.memory_space<hbm>> -> memref<3072xf32, #tpu.memory_space<hbm>>
    %dma_start3A_255 = arith.constant 0 : i32
    %dma_start3A_256 = tpu.memref_slice %arg25[%dma_start3A_255] : memref<4096xf32, #tpu.memory_space<vmem>> -> memref<3072xf32, #tpu.memory_space<vmem>>
    tpu.enqueue_dma source(%dma_start3A_256 : memref<3072xf32, #tpu.memory_space<vmem>>) target(%dma_start3A_254 : memref<3072xf32, #tpu.memory_space<hbm>>) target_semaphore(%arg35 : memref<!tpu.dma_semaphore, #tpu.memory_space<semaphore_mem>>)
    %dma_start3A_257 = arith.constant 3 : i32
    %dma_start3A_258 = arith.constant 0 : i32
    %dma_start3A_259 = tpu.memref_slice %arg26[%dma_start3A_258] : memref<4096xf32, #tpu.memory_space<vmem>> -> memref<3072xf32, #tpu.memory_space<vmem>>
    %dma_start3A_260 = tpu.memref_slice %arg6[%dma_start3A_257, %add3A_229] : memref<4x1048576xf32, #tpu.memory_space<hbm>> -> memref<1x3072xf32, #tpu.memory_space<hbm>>
    %dma_start3A_261 = tpu.memref_squeeze %dma_start3A_260 : memref<1x3072xf32, #tpu.memory_space<hbm>> -> memref<3072xf32, #tpu.memory_space<hbm>>
    %dma_start3A_262 = tpu.memref_slice %arg6[%dma_start3A_257, %add3A_229] : memref<4x1048576xf32, #tpu.memory_space<hbm>> -> memref<1x3072xf32, #tpu.memory_space<hbm>>
    %dma_start3A_263 = tpu.memref_squeeze %dma_start3A_262 : memref<1x3072xf32, #tpu.memory_space<hbm>> -> memref<3072xf32, #tpu.memory_space<hbm>>
    %dma_start3A_264 = arith.constant 0 : i32
    %dma_start3A_265 = tpu.memref_slice %arg26[%dma_start3A_264] : memref<4096xf32, #tpu.memory_space<vmem>> -> memref<3072xf32, #tpu.memory_space<vmem>>
    tpu.enqueue_dma source(%dma_start3A_265 : memref<3072xf32, #tpu.memory_space<vmem>>) target(%dma_start3A_263 : memref<3072xf32, #tpu.memory_space<hbm>>) target_semaphore(%arg35 : memref<!tpu.dma_semaphore, #tpu.memory_space<semaphore_mem>>)
    %dma_wait3A_266 = arith.constant 0 : i32
    %dma_wait3A_267 = tpu.memref_slice %arg15[%dma_wait3A_266] : memref<4096xf32, #tpu.memory_space<vmem>> -> memref<4096xf32, #tpu.memory_space<vmem>>
    %dma_wait3A_268 = tpu.memref_slice %arg2[%add3A_55] : memref<1048576xf32, #tpu.memory_space<hbm>> -> memref<4096xf32, #tpu.memory_space<hbm>>
    %dma_wait3A_269 = arith.constant 0 : i32
    %dma_wait3A_270 = tpu.memref_slice %arg15[%dma_wait3A_269] : memref<4096xf32, #tpu.memory_space<vmem>> -> memref<4096xf32, #tpu.memory_space<vmem>>
    %dma_wait3A_271 = tpu.memref_slice %arg2[%add3A_55] : memref<1048576xf32, #tpu.memory_space<hbm>> -> memref<4096xf32, #tpu.memory_space<hbm>>
    tpu.wait_dma2 semaphore(%arg33 : memref<!tpu.dma_semaphore, #tpu.memory_space<semaphore_mem>>) src(%dma_wait3A_271 : memref<4096xf32, #tpu.memory_space<hbm>>) dst(%dma_wait3A_270 : memref<4096xf32, #tpu.memory_space<vmem>>)
    %dma_wait3A_272 = arith.constant 0 : i32
    %dma_wait3A_273 = tpu.memref_slice %arg16[%dma_wait3A_272] : memref<4096xf32, #tpu.memory_space<vmem>> -> memref<4096xf32, #tpu.memory_space<vmem>>
    %dma_wait3A_274 = tpu.memref_slice %arg3[%add3A_55] : memref<1048576xf32, #tpu.memory_space<hbm>> -> memref<4096xf32, #tpu.memory_space<hbm>>
    %dma_wait3A_275 = arith.constant 0 : i32
    %dma_wait3A_276 = tpu.memref_slice %arg16[%dma_wait3A_275] : memref<4096xf32, #tpu.memory_space<vmem>> -> memref<4096xf32, #tpu.memory_space<vmem>>
    %dma_wait3A_277 = tpu.memref_slice %arg3[%add3A_55] : memref<1048576xf32, #tpu.memory_space<hbm>> -> memref<4096xf32, #tpu.memory_space<hbm>>
    tpu.wait_dma2 semaphore(%arg33 : memref<!tpu.dma_semaphore, #tpu.memory_space<semaphore_mem>>) src(%dma_wait3A_277 : memref<4096xf32, #tpu.memory_space<hbm>>) dst(%dma_wait3A_276 : memref<4096xf32, #tpu.memory_space<vmem>>)
    %dma_wait3A_278 = arith.constant 0 : i32
    %dma_wait3A_279 = tpu.memref_slice %arg17[%dma_wait3A_278] : memref<4096xf32, #tpu.memory_space<vmem>> -> memref<4096xf32, #tpu.memory_space<vmem>>
    %dma_wait3A_280 = tpu.memref_slice %arg4[%add3A_55] : memref<1048576xf32, #tpu.memory_space<hbm>> -> memref<4096xf32, #tpu.memory_space<hbm>>
    %dma_wait3A_281 = arith.constant 0 : i32
    %dma_wait3A_282 = tpu.memref_slice %arg17[%dma_wait3A_281] : memref<4096xf32, #tpu.memory_space<vmem>> -> memref<4096xf32, #tpu.memory_space<vmem>>
    %dma_wait3A_283 = tpu.memref_slice %arg4[%add3A_55] : memref<1048576xf32, #tpu.memory_space<hbm>> -> memref<4096xf32, #tpu.memory_space<hbm>>
    tpu.wait_dma2 semaphore(%arg33 : memref<!tpu.dma_semaphore, #tpu.memory_space<semaphore_mem>>) src(%dma_wait3A_283 : memref<4096xf32, #tpu.memory_space<hbm>>) dst(%dma_wait3A_282 : memref<4096xf32, #tpu.memory_space<vmem>>)
    %dma_wait3A_284 = arith.constant 0 : i32
    %dma_wait3A_285 = tpu.memref_slice %arg18[%dma_wait3A_284] : memref<4096xf32, #tpu.memory_space<vmem>> -> memref<4096xf32, #tpu.memory_space<vmem>>
    %dma_wait3A_286 = tpu.memref_slice %arg5[%add3A_55] : memref<1048576xf32, #tpu.memory_space<hbm>> -> memref<4096xf32, #tpu.memory_space<hbm>>
    %dma_wait3A_287 = arith.constant 0 : i32
    %dma_wait3A_288 = tpu.memref_slice %arg18[%dma_wait3A_287] : memref<4096xf32, #tpu.memory_space<vmem>> -> memref<4096xf32, #tpu.memory_space<vmem>>
    %dma_wait3A_289 = tpu.memref_slice %arg5[%add3A_55] : memref<1048576xf32, #tpu.memory_space<hbm>> -> memref<4096xf32, #tpu.memory_space<hbm>>
    tpu.wait_dma2 semaphore(%arg33 : memref<!tpu.dma_semaphore, #tpu.memory_space<semaphore_mem>>) src(%dma_wait3A_289 : memref<4096xf32, #tpu.memory_space<hbm>>) dst(%dma_wait3A_288 : memref<4096xf32, #tpu.memory_space<vmem>>)
    %scan3A_290 = arith.constant 0 : i32
    %scan3A_291 = arith.constant 0 : i32
    %scan3A_292 = arith.constant 128 : i32
    %scan3A_293 = arith.addi %scan3A_291, %scan3A_292 : i32
    %scan3A_294 = arith.constant 1 : i32
    scf.for %scan3A_1300 = %scan3A_291 to %scan3A_293 step %scan3A_294  : i32 {
      %mul3A_1301 = arith.constant 32 : i32
      %mul3A_1302 = arith.muli %scan3A_1300, %mul3A_1301 : i32
      %add3A_1303 = arith.constant 0 : i32
      %add3A_1304 = arith.addi %mul3A_1302, %add3A_1303 : i32
      %get3A = arith.index_cast %add3A_1304 : i32 to index
      %get3A_1305 = tpu.vector_load %arg15[%get3A] {strides = array<i32>} : memref<4096xf32, #tpu.memory_space<vmem>>, vector<16xf32>,
      %get3A_1306 = vector.shape_cast %get3A_1305 : vector<16xf32> to vector<16xf32>
      %get3A_1307 = arith.index_cast %add3A_1304 : i32 to index
      %get3A_1308 = tpu.vector_load %arg16[%get3A_1307] {strides = array<i32>} : memref<4096xf32, #tpu.memory_space<vmem>>, vector<16xf32>,
      %get3A_1309 = vector.shape_cast %get3A_1308 : vector<16xf32> to vector<16xf32>
      %get3A_1310 = arith.index_cast %add3A_1304 : i32 to index
      %get3A_1311 = tpu.vector_load %arg17[%get3A_1310] {strides = array<i32>} : memref<4096xf32, #tpu.memory_space<vmem>>, vector<16xf32>,
      %get3A_1312 = vector.shape_cast %get3A_1311 : vector<16xf32> to vector<16xf32>
      %get3A_1313 = arith.index_cast %add3A_1304 : i32 to index
      %get3A_1314 = tpu.vector_load %arg18[%get3A_1313] {strides = array<i32>} : memref<4096xf32, #tpu.memory_space<vmem>>, vector<16xf32>,
      %get3A_1315 = vector.shape_cast %get3A_1314 : vector<16xf32> to vector<16xf32>
      %min3A = arith.minimumf %get3A_1306, %get3A_1309 : vector<16xf32>
      %max3A = arith.maximumf %get3A_1306, %get3A_1309 : vector<16xf32>
      %min3A_1316 = arith.minimumf %get3A_1312, %get3A_1315 : vector<16xf32>
      %max3A_1317 = arith.maximumf %get3A_1312, %get3A_1315 : vector<16xf32>
      %min3A_1318 = arith.minimumf %min3A, %min3A_1316 : vector<16xf32>
      %max3A_1319 = arith.maximumf %max3A, %max3A_1317 : vector<16xf32>
      %max3A_1320 = arith.maximumf %min3A, %min3A_1316 : vector<16xf32>
      %min3A_1321 = arith.minimumf %max3A, %max3A_1317 : vector<16xf32>
      %swap3A = arith.index_cast %add3A_1304 : i32 to index
      %swap3A_1322 = tpu.vector_load %arg27[%swap3A] {strides = array<i32>} : memref<4096xf32, #tpu.memory_space<vmem>>, vector<16xf32>,
      %swap3A_1323 = vector.shape_cast %swap3A_1322 : vector<16xf32> to vector<16xf32>
      %swap3A_1324 = vector.shape_cast %min3A_1318 : vector<16xf32> to vector<16xf32>
      tpu.vector_store %arg27[%swap3A], %swap3A_1324 {strides = array<i32>} : memref<4096xf32, #tpu.memory_space<vmem>>, vector<16xf32>,
      %min3A_1325 = arith.minimumf %max3A_1320, %min3A_1321 : vector<16xf32>
      %swap3A_1326 = arith.index_cast %add3A_1304 : i32 to index
      %swap3A_1327 = tpu.vector_load %arg28[%swap3A_1326] {strides = array<i32>} : memref<4096xf32, #tpu.memory_space<vmem>>, vector<16xf32>,
      %swap3A_1328 = vector.shape_cast %swap3A_1327 : vector<16xf32> to vector<16xf32>
      %swap3A_1329 = vector.shape_cast %min3A_1325 : vector<16xf32> to vector<16xf32>
      tpu.vector_store %arg28[%swap3A_1326], %swap3A_1329 {strides = array<i32>} : memref<4096xf32, #tpu.memory_space<vmem>>, vector<16xf32>,
      %max3A_1330 = arith.maximumf %max3A_1320, %min3A_1321 : vector<16xf32>
      %swap3A_1331 = arith.index_cast %add3A_1304 : i32 to index
      %swap3A_1332 = tpu.vector_load %arg29[%swap3A_1331] {strides = array<i32>} : memref<4096xf32, #tpu.memory_space<vmem>>, vector<16xf32>,
      %swap3A_1333 = vector.shape_cast %swap3A_1332 : vector<16xf32> to vector<16xf32>
      %swap3A_1334 = vector.shape_cast %max3A_1330 : vector<16xf32> to vector<16xf32>
      tpu.vector_store %arg29[%swap3A_1331], %swap3A_1334 {strides = array<i32>} : memref<4096xf32, #tpu.memory_space<vmem>>, vector<16xf32>,
      %swap3A_1335 = arith.index_cast %add3A_1304 : i32 to index
      %swap3A_1336 = tpu.vector_load %arg30[%swap3A_1335] {strides = array<i32>} : memref<4096xf32, #tpu.memory_space<vmem>>, vector<16xf32>,
      %swap3A_1337 = vector.shape_cast %swap3A_1336 : vector<16xf32> to vector<16xf32>
      %swap3A_1338 = vector.shape_cast %max3A_1319 : vector<16xf32> to vector<16xf32>
      tpu.vector_store %arg30[%swap3A_1335], %swap3A_1338 {strides = array<i32>} : memref<4096xf32, #tpu.memory_space<vmem>>, vector<16xf32>,
      %mul3A_1339 = arith.constant 32 : i32
      %mul3A_1340 = arith.muli %scan3A_1300, %mul3A_1339 : i32
      %add3A_1341 = arith.constant 16 : i32
      %add3A_1342 = arith.addi %mul3A_1340, %add3A_1341 : i32
      %get3A_1343 = arith.index_cast %add3A_1342 : i32 to index
      %get3A_1344 = tpu.vector_load %arg15[%get3A_1343] {strides = array<i32>} : memref<4096xf32, #tpu.memory_space<vmem>>, vector<16xf32>,
      %get3A_1345 = vector.shape_cast %get3A_1344 : vector<16xf32> to vector<16xf32>
      %get3A_1346 = arith.index_cast %add3A_1342 : i32 to index
      %get3A_1347 = tpu.vector_load %arg16[%get3A_1346] {strides = array<i32>} : memref<4096xf32, #tpu.memory_space<vmem>>, vector<16xf32>,
      %get3A_1348 = vector.shape_cast %get3A_1347 : vector<16xf32> to vector<16xf32>
      %get3A_1349 = arith.index_cast %add3A_1342 : i32 to index
      %get3A_1350 = tpu.vector_load %arg17[%get3A_1349] {strides = array<i32>} : memref<4096xf32, #tpu.memory_space<vmem>>, vector<16xf32>,
      %get3A_1351 = vector.shape_cast %get3A_1350 : vector<16xf32> to vector<16xf32>
      %get3A_1352 = arith.index_cast %add3A_1342 : i32 to index
      %get3A_1353 = tpu.vector_load %arg18[%get3A_1352] {strides = array<i32>} : memref<4096xf32, #tpu.memory_space<vmem>>, vector<16xf32>,
      %get3A_1354 = vector.shape_cast %get3A_1353 : vector<16xf32> to vector<16xf32>
      %min3A_1355 = arith.minimumf %get3A_1345, %get3A_1348 : vector<16xf32>
      %max3A_1356 = arith.maximumf %get3A_1345, %get3A_1348 : vector<16xf32>
      %min3A_1357 = arith.minimumf %get3A_1351, %get3A_1354 : vector<16xf32>
      %max3A_1358 = arith.maximumf %get3A_1351, %get3A_1354 : vector<16xf32>
      %min3A_1359 = arith.minimumf %min3A_1355, %min3A_1357 : vector<16xf32>
      %max3A_1360 = arith.maximumf %max3A_1356, %max3A_1358 : vector<16xf32>
      %max3A_1361 = arith.maximumf %min3A_1355, %min3A_1357 : vector<16xf32>
      %min3A_1362 = arith.minimumf %max3A_1356, %max3A_1358 : vector<16xf32>
      %swap3A_1363 = arith.index_cast %add3A_1342 : i32 to index
      %swap3A_1364 = tpu.vector_load %arg27[%swap3A_1363] {strides = array<i32>} : memref<4096xf32, #tpu.memory_space<vmem>>, vector<16xf32>,
      %swap3A_1365 = vector.shape_cast %swap3A_1364 : vector<16xf32> to vector<16xf32>
      %swap3A_1366 = vector.shape_cast %min3A_1359 : vector<16xf32> to vector<16xf32>
      tpu.vector_store %arg27[%swap3A_1363], %swap3A_1366 {strides = array<i32>} : memref<4096xf32, #tpu.memory_space<vmem>>, vector<16xf32>,
      %min3A_1367 = arith.minimumf %max3A_1361, %min3A_1362 : vector<16xf32>
      %swap3A_1368 = arith.index_cast %add3A_1342 : i32 to index
      %swap3A_1369 = tpu.vector_load %arg28[%swap3A_1368] {strides = array<i32>} : memref<4096xf32, #tpu.memory_space<vmem>>, vector<16xf32>,
      %swap3A_1370 = vector.shape_cast %swap3A_1369 : vector<16xf32> to vector<16xf32>
      %swap3A_1371 = vector.shape_cast %min3A_1367 : vector<16xf32> to vector<16xf32>
      tpu.vector_store %arg28[%swap3A_1368], %swap3A_1371 {strides = array<i32>} : memref<4096xf32, #tpu.memory_space<vmem>>, vector<16xf32>,
      %max3A_1372 = arith.maximumf %max3A_1361, %min3A_1362 : vector<16xf32>
      %swap3A_1373 = arith.index_cast %add3A_1342 : i32 to index
      %swap3A_1374 = tpu.vector_load %arg29[%swap3A_1373] {strides = array<i32>} : memref<4096xf32, #tpu.memory_space<vmem>>, vector<16xf32>,
      %swap3A_1375 = vector.shape_cast %swap3A_1374 : vector<16xf32> to vector<16xf32>
      %swap3A_1376 = vector.shape_cast %max3A_1372 : vector<16xf32> to vector<16xf32>
      tpu.vector_store %arg29[%swap3A_1373], %swap3A_1376 {strides = array<i32>} : memref<4096xf32, #tpu.memory_space<vmem>>, vector<16xf32>,
      %swap3A_1377 = arith.index_cast %add3A_1342 : i32 to index
      %swap3A_1378 = tpu.vector_load %arg30[%swap3A_1377] {strides = array<i32>} : memref<4096xf32, #tpu.memory_space<vmem>>, vector<16xf32>,
      %swap3A_1379 = vector.shape_cast %swap3A_1378 : vector<16xf32> to vector<16xf32>
      %swap3A_1380 = vector.shape_cast %max3A_1360 : vector<16xf32> to vector<16xf32>
      tpu.vector_store %arg30[%swap3A_1377], %swap3A_1380 {strides = array<i32>} : memref<4096xf32, #tpu.memory_space<vmem>>, vector<16xf32>,
    }
    %scan3A_295 = arith.constant 128 : i32
    %add3A_296 = arith.constant 16384 : i32
    %add3A_297 = arith.addi %mul3A_2, %add3A_296 : i32
    %dma_start3A_298 = arith.constant 0 : i32
    %dma_start3A_299 = tpu.memref_slice %arg15[%dma_start3A_298] : memref<4096xf32, #tpu.memory_space<vmem>> -> memref<4096xf32, #tpu.memory_space<vmem>>
    %dma_start3A_300 = tpu.memref_slice %arg2[%add3A_297] : memref<1048576xf32, #tpu.memory_space<hbm>> -> memref<4096xf32, #tpu.memory_space<hbm>>
    %dma_start3A_301 = arith.constant 0 : i32
    %dma_start3A_302 = tpu.memref_slice %arg15[%dma_start3A_301] : memref<4096xf32, #tpu.memory_space<vmem>> -> memref<4096xf32, #tpu.memory_space<vmem>>
    %dma_start3A_303 = tpu.memref_slice %arg2[%add3A_297] : memref<1048576xf32, #tpu.memory_space<hbm>> -> memref<4096xf32, #tpu.memory_space<hbm>>
    tpu.enqueue_dma source(%dma_start3A_303 : memref<4096xf32, #tpu.memory_space<hbm>>) target(%dma_start3A_302 : memref<4096xf32, #tpu.memory_space<vmem>>) target_semaphore(%arg33 : memref<!tpu.dma_semaphore, #tpu.memory_space<semaphore_mem>>)
    %dma_start3A_304 = arith.constant 0 : i32
    %dma_start3A_305 = tpu.memref_slice %arg16[%dma_start3A_304] : memref<4096xf32, #tpu.memory_space<vmem>> -> memref<4096xf32, #tpu.memory_space<vmem>>
    %dma_start3A_306 = tpu.memref_slice %arg3[%add3A_297] : memref<1048576xf32, #tpu.memory_space<hbm>> -> memref<4096xf32, #tpu.memory_space<hbm>>
    %dma_start3A_307 = arith.constant 0 : i32
    %dma_start3A_308 = tpu.memref_slice %arg16[%dma_start3A_307] : memref<4096xf32, #tpu.memory_space<vmem>> -> memref<4096xf32, #tpu.memory_space<vmem>>
    %dma_start3A_309 = tpu.memref_slice %arg3[%add3A_297] : memref<1048576xf32, #tpu.memory_space<hbm>> -> memref<4096xf32, #tpu.memory_space<hbm>>
    tpu.enqueue_dma source(%dma_start3A_309 : memref<4096xf32, #tpu.memory_space<hbm>>) target(%dma_start3A_308 : memref<4096xf32, #tpu.memory_space<vmem>>) target_semaphore(%arg33 : memref<!tpu.dma_semaphore, #tpu.memory_space<semaphore_mem>>)
    %dma_start3A_310 = arith.constant 0 : i32
    %dma_start3A_311 = tpu.memref_slice %arg17[%dma_start3A_310] : memref<4096xf32, #tpu.memory_space<vmem>> -> memref<4096xf32, #tpu.memory_space<vmem>>
    %dma_start3A_312 = tpu.memref_slice %arg4[%add3A_297] : memref<1048576xf32, #tpu.memory_space<hbm>> -> memref<4096xf32, #tpu.memory_space<hbm>>
    %dma_start3A_313 = arith.constant 0 : i32
    %dma_start3A_314 = tpu.memref_slice %arg17[%dma_start3A_313] : memref<4096xf32, #tpu.memory_space<vmem>> -> memref<4096xf32, #tpu.memory_space<vmem>>
    %dma_start3A_315 = tpu.memref_slice %arg4[%add3A_297] : memref<1048576xf32, #tpu.memory_space<hbm>> -> memref<4096xf32, #tpu.memory_space<hbm>>
    tpu.enqueue_dma source(%dma_start3A_315 : memref<4096xf32, #tpu.memory_space<hbm>>) target(%dma_start3A_314 : memref<4096xf32, #tpu.memory_space<vmem>>) target_semaphore(%arg33 : memref<!tpu.dma_semaphore, #tpu.memory_space<semaphore_mem>>)
    %dma_start3A_316 = arith.constant 0 : i32
    %dma_start3A_317 = tpu.memref_slice %arg18[%dma_start3A_316] : memref<4096xf32, #tpu.memory_space<vmem>> -> memref<4096xf32, #tpu.memory_space<vmem>>
    %dma_start3A_318 = tpu.memref_slice %arg5[%add3A_297] : memref<1048576xf32, #tpu.memory_space<hbm>> -> memref<4096xf32, #tpu.memory_space<hbm>>
    %dma_start3A_319 = arith.constant 0 : i32
    %dma_start3A_320 = tpu.memref_slice %arg18[%dma_start3A_319] : memref<4096xf32, #tpu.memory_space<vmem>> -> memref<4096xf32, #tpu.memory_space<vmem>>
    %dma_start3A_321 = tpu.memref_slice %arg5[%add3A_297] : memref<1048576xf32, #tpu.memory_space<hbm>> -> memref<4096xf32, #tpu.memory_space<hbm>>
    tpu.enqueue_dma source(%dma_start3A_321 : memref<4096xf32, #tpu.memory_space<hbm>>) target(%dma_start3A_320 : memref<4096xf32, #tpu.memory_space<vmem>>) target_semaphore(%arg33 : memref<!tpu.dma_semaphore, #tpu.memory_space<semaphore_mem>>)
    %add3A_322 = arith.constant 4096 : i32
    %add3A_323 = arith.addi %mul3A_2, %add3A_322 : i32
    %dma_start3A_324 = arith.constant 0 : i32
    %dma_start3A_325 = arith.constant 0 : i32
    %dma_start3A_326 = tpu.memref_slice %arg27[%dma_start3A_325] : memref<4096xf32, #tpu.memory_space<vmem>> -> memref<4096xf32, #tpu.memory_space<vmem>>
    %dma_start3A_327 = tpu.memref_slice %arg6[%dma_start3A_324, %add3A_323] : memref<4x1048576xf32, #tpu.memory_space<hbm>> -> memref<1x4096xf32, #tpu.memory_space<hbm>>
    %dma_start3A_328 = tpu.memref_squeeze %dma_start3A_327 : memref<1x4096xf32, #tpu.memory_space<hbm>> -> memref<4096xf32, #tpu.memory_space<hbm>>
    %dma_start3A_329 = tpu.memref_slice %arg6[%dma_start3A_324, %add3A_323] : memref<4x1048576xf32, #tpu.memory_space<hbm>> -> memref<1x4096xf32, #tpu.memory_space<hbm>>
    %dma_start3A_330 = tpu.memref_squeeze %dma_start3A_329 : memref<1x4096xf32, #tpu.memory_space<hbm>> -> memref<4096xf32, #tpu.memory_space<hbm>>
    %dma_start3A_331 = arith.constant 0 : i32
    %dma_start3A_332 = tpu.memref_slice %arg27[%dma_start3A_331] : memref<4096xf32, #tpu.memory_space<vmem>> -> memref<4096xf32, #tpu.memory_space<vmem>>
    tpu.enqueue_dma source(%dma_start3A_332 : memref<4096xf32, #tpu.memory_space<vmem>>) target(%dma_start3A_330 : memref<4096xf32, #tpu.memory_space<hbm>>) target_semaphore(%arg36 : memref<!tpu.dma_semaphore, #tpu.memory_space<semaphore_mem>>)
    %dma_start3A_333 = arith.constant 1 : i32
    %dma_start3A_334 = arith.constant 0 : i32
    %dma_start3A_335 = tpu.memref_slice %arg28[%dma_start3A_334] : memref<4096xf32, #tpu.memory_space<vmem>> -> memref<4096xf32, #tpu.memory_space<vmem>>
    %dma_start3A_336 = tpu.memref_slice %arg6[%dma_start3A_333, %add3A_323] : memref<4x1048576xf32, #tpu.memory_space<hbm>> -> memref<1x4096xf32, #tpu.memory_space<hbm>>
    %dma_start3A_337 = tpu.memref_squeeze %dma_start3A_336 : memref<1x4096xf32, #tpu.memory_space<hbm>> -> memref<4096xf32, #tpu.memory_space<hbm>>
    %dma_start3A_338 = tpu.memref_slice %arg6[%dma_start3A_333, %add3A_323] : memref<4x1048576xf32, #tpu.memory_space<hbm>> -> memref<1x4096xf32, #tpu.memory_space<hbm>>
    %dma_start3A_339 = tpu.memref_squeeze %dma_start3A_338 : memref<1x4096xf32, #tpu.memory_space<hbm>> -> memref<4096xf32, #tpu.memory_space<hbm>>
    %dma_start3A_340 = arith.constant 0 : i32
    %dma_start3A_341 = tpu.memref_slice %arg28[%dma_start3A_340] : memref<4096xf32, #tpu.memory_space<vmem>> -> memref<4096xf32, #tpu.memory_space<vmem>>
    tpu.enqueue_dma source(%dma_start3A_341 : memref<4096xf32, #tpu.memory_space<vmem>>) target(%dma_start3A_339 : memref<4096xf32, #tpu.memory_space<hbm>>) target_semaphore(%arg36 : memref<!tpu.dma_semaphore, #tpu.memory_space<semaphore_mem>>)
    %dma_start3A_342 = arith.constant 2 : i32
    %dma_start3A_343 = arith.constant 0 : i32
    %dma_start3A_344 = tpu.memref_slice %arg29[%dma_start3A_343] : memref<4096xf32, #tpu.memory_space<vmem>> -> memref<4096xf32, #tpu.memory_space<vmem>>
    %dma_start3A_345 = tpu.memref_slice %arg6[%dma_start3A_342, %add3A_323] : memref<4x1048576xf32, #tpu.memory_space<hbm>> -> memref<1x4096xf32, #tpu.memory_space<hbm>>
    %dma_start3A_346 = tpu.memref_squeeze %dma_start3A_345 : memref<1x4096xf32, #tpu.memory_space<hbm>> -> memref<4096xf32, #tpu.memory_space<hbm>>
    %dma_start3A_347 = tpu.memref_slice %arg6[%dma_start3A_342, %add3A_323] : memref<4x1048576xf32, #tpu.memory_space<hbm>> -> memref<1x4096xf32, #tpu.memory_space<hbm>>
    %dma_start3A_348 = tpu.memref_squeeze %dma_start3A_347 : memref<1x4096xf32, #tpu.memory_space<hbm>> -> memref<4096xf32, #tpu.memory_space<hbm>>
    %dma_start3A_349 = arith.constant 0 : i32
    %dma_start3A_350 = tpu.memref_slice %arg29[%dma_start3A_349] : memref<4096xf32, #tpu.memory_space<vmem>> -> memref<4096xf32, #tpu.memory_space<vmem>>
    tpu.enqueue_dma source(%dma_start3A_350 : memref<4096xf32, #tpu.memory_space<vmem>>) target(%dma_start3A_348 : memref<4096xf32, #tpu.memory_space<hbm>>) target_semaphore(%arg36 : memref<!tpu.dma_semaphore, #tpu.memory_space<semaphore_mem>>)
    %dma_start3A_351 = arith.constant 3 : i32
    %dma_start3A_352 = arith.constant 0 : i32
    %dma_start3A_353 = tpu.memref_slice %arg30[%dma_start3A_352] : memref<4096xf32, #tpu.memory_space<vmem>> -> memref<4096xf32, #tpu.memory_space<vmem>>
    %dma_start3A_354 = tpu.memref_slice %arg6[%dma_start3A_351, %add3A_323] : memref<4x1048576xf32, #tpu.memory_space<hbm>> -> memref<1x4096xf32, #tpu.memory_space<hbm>>
    %dma_start3A_355 = tpu.memref_squeeze %dma_start3A_354 : memref<1x4096xf32, #tpu.memory_space<hbm>> -> memref<4096xf32, #tpu.memory_space<hbm>>
    %dma_start3A_356 = tpu.memref_slice %arg6[%dma_start3A_351, %add3A_323] : memref<4x1048576xf32, #tpu.memory_space<hbm>> -> memref<1x4096xf32, #tpu.memory_space<hbm>>
    %dma_start3A_357 = tpu.memref_squeeze %dma_start3A_356 : memref<1x4096xf32, #tpu.memory_space<hbm>> -> memref<4096xf32, #tpu.memory_space<hbm>>
    %dma_start3A_358 = arith.constant 0 : i32
    %dma_start3A_359 = tpu.memref_slice %arg30[%dma_start3A_358] : memref<4096xf32, #tpu.memory_space<vmem>> -> memref<4096xf32, #tpu.memory_space<vmem>>
    tpu.enqueue_dma source(%dma_start3A_359 : memref<4096xf32, #tpu.memory_space<vmem>>) target(%dma_start3A_357 : memref<4096xf32, #tpu.memory_space<hbm>>) target_semaphore(%arg36 : memref<!tpu.dma_semaphore, #tpu.memory_space<semaphore_mem>>)
    %dma_wait3A_360 = arith.constant 0 : i32
    %dma_wait3A_361 = tpu.memref_slice %arg7[%dma_wait3A_360] : memref<4096xf32, #tpu.memory_space<vmem>> -> memref<4096xf32, #tpu.memory_space<vmem>>
    %dma_wait3A_362 = tpu.memref_slice %arg2[%add3A_109] : memref<1048576xf32, #tpu.memory_space<hbm>> -> memref<4096xf32, #tpu.memory_space<hbm>>
    %dma_wait3A_363 = arith.constant 0 : i32
    %dma_wait3A_364 = tpu.memref_slice %arg7[%dma_wait3A_363] : memref<4096xf32, #tpu.memory_space<vmem>> -> memref<4096xf32, #tpu.memory_space<vmem>>
    %dma_wait3A_365 = tpu.memref_slice %arg2[%add3A_109] : memref<1048576xf32, #tpu.memory_space<hbm>> -> memref<4096xf32, #tpu.memory_space<hbm>>
    tpu.wait_dma2 semaphore(%arg31 : memref<!tpu.dma_semaphore, #tpu.memory_space<semaphore_mem>>) src(%dma_wait3A_365 : memref<4096xf32, #tpu.memory_space<hbm>>) dst(%dma_wait3A_364 : memref<4096xf32, #tpu.memory_space<vmem>>)
    %dma_wait3A_366 = arith.constant 0 : i32
    %dma_wait3A_367 = tpu.memref_slice %arg8[%dma_wait3A_366] : memref<4096xf32, #tpu.memory_space<vmem>> -> memref<4096xf32, #tpu.memory_space<vmem>>
    %dma_wait3A_368 = tpu.memref_slice %arg3[%add3A_109] : memref<1048576xf32, #tpu.memory_space<hbm>> -> memref<4096xf32, #tpu.memory_space<hbm>>
    %dma_wait3A_369 = arith.constant 0 : i32
    %dma_wait3A_370 = tpu.memref_slice %arg8[%dma_wait3A_369] : memref<4096xf32, #tpu.memory_space<vmem>> -> memref<4096xf32, #tpu.memory_space<vmem>>
    %dma_wait3A_371 = tpu.memref_slice %arg3[%add3A_109] : memref<1048576xf32, #tpu.memory_space<hbm>> -> memref<4096xf32, #tpu.memory_space<hbm>>
    tpu.wait_dma2 semaphore(%arg31 : memref<!tpu.dma_semaphore, #tpu.memory_space<semaphore_mem>>) src(%dma_wait3A_371 : memref<4096xf32, #tpu.memory_space<hbm>>) dst(%dma_wait3A_370 : memref<4096xf32, #tpu.memory_space<vmem>>)
    %dma_wait3A_372 = arith.constant 0 : i32
    %dma_wait3A_373 = tpu.memref_slice %arg9[%dma_wait3A_372] : memref<4096xf32, #tpu.memory_space<vmem>> -> memref<4096xf32, #tpu.memory_space<vmem>>
    %dma_wait3A_374 = tpu.memref_slice %arg4[%add3A_109] : memref<1048576xf32, #tpu.memory_space<hbm>> -> memref<4096xf32, #tpu.memory_space<hbm>>
    %dma_wait3A_375 = arith.constant 0 : i32
    %dma_wait3A_376 = tpu.memref_slice %arg9[%dma_wait3A_375] : memref<4096xf32, #tpu.memory_space<vmem>> -> memref<4096xf32, #tpu.memory_space<vmem>>
    %dma_wait3A_377 = tpu.memref_slice %arg4[%add3A_109] : memref<1048576xf32, #tpu.memory_space<hbm>> -> memref<4096xf32, #tpu.memory_space<hbm>>
    tpu.wait_dma2 semaphore(%arg31 : memref<!tpu.dma_semaphore, #tpu.memory_space<semaphore_mem>>) src(%dma_wait3A_377 : memref<4096xf32, #tpu.memory_space<hbm>>) dst(%dma_wait3A_376 : memref<4096xf32, #tpu.memory_space<vmem>>)
    %dma_wait3A_378 = arith.constant 0 : i32
    %dma_wait3A_379 = tpu.memref_slice %arg10[%dma_wait3A_378] : memref<4096xf32, #tpu.memory_space<vmem>> -> memref<4096xf32, #tpu.memory_space<vmem>>
    %dma_wait3A_380 = tpu.memref_slice %arg5[%add3A_109] : memref<1048576xf32, #tpu.memory_space<hbm>> -> memref<4096xf32, #tpu.memory_space<hbm>>
    %dma_wait3A_381 = arith.constant 0 : i32
    %dma_wait3A_382 = tpu.memref_slice %arg10[%dma_wait3A_381] : memref<4096xf32, #tpu.memory_space<vmem>> -> memref<4096xf32, #tpu.memory_space<vmem>>
    %dma_wait3A_383 = tpu.memref_slice %arg5[%add3A_109] : memref<1048576xf32, #tpu.memory_space<hbm>> -> memref<4096xf32, #tpu.memory_space<hbm>>
    tpu.wait_dma2 semaphore(%arg31 : memref<!tpu.dma_semaphore, #tpu.memory_space<semaphore_mem>>) src(%dma_wait3A_383 : memref<4096xf32, #tpu.memory_space<hbm>>) dst(%dma_wait3A_382 : memref<4096xf32, #tpu.memory_space<vmem>>)
    %dma_wait3A_384 = arith.constant 0 : i32
    %dma_wait3A_385 = arith.constant 0 : i32
    %dma_wait3A_386 = tpu.memref_slice %arg19[%dma_wait3A_385] : memref<4096xf32, #tpu.memory_space<vmem>> -> memref<1024xf32, #tpu.memory_space<vmem>>
    %dma_wait3A_387 = tpu.memref_slice %arg6[%dma_wait3A_384, %add3A_135] : memref<4x1048576xf32, #tpu.memory_space<hbm>> -> memref<1x1024xf32, #tpu.memory_space<hbm>>
    %dma_wait3A_388 = tpu.memref_squeeze %dma_wait3A_387 : memref<1x1024xf32, #tpu.memory_space<hbm>> -> memref<1024xf32, #tpu.memory_space<hbm>>
    %dma_wait3A_389 = tpu.memref_slice %arg6[%dma_wait3A_384, %add3A_135] : memref<4x1048576xf32, #tpu.memory_space<hbm>> -> memref<1x1024xf32, #tpu.memory_space<hbm>>
    %dma_wait3A_390 = tpu.memref_squeeze %dma_wait3A_389 : memref<1x1024xf32, #tpu.memory_space<hbm>> -> memref<1024xf32, #tpu.memory_space<hbm>>
    %dma_wait3A_391 = arith.constant 0 : i32
    %dma_wait3A_392 = tpu.memref_slice %arg19[%dma_wait3A_391] : memref<4096xf32, #tpu.memory_space<vmem>> -> memref<1024xf32, #tpu.memory_space<vmem>>
    tpu.wait_dma2 semaphore(%arg34 : memref<!tpu.dma_semaphore, #tpu.memory_space<semaphore_mem>>) src(%dma_wait3A_392 : memref<1024xf32, #tpu.memory_space<vmem>>) dst(%dma_wait3A_390 : memref<1024xf32, #tpu.memory_space<hbm>>)
    %dma_wait3A_393 = arith.constant 1 : i32
    %dma_wait3A_394 = arith.constant 0 : i32
    %dma_wait3A_395 = tpu.memref_slice %arg20[%dma_wait3A_394] : memref<4096xf32, #tpu.memory_space<vmem>> -> memref<1024xf32, #tpu.memory_space<vmem>>
    %dma_wait3A_396 = tpu.memref_slice %arg6[%dma_wait3A_393, %add3A_135] : memref<4x1048576xf32, #tpu.memory_space<hbm>> -> memref<1x1024xf32, #tpu.memory_space<hbm>>
    %dma_wait3A_397 = tpu.memref_squeeze %dma_wait3A_396 : memref<1x1024xf32, #tpu.memory_space<hbm>> -> memref<1024xf32, #tpu.memory_space<hbm>>
    %dma_wait3A_398 = tpu.memref_slice %arg6[%dma_wait3A_393, %add3A_135] : memref<4x1048576xf32, #tpu.memory_space<hbm>> -> memref<1x1024xf32, #tpu.memory_space<hbm>>
    %dma_wait3A_399 = tpu.memref_squeeze %dma_wait3A_398 : memref<1x1024xf32, #tpu.memory_space<hbm>> -> memref<1024xf32, #tpu.memory_space<hbm>>
    %dma_wait3A_400 = arith.constant 0 : i32
    %dma_wait3A_401 = tpu.memref_slice %arg20[%dma_wait3A_400] : memref<4096xf32, #tpu.memory_space<vmem>> -> memref<1024xf32, #tpu.memory_space<vmem>>
    tpu.wait_dma2 semaphore(%arg34 : memref<!tpu.dma_semaphore, #tpu.memory_space<semaphore_mem>>) src(%dma_wait3A_401 : memref<1024xf32, #tpu.memory_space<vmem>>) dst(%dma_wait3A_399 : memref<1024xf32, #tpu.memory_space<hbm>>)
    %dma_wait3A_402 = arith.constant 2 : i32
    %dma_wait3A_403 = arith.constant 0 : i32
    %dma_wait3A_404 = tpu.memref_slice %arg21[%dma_wait3A_403] : memref<4096xf32, #tpu.memory_space<vmem>> -> memref<1024xf32, #tpu.memory_space<vmem>>
    %dma_wait3A_405 = tpu.memref_slice %arg6[%dma_wait3A_402, %add3A_135] : memref<4x1048576xf32, #tpu.memory_space<hbm>> -> memref<1x1024xf32, #tpu.memory_space<hbm>>
    %dma_wait3A_406 = tpu.memref_squeeze %dma_wait3A_405 : memref<1x1024xf32, #tpu.memory_space<hbm>> -> memref<1024xf32, #tpu.memory_space<hbm>>
    %dma_wait3A_407 = tpu.memref_slice %arg6[%dma_wait3A_402, %add3A_135] : memref<4x1048576xf32, #tpu.memory_space<hbm>> -> memref<1x1024xf32, #tpu.memory_space<hbm>>
    %dma_wait3A_408 = tpu.memref_squeeze %dma_wait3A_407 : memref<1x1024xf32, #tpu.memory_space<hbm>> -> memref<1024xf32, #tpu.memory_space<hbm>>
    %dma_wait3A_409 = arith.constant 0 : i32
    %dma_wait3A_410 = tpu.memref_slice %arg21[%dma_wait3A_409] : memref<4096xf32, #tpu.memory_space<vmem>> -> memref<1024xf32, #tpu.memory_space<vmem>>
    tpu.wait_dma2 semaphore(%arg34 : memref<!tpu.dma_semaphore, #tpu.memory_space<semaphore_mem>>) src(%dma_wait3A_410 : memref<1024xf32, #tpu.memory_space<vmem>>) dst(%dma_wait3A_408 : memref<1024xf32, #tpu.memory_space<hbm>>)
    %dma_wait3A_411 = arith.constant 3 : i32
    %dma_wait3A_412 = arith.constant 0 : i32
    %dma_wait3A_413 = tpu.memref_slice %arg22[%dma_wait3A_412] : memref<4096xf32, #tpu.memory_space<vmem>> -> memref<1024xf32, #tpu.memory_space<vmem>>
    %dma_wait3A_414 = tpu.memref_slice %arg6[%dma_wait3A_411, %add3A_135] : memref<4x1048576xf32, #tpu.memory_space<hbm>> -> memref<1x1024xf32, #tpu.memory_space<hbm>>
    %dma_wait3A_415 = tpu.memref_squeeze %dma_wait3A_414 : memref<1x1024xf32, #tpu.memory_space<hbm>> -> memref<1024xf32, #tpu.memory_space<hbm>>
    %dma_wait3A_416 = tpu.memref_slice %arg6[%dma_wait3A_411, %add3A_135] : memref<4x1048576xf32, #tpu.memory_space<hbm>> -> memref<1x1024xf32, #tpu.memory_space<hbm>>
    %dma_wait3A_417 = tpu.memref_squeeze %dma_wait3A_416 : memref<1x1024xf32, #tpu.memory_space<hbm>> -> memref<1024xf32, #tpu.memory_space<hbm>>
    %dma_wait3A_418 = arith.constant 0 : i32
    %dma_wait3A_419 = tpu.memref_slice %arg22[%dma_wait3A_418] : memref<4096xf32, #tpu.memory_space<vmem>> -> memref<1024xf32, #tpu.memory_space<vmem>>
    tpu.wait_dma2 semaphore(%arg34 : memref<!tpu.dma_semaphore, #tpu.memory_space<semaphore_mem>>) src(%dma_wait3A_419 : memref<1024xf32, #tpu.memory_space<vmem>>) dst(%dma_wait3A_417 : memref<1024xf32, #tpu.memory_space<hbm>>)
    %scan3A_420 = arith.constant 0 : i32
    %scan3A_421 = arith.constant 0 : i32
    %scan3A_422 = arith.constant 128 : i32
    %scan3A_423 = arith.addi %scan3A_421, %scan3A_422 : i32
    %scan3A_424 = arith.constant 1 : i32
    scf.for %scan3A_1300 = %scan3A_421 to %scan3A_423 step %scan3A_424  : i32 {
      %mul3A_1301 = arith.constant 32 : i32
      %mul3A_1302 = arith.muli %scan3A_1300, %mul3A_1301 : i32
      %add3A_1303 = arith.constant 0 : i32
      %add3A_1304 = arith.addi %mul3A_1302, %add3A_1303 : i32
      %get3A = arith.index_cast %add3A_1304 : i32 to index
      %get3A_1305 = tpu.vector_load %arg7[%get3A] {strides = array<i32>} : memref<4096xf32, #tpu.memory_space<vmem>>, vector<16xf32>,
      %get3A_1306 = vector.shape_cast %get3A_1305 : vector<16xf32> to vector<16xf32>
      %get3A_1307 = arith.index_cast %add3A_1304 : i32 to index
      %get3A_1308 = tpu.vector_load %arg8[%get3A_1307] {strides = array<i32>} : memref<4096xf32, #tpu.memory_space<vmem>>, vector<16xf32>,
      %get3A_1309 = vector.shape_cast %get3A_1308 : vector<16xf32> to vector<16xf32>
      %get3A_1310 = arith.index_cast %add3A_1304 : i32 to index
      %get3A_1311 = tpu.vector_load %arg9[%get3A_1310] {strides = array<i32>} : memref<4096xf32, #tpu.memory_space<vmem>>, vector<16xf32>,
      %get3A_1312 = vector.shape_cast %get3A_1311 : vector<16xf32> to vector<16xf32>
      %get3A_1313 = arith.index_cast %add3A_1304 : i32 to index
      %get3A_1314 = tpu.vector_load %arg10[%get3A_1313] {strides = array<i32>} : memref<4096xf32, #tpu.memory_space<vmem>>, vector<16xf32>,
      %get3A_1315 = vector.shape_cast %get3A_1314 : vector<16xf32> to vector<16xf32>
      %min3A = arith.minimumf %get3A_1306, %get3A_1309 : vector<16xf32>
      %max3A = arith.maximumf %get3A_1306, %get3A_1309 : vector<16xf32>
      %min3A_1316 = arith.minimumf %get3A_1312, %get3A_1315 : vector<16xf32>
      %max3A_1317 = arith.maximumf %get3A_1312, %get3A_1315 : vector<16xf32>
      %min3A_1318 = arith.minimumf %min3A, %min3A_1316 : vector<16xf32>
      %max3A_1319 = arith.maximumf %max3A, %max3A_1317 : vector<16xf32>
      %max3A_1320 = arith.maximumf %min3A, %min3A_1316 : vector<16xf32>
      %min3A_1321 = arith.minimumf %max3A, %max3A_1317 : vector<16xf32>
      %swap3A = arith.index_cast %add3A_1304 : i32 to index
      %swap3A_1322 = tpu.vector_load %arg19[%swap3A] {strides = array<i32>} : memref<4096xf32, #tpu.memory_space<vmem>>, vector<16xf32>,
      %swap3A_1323 = vector.shape_cast %swap3A_1322 : vector<16xf32> to vector<16xf32>
      %swap3A_1324 = vector.shape_cast %min3A_1318 : vector<16xf32> to vector<16xf32>
      tpu.vector_store %arg19[%swap3A], %swap3A_1324 {strides = array<i32>} : memref<4096xf32, #tpu.memory_space<vmem>>, vector<16xf32>,
      %min3A_1325 = arith.minimumf %max3A_1320, %min3A_1321 : vector<16xf32>
      %swap3A_1326 = arith.index_cast %add3A_1304 : i32 to index
      %swap3A_1327 = tpu.vector_load %arg20[%swap3A_1326] {strides = array<i32>} : memref<4096xf32, #tpu.memory_space<vmem>>, vector<16xf32>,
      %swap3A_1328 = vector.shape_cast %swap3A_1327 : vector<16xf32> to vector<16xf32>
      %swap3A_1329 = vector.shape_cast %min3A_1325 : vector<16xf32> to vector<16xf32>
      tpu.vector_store %arg20[%swap3A_1326], %swap3A_1329 {strides = array<i32>} : memref<4096xf32, #tpu.memory_space<vmem>>, vector<16xf32>,
      %max3A_1330 = arith.maximumf %max3A_1320, %min3A_1321 : vector<16xf32>
      %swap3A_1331 = arith.index_cast %add3A_1304 : i32 to index
      %swap3A_1332 = tpu.vector_load %arg21[%swap3A_1331] {strides = array<i32>} : memref<4096xf32, #tpu.memory_space<vmem>>, vector<16xf32>,
      %swap3A_1333 = vector.shape_cast %swap3A_1332 : vector<16xf32> to vector<16xf32>
      %swap3A_1334 = vector.shape_cast %max3A_1330 : vector<16xf32> to vector<16xf32>
      tpu.vector_store %arg21[%swap3A_1331], %swap3A_1334 {strides = array<i32>} : memref<4096xf32, #tpu.memory_space<vmem>>, vector<16xf32>,
      %swap3A_1335 = arith.index_cast %add3A_1304 : i32 to index
      %swap3A_1336 = tpu.vector_load %arg22[%swap3A_1335] {strides = array<i32>} : memref<4096xf32, #tpu.memory_space<vmem>>, vector<16xf32>,
      %swap3A_1337 = vector.shape_cast %swap3A_1336 : vector<16xf32> to vector<16xf32>
      %swap3A_1338 = vector.shape_cast %max3A_1319 : vector<16xf32> to vector<16xf32>
      tpu.vector_store %arg22[%swap3A_1335], %swap3A_1338 {strides = array<i32>} : memref<4096xf32, #tpu.memory_space<vmem>>, vector<16xf32>,
      %mul3A_1339 = arith.constant 32 : i32
      %mul3A_1340 = arith.muli %scan3A_1300, %mul3A_1339 : i32
      %add3A_1341 = arith.constant 16 : i32
      %add3A_1342 = arith.addi %mul3A_1340, %add3A_1341 : i32
      %get3A_1343 = arith.index_cast %add3A_1342 : i32 to index
      %get3A_1344 = tpu.vector_load %arg7[%get3A_1343] {strides = array<i32>} : memref<4096xf32, #tpu.memory_space<vmem>>, vector<16xf32>,
      %get3A_1345 = vector.shape_cast %get3A_1344 : vector<16xf32> to vector<16xf32>
      %get3A_1346 = arith.index_cast %add3A_1342 : i32 to index
      %get3A_1347 = tpu.vector_load %arg8[%get3A_1346] {strides = array<i32>} : memref<4096xf32, #tpu.memory_space<vmem>>, vector<16xf32>,
      %get3A_1348 = vector.shape_cast %get3A_1347 : vector<16xf32> to vector<16xf32>
      %get3A_1349 = arith.index_cast %add3A_1342 : i32 to index
      %get3A_1350 = tpu.vector_load %arg9[%get3A_1349] {strides = array<i32>} : memref<4096xf32, #tpu.memory_space<vmem>>, vector<16xf32>,
      %get3A_1351 = vector.shape_cast %get3A_1350 : vector<16xf32> to vector<16xf32>
      %get3A_1352 = arith.index_cast %add3A_1342 : i32 to index
      %get3A_1353 = tpu.vector_load %arg10[%get3A_1352] {strides = array<i32>} : memref<4096xf32, #tpu.memory_space<vmem>>, vector<16xf32>,
      %get3A_1354 = vector.shape_cast %get3A_1353 : vector<16xf32> to vector<16xf32>
      %min3A_1355 = arith.minimumf %get3A_1345, %get3A_1348 : vector<16xf32>
      %max3A_1356 = arith.maximumf %get3A_1345, %get3A_1348 : vector<16xf32>
      %min3A_1357 = arith.minimumf %get3A_1351, %get3A_1354 : vector<16xf32>
      %max3A_1358 = arith.maximumf %get3A_1351, %get3A_1354 : vector<16xf32>
      %min3A_1359 = arith.minimumf %min3A_1355, %min3A_1357 : vector<16xf32>
      %max3A_1360 = arith.maximumf %max3A_1356, %max3A_1358 : vector<16xf32>
      %max3A_1361 = arith.maximumf %min3A_1355, %min3A_1357 : vector<16xf32>
      %min3A_1362 = arith.minimumf %max3A_1356, %max3A_1358 : vector<16xf32>
      %swap3A_1363 = arith.index_cast %add3A_1342 : i32 to index
      %swap3A_1364 = tpu.vector_load %arg19[%swap3A_1363] {strides = array<i32>} : memref<4096xf32, #tpu.memory_space<vmem>>, vector<16xf32>,
      %swap3A_1365 = vector.shape_cast %swap3A_1364 : vector<16xf32> to vector<16xf32>
      %swap3A_1366 = vector.shape_cast %min3A_1359 : vector<16xf32> to vector<16xf32>
      tpu.vector_store %arg19[%swap3A_1363], %swap3A_1366 {strides = array<i32>} : memref<4096xf32, #tpu.memory_space<vmem>>, vector<16xf32>,
      %min3A_1367 = arith.minimumf %max3A_1361, %min3A_1362 : vector<16xf32>
      %swap3A_1368 = arith.index_cast %add3A_1342 : i32 to index
      %swap3A_1369 = tpu.vector_load %arg20[%swap3A_1368] {strides = array<i32>} : memref<4096xf32, #tpu.memory_space<vmem>>, vector<16xf32>,
      %swap3A_1370 = vector.shape_cast %swap3A_1369 : vector<16xf32> to vector<16xf32>
      %swap3A_1371 = vector.shape_cast %min3A_1367 : vector<16xf32> to vector<16xf32>
      tpu.vector_store %arg20[%swap3A_1368], %swap3A_1371 {strides = array<i32>} : memref<4096xf32, #tpu.memory_space<vmem>>, vector<16xf32>,
      %max3A_1372 = arith.maximumf %max3A_1361, %min3A_1362 : vector<16xf32>
      %swap3A_1373 = arith.index_cast %add3A_1342 : i32 to index
      %swap3A_1374 = tpu.vector_load %arg21[%swap3A_1373] {strides = array<i32>} : memref<4096xf32, #tpu.memory_space<vmem>>, vector<16xf32>,
      %swap3A_1375 = vector.shape_cast %swap3A_1374 : vector<16xf32> to vector<16xf32>
      %swap3A_1376 = vector.shape_cast %max3A_1372 : vector<16xf32> to vector<16xf32>
      tpu.vector_store %arg21[%swap3A_1373], %swap3A_1376 {strides = array<i32>} : memref<4096xf32, #tpu.memory_space<vmem>>, vector<16xf32>,
      %swap3A_1377 = arith.index_cast %add3A_1342 : i32 to index
      %swap3A_1378 = tpu.vector_load %arg22[%swap3A_1377] {strides = array<i32>} : memref<4096xf32, #tpu.memory_space<vmem>>, vector<16xf32>,
      %swap3A_1379 = vector.shape_cast %swap3A_1378 : vector<16xf32> to vector<16xf32>
      %swap3A_1380 = vector.shape_cast %max3A_1360 : vector<16xf32> to vector<16xf32>
      tpu.vector_store %arg22[%swap3A_1377], %swap3A_1380 {strides = array<i32>} : memref<4096xf32, #tpu.memory_space<vmem>>, vector<16xf32>,
    }
    %scan3A_425 = arith.constant 128 : i32
    %add3A_426 = arith.constant 20480 : i32
    %add3A_427 = arith.addi %mul3A_2, %add3A_426 : i32
    %dma_start3A_428 = arith.constant 0 : i32
    %dma_start3A_429 = tpu.memref_slice %arg7[%dma_start3A_428] : memref<4096xf32, #tpu.memory_space<vmem>> -> memref<4096xf32, #tpu.memory_space<vmem>>
    %dma_start3A_430 = tpu.memref_slice %arg2[%add3A_427] : memref<1048576xf32, #tpu.memory_space<hbm>> -> memref<4096xf32, #tpu.memory_space<hbm>>
    %dma_start3A_431 = arith.constant 0 : i32
    %dma_start3A_432 = tpu.memref_slice %arg7[%dma_start3A_431] : memref<4096xf32, #tpu.memory_space<vmem>> -> memref<4096xf32, #tpu.memory_space<vmem>>
    %dma_start3A_433 = tpu.memref_slice %arg2[%add3A_427] : memref<1048576xf32, #tpu.memory_space<hbm>> -> memref<4096xf32, #tpu.memory_space<hbm>>
    tpu.enqueue_dma source(%dma_start3A_433 : memref<4096xf32, #tpu.memory_space<hbm>>) target(%dma_start3A_432 : memref<4096xf32, #tpu.memory_space<vmem>>) target_semaphore(%arg31 : memref<!tpu.dma_semaphore, #tpu.memory_space<semaphore_mem>>)
    %dma_start3A_434 = arith.constant 0 : i32
    %dma_start3A_435 = tpu.memref_slice %arg8[%dma_start3A_434] : memref<4096xf32, #tpu.memory_space<vmem>> -> memref<4096xf32, #tpu.memory_space<vmem>>
    %dma_start3A_436 = tpu.memref_slice %arg3[%add3A_427] : memref<1048576xf32, #tpu.memory_space<hbm>> -> memref<4096xf32, #tpu.memory_space<hbm>>
    %dma_start3A_437 = arith.constant 0 : i32
    %dma_start3A_438 = tpu.memref_slice %arg8[%dma_start3A_437] : memref<4096xf32, #tpu.memory_space<vmem>> -> memref<4096xf32, #tpu.memory_space<vmem>>
    %dma_start3A_439 = tpu.memref_slice %arg3[%add3A_427] : memref<1048576xf32, #tpu.memory_space<hbm>> -> memref<4096xf32, #tpu.memory_space<hbm>>
    tpu.enqueue_dma source(%dma_start3A_439 : memref<4096xf32, #tpu.memory_space<hbm>>) target(%dma_start3A_438 : memref<4096xf32, #tpu.memory_space<vmem>>) target_semaphore(%arg31 : memref<!tpu.dma_semaphore, #tpu.memory_space<semaphore_mem>>)
    %dma_start3A_440 = arith.constant 0 : i32
    %dma_start3A_441 = tpu.memref_slice %arg9[%dma_start3A_440] : memref<4096xf32, #tpu.memory_space<vmem>> -> memref<4096xf32, #tpu.memory_space<vmem>>
    %dma_start3A_442 = tpu.memref_slice %arg4[%add3A_427] : memref<1048576xf32, #tpu.memory_space<hbm>> -> memref<4096xf32, #tpu.memory_space<hbm>>
    %dma_start3A_443 = arith.constant 0 : i32
    %dma_start3A_444 = tpu.memref_slice %arg9[%dma_start3A_443] : memref<4096xf32, #tpu.memory_space<vmem>> -> memref<4096xf32, #tpu.memory_space<vmem>>
    %dma_start3A_445 = tpu.memref_slice %arg4[%add3A_427] : memref<1048576xf32, #tpu.memory_space<hbm>> -> memref<4096xf32, #tpu.memory_space<hbm>>
    tpu.enqueue_dma source(%dma_start3A_445 : memref<4096xf32, #tpu.memory_space<hbm>>) target(%dma_start3A_444 : memref<4096xf32, #tpu.memory_space<vmem>>) target_semaphore(%arg31 : memref<!tpu.dma_semaphore, #tpu.memory_space<semaphore_mem>>)
    %dma_start3A_446 = arith.constant 0 : i32
    %dma_start3A_447 = tpu.memref_slice %arg10[%dma_start3A_446] : memref<4096xf32, #tpu.memory_space<vmem>> -> memref<4096xf32, #tpu.memory_space<vmem>>
    %dma_start3A_448 = tpu.memref_slice %arg5[%add3A_427] : memref<1048576xf32, #tpu.memory_space<hbm>> -> memref<4096xf32, #tpu.memory_space<hbm>>
    %dma_start3A_449 = arith.constant 0 : i32
    %dma_start3A_450 = tpu.memref_slice %arg10[%dma_start3A_449] : memref<4096xf32, #tpu.memory_space<vmem>> -> memref<4096xf32, #tpu.memory_space<vmem>>
    %dma_start3A_451 = tpu.memref_slice %arg5[%add3A_427] : memref<1048576xf32, #tpu.memory_space<hbm>> -> memref<4096xf32, #tpu.memory_space<hbm>>
    tpu.enqueue_dma source(%dma_start3A_451 : memref<4096xf32, #tpu.memory_space<hbm>>) target(%dma_start3A_450 : memref<4096xf32, #tpu.memory_space<vmem>>) target_semaphore(%arg31 : memref<!tpu.dma_semaphore, #tpu.memory_space<semaphore_mem>>)
    %add3A_452 = arith.constant 8192 : i32
    %add3A_453 = arith.addi %mul3A_2, %add3A_452 : i32
    %dma_start3A_454 = arith.constant 0 : i32
    %dma_start3A_455 = arith.constant 0 : i32
    %dma_start3A_456 = tpu.memref_slice %arg19[%dma_start3A_455] : memref<4096xf32, #tpu.memory_space<vmem>> -> memref<4096xf32, #tpu.memory_space<vmem>>
    %dma_start3A_457 = tpu.memref_slice %arg6[%dma_start3A_454, %add3A_453] : memref<4x1048576xf32, #tpu.memory_space<hbm>> -> memref<1x4096xf32, #tpu.memory_space<hbm>>
    %dma_start3A_458 = tpu.memref_squeeze %dma_start3A_457 : memref<1x4096xf32, #tpu.memory_space<hbm>> -> memref<4096xf32, #tpu.memory_space<hbm>>
    %dma_start3A_459 = tpu.memref_slice %arg6[%dma_start3A_454, %add3A_453] : memref<4x1048576xf32, #tpu.memory_space<hbm>> -> memref<1x4096xf32, #tpu.memory_space<hbm>>
    %dma_start3A_460 = tpu.memref_squeeze %dma_start3A_459 : memref<1x4096xf32, #tpu.memory_space<hbm>> -> memref<4096xf32, #tpu.memory_space<hbm>>
    %dma_start3A_461 = arith.constant 0 : i32
    %dma_start3A_462 = tpu.memref_slice %arg19[%dma_start3A_461] : memref<4096xf32, #tpu.memory_space<vmem>> -> memref<4096xf32, #tpu.memory_space<vmem>>
    tpu.enqueue_dma source(%dma_start3A_462 : memref<4096xf32, #tpu.memory_space<vmem>>) target(%dma_start3A_460 : memref<4096xf32, #tpu.memory_space<hbm>>) target_semaphore(%arg34 : memref<!tpu.dma_semaphore, #tpu.memory_space<semaphore_mem>>)
    %dma_start3A_463 = arith.constant 1 : i32
    %dma_start3A_464 = arith.constant 0 : i32
    %dma_start3A_465 = tpu.memref_slice %arg20[%dma_start3A_464] : memref<4096xf32, #tpu.memory_space<vmem>> -> memref<4096xf32, #tpu.memory_space<vmem>>
    %dma_start3A_466 = tpu.memref_slice %arg6[%dma_start3A_463, %add3A_453] : memref<4x1048576xf32, #tpu.memory_space<hbm>> -> memref<1x4096xf32, #tpu.memory_space<hbm>>
    %dma_start3A_467 = tpu.memref_squeeze %dma_start3A_466 : memref<1x4096xf32, #tpu.memory_space<hbm>> -> memref<4096xf32, #tpu.memory_space<hbm>>
    %dma_start3A_468 = tpu.memref_slice %arg6[%dma_start3A_463, %add3A_453] : memref<4x1048576xf32, #tpu.memory_space<hbm>> -> memref<1x4096xf32, #tpu.memory_space<hbm>>
    %dma_start3A_469 = tpu.memref_squeeze %dma_start3A_468 : memref<1x4096xf32, #tpu.memory_space<hbm>> -> memref<4096xf32, #tpu.memory_space<hbm>>
    %dma_start3A_470 = arith.constant 0 : i32
    %dma_start3A_471 = tpu.memref_slice %arg20[%dma_start3A_470] : memref<4096xf32, #tpu.memory_space<vmem>> -> memref<4096xf32, #tpu.memory_space<vmem>>
    tpu.enqueue_dma source(%dma_start3A_471 : memref<4096xf32, #tpu.memory_space<vmem>>) target(%dma_start3A_469 : memref<4096xf32, #tpu.memory_space<hbm>>) target_semaphore(%arg34 : memref<!tpu.dma_semaphore, #tpu.memory_space<semaphore_mem>>)
    %dma_start3A_472 = arith.constant 2 : i32
    %dma_start3A_473 = arith.constant 0 : i32
    %dma_start3A_474 = tpu.memref_slice %arg21[%dma_start3A_473] : memref<4096xf32, #tpu.memory_space<vmem>> -> memref<4096xf32, #tpu.memory_space<vmem>>
    %dma_start3A_475 = tpu.memref_slice %arg6[%dma_start3A_472, %add3A_453] : memref<4x1048576xf32, #tpu.memory_space<hbm>> -> memref<1x4096xf32, #tpu.memory_space<hbm>>
    %dma_start3A_476 = tpu.memref_squeeze %dma_start3A_475 : memref<1x4096xf32, #tpu.memory_space<hbm>> -> memref<4096xf32, #tpu.memory_space<hbm>>
    %dma_start3A_477 = tpu.memref_slice %arg6[%dma_start3A_472, %add3A_453] : memref<4x1048576xf32, #tpu.memory_space<hbm>> -> memref<1x4096xf32, #tpu.memory_space<hbm>>
    %dma_start3A_478 = tpu.memref_squeeze %dma_start3A_477 : memref<1x4096xf32, #tpu.memory_space<hbm>> -> memref<4096xf32, #tpu.memory_space<hbm>>
    %dma_start3A_479 = arith.constant 0 : i32
    %dma_start3A_480 = tpu.memref_slice %arg21[%dma_start3A_479] : memref<4096xf32, #tpu.memory_space<vmem>> -> memref<4096xf32, #tpu.memory_space<vmem>>
    tpu.enqueue_dma source(%dma_start3A_480 : memref<4096xf32, #tpu.memory_space<vmem>>) target(%dma_start3A_478 : memref<4096xf32, #tpu.memory_space<hbm>>) target_semaphore(%arg34 : memref<!tpu.dma_semaphore, #tpu.memory_space<semaphore_mem>>)
    %dma_start3A_481 = arith.constant 3 : i32
    %dma_start3A_482 = arith.constant 0 : i32
    %dma_start3A_483 = tpu.memref_slice %arg22[%dma_start3A_482] : memref<4096xf32, #tpu.memory_space<vmem>> -> memref<4096xf32, #tpu.memory_space<vmem>>
    %dma_start3A_484 = tpu.memref_slice %arg6[%dma_start3A_481, %add3A_453] : memref<4x1048576xf32, #tpu.memory_space<hbm>> -> memref<1x4096xf32, #tpu.memory_space<hbm>>
    %dma_start3A_485 = tpu.memref_squeeze %dma_start3A_484 : memref<1x4096xf32, #tpu.memory_space<hbm>> -> memref<4096xf32, #tpu.memory_space<hbm>>
    %dma_start3A_486 = tpu.memref_slice %arg6[%dma_start3A_481, %add3A_453] : memref<4x1048576xf32, #tpu.memory_space<hbm>> -> memref<1x4096xf32, #tpu.memory_space<hbm>>
    %dma_start3A_487 = tpu.memref_squeeze %dma_start3A_486 : memref<1x4096xf32, #tpu.memory_space<hbm>> -> memref<4096xf32, #tpu.memory_space<hbm>>
    %dma_start3A_488 = arith.constant 0 : i32
    %dma_start3A_489 = tpu.memref_slice %arg22[%dma_start3A_488] : memref<4096xf32, #tpu.memory_space<vmem>> -> memref<4096xf32, #tpu.memory_space<vmem>>
    tpu.enqueue_dma source(%dma_start3A_489 : memref<4096xf32, #tpu.memory_space<vmem>>) target(%dma_start3A_487 : memref<4096xf32, #tpu.memory_space<hbm>>) target_semaphore(%arg34 : memref<!tpu.dma_semaphore, #tpu.memory_space<semaphore_mem>>)
    %dma_wait3A_490 = arith.constant 0 : i32
    %dma_wait3A_491 = tpu.memref_slice %arg11[%dma_wait3A_490] : memref<4096xf32, #tpu.memory_space<vmem>> -> memref<4096xf32, #tpu.memory_space<vmem>>
    %dma_wait3A_492 = tpu.memref_slice %arg2[%add3A_203] : memref<1048576xf32, #tpu.memory_space<hbm>> -> memref<4096xf32, #tpu.memory_space<hbm>>
    %dma_wait3A_493 = arith.constant 0 : i32
    %dma_wait3A_494 = tpu.memref_slice %arg11[%dma_wait3A_493] : memref<4096xf32, #tpu.memory_space<vmem>> -> memref<4096xf32, #tpu.memory_space<vmem>>
    %dma_wait3A_495 = tpu.memref_slice %arg2[%add3A_203] : memref<1048576xf32, #tpu.memory_space<hbm>> -> memref<4096xf32, #tpu.memory_space<hbm>>
    tpu.wait_dma2 semaphore(%arg32 : memref<!tpu.dma_semaphore, #tpu.memory_space<semaphore_mem>>) src(%dma_wait3A_495 : memref<4096xf32, #tpu.memory_space<hbm>>) dst(%dma_wait3A_494 : memref<4096xf32, #tpu.memory_space<vmem>>)
    %dma_wait3A_496 = arith.constant 0 : i32
    %dma_wait3A_497 = tpu.memref_slice %arg12[%dma_wait3A_496] : memref<4096xf32, #tpu.memory_space<vmem>> -> memref<4096xf32, #tpu.memory_space<vmem>>
    %dma_wait3A_498 = tpu.memref_slice %arg3[%add3A_203] : memref<1048576xf32, #tpu.memory_space<hbm>> -> memref<4096xf32, #tpu.memory_space<hbm>>
    %dma_wait3A_499 = arith.constant 0 : i32
    %dma_wait3A_500 = tpu.memref_slice %arg12[%dma_wait3A_499] : memref<4096xf32, #tpu.memory_space<vmem>> -> memref<4096xf32, #tpu.memory_space<vmem>>
    %dma_wait3A_501 = tpu.memref_slice %arg3[%add3A_203] : memref<1048576xf32, #tpu.memory_space<hbm>> -> memref<4096xf32, #tpu.memory_space<hbm>>
    tpu.wait_dma2 semaphore(%arg32 : memref<!tpu.dma_semaphore, #tpu.memory_space<semaphore_mem>>) src(%dma_wait3A_501 : memref<4096xf32, #tpu.memory_space<hbm>>) dst(%dma_wait3A_500 : memref<4096xf32, #tpu.memory_space<vmem>>)
    %dma_wait3A_502 = arith.constant 0 : i32
    %dma_wait3A_503 = tpu.memref_slice %arg13[%dma_wait3A_502] : memref<4096xf32, #tpu.memory_space<vmem>> -> memref<4096xf32, #tpu.memory_space<vmem>>
    %dma_wait3A_504 = tpu.memref_slice %arg4[%add3A_203] : memref<1048576xf32, #tpu.memory_space<hbm>> -> memref<4096xf32, #tpu.memory_space<hbm>>
    %dma_wait3A_505 = arith.constant 0 : i32
    %dma_wait3A_506 = tpu.memref_slice %arg13[%dma_wait3A_505] : memref<4096xf32, #tpu.memory_space<vmem>> -> memref<4096xf32, #tpu.memory_space<vmem>>
    %dma_wait3A_507 = tpu.memref_slice %arg4[%add3A_203] : memref<1048576xf32, #tpu.memory_space<hbm>> -> memref<4096xf32, #tpu.memory_space<hbm>>
    tpu.wait_dma2 semaphore(%arg32 : memref<!tpu.dma_semaphore, #tpu.memory_space<semaphore_mem>>) src(%dma_wait3A_507 : memref<4096xf32, #tpu.memory_space<hbm>>) dst(%dma_wait3A_506 : memref<4096xf32, #tpu.memory_space<vmem>>)
    %dma_wait3A_508 = arith.constant 0 : i32
    %dma_wait3A_509 = tpu.memref_slice %arg14[%dma_wait3A_508] : memref<4096xf32, #tpu.memory_space<vmem>> -> memref<4096xf32, #tpu.memory_space<vmem>>
    %dma_wait3A_510 = tpu.memref_slice %arg5[%add3A_203] : memref<1048576xf32, #tpu.memory_space<hbm>> -> memref<4096xf32, #tpu.memory_space<hbm>>
    %dma_wait3A_511 = arith.constant 0 : i32
    %dma_wait3A_512 = tpu.memref_slice %arg14[%dma_wait3A_511] : memref<4096xf32, #tpu.memory_space<vmem>> -> memref<4096xf32, #tpu.memory_space<vmem>>
    %dma_wait3A_513 = tpu.memref_slice %arg5[%add3A_203] : memref<1048576xf32, #tpu.memory_space<hbm>> -> memref<4096xf32, #tpu.memory_space<hbm>>
    tpu.wait_dma2 semaphore(%arg32 : memref<!tpu.dma_semaphore, #tpu.memory_space<semaphore_mem>>) src(%dma_wait3A_513 : memref<4096xf32, #tpu.memory_space<hbm>>) dst(%dma_wait3A_512 : memref<4096xf32, #tpu.memory_space<vmem>>)
    %dma_wait3A_514 = arith.constant 0 : i32
    %dma_wait3A_515 = arith.constant 0 : i32
    %dma_wait3A_516 = tpu.memref_slice %arg23[%dma_wait3A_515] : memref<4096xf32, #tpu.memory_space<vmem>> -> memref<3072xf32, #tpu.memory_space<vmem>>
    %dma_wait3A_517 = tpu.memref_slice %arg6[%dma_wait3A_514, %add3A_229] : memref<4x1048576xf32, #tpu.memory_space<hbm>> -> memref<1x3072xf32, #tpu.memory_space<hbm>>
    %dma_wait3A_518 = tpu.memref_squeeze %dma_wait3A_517 : memref<1x3072xf32, #tpu.memory_space<hbm>> -> memref<3072xf32, #tpu.memory_space<hbm>>
    %dma_wait3A_519 = tpu.memref_slice %arg6[%dma_wait3A_514, %add3A_229] : memref<4x1048576xf32, #tpu.memory_space<hbm>> -> memref<1x3072xf32, #tpu.memory_space<hbm>>
    %dma_wait3A_520 = tpu.memref_squeeze %dma_wait3A_519 : memref<1x3072xf32, #tpu.memory_space<hbm>> -> memref<3072xf32, #tpu.memory_space<hbm>>
    %dma_wait3A_521 = arith.constant 0 : i32
    %dma_wait3A_522 = tpu.memref_slice %arg23[%dma_wait3A_521] : memref<4096xf32, #tpu.memory_space<vmem>> -> memref<3072xf32, #tpu.memory_space<vmem>>
    tpu.wait_dma2 semaphore(%arg35 : memref<!tpu.dma_semaphore, #tpu.memory_space<semaphore_mem>>) src(%dma_wait3A_522 : memref<3072xf32, #tpu.memory_space<vmem>>) dst(%dma_wait3A_520 : memref<3072xf32, #tpu.memory_space<hbm>>)
    %dma_wait3A_523 = arith.constant 1 : i32
    %dma_wait3A_524 = arith.constant 0 : i32
    %dma_wait3A_525 = tpu.memref_slice %arg24[%dma_wait3A_524] : memref<4096xf32, #tpu.memory_space<vmem>> -> memref<3072xf32, #tpu.memory_space<vmem>>
    %dma_wait3A_526 = tpu.memref_slice %arg6[%dma_wait3A_523, %add3A_229] : memref<4x1048576xf32, #tpu.memory_space<hbm>> -> memref<1x3072xf32, #tpu.memory_space<hbm>>
    %dma_wait3A_527 = tpu.memref_squeeze %dma_wait3A_526 : memref<1x3072xf32, #tpu.memory_space<hbm>> -> memref<3072xf32, #tpu.memory_space<hbm>>
    %dma_wait3A_528 = tpu.memref_slice %arg6[%dma_wait3A_523, %add3A_229] : memref<4x1048576xf32, #tpu.memory_space<hbm>> -> memref<1x3072xf32, #tpu.memory_space<hbm>>
    %dma_wait3A_529 = tpu.memref_squeeze %dma_wait3A_528 : memref<1x3072xf32, #tpu.memory_space<hbm>> -> memref<3072xf32, #tpu.memory_space<hbm>>
    %dma_wait3A_530 = arith.constant 0 : i32
    %dma_wait3A_531 = tpu.memref_slice %arg24[%dma_wait3A_530] : memref<4096xf32, #tpu.memory_space<vmem>> -> memref<3072xf32, #tpu.memory_space<vmem>>
    tpu.wait_dma2 semaphore(%arg35 : memref<!tpu.dma_semaphore, #tpu.memory_space<semaphore_mem>>) src(%dma_wait3A_531 : memref<3072xf32, #tpu.memory_space<vmem>>) dst(%dma_wait3A_529 : memref<3072xf32, #tpu.memory_space<hbm>>)
    %dma_wait3A_532 = arith.constant 2 : i32
    %dma_wait3A_533 = arith.constant 0 : i32
    %dma_wait3A_534 = tpu.memref_slice %arg25[%dma_wait3A_533] : memref<4096xf32, #tpu.memory_space<vmem>> -> memref<3072xf32, #tpu.memory_space<vmem>>
    %dma_wait3A_535 = tpu.memref_slice %arg6[%dma_wait3A_532, %add3A_229] : memref<4x1048576xf32, #tpu.memory_space<hbm>> -> memref<1x3072xf32, #tpu.memory_space<hbm>>
    %dma_wait3A_536 = tpu.memref_squeeze %dma_wait3A_535 : memref<1x3072xf32, #tpu.memory_space<hbm>> -> memref<3072xf32, #tpu.memory_space<hbm>>
    %dma_wait3A_537 = tpu.memref_slice %arg6[%dma_wait3A_532, %add3A_229] : memref<4x1048576xf32, #tpu.memory_space<hbm>> -> memref<1x3072xf32, #tpu.memory_space<hbm>>
    %dma_wait3A_538 = tpu.memref_squeeze %dma_wait3A_537 : memref<1x3072xf32, #tpu.memory_space<hbm>> -> memref<3072xf32, #tpu.memory_space<hbm>>
    %dma_wait3A_539 = arith.constant 0 : i32
    %dma_wait3A_540 = tpu.memref_slice %arg25[%dma_wait3A_539] : memref<4096xf32, #tpu.memory_space<vmem>> -> memref<3072xf32, #tpu.memory_space<vmem>>
    tpu.wait_dma2 semaphore(%arg35 : memref<!tpu.dma_semaphore, #tpu.memory_space<semaphore_mem>>) src(%dma_wait3A_540 : memref<3072xf32, #tpu.memory_space<vmem>>) dst(%dma_wait3A_538 : memref<3072xf32, #tpu.memory_space<hbm>>)
    %dma_wait3A_541 = arith.constant 3 : i32
    %dma_wait3A_542 = arith.constant 0 : i32
    %dma_wait3A_543 = tpu.memref_slice %arg26[%dma_wait3A_542] : memref<4096xf32, #tpu.memory_space<vmem>> -> memref<3072xf32, #tpu.memory_space<vmem>>
    %dma_wait3A_544 = tpu.memref_slice %arg6[%dma_wait3A_541, %add3A_229] : memref<4x1048576xf32, #tpu.memory_space<hbm>> -> memref<1x3072xf32, #tpu.memory_space<hbm>>
    %dma_wait3A_545 = tpu.memref_squeeze %dma_wait3A_544 : memref<1x3072xf32, #tpu.memory_space<hbm>> -> memref<3072xf32, #tpu.memory_space<hbm>>
    %dma_wait3A_546 = tpu.memref_slice %arg6[%dma_wait3A_541, %add3A_229] : memref<4x1048576xf32, #tpu.memory_space<hbm>> -> memref<1x3072xf32, #tpu.memory_space<hbm>>
    %dma_wait3A_547 = tpu.memref_squeeze %dma_wait3A_546 : memref<1x3072xf32, #tpu.memory_space<hbm>> -> memref<3072xf32, #tpu.memory_space<hbm>>
    %dma_wait3A_548 = arith.constant 0 : i32
    %dma_wait3A_549 = tpu.memref_slice %arg26[%dma_wait3A_548] : memref<4096xf32, #tpu.memory_space<vmem>> -> memref<3072xf32, #tpu.memory_space<vmem>>
    tpu.wait_dma2 semaphore(%arg35 : memref<!tpu.dma_semaphore, #tpu.memory_space<semaphore_mem>>) src(%dma_wait3A_549 : memref<3072xf32, #tpu.memory_space<vmem>>) dst(%dma_wait3A_547 : memref<3072xf32, #tpu.memory_space<hbm>>)
    %scan3A_550 = arith.constant 0 : i32
    %scan3A_551 = arith.constant 0 : i32
    %scan3A_552 = arith.constant 128 : i32
    %scan3A_553 = arith.addi %scan3A_551, %scan3A_552 : i32
    %scan3A_554 = arith.constant 1 : i32
    scf.for %scan3A_1300 = %scan3A_551 to %scan3A_553 step %scan3A_554  : i32 {
      %mul3A_1301 = arith.constant 32 : i32
      %mul3A_1302 = arith.muli %scan3A_1300, %mul3A_1301 : i32
      %add3A_1303 = arith.constant 0 : i32
      %add3A_1304 = arith.addi %mul3A_1302, %add3A_1303 : i32
      %get3A = arith.index_cast %add3A_1304 : i32 to index
      %get3A_1305 = tpu.vector_load %arg11[%get3A] {strides = array<i32>} : memref<4096xf32, #tpu.memory_space<vmem>>, vector<16xf32>,
      %get3A_1306 = vector.shape_cast %get3A_1305 : vector<16xf32> to vector<16xf32>
      %get3A_1307 = arith.index_cast %add3A_1304 : i32 to index
      %get3A_1308 = tpu.vector_load %arg12[%get3A_1307] {strides = array<i32>} : memref<4096xf32, #tpu.memory_space<vmem>>, vector<16xf32>,
      %get3A_1309 = vector.shape_cast %get3A_1308 : vector<16xf32> to vector<16xf32>
      %get3A_1310 = arith.index_cast %add3A_1304 : i32 to index
      %get3A_1311 = tpu.vector_load %arg13[%get3A_1310] {strides = array<i32>} : memref<4096xf32, #tpu.memory_space<vmem>>, vector<16xf32>,
      %get3A_1312 = vector.shape_cast %get3A_1311 : vector<16xf32> to vector<16xf32>
      %get3A_1313 = arith.index_cast %add3A_1304 : i32 to index
      %get3A_1314 = tpu.vector_load %arg14[%get3A_1313] {strides = array<i32>} : memref<4096xf32, #tpu.memory_space<vmem>>, vector<16xf32>,
      %get3A_1315 = vector.shape_cast %get3A_1314 : vector<16xf32> to vector<16xf32>
      %min3A = arith.minimumf %get3A_1306, %get3A_1309 : vector<16xf32>
      %max3A = arith.maximumf %get3A_1306, %get3A_1309 : vector<16xf32>
      %min3A_1316 = arith.minimumf %get3A_1312, %get3A_1315 : vector<16xf32>
      %max3A_1317 = arith.maximumf %get3A_1312, %get3A_1315 : vector<16xf32>
      %min3A_1318 = arith.minimumf %min3A, %min3A_1316 : vector<16xf32>
      %max3A_1319 = arith.maximumf %max3A, %max3A_1317 : vector<16xf32>
      %max3A_1320 = arith.maximumf %min3A, %min3A_1316 : vector<16xf32>
      %min3A_1321 = arith.minimumf %max3A, %max3A_1317 : vector<16xf32>
      %swap3A = arith.index_cast %add3A_1304 : i32 to index
      %swap3A_1322 = tpu.vector_load %arg23[%swap3A] {strides = array<i32>} : memref<4096xf32, #tpu.memory_space<vmem>>, vector<16xf32>,
      %swap3A_1323 = vector.shape_cast %swap3A_1322 : vector<16xf32> to vector<16xf32>
      %swap3A_1324 = vector.shape_cast %min3A_1318 : vector<16xf32> to vector<16xf32>
      tpu.vector_store %arg23[%swap3A], %swap3A_1324 {strides = array<i32>} : memref<4096xf32, #tpu.memory_space<vmem>>, vector<16xf32>,
      %min3A_1325 = arith.minimumf %max3A_1320, %min3A_1321 : vector<16xf32>
      %swap3A_1326 = arith.index_cast %add3A_1304 : i32 to index
      %swap3A_1327 = tpu.vector_load %arg24[%swap3A_1326] {strides = array<i32>} : memref<4096xf32, #tpu.memory_space<vmem>>, vector<16xf32>,
      %swap3A_1328 = vector.shape_cast %swap3A_1327 : vector<16xf32> to vector<16xf32>
      %swap3A_1329 = vector.shape_cast %min3A_1325 : vector<16xf32> to vector<16xf32>
      tpu.vector_store %arg24[%swap3A_1326], %swap3A_1329 {strides = array<i32>} : memref<4096xf32, #tpu.memory_space<vmem>>, vector<16xf32>,
      %max3A_1330 = arith.maximumf %max3A_1320, %min3A_1321 : vector<16xf32>
      %swap3A_1331 = arith.index_cast %add3A_1304 : i32 to index
      %swap3A_1332 = tpu.vector_load %arg25[%swap3A_1331] {strides = array<i32>} : memref<4096xf32, #tpu.memory_space<vmem>>, vector<16xf32>,
      %swap3A_1333 = vector.shape_cast %swap3A_1332 : vector<16xf32> to vector<16xf32>
      %swap3A_1334 = vector.shape_cast %max3A_1330 : vector<16xf32> to vector<16xf32>
      tpu.vector_store %arg25[%swap3A_1331], %swap3A_1334 {strides = array<i32>} : memref<4096xf32, #tpu.memory_space<vmem>>, vector<16xf32>,
      %swap3A_1335 = arith.index_cast %add3A_1304 : i32 to index
      %swap3A_1336 = tpu.vector_load %arg26[%swap3A_1335] {strides = array<i32>} : memref<4096xf32, #tpu.memory_space<vmem>>, vector<16xf32>,
      %swap3A_1337 = vector.shape_cast %swap3A_1336 : vector<16xf32> to vector<16xf32>
      %swap3A_1338 = vector.shape_cast %max3A_1319 : vector<16xf32> to vector<16xf32>
      tpu.vector_store %arg26[%swap3A_1335], %swap3A_1338 {strides = array<i32>} : memref<4096xf32, #tpu.memory_space<vmem>>, vector<16xf32>,
      %mul3A_1339 = arith.constant 32 : i32
      %mul3A_1340 = arith.muli %scan3A_1300, %mul3A_1339 : i32
      %add3A_1341 = arith.constant 16 : i32
      %add3A_1342 = arith.addi %mul3A_1340, %add3A_1341 : i32
      %get3A_1343 = arith.index_cast %add3A_1342 : i32 to index
      %get3A_1344 = tpu.vector_load %arg11[%get3A_1343] {strides = array<i32>} : memref<4096xf32, #tpu.memory_space<vmem>>, vector<16xf32>,
      %get3A_1345 = vector.shape_cast %get3A_1344 : vector<16xf32> to vector<16xf32>
      %get3A_1346 = arith.index_cast %add3A_1342 : i32 to index
      %get3A_1347 = tpu.vector_load %arg12[%get3A_1346] {strides = array<i32>} : memref<4096xf32, #tpu.memory_space<vmem>>, vector<16xf32>,
      %get3A_1348 = vector.shape_cast %get3A_1347 : vector<16xf32> to vector<16xf32>
      %get3A_1349 = arith.index_cast %add3A_1342 : i32 to index
      %get3A_1350 = tpu.vector_load %arg13[%get3A_1349] {strides = array<i32>} : memref<4096xf32, #tpu.memory_space<vmem>>, vector<16xf32>,
      %get3A_1351 = vector.shape_cast %get3A_1350 : vector<16xf32> to vector<16xf32>
      %get3A_1352 = arith.index_cast %add3A_1342 : i32 to index
      %get3A_1353 = tpu.vector_load %arg14[%get3A_1352] {strides = array<i32>} : memref<4096xf32, #tpu.memory_space<vmem>>, vector<16xf32>,
      %get3A_1354 = vector.shape_cast %get3A_1353 : vector<16xf32> to vector<16xf32>
      %min3A_1355 = arith.minimumf %get3A_1345, %get3A_1348 : vector<16xf32>
      %max3A_1356 = arith.maximumf %get3A_1345, %get3A_1348 : vector<16xf32>
      %min3A_1357 = arith.minimumf %get3A_1351, %get3A_1354 : vector<16xf32>
      %max3A_1358 = arith.maximumf %get3A_1351, %get3A_1354 : vector<16xf32>
      %min3A_1359 = arith.minimumf %min3A_1355, %min3A_1357 : vector<16xf32>
      %max3A_1360 = arith.maximumf %max3A_1356, %max3A_1358 : vector<16xf32>
      %max3A_1361 = arith.maximumf %min3A_1355, %min3A_1357 : vector<16xf32>
      %min3A_1362 = arith.minimumf %max3A_1356, %max3A_1358 : vector<16xf32>
      %swap3A_1363 = arith.index_cast %add3A_1342 : i32 to index
      %swap3A_1364 = tpu.vector_load %arg23[%swap3A_1363] {strides = array<i32>} : memref<4096xf32, #tpu.memory_space<vmem>>, vector<16xf32>,
      %swap3A_1365 = vector.shape_cast %swap3A_1364 : vector<16xf32> to vector<16xf32>
      %swap3A_1366 = vector.shape_cast %min3A_1359 : vector<16xf32> to vector<16xf32>
      tpu.vector_store %arg23[%swap3A_1363], %swap3A_1366 {strides = array<i32>} : memref<4096xf32, #tpu.memory_space<vmem>>, vector<16xf32>,
      %min3A_1367 = arith.minimumf %max3A_1361, %min3A_1362 : vector<16xf32>
      %swap3A_1368 = arith.index_cast %add3A_1342 : i32 to index
      %swap3A_1369 = tpu.vector_load %arg24[%swap3A_1368] {strides = array<i32>} : memref<4096xf32, #tpu.memory_space<vmem>>, vector<16xf32>,
      %swap3A_1370 = vector.shape_cast %swap3A_1369 : vector<16xf32> to vector<16xf32>
      %swap3A_1371 = vector.shape_cast %min3A_1367 : vector<16xf32> to vector<16xf32>
      tpu.vector_store %arg24[%swap3A_1368], %swap3A_1371 {strides = array<i32>} : memref<4096xf32, #tpu.memory_space<vmem>>, vector<16xf32>,
      %max3A_1372 = arith.maximumf %max3A_1361, %min3A_1362 : vector<16xf32>
      %swap3A_1373 = arith.index_cast %add3A_1342 : i32 to index
      %swap3A_1374 = tpu.vector_load %arg25[%swap3A_1373] {strides = array<i32>} : memref<4096xf32, #tpu.memory_space<vmem>>, vector<16xf32>,
      %swap3A_1375 = vector.shape_cast %swap3A_1374 : vector<16xf32> to vector<16xf32>
      %swap3A_1376 = vector.shape_cast %max3A_1372 : vector<16xf32> to vector<16xf32>
      tpu.vector_store %arg25[%swap3A_1373], %swap3A_1376 {strides = array<i32>} : memref<4096xf32, #tpu.memory_space<vmem>>, vector<16xf32>,
      %swap3A_1377 = arith.index_cast %add3A_1342 : i32 to index
      %swap3A_1378 = tpu.vector_load %arg26[%swap3A_1377] {strides = array<i32>} : memref<4096xf32, #tpu.memory_space<vmem>>, vector<16xf32>,
      %swap3A_1379 = vector.shape_cast %swap3A_1378 : vector<16xf32> to vector<16xf32>
      %swap3A_1380 = vector.shape_cast %max3A_1360 : vector<16xf32> to vector<16xf32>
      tpu.vector_store %arg26[%swap3A_1377], %swap3A_1380 {strides = array<i32>} : memref<4096xf32, #tpu.memory_space<vmem>>, vector<16xf32>,
    }
    %scan3A_555 = arith.constant 128 : i32
    %add3A_556 = arith.constant 24576 : i32
    %add3A_557 = arith.addi %mul3A_2, %add3A_556 : i32
    %dma_start3A_558 = arith.constant 0 : i32
    %dma_start3A_559 = tpu.memref_slice %arg11[%dma_start3A_558] : memref<4096xf32, #tpu.memory_space<vmem>> -> memref<4096xf32, #tpu.memory_space<vmem>>
    %dma_start3A_560 = tpu.memref_slice %arg2[%add3A_557] : memref<1048576xf32, #tpu.memory_space<hbm>> -> memref<4096xf32, #tpu.memory_space<hbm>>
    %dma_start3A_561 = arith.constant 0 : i32
    %dma_start3A_562 = tpu.memref_slice %arg11[%dma_start3A_561] : memref<4096xf32, #tpu.memory_space<vmem>> -> memref<4096xf32, #tpu.memory_space<vmem>>
    %dma_start3A_563 = tpu.memref_slice %arg2[%add3A_557] : memref<1048576xf32, #tpu.memory_space<hbm>> -> memref<4096xf32, #tpu.memory_space<hbm>>
    tpu.enqueue_dma source(%dma_start3A_563 : memref<4096xf32, #tpu.memory_space<hbm>>) target(%dma_start3A_562 : memref<4096xf32, #tpu.memory_space<vmem>>) target_semaphore(%arg32 : memref<!tpu.dma_semaphore, #tpu.memory_space<semaphore_mem>>)
    %dma_start3A_564 = arith.constant 0 : i32
    %dma_start3A_565 = tpu.memref_slice %arg12[%dma_start3A_564] : memref<4096xf32, #tpu.memory_space<vmem>> -> memref<4096xf32, #tpu.memory_space<vmem>>
    %dma_start3A_566 = tpu.memref_slice %arg3[%add3A_557] : memref<1048576xf32, #tpu.memory_space<hbm>> -> memref<4096xf32, #tpu.memory_space<hbm>>
    %dma_start3A_567 = arith.constant 0 : i32
    %dma_start3A_568 = tpu.memref_slice %arg12[%dma_start3A_567] : memref<4096xf32, #tpu.memory_space<vmem>> -> memref<4096xf32, #tpu.memory_space<vmem>>
    %dma_start3A_569 = tpu.memref_slice %arg3[%add3A_557] : memref<1048576xf32, #tpu.memory_space<hbm>> -> memref<4096xf32, #tpu.memory_space<hbm>>
    tpu.enqueue_dma source(%dma_start3A_569 : memref<4096xf32, #tpu.memory_space<hbm>>) target(%dma_start3A_568 : memref<4096xf32, #tpu.memory_space<vmem>>) target_semaphore(%arg32 : memref<!tpu.dma_semaphore, #tpu.memory_space<semaphore_mem>>)
    %dma_start3A_570 = arith.constant 0 : i32
    %dma_start3A_571 = tpu.memref_slice %arg13[%dma_start3A_570] : memref<4096xf32, #tpu.memory_space<vmem>> -> memref<4096xf32, #tpu.memory_space<vmem>>
    %dma_start3A_572 = tpu.memref_slice %arg4[%add3A_557] : memref<1048576xf32, #tpu.memory_space<hbm>> -> memref<4096xf32, #tpu.memory_space<hbm>>
    %dma_start3A_573 = arith.constant 0 : i32
    %dma_start3A_574 = tpu.memref_slice %arg13[%dma_start3A_573] : memref<4096xf32, #tpu.memory_space<vmem>> -> memref<4096xf32, #tpu.memory_space<vmem>>
    %dma_start3A_575 = tpu.memref_slice %arg4[%add3A_557] : memref<1048576xf32, #tpu.memory_space<hbm>> -> memref<4096xf32, #tpu.memory_space<hbm>>
    tpu.enqueue_dma source(%dma_start3A_575 : memref<4096xf32, #tpu.memory_space<hbm>>) target(%dma_start3A_574 : memref<4096xf32, #tpu.memory_space<vmem>>) target_semaphore(%arg32 : memref<!tpu.dma_semaphore, #tpu.memory_space<semaphore_mem>>)
    %dma_start3A_576 = arith.constant 0 : i32
    %dma_start3A_577 = tpu.memref_slice %arg14[%dma_start3A_576] : memref<4096xf32, #tpu.memory_space<vmem>> -> memref<4096xf32, #tpu.memory_space<vmem>>
    %dma_start3A_578 = tpu.memref_slice %arg5[%add3A_557] : memref<1048576xf32, #tpu.memory_space<hbm>> -> memref<4096xf32, #tpu.memory_space<hbm>>
    %dma_start3A_579 = arith.constant 0 : i32
    %dma_start3A_580 = tpu.memref_slice %arg14[%dma_start3A_579] : memref<4096xf32, #tpu.memory_space<vmem>> -> memref<4096xf32, #tpu.memory_space<vmem>>
    %dma_start3A_581 = tpu.memref_slice %arg5[%add3A_557] : memref<1048576xf32, #tpu.memory_space<hbm>> -> memref<4096xf32, #tpu.memory_space<hbm>>
    tpu.enqueue_dma source(%dma_start3A_581 : memref<4096xf32, #tpu.memory_space<hbm>>) target(%dma_start3A_580 : memref<4096xf32, #tpu.memory_space<vmem>>) target_semaphore(%arg32 : memref<!tpu.dma_semaphore, #tpu.memory_space<semaphore_mem>>)
    %add3A_582 = arith.constant 12288 : i32
    %add3A_583 = arith.addi %mul3A_2, %add3A_582 : i32
    %dma_start3A_584 = arith.constant 0 : i32
    %dma_start3A_585 = arith.constant 0 : i32
    %dma_start3A_586 = tpu.memref_slice %arg23[%dma_start3A_585] : memref<4096xf32, #tpu.memory_space<vmem>> -> memref<4096xf32, #tpu.memory_space<vmem>>
    %dma_start3A_587 = tpu.memref_slice %arg6[%dma_start3A_584, %add3A_583] : memref<4x1048576xf32, #tpu.memory_space<hbm>> -> memref<1x4096xf32, #tpu.memory_space<hbm>>
    %dma_start3A_588 = tpu.memref_squeeze %dma_start3A_587 : memref<1x4096xf32, #tpu.memory_space<hbm>> -> memref<4096xf32, #tpu.memory_space<hbm>>
    %dma_start3A_589 = tpu.memref_slice %arg6[%dma_start3A_584, %add3A_583] : memref<4x1048576xf32, #tpu.memory_space<hbm>> -> memref<1x4096xf32, #tpu.memory_space<hbm>>
    %dma_start3A_590 = tpu.memref_squeeze %dma_start3A_589 : memref<1x4096xf32, #tpu.memory_space<hbm>> -> memref<4096xf32, #tpu.memory_space<hbm>>
    %dma_start3A_591 = arith.constant 0 : i32
    %dma_start3A_592 = tpu.memref_slice %arg23[%dma_start3A_591] : memref<4096xf32, #tpu.memory_space<vmem>> -> memref<4096xf32, #tpu.memory_space<vmem>>
    tpu.enqueue_dma source(%dma_start3A_592 : memref<4096xf32, #tpu.memory_space<vmem>>) target(%dma_start3A_590 : memref<4096xf32, #tpu.memory_space<hbm>>) target_semaphore(%arg35 : memref<!tpu.dma_semaphore, #tpu.memory_space<semaphore_mem>>)
    %dma_start3A_593 = arith.constant 1 : i32
    %dma_start3A_594 = arith.constant 0 : i32
    %dma_start3A_595 = tpu.memref_slice %arg24[%dma_start3A_594] : memref<4096xf32, #tpu.memory_space<vmem>> -> memref<4096xf32, #tpu.memory_space<vmem>>
    %dma_start3A_596 = tpu.memref_slice %arg6[%dma_start3A_593, %add3A_583] : memref<4x1048576xf32, #tpu.memory_space<hbm>> -> memref<1x4096xf32, #tpu.memory_space<hbm>>
    %dma_start3A_597 = tpu.memref_squeeze %dma_start3A_596 : memref<1x4096xf32, #tpu.memory_space<hbm>> -> memref<4096xf32, #tpu.memory_space<hbm>>
    %dma_start3A_598 = tpu.memref_slice %arg6[%dma_start3A_593, %add3A_583] : memref<4x1048576xf32, #tpu.memory_space<hbm>> -> memref<1x4096xf32, #tpu.memory_space<hbm>>
    %dma_start3A_599 = tpu.memref_squeeze %dma_start3A_598 : memref<1x4096xf32, #tpu.memory_space<hbm>> -> memref<4096xf32, #tpu.memory_space<hbm>>
    %dma_start3A_600 = arith.constant 0 : i32
    %dma_start3A_601 = tpu.memref_slice %arg24[%dma_start3A_600] : memref<4096xf32, #tpu.memory_space<vmem>> -> memref<4096xf32, #tpu.memory_space<vmem>>
    tpu.enqueue_dma source(%dma_start3A_601 : memref<4096xf32, #tpu.memory_space<vmem>>) target(%dma_start3A_599 : memref<4096xf32, #tpu.memory_space<hbm>>) target_semaphore(%arg35 : memref<!tpu.dma_semaphore, #tpu.memory_space<semaphore_mem>>)
    %dma_start3A_602 = arith.constant 2 : i32
    %dma_start3A_603 = arith.constant 0 : i32
    %dma_start3A_604 = tpu.memref_slice %arg25[%dma_start3A_603] : memref<4096xf32, #tpu.memory_space<vmem>> -> memref<4096xf32, #tpu.memory_space<vmem>>
    %dma_start3A_605 = tpu.memref_slice %arg6[%dma_start3A_602, %add3A_583] : memref<4x1048576xf32, #tpu.memory_space<hbm>> -> memref<1x4096xf32, #tpu.memory_space<hbm>>
    %dma_start3A_606 = tpu.memref_squeeze %dma_start3A_605 : memref<1x4096xf32, #tpu.memory_space<hbm>> -> memref<4096xf32, #tpu.memory_space<hbm>>
    %dma_start3A_607 = tpu.memref_slice %arg6[%dma_start3A_602, %add3A_583] : memref<4x1048576xf32, #tpu.memory_space<hbm>> -> memref<1x4096xf32, #tpu.memory_space<hbm>>
    %dma_start3A_608 = tpu.memref_squeeze %dma_start3A_607 : memref<1x4096xf32, #tpu.memory_space<hbm>> -> memref<4096xf32, #tpu.memory_space<hbm>>
    %dma_start3A_609 = arith.constant 0 : i32
    %dma_start3A_610 = tpu.memref_slice %arg25[%dma_start3A_609] : memref<4096xf32, #tpu.memory_space<vmem>> -> memref<4096xf32, #tpu.memory_space<vmem>>
    tpu.enqueue_dma source(%dma_start3A_610 : memref<4096xf32, #tpu.memory_space<vmem>>) target(%dma_start3A_608 : memref<4096xf32, #tpu.memory_space<hbm>>) target_semaphore(%arg35 : memref<!tpu.dma_semaphore, #tpu.memory_space<semaphore_mem>>)
    %dma_start3A_611 = arith.constant 3 : i32
    %dma_start3A_612 = arith.constant 0 : i32
    %dma_start3A_613 = tpu.memref_slice %arg26[%dma_start3A_612] : memref<4096xf32, #tpu.memory_space<vmem>> -> memref<4096xf32, #tpu.memory_space<vmem>>
    %dma_start3A_614 = tpu.memref_slice %arg6[%dma_start3A_611, %add3A_583] : memref<4x1048576xf32, #tpu.memory_space<hbm>> -> memref<1x4096xf32, #tpu.memory_space<hbm>>
    %dma_start3A_615 = tpu.memref_squeeze %dma_start3A_614 : memref<1x4096xf32, #tpu.memory_space<hbm>> -> memref<4096xf32, #tpu.memory_space<hbm>>
    %dma_start3A_616 = tpu.memref_slice %arg6[%dma_start3A_611, %add3A_583] : memref<4x1048576xf32, #tpu.memory_space<hbm>> -> memref<1x4096xf32, #tpu.memory_space<hbm>>
    %dma_start3A_617 = tpu.memref_squeeze %dma_start3A_616 : memref<1x4096xf32, #tpu.memory_space<hbm>> -> memref<4096xf32, #tpu.memory_space<hbm>>
    %dma_start3A_618 = arith.constant 0 : i32
    %dma_start3A_619 = tpu.memref_slice %arg26[%dma_start3A_618] : memref<4096xf32, #tpu.memory_space<vmem>> -> memref<4096xf32, #tpu.memory_space<vmem>>
    tpu.enqueue_dma source(%dma_start3A_619 : memref<4096xf32, #tpu.memory_space<vmem>>) target(%dma_start3A_617 : memref<4096xf32, #tpu.memory_space<hbm>>) target_semaphore(%arg35 : memref<!tpu.dma_semaphore, #tpu.memory_space<semaphore_mem>>)
    %dma_wait3A_620 = arith.constant 0 : i32
    %dma_wait3A_621 = tpu.memref_slice %arg15[%dma_wait3A_620] : memref<4096xf32, #tpu.memory_space<vmem>> -> memref<4096xf32, #tpu.memory_space<vmem>>
    %dma_wait3A_622 = tpu.memref_slice %arg2[%add3A_297] : memref<1048576xf32, #tpu.memory_space<hbm>> -> memref<4096xf32, #tpu.memory_space<hbm>>
    %dma_wait3A_623 = arith.constant 0 : i32
    %dma_wait3A_624 = tpu.memref_slice %arg15[%dma_wait3A_623] : memref<4096xf32, #tpu.memory_space<vmem>> -> memref<4096xf32, #tpu.memory_space<vmem>>
    %dma_wait3A_625 = tpu.memref_slice %arg2[%add3A_297] : memref<1048576xf32, #tpu.memory_space<hbm>> -> memref<4096xf32, #tpu.memory_space<hbm>>
    tpu.wait_dma2 semaphore(%arg33 : memref<!tpu.dma_semaphore, #tpu.memory_space<semaphore_mem>>) src(%dma_wait3A_625 : memref<4096xf32, #tpu.memory_space<hbm>>) dst(%dma_wait3A_624 : memref<4096xf32, #tpu.memory_space<vmem>>)
    %dma_wait3A_626 = arith.constant 0 : i32
    %dma_wait3A_627 = tpu.memref_slice %arg16[%dma_wait3A_626] : memref<4096xf32, #tpu.memory_space<vmem>> -> memref<4096xf32, #tpu.memory_space<vmem>>
    %dma_wait3A_628 = tpu.memref_slice %arg3[%add3A_297] : memref<1048576xf32, #tpu.memory_space<hbm>> -> memref<4096xf32, #tpu.memory_space<hbm>>
    %dma_wait3A_629 = arith.constant 0 : i32
    %dma_wait3A_630 = tpu.memref_slice %arg16[%dma_wait3A_629] : memref<4096xf32, #tpu.memory_space<vmem>> -> memref<4096xf32, #tpu.memory_space<vmem>>
    %dma_wait3A_631 = tpu.memref_slice %arg3[%add3A_297] : memref<1048576xf32, #tpu.memory_space<hbm>> -> memref<4096xf32, #tpu.memory_space<hbm>>
    tpu.wait_dma2 semaphore(%arg33 : memref<!tpu.dma_semaphore, #tpu.memory_space<semaphore_mem>>) src(%dma_wait3A_631 : memref<4096xf32, #tpu.memory_space<hbm>>) dst(%dma_wait3A_630 : memref<4096xf32, #tpu.memory_space<vmem>>)
    %dma_wait3A_632 = arith.constant 0 : i32
    %dma_wait3A_633 = tpu.memref_slice %arg17[%dma_wait3A_632] : memref<4096xf32, #tpu.memory_space<vmem>> -> memref<4096xf32, #tpu.memory_space<vmem>>
    %dma_wait3A_634 = tpu.memref_slice %arg4[%add3A_297] : memref<1048576xf32, #tpu.memory_space<hbm>> -> memref<4096xf32, #tpu.memory_space<hbm>>
    %dma_wait3A_635 = arith.constant 0 : i32
    %dma_wait3A_636 = tpu.memref_slice %arg17[%dma_wait3A_635] : memref<4096xf32, #tpu.memory_space<vmem>> -> memref<4096xf32, #tpu.memory_space<vmem>>
    %dma_wait3A_637 = tpu.memref_slice %arg4[%add3A_297] : memref<1048576xf32, #tpu.memory_space<hbm>> -> memref<4096xf32, #tpu.memory_space<hbm>>
    tpu.wait_dma2 semaphore(%arg33 : memref<!tpu.dma_semaphore, #tpu.memory_space<semaphore_mem>>) src(%dma_wait3A_637 : memref<4096xf32, #tpu.memory_space<hbm>>) dst(%dma_wait3A_636 : memref<4096xf32, #tpu.memory_space<vmem>>)
    %dma_wait3A_638 = arith.constant 0 : i32
    %dma_wait3A_639 = tpu.memref_slice %arg18[%dma_wait3A_638] : memref<4096xf32, #tpu.memory_space<vmem>> -> memref<4096xf32, #tpu.memory_space<vmem>>
    %dma_wait3A_640 = tpu.memref_slice %arg5[%add3A_297] : memref<1048576xf32, #tpu.memory_space<hbm>> -> memref<4096xf32, #tpu.memory_space<hbm>>
    %dma_wait3A_641 = arith.constant 0 : i32
    %dma_wait3A_642 = tpu.memref_slice %arg18[%dma_wait3A_641] : memref<4096xf32, #tpu.memory_space<vmem>> -> memref<4096xf32, #tpu.memory_space<vmem>>
    %dma_wait3A_643 = tpu.memref_slice %arg5[%add3A_297] : memref<1048576xf32, #tpu.memory_space<hbm>> -> memref<4096xf32, #tpu.memory_space<hbm>>
    tpu.wait_dma2 semaphore(%arg33 : memref<!tpu.dma_semaphore, #tpu.memory_space<semaphore_mem>>) src(%dma_wait3A_643 : memref<4096xf32, #tpu.memory_space<hbm>>) dst(%dma_wait3A_642 : memref<4096xf32, #tpu.memory_space<vmem>>)
    %dma_wait3A_644 = arith.constant 0 : i32
    %dma_wait3A_645 = arith.constant 0 : i32
    %dma_wait3A_646 = tpu.memref_slice %arg27[%dma_wait3A_645] : memref<4096xf32, #tpu.memory_space<vmem>> -> memref<4096xf32, #tpu.memory_space<vmem>>
    %dma_wait3A_647 = tpu.memref_slice %arg6[%dma_wait3A_644, %add3A_323] : memref<4x1048576xf32, #tpu.memory_space<hbm>> -> memref<1x4096xf32, #tpu.memory_space<hbm>>
    %dma_wait3A_648 = tpu.memref_squeeze %dma_wait3A_647 : memref<1x4096xf32, #tpu.memory_space<hbm>> -> memref<4096xf32, #tpu.memory_space<hbm>>
    %dma_wait3A_649 = tpu.memref_slice %arg6[%dma_wait3A_644, %add3A_323] : memref<4x1048576xf32, #tpu.memory_space<hbm>> -> memref<1x4096xf32, #tpu.memory_space<hbm>>
    %dma_wait3A_650 = tpu.memref_squeeze %dma_wait3A_649 : memref<1x4096xf32, #tpu.memory_space<hbm>> -> memref<4096xf32, #tpu.memory_space<hbm>>
    %dma_wait3A_651 = arith.constant 0 : i32
    %dma_wait3A_652 = tpu.memref_slice %arg27[%dma_wait3A_651] : memref<4096xf32, #tpu.memory_space<vmem>> -> memref<4096xf32, #tpu.memory_space<vmem>>
    tpu.wait_dma2 semaphore(%arg36 : memref<!tpu.dma_semaphore, #tpu.memory_space<semaphore_mem>>) src(%dma_wait3A_652 : memref<4096xf32, #tpu.memory_space<vmem>>) dst(%dma_wait3A_650 : memref<4096xf32, #tpu.memory_space<hbm>>)
    %dma_wait3A_653 = arith.constant 1 : i32
    %dma_wait3A_654 = arith.constant 0 : i32
    %dma_wait3A_655 = tpu.memref_slice %arg28[%dma_wait3A_654] : memref<4096xf32, #tpu.memory_space<vmem>> -> memref<4096xf32, #tpu.memory_space<vmem>>
    %dma_wait3A_656 = tpu.memref_slice %arg6[%dma_wait3A_653, %add3A_323] : memref<4x1048576xf32, #tpu.memory_space<hbm>> -> memref<1x4096xf32, #tpu.memory_space<hbm>>
    %dma_wait3A_657 = tpu.memref_squeeze %dma_wait3A_656 : memref<1x4096xf32, #tpu.memory_space<hbm>> -> memref<4096xf32, #tpu.memory_space<hbm>>
    %dma_wait3A_658 = tpu.memref_slice %arg6[%dma_wait3A_653, %add3A_323] : memref<4x1048576xf32, #tpu.memory_space<hbm>> -> memref<1x4096xf32, #tpu.memory_space<hbm>>
    %dma_wait3A_659 = tpu.memref_squeeze %dma_wait3A_658 : memref<1x4096xf32, #tpu.memory_space<hbm>> -> memref<4096xf32, #tpu.memory_space<hbm>>
    %dma_wait3A_660 = arith.constant 0 : i32
    %dma_wait3A_661 = tpu.memref_slice %arg28[%dma_wait3A_660] : memref<4096xf32, #tpu.memory_space<vmem>> -> memref<4096xf32, #tpu.memory_space<vmem>>
    tpu.wait_dma2 semaphore(%arg36 : memref<!tpu.dma_semaphore, #tpu.memory_space<semaphore_mem>>) src(%dma_wait3A_661 : memref<4096xf32, #tpu.memory_space<vmem>>) dst(%dma_wait3A_659 : memref<4096xf32, #tpu.memory_space<hbm>>)
    %dma_wait3A_662 = arith.constant 2 : i32
    %dma_wait3A_663 = arith.constant 0 : i32
    %dma_wait3A_664 = tpu.memref_slice %arg29[%dma_wait3A_663] : memref<4096xf32, #tpu.memory_space<vmem>> -> memref<4096xf32, #tpu.memory_space<vmem>>
    %dma_wait3A_665 = tpu.memref_slice %arg6[%dma_wait3A_662, %add3A_323] : memref<4x1048576xf32, #tpu.memory_space<hbm>> -> memref<1x4096xf32, #tpu.memory_space<hbm>>
    %dma_wait3A_666 = tpu.memref_squeeze %dma_wait3A_665 : memref<1x4096xf32, #tpu.memory_space<hbm>> -> memref<4096xf32, #tpu.memory_space<hbm>>
    %dma_wait3A_667 = tpu.memref_slice %arg6[%dma_wait3A_662, %add3A_323] : memref<4x1048576xf32, #tpu.memory_space<hbm>> -> memref<1x4096xf32, #tpu.memory_space<hbm>>
    %dma_wait3A_668 = tpu.memref_squeeze %dma_wait3A_667 : memref<1x4096xf32, #tpu.memory_space<hbm>> -> memref<4096xf32, #tpu.memory_space<hbm>>
    %dma_wait3A_669 = arith.constant 0 : i32
    %dma_wait3A_670 = tpu.memref_slice %arg29[%dma_wait3A_669] : memref<4096xf32, #tpu.memory_space<vmem>> -> memref<4096xf32, #tpu.memory_space<vmem>>
    tpu.wait_dma2 semaphore(%arg36 : memref<!tpu.dma_semaphore, #tpu.memory_space<semaphore_mem>>) src(%dma_wait3A_670 : memref<4096xf32, #tpu.memory_space<vmem>>) dst(%dma_wait3A_668 : memref<4096xf32, #tpu.memory_space<hbm>>)
    %dma_wait3A_671 = arith.constant 3 : i32
    %dma_wait3A_672 = arith.constant 0 : i32
    %dma_wait3A_673 = tpu.memref_slice %arg30[%dma_wait3A_672] : memref<4096xf32, #tpu.memory_space<vmem>> -> memref<4096xf32, #tpu.memory_space<vmem>>
    %dma_wait3A_674 = tpu.memref_slice %arg6[%dma_wait3A_671, %add3A_323] : memref<4x1048576xf32, #tpu.memory_space<hbm>> -> memref<1x4096xf32, #tpu.memory_space<hbm>>
    %dma_wait3A_675 = tpu.memref_squeeze %dma_wait3A_674 : memref<1x4096xf32, #tpu.memory_space<hbm>> -> memref<4096xf32, #tpu.memory_space<hbm>>
    %dma_wait3A_676 = tpu.memref_slice %arg6[%dma_wait3A_671, %add3A_323] : memref<4x1048576xf32, #tpu.memory_space<hbm>> -> memref<1x4096xf32, #tpu.memory_space<hbm>>
    %dma_wait3A_677 = tpu.memref_squeeze %dma_wait3A_676 : memref<1x4096xf32, #tpu.memory_space<hbm>> -> memref<4096xf32, #tpu.memory_space<hbm>>
    %dma_wait3A_678 = arith.constant 0 : i32
    %dma_wait3A_679 = tpu.memref_slice %arg30[%dma_wait3A_678] : memref<4096xf32, #tpu.memory_space<vmem>> -> memref<4096xf32, #tpu.memory_space<vmem>>
    tpu.wait_dma2 semaphore(%arg36 : memref<!tpu.dma_semaphore, #tpu.memory_space<semaphore_mem>>) src(%dma_wait3A_679 : memref<4096xf32, #tpu.memory_space<vmem>>) dst(%dma_wait3A_677 : memref<4096xf32, #tpu.memory_space<hbm>>)
    %scan3A_680 = arith.constant 0 : i32
    %scan3A_681 = arith.constant 0 : i32
    %scan3A_682 = arith.constant 128 : i32
    %scan3A_683 = arith.addi %scan3A_681, %scan3A_682 : i32
    %scan3A_684 = arith.constant 1 : i32
    scf.for %scan3A_1300 = %scan3A_681 to %scan3A_683 step %scan3A_684  : i32 {
      %mul3A_1301 = arith.constant 32 : i32
      %mul3A_1302 = arith.muli %scan3A_1300, %mul3A_1301 : i32
      %add3A_1303 = arith.constant 0 : i32
      %add3A_1304 = arith.addi %mul3A_1302, %add3A_1303 : i32
      %get3A = arith.index_cast %add3A_1304 : i32 to index
      %get3A_1305 = tpu.vector_load %arg15[%get3A] {strides = array<i32>} : memref<4096xf32, #tpu.memory_space<vmem>>, vector<16xf32>,
      %get3A_1306 = vector.shape_cast %get3A_1305 : vector<16xf32> to vector<16xf32>
      %get3A_1307 = arith.index_cast %add3A_1304 : i32 to index
      %get3A_1308 = tpu.vector_load %arg16[%get3A_1307] {strides = array<i32>} : memref<4096xf32, #tpu.memory_space<vmem>>, vector<16xf32>,
      %get3A_1309 = vector.shape_cast %get3A_1308 : vector<16xf32> to vector<16xf32>
      %get3A_1310 = arith.index_cast %add3A_1304 : i32 to index
      %get3A_1311 = tpu.vector_load %arg17[%get3A_1310] {strides = array<i32>} : memref<4096xf32, #tpu.memory_space<vmem>>, vector<16xf32>,
      %get3A_1312 = vector.shape_cast %get3A_1311 : vector<16xf32> to vector<16xf32>
      %get3A_1313 = arith.index_cast %add3A_1304 : i32 to index
      %get3A_1314 = tpu.vector_load %arg18[%get3A_1313] {strides = array<i32>} : memref<4096xf32, #tpu.memory_space<vmem>>, vector<16xf32>,
      %get3A_1315 = vector.shape_cast %get3A_1314 : vector<16xf32> to vector<16xf32>
      %min3A = arith.minimumf %get3A_1306, %get3A_1309 : vector<16xf32>
      %max3A = arith.maximumf %get3A_1306, %get3A_1309 : vector<16xf32>
      %min3A_1316 = arith.minimumf %get3A_1312, %get3A_1315 : vector<16xf32>
      %max3A_1317 = arith.maximumf %get3A_1312, %get3A_1315 : vector<16xf32>
      %min3A_1318 = arith.minimumf %min3A, %min3A_1316 : vector<16xf32>
      %max3A_1319 = arith.maximumf %max3A, %max3A_1317 : vector<16xf32>
      %max3A_1320 = arith.maximumf %min3A, %min3A_1316 : vector<16xf32>
      %min3A_1321 = arith.minimumf %max3A, %max3A_1317 : vector<16xf32>
      %swap3A = arith.index_cast %add3A_1304 : i32 to index
      %swap3A_1322 = tpu.vector_load %arg27[%swap3A] {strides = array<i32>} : memref<4096xf32, #tpu.memory_space<vmem>>, vector<16xf32>,
      %swap3A_1323 = vector.shape_cast %swap3A_1322 : vector<16xf32> to vector<16xf32>
      %swap3A_1324 = vector.shape_cast %min3A_1318 : vector<16xf32> to vector<16xf32>
      tpu.vector_store %arg27[%swap3A], %swap3A_1324 {strides = array<i32>} : memref<4096xf32, #tpu.memory_space<vmem>>, vector<16xf32>,
      %min3A_1325 = arith.minimumf %max3A_1320, %min3A_1321 : vector<16xf32>
      %swap3A_1326 = arith.index_cast %add3A_1304 : i32 to index
      %swap3A_1327 = tpu.vector_load %arg28[%swap3A_1326] {strides = array<i32>} : memref<4096xf32, #tpu.memory_space<vmem>>, vector<16xf32>,
      %swap3A_1328 = vector.shape_cast %swap3A_1327 : vector<16xf32> to vector<16xf32>
      %swap3A_1329 = vector.shape_cast %min3A_1325 : vector<16xf32> to vector<16xf32>
      tpu.vector_store %arg28[%swap3A_1326], %swap3A_1329 {strides = array<i32>} : memref<4096xf32, #tpu.memory_space<vmem>>, vector<16xf32>,
      %max3A_1330 = arith.maximumf %max3A_1320, %min3A_1321 : vector<16xf32>
      %swap3A_1331 = arith.index_cast %add3A_1304 : i32 to index
      %swap3A_1332 = tpu.vector_load %arg29[%swap3A_1331] {strides = array<i32>} : memref<4096xf32, #tpu.memory_space<vmem>>, vector<16xf32>,
      %swap3A_1333 = vector.shape_cast %swap3A_1332 : vector<16xf32> to vector<16xf32>
      %swap3A_1334 = vector.shape_cast %max3A_1330 : vector<16xf32> to vector<16xf32>
      tpu.vector_store %arg29[%swap3A_1331], %swap3A_1334 {strides = array<i32>} : memref<4096xf32, #tpu.memory_space<vmem>>, vector<16xf32>,
      %swap3A_1335 = arith.index_cast %add3A_1304 : i32 to index
      %swap3A_1336 = tpu.vector_load %arg30[%swap3A_1335] {strides = array<i32>} : memref<4096xf32, #tpu.memory_space<vmem>>, vector<16xf32>,
      %swap3A_1337 = vector.shape_cast %swap3A_1336 : vector<16xf32> to vector<16xf32>
      %swap3A_1338 = vector.shape_cast %max3A_1319 : vector<16xf32> to vector<16xf32>
      tpu.vector_store %arg30[%swap3A_1335], %swap3A_1338 {strides = array<i32>} : memref<4096xf32, #tpu.memory_space<vmem>>, vector<16xf32>,
      %mul3A_1339 = arith.constant 32 : i32
      %mul3A_1340 = arith.muli %scan3A_1300, %mul3A_1339 : i32
      %add3A_1341 = arith.constant 16 : i32
      %add3A_1342 = arith.addi %mul3A_1340, %add3A_1341 : i32
      %get3A_1343 = arith.index_cast %add3A_1342 : i32 to index
      %get3A_1344 = tpu.vector_load %arg15[%get3A_1343] {strides = array<i32>} : memref<4096xf32, #tpu.memory_space<vmem>>, vector<16xf32>,
      %get3A_1345 = vector.shape_cast %get3A_1344 : vector<16xf32> to vector<16xf32>
      %get3A_1346 = arith.index_cast %add3A_1342 : i32 to index
      %get3A_1347 = tpu.vector_load %arg16[%get3A_1346] {strides = array<i32>} : memref<4096xf32, #tpu.memory_space<vmem>>, vector<16xf32>,
      %get3A_1348 = vector.shape_cast %get3A_1347 : vector<16xf32> to vector<16xf32>
      %get3A_1349 = arith.index_cast %add3A_1342 : i32 to index
      %get3A_1350 = tpu.vector_load %arg17[%get3A_1349] {strides = array<i32>} : memref<4096xf32, #tpu.memory_space<vmem>>, vector<16xf32>,
      %get3A_1351 = vector.shape_cast %get3A_1350 : vector<16xf32> to vector<16xf32>
      %get3A_1352 = arith.index_cast %add3A_1342 : i32 to index
      %get3A_1353 = tpu.vector_load %arg18[%get3A_1352] {strides = array<i32>} : memref<4096xf32, #tpu.memory_space<vmem>>, vector<16xf32>,
      %get3A_1354 = vector.shape_cast %get3A_1353 : vector<16xf32> to vector<16xf32>
      %min3A_1355 = arith.minimumf %get3A_1345, %get3A_1348 : vector<16xf32>
      %max3A_1356 = arith.maximumf %get3A_1345, %get3A_1348 : vector<16xf32>
      %min3A_1357 = arith.minimumf %get3A_1351, %get3A_1354 : vector<16xf32>
      %max3A_1358 = arith.maximumf %get3A_1351, %get3A_1354 : vector<16xf32>
      %min3A_1359 = arith.minimumf %min3A_1355, %min3A_1357 : vector<16xf32>
      %max3A_1360 = arith.maximumf %max3A_1356, %max3A_1358 : vector<16xf32>
      %max3A_1361 = arith.maximumf %min3A_1355, %min3A_1357 : vector<16xf32>
      %min3A_1362 = arith.minimumf %max3A_1356, %max3A_1358 : vector<16xf32>
      %swap3A_1363 = arith.index_cast %add3A_1342 : i32 to index
      %swap3A_1364 = tpu.vector_load %arg27[%swap3A_1363] {strides = array<i32>} : memref<4096xf32, #tpu.memory_space<vmem>>, vector<16xf32>,
      %swap3A_1365 = vector.shape_cast %swap3A_1364 : vector<16xf32> to vector<16xf32>
      %swap3A_1366 = vector.shape_cast %min3A_1359 : vector<16xf32> to vector<16xf32>
      tpu.vector_store %arg27[%swap3A_1363], %swap3A_1366 {strides = array<i32>} : memref<4096xf32, #tpu.memory_space<vmem>>, vector<16xf32>,
      %min3A_1367 = arith.minimumf %max3A_1361, %min3A_1362 : vector<16xf32>
      %swap3A_1368 = arith.index_cast %add3A_1342 : i32 to index
      %swap3A_1369 = tpu.vector_load %arg28[%swap3A_1368] {strides = array<i32>} : memref<4096xf32, #tpu.memory_space<vmem>>, vector<16xf32>,
      %swap3A_1370 = vector.shape_cast %swap3A_1369 : vector<16xf32> to vector<16xf32>
      %swap3A_1371 = vector.shape_cast %min3A_1367 : vector<16xf32> to vector<16xf32>
      tpu.vector_store %arg28[%swap3A_1368], %swap3A_1371 {strides = array<i32>} : memref<4096xf32, #tpu.memory_space<vmem>>, vector<16xf32>,
      %max3A_1372 = arith.maximumf %max3A_1361, %min3A_1362 : vector<16xf32>
      %swap3A_1373 = arith.index_cast %add3A_1342 : i32 to index
      %swap3A_1374 = tpu.vector_load %arg29[%swap3A_1373] {strides = array<i32>} : memref<4096xf32, #tpu.memory_space<vmem>>, vector<16xf32>,
      %swap3A_1375 = vector.shape_cast %swap3A_1374 : vector<16xf32> to vector<16xf32>
      %swap3A_1376 = vector.shape_cast %max3A_1372 : vector<16xf32> to vector<16xf32>
      tpu.vector_store %arg29[%swap3A_1373], %swap3A_1376 {strides = array<i32>} : memref<4096xf32, #tpu.memory_space<vmem>>, vector<16xf32>,
      %swap3A_1377 = arith.index_cast %add3A_1342 : i32 to index
      %swap3A_1378 = tpu.vector_load %arg30[%swap3A_1377] {strides = array<i32>} : memref<4096xf32, #tpu.memory_space<vmem>>, vector<16xf32>,
      %swap3A_1379 = vector.shape_cast %swap3A_1378 : vector<16xf32> to vector<16xf32>
      %swap3A_1380 = vector.shape_cast %max3A_1360 : vector<16xf32> to vector<16xf32>
      tpu.vector_store %arg30[%swap3A_1377], %swap3A_1380 {strides = array<i32>} : memref<4096xf32, #tpu.memory_space<vmem>>, vector<16xf32>,
    }
    %scan3A_685 = arith.constant 128 : i32
    %add3A_686 = arith.constant 28672 : i32
    %add3A_687 = arith.addi %mul3A_2, %add3A_686 : i32
    %dma_start3A_688 = arith.constant 0 : i32
    %dma_start3A_689 = tpu.memref_slice %arg15[%dma_start3A_688] : memref<4096xf32, #tpu.memory_space<vmem>> -> memref<3072xf32, #tpu.memory_space<vmem>>
    %dma_start3A_690 = tpu.memref_slice %arg2[%add3A_687] : memref<1048576xf32, #tpu.memory_space<hbm>> -> memref<3072xf32, #tpu.memory_space<hbm>>
    %dma_start3A_691 = arith.constant 0 : i32
    %dma_start3A_692 = tpu.memref_slice %arg15[%dma_start3A_691] : memref<4096xf32, #tpu.memory_space<vmem>> -> memref<3072xf32, #tpu.memory_space<vmem>>
    %dma_start3A_693 = tpu.memref_slice %arg2[%add3A_687] : memref<1048576xf32, #tpu.memory_space<hbm>> -> memref<3072xf32, #tpu.memory_space<hbm>>
    tpu.enqueue_dma source(%dma_start3A_693 : memref<3072xf32, #tpu.memory_space<hbm>>) target(%dma_start3A_692 : memref<3072xf32, #tpu.memory_space<vmem>>) target_semaphore(%arg33 : memref<!tpu.dma_semaphore, #tpu.memory_space<semaphore_mem>>)
    %dma_start3A_694 = arith.constant 0 : i32
    %dma_start3A_695 = tpu.memref_slice %arg16[%dma_start3A_694] : memref<4096xf32, #tpu.memory_space<vmem>> -> memref<3072xf32, #tpu.memory_space<vmem>>
    %dma_start3A_696 = tpu.memref_slice %arg3[%add3A_687] : memref<1048576xf32, #tpu.memory_space<hbm>> -> memref<3072xf32, #tpu.memory_space<hbm>>
    %dma_start3A_697 = arith.constant 0 : i32
    %dma_start3A_698 = tpu.memref_slice %arg16[%dma_start3A_697] : memref<4096xf32, #tpu.memory_space<vmem>> -> memref<3072xf32, #tpu.memory_space<vmem>>
    %dma_start3A_699 = tpu.memref_slice %arg3[%add3A_687] : memref<1048576xf32, #tpu.memory_space<hbm>> -> memref<3072xf32, #tpu.memory_space<hbm>>
    tpu.enqueue_dma source(%dma_start3A_699 : memref<3072xf32, #tpu.memory_space<hbm>>) target(%dma_start3A_698 : memref<3072xf32, #tpu.memory_space<vmem>>) target_semaphore(%arg33 : memref<!tpu.dma_semaphore, #tpu.memory_space<semaphore_mem>>)
    %dma_start3A_700 = arith.constant 0 : i32
    %dma_start3A_701 = tpu.memref_slice %arg17[%dma_start3A_700] : memref<4096xf32, #tpu.memory_space<vmem>> -> memref<3072xf32, #tpu.memory_space<vmem>>
    %dma_start3A_702 = tpu.memref_slice %arg4[%add3A_687] : memref<1048576xf32, #tpu.memory_space<hbm>> -> memref<3072xf32, #tpu.memory_space<hbm>>
    %dma_start3A_703 = arith.constant 0 : i32
    %dma_start3A_704 = tpu.memref_slice %arg17[%dma_start3A_703] : memref<4096xf32, #tpu.memory_space<vmem>> -> memref<3072xf32, #tpu.memory_space<vmem>>
    %dma_start3A_705 = tpu.memref_slice %arg4[%add3A_687] : memref<1048576xf32, #tpu.memory_space<hbm>> -> memref<3072xf32, #tpu.memory_space<hbm>>
    tpu.enqueue_dma source(%dma_start3A_705 : memref<3072xf32, #tpu.memory_space<hbm>>) target(%dma_start3A_704 : memref<3072xf32, #tpu.memory_space<vmem>>) target_semaphore(%arg33 : memref<!tpu.dma_semaphore, #tpu.memory_space<semaphore_mem>>)
    %dma_start3A_706 = arith.constant 0 : i32
    %dma_start3A_707 = tpu.memref_slice %arg18[%dma_start3A_706] : memref<4096xf32, #tpu.memory_space<vmem>> -> memref<3072xf32, #tpu.memory_space<vmem>>
    %dma_start3A_708 = tpu.memref_slice %arg5[%add3A_687] : memref<1048576xf32, #tpu.memory_space<hbm>> -> memref<3072xf32, #tpu.memory_space<hbm>>
    %dma_start3A_709 = arith.constant 0 : i32
    %dma_start3A_710 = tpu.memref_slice %arg18[%dma_start3A_709] : memref<4096xf32, #tpu.memory_space<vmem>> -> memref<3072xf32, #tpu.memory_space<vmem>>
    %dma_start3A_711 = tpu.memref_slice %arg5[%add3A_687] : memref<1048576xf32, #tpu.memory_space<hbm>> -> memref<3072xf32, #tpu.memory_space<hbm>>
    tpu.enqueue_dma source(%dma_start3A_711 : memref<3072xf32, #tpu.memory_space<hbm>>) target(%dma_start3A_710 : memref<3072xf32, #tpu.memory_space<vmem>>) target_semaphore(%arg33 : memref<!tpu.dma_semaphore, #tpu.memory_space<semaphore_mem>>)
    %add3A_712 = arith.constant 16384 : i32
    %add3A_713 = arith.addi %mul3A_2, %add3A_712 : i32
    %dma_start3A_714 = arith.constant 0 : i32
    %dma_start3A_715 = arith.constant 0 : i32
    %dma_start3A_716 = tpu.memref_slice %arg27[%dma_start3A_715] : memref<4096xf32, #tpu.memory_space<vmem>> -> memref<4096xf32, #tpu.memory_space<vmem>>
    %dma_start3A_717 = tpu.memref_slice %arg6[%dma_start3A_714, %add3A_713] : memref<4x1048576xf32, #tpu.memory_space<hbm>> -> memref<1x4096xf32, #tpu.memory_space<hbm>>
    %dma_start3A_718 = tpu.memref_squeeze %dma_start3A_717 : memref<1x4096xf32, #tpu.memory_space<hbm>> -> memref<4096xf32, #tpu.memory_space<hbm>>
    %dma_start3A_719 = tpu.memref_slice %arg6[%dma_start3A_714, %add3A_713] : memref<4x1048576xf32, #tpu.memory_space<hbm>> -> memref<1x4096xf32, #tpu.memory_space<hbm>>
    %dma_start3A_720 = tpu.memref_squeeze %dma_start3A_719 : memref<1x4096xf32, #tpu.memory_space<hbm>> -> memref<4096xf32, #tpu.memory_space<hbm>>
    %dma_start3A_721 = arith.constant 0 : i32
    %dma_start3A_722 = tpu.memref_slice %arg27[%dma_start3A_721] : memref<4096xf32, #tpu.memory_space<vmem>> -> memref<4096xf32, #tpu.memory_space<vmem>>
    tpu.enqueue_dma source(%dma_start3A_722 : memref<4096xf32, #tpu.memory_space<vmem>>) target(%dma_start3A_720 : memref<4096xf32, #tpu.memory_space<hbm>>) target_semaphore(%arg36 : memref<!tpu.dma_semaphore, #tpu.memory_space<semaphore_mem>>)
    %dma_start3A_723 = arith.constant 1 : i32
    %dma_start3A_724 = arith.constant 0 : i32
    %dma_start3A_725 = tpu.memref_slice %arg28[%dma_start3A_724] : memref<4096xf32, #tpu.memory_space<vmem>> -> memref<4096xf32, #tpu.memory_space<vmem>>
    %dma_start3A_726 = tpu.memref_slice %arg6[%dma_start3A_723, %add3A_713] : memref<4x1048576xf32, #tpu.memory_space<hbm>> -> memref<1x4096xf32, #tpu.memory_space<hbm>>
    %dma_start3A_727 = tpu.memref_squeeze %dma_start3A_726 : memref<1x4096xf32, #tpu.memory_space<hbm>> -> memref<4096xf32, #tpu.memory_space<hbm>>
    %dma_start3A_728 = tpu.memref_slice %arg6[%dma_start3A_723, %add3A_713] : memref<4x1048576xf32, #tpu.memory_space<hbm>> -> memref<1x4096xf32, #tpu.memory_space<hbm>>
    %dma_start3A_729 = tpu.memref_squeeze %dma_start3A_728 : memref<1x4096xf32, #tpu.memory_space<hbm>> -> memref<4096xf32, #tpu.memory_space<hbm>>
    %dma_start3A_730 = arith.constant 0 : i32
    %dma_start3A_731 = tpu.memref_slice %arg28[%dma_start3A_730] : memref<4096xf32, #tpu.memory_space<vmem>> -> memref<4096xf32, #tpu.memory_space<vmem>>
    tpu.enqueue_dma source(%dma_start3A_731 : memref<4096xf32, #tpu.memory_space<vmem>>) target(%dma_start3A_729 : memref<4096xf32, #tpu.memory_space<hbm>>) target_semaphore(%arg36 : memref<!tpu.dma_semaphore, #tpu.memory_space<semaphore_mem>>)
    %dma_start3A_732 = arith.constant 2 : i32
    %dma_start3A_733 = arith.constant 0 : i32
    %dma_start3A_734 = tpu.memref_slice %arg29[%dma_start3A_733] : memref<4096xf32, #tpu.memory_space<vmem>> -> memref<4096xf32, #tpu.memory_space<vmem>>
    %dma_start3A_735 = tpu.memref_slice %arg6[%dma_start3A_732, %add3A_713] : memref<4x1048576xf32, #tpu.memory_space<hbm>> -> memref<1x4096xf32, #tpu.memory_space<hbm>>
    %dma_start3A_736 = tpu.memref_squeeze %dma_start3A_735 : memref<1x4096xf32, #tpu.memory_space<hbm>> -> memref<4096xf32, #tpu.memory_space<hbm>>
    %dma_start3A_737 = tpu.memref_slice %arg6[%dma_start3A_732, %add3A_713] : memref<4x1048576xf32, #tpu.memory_space<hbm>> -> memref<1x4096xf32, #tpu.memory_space<hbm>>
    %dma_start3A_738 = tpu.memref_squeeze %dma_start3A_737 : memref<1x4096xf32, #tpu.memory_space<hbm>> -> memref<4096xf32, #tpu.memory_space<hbm>>
    %dma_start3A_739 = arith.constant 0 : i32
    %dma_start3A_740 = tpu.memref_slice %arg29[%dma_start3A_739] : memref<4096xf32, #tpu.memory_space<vmem>> -> memref<4096xf32, #tpu.memory_space<vmem>>
    tpu.enqueue_dma source(%dma_start3A_740 : memref<4096xf32, #tpu.memory_space<vmem>>) target(%dma_start3A_738 : memref<4096xf32, #tpu.memory_space<hbm>>) target_semaphore(%arg36 : memref<!tpu.dma_semaphore, #tpu.memory_space<semaphore_mem>>)
    %dma_start3A_741 = arith.constant 3 : i32
    %dma_start3A_742 = arith.constant 0 : i32
    %dma_start3A_743 = tpu.memref_slice %arg30[%dma_start3A_742] : memref<4096xf32, #tpu.memory_space<vmem>> -> memref<4096xf32, #tpu.memory_space<vmem>>
    %dma_start3A_744 = tpu.memref_slice %arg6[%dma_start3A_741, %add3A_713] : memref<4x1048576xf32, #tpu.memory_space<hbm>> -> memref<1x4096xf32, #tpu.memory_space<hbm>>
    %dma_start3A_745 = tpu.memref_squeeze %dma_start3A_744 : memref<1x4096xf32, #tpu.memory_space<hbm>> -> memref<4096xf32, #tpu.memory_space<hbm>>
    %dma_start3A_746 = tpu.memref_slice %arg6[%dma_start3A_741, %add3A_713] : memref<4x1048576xf32, #tpu.memory_space<hbm>> -> memref<1x4096xf32, #tpu.memory_space<hbm>>
    %dma_start3A_747 = tpu.memref_squeeze %dma_start3A_746 : memref<1x4096xf32, #tpu.memory_space<hbm>> -> memref<4096xf32, #tpu.memory_space<hbm>>
    %dma_start3A_748 = arith.constant 0 : i32
    %dma_start3A_749 = tpu.memref_slice %arg30[%dma_start3A_748] : memref<4096xf32, #tpu.memory_space<vmem>> -> memref<4096xf32, #tpu.memory_space<vmem>>
    tpu.enqueue_dma source(%dma_start3A_749 : memref<4096xf32, #tpu.memory_space<vmem>>) target(%dma_start3A_747 : memref<4096xf32, #tpu.memory_space<hbm>>) target_semaphore(%arg36 : memref<!tpu.dma_semaphore, #tpu.memory_space<semaphore_mem>>)
    %dma_wait3A_750 = arith.constant 0 : i32
    %dma_wait3A_751 = tpu.memref_slice %arg7[%dma_wait3A_750] : memref<4096xf32, #tpu.memory_space<vmem>> -> memref<4096xf32, #tpu.memory_space<vmem>>
    %dma_wait3A_752 = tpu.memref_slice %arg2[%add3A_427] : memref<1048576xf32, #tpu.memory_space<hbm>> -> memref<4096xf32, #tpu.memory_space<hbm>>
    %dma_wait3A_753 = arith.constant 0 : i32
    %dma_wait3A_754 = tpu.memref_slice %arg7[%dma_wait3A_753] : memref<4096xf32, #tpu.memory_space<vmem>> -> memref<4096xf32, #tpu.memory_space<vmem>>
    %dma_wait3A_755 = tpu.memref_slice %arg2[%add3A_427] : memref<1048576xf32, #tpu.memory_space<hbm>> -> memref<4096xf32, #tpu.memory_space<hbm>>
    tpu.wait_dma2 semaphore(%arg31 : memref<!tpu.dma_semaphore, #tpu.memory_space<semaphore_mem>>) src(%dma_wait3A_755 : memref<4096xf32, #tpu.memory_space<hbm>>) dst(%dma_wait3A_754 : memref<4096xf32, #tpu.memory_space<vmem>>)
    %dma_wait3A_756 = arith.constant 0 : i32
    %dma_wait3A_757 = tpu.memref_slice %arg8[%dma_wait3A_756] : memref<4096xf32, #tpu.memory_space<vmem>> -> memref<4096xf32, #tpu.memory_space<vmem>>
    %dma_wait3A_758 = tpu.memref_slice %arg3[%add3A_427] : memref<1048576xf32, #tpu.memory_space<hbm>> -> memref<4096xf32, #tpu.memory_space<hbm>>
    %dma_wait3A_759 = arith.constant 0 : i32
    %dma_wait3A_760 = tpu.memref_slice %arg8[%dma_wait3A_759] : memref<4096xf32, #tpu.memory_space<vmem>> -> memref<4096xf32, #tpu.memory_space<vmem>>
    %dma_wait3A_761 = tpu.memref_slice %arg3[%add3A_427] : memref<1048576xf32, #tpu.memory_space<hbm>> -> memref<4096xf32, #tpu.memory_space<hbm>>
    tpu.wait_dma2 semaphore(%arg31 : memref<!tpu.dma_semaphore, #tpu.memory_space<semaphore_mem>>) src(%dma_wait3A_761 : memref<4096xf32, #tpu.memory_space<hbm>>) dst(%dma_wait3A_760 : memref<4096xf32, #tpu.memory_space<vmem>>)
    %dma_wait3A_762 = arith.constant 0 : i32
    %dma_wait3A_763 = tpu.memref_slice %arg9[%dma_wait3A_762] : memref<4096xf32, #tpu.memory_space<vmem>> -> memref<4096xf32, #tpu.memory_space<vmem>>
    %dma_wait3A_764 = tpu.memref_slice %arg4[%add3A_427] : memref<1048576xf32, #tpu.memory_space<hbm>> -> memref<4096xf32, #tpu.memory_space<hbm>>
    %dma_wait3A_765 = arith.constant 0 : i32
    %dma_wait3A_766 = tpu.memref_slice %arg9[%dma_wait3A_765] : memref<4096xf32, #tpu.memory_space<vmem>> -> memref<4096xf32, #tpu.memory_space<vmem>>
    %dma_wait3A_767 = tpu.memref_slice %arg4[%add3A_427] : memref<1048576xf32, #tpu.memory_space<hbm>> -> memref<4096xf32, #tpu.memory_space<hbm>>
    tpu.wait_dma2 semaphore(%arg31 : memref<!tpu.dma_semaphore, #tpu.memory_space<semaphore_mem>>) src(%dma_wait3A_767 : memref<4096xf32, #tpu.memory_space<hbm>>) dst(%dma_wait3A_766 : memref<4096xf32, #tpu.memory_space<vmem>>)
    %dma_wait3A_768 = arith.constant 0 : i32
    %dma_wait3A_769 = tpu.memref_slice %arg10[%dma_wait3A_768] : memref<4096xf32, #tpu.memory_space<vmem>> -> memref<4096xf32, #tpu.memory_space<vmem>>
    %dma_wait3A_770 = tpu.memref_slice %arg5[%add3A_427] : memref<1048576xf32, #tpu.memory_space<hbm>> -> memref<4096xf32, #tpu.memory_space<hbm>>
    %dma_wait3A_771 = arith.constant 0 : i32
    %dma_wait3A_772 = tpu.memref_slice %arg10[%dma_wait3A_771] : memref<4096xf32, #tpu.memory_space<vmem>> -> memref<4096xf32, #tpu.memory_space<vmem>>
    %dma_wait3A_773 = tpu.memref_slice %arg5[%add3A_427] : memref<1048576xf32, #tpu.memory_space<hbm>> -> memref<4096xf32, #tpu.memory_space<hbm>>
    tpu.wait_dma2 semaphore(%arg31 : memref<!tpu.dma_semaphore, #tpu.memory_space<semaphore_mem>>) src(%dma_wait3A_773 : memref<4096xf32, #tpu.memory_space<hbm>>) dst(%dma_wait3A_772 : memref<4096xf32, #tpu.memory_space<vmem>>)
    %dma_wait3A_774 = arith.constant 0 : i32
    %dma_wait3A_775 = arith.constant 0 : i32
    %dma_wait3A_776 = tpu.memref_slice %arg19[%dma_wait3A_775] : memref<4096xf32, #tpu.memory_space<vmem>> -> memref<4096xf32, #tpu.memory_space<vmem>>
    %dma_wait3A_777 = tpu.memref_slice %arg6[%dma_wait3A_774, %add3A_453] : memref<4x1048576xf32, #tpu.memory_space<hbm>> -> memref<1x4096xf32, #tpu.memory_space<hbm>>
    %dma_wait3A_778 = tpu.memref_squeeze %dma_wait3A_777 : memref<1x4096xf32, #tpu.memory_space<hbm>> -> memref<4096xf32, #tpu.memory_space<hbm>>
    %dma_wait3A_779 = tpu.memref_slice %arg6[%dma_wait3A_774, %add3A_453] : memref<4x1048576xf32, #tpu.memory_space<hbm>> -> memref<1x4096xf32, #tpu.memory_space<hbm>>
    %dma_wait3A_780 = tpu.memref_squeeze %dma_wait3A_779 : memref<1x4096xf32, #tpu.memory_space<hbm>> -> memref<4096xf32, #tpu.memory_space<hbm>>
    %dma_wait3A_781 = arith.constant 0 : i32
    %dma_wait3A_782 = tpu.memref_slice %arg19[%dma_wait3A_781] : memref<4096xf32, #tpu.memory_space<vmem>> -> memref<4096xf32, #tpu.memory_space<vmem>>
    tpu.wait_dma2 semaphore(%arg34 : memref<!tpu.dma_semaphore, #tpu.memory_space<semaphore_mem>>) src(%dma_wait3A_782 : memref<4096xf32, #tpu.memory_space<vmem>>) dst(%dma_wait3A_780 : memref<4096xf32, #tpu.memory_space<hbm>>)
    %dma_wait3A_783 = arith.constant 1 : i32
    %dma_wait3A_784 = arith.constant 0 : i32
    %dma_wait3A_785 = tpu.memref_slice %arg20[%dma_wait3A_784] : memref<4096xf32, #tpu.memory_space<vmem>> -> memref<4096xf32, #tpu.memory_space<vmem>>
    %dma_wait3A_786 = tpu.memref_slice %arg6[%dma_wait3A_783, %add3A_453] : memref<4x1048576xf32, #tpu.memory_space<hbm>> -> memref<1x4096xf32, #tpu.memory_space<hbm>>
    %dma_wait3A_787 = tpu.memref_squeeze %dma_wait3A_786 : memref<1x4096xf32, #tpu.memory_space<hbm>> -> memref<4096xf32, #tpu.memory_space<hbm>>
    %dma_wait3A_788 = tpu.memref_slice %arg6[%dma_wait3A_783, %add3A_453] : memref<4x1048576xf32, #tpu.memory_space<hbm>> -> memref<1x4096xf32, #tpu.memory_space<hbm>>
    %dma_wait3A_789 = tpu.memref_squeeze %dma_wait3A_788 : memref<1x4096xf32, #tpu.memory_space<hbm>> -> memref<4096xf32, #tpu.memory_space<hbm>>
    %dma_wait3A_790 = arith.constant 0 : i32
    %dma_wait3A_791 = tpu.memref_slice %arg20[%dma_wait3A_790] : memref<4096xf32, #tpu.memory_space<vmem>> -> memref<4096xf32, #tpu.memory_space<vmem>>
    tpu.wait_dma2 semaphore(%arg34 : memref<!tpu.dma_semaphore, #tpu.memory_space<semaphore_mem>>) src(%dma_wait3A_791 : memref<4096xf32, #tpu.memory_space<vmem>>) dst(%dma_wait3A_789 : memref<4096xf32, #tpu.memory_space<hbm>>)
    %dma_wait3A_792 = arith.constant 2 : i32
    %dma_wait3A_793 = arith.constant 0 : i32
    %dma_wait3A_794 = tpu.memref_slice %arg21[%dma_wait3A_793] : memref<4096xf32, #tpu.memory_space<vmem>> -> memref<4096xf32, #tpu.memory_space<vmem>>
    %dma_wait3A_795 = tpu.memref_slice %arg6[%dma_wait3A_792, %add3A_453] : memref<4x1048576xf32, #tpu.memory_space<hbm>> -> memref<1x4096xf32, #tpu.memory_space<hbm>>
    %dma_wait3A_796 = tpu.memref_squeeze %dma_wait3A_795 : memref<1x4096xf32, #tpu.memory_space<hbm>> -> memref<4096xf32, #tpu.memory_space<hbm>>
    %dma_wait3A_797 = tpu.memref_slice %arg6[%dma_wait3A_792, %add3A_453] : memref<4x1048576xf32, #tpu.memory_space<hbm>> -> memref<1x4096xf32, #tpu.memory_space<hbm>>
    %dma_wait3A_798 = tpu.memref_squeeze %dma_wait3A_797 : memref<1x4096xf32, #tpu.memory_space<hbm>> -> memref<4096xf32, #tpu.memory_space<hbm>>
    %dma_wait3A_799 = arith.constant 0 : i32
    %dma_wait3A_800 = tpu.memref_slice %arg21[%dma_wait3A_799] : memref<4096xf32, #tpu.memory_space<vmem>> -> memref<4096xf32, #tpu.memory_space<vmem>>
    tpu.wait_dma2 semaphore(%arg34 : memref<!tpu.dma_semaphore, #tpu.memory_space<semaphore_mem>>) src(%dma_wait3A_800 : memref<4096xf32, #tpu.memory_space<vmem>>) dst(%dma_wait3A_798 : memref<4096xf32, #tpu.memory_space<hbm>>)
    %dma_wait3A_801 = arith.constant 3 : i32
    %dma_wait3A_802 = arith.constant 0 : i32
    %dma_wait3A_803 = tpu.memref_slice %arg22[%dma_wait3A_802] : memref<4096xf32, #tpu.memory_space<vmem>> -> memref<4096xf32, #tpu.memory_space<vmem>>
    %dma_wait3A_804 = tpu.memref_slice %arg6[%dma_wait3A_801, %add3A_453] : memref<4x1048576xf32, #tpu.memory_space<hbm>> -> memref<1x4096xf32, #tpu.memory_space<hbm>>
    %dma_wait3A_805 = tpu.memref_squeeze %dma_wait3A_804 : memref<1x4096xf32, #tpu.memory_space<hbm>> -> memref<4096xf32, #tpu.memory_space<hbm>>
    %dma_wait3A_806 = tpu.memref_slice %arg6[%dma_wait3A_801, %add3A_453] : memref<4x1048576xf32, #tpu.memory_space<hbm>> -> memref<1x4096xf32, #tpu.memory_space<hbm>>
    %dma_wait3A_807 = tpu.memref_squeeze %dma_wait3A_806 : memref<1x4096xf32, #tpu.memory_space<hbm>> -> memref<4096xf32, #tpu.memory_space<hbm>>
    %dma_wait3A_808 = arith.constant 0 : i32
    %dma_wait3A_809 = tpu.memref_slice %arg22[%dma_wait3A_808] : memref<4096xf32, #tpu.memory_space<vmem>> -> memref<4096xf32, #tpu.memory_space<vmem>>
    tpu.wait_dma2 semaphore(%arg34 : memref<!tpu.dma_semaphore, #tpu.memory_space<semaphore_mem>>) src(%dma_wait3A_809 : memref<4096xf32, #tpu.memory_space<vmem>>) dst(%dma_wait3A_807 : memref<4096xf32, #tpu.memory_space<hbm>>)
    %scan3A_810 = arith.constant 0 : i32
    %scan3A_811 = arith.constant 0 : i32
    %scan3A_812 = arith.constant 128 : i32
    %scan3A_813 = arith.addi %scan3A_811, %scan3A_812 : i32
    %scan3A_814 = arith.constant 1 : i32
    scf.for %scan3A_1300 = %scan3A_811 to %scan3A_813 step %scan3A_814  : i32 {
      %mul3A_1301 = arith.constant 32 : i32
      %mul3A_1302 = arith.muli %scan3A_1300, %mul3A_1301 : i32
      %add3A_1303 = arith.constant 0 : i32
      %add3A_1304 = arith.addi %mul3A_1302, %add3A_1303 : i32
      %get3A = arith.index_cast %add3A_1304 : i32 to index
      %get3A_1305 = tpu.vector_load %arg7[%get3A] {strides = array<i32>} : memref<4096xf32, #tpu.memory_space<vmem>>, vector<16xf32>,
      %get3A_1306 = vector.shape_cast %get3A_1305 : vector<16xf32> to vector<16xf32>
      %get3A_1307 = arith.index_cast %add3A_1304 : i32 to index
      %get3A_1308 = tpu.vector_load %arg8[%get3A_1307] {strides = array<i32>} : memref<4096xf32, #tpu.memory_space<vmem>>, vector<16xf32>,
      %get3A_1309 = vector.shape_cast %get3A_1308 : vector<16xf32> to vector<16xf32>
      %get3A_1310 = arith.index_cast %add3A_1304 : i32 to index
      %get3A_1311 = tpu.vector_load %arg9[%get3A_1310] {strides = array<i32>} : memref<4096xf32, #tpu.memory_space<vmem>>, vector<16xf32>,
      %get3A_1312 = vector.shape_cast %get3A_1311 : vector<16xf32> to vector<16xf32>
      %get3A_1313 = arith.index_cast %add3A_1304 : i32 to index
      %get3A_1314 = tpu.vector_load %arg10[%get3A_1313] {strides = array<i32>} : memref<4096xf32, #tpu.memory_space<vmem>>, vector<16xf32>,
      %get3A_1315 = vector.shape_cast %get3A_1314 : vector<16xf32> to vector<16xf32>
      %min3A = arith.minimumf %get3A_1306, %get3A_1309 : vector<16xf32>
      %max3A = arith.maximumf %get3A_1306, %get3A_1309 : vector<16xf32>
      %min3A_1316 = arith.minimumf %get3A_1312, %get3A_1315 : vector<16xf32>
      %max3A_1317 = arith.maximumf %get3A_1312, %get3A_1315 : vector<16xf32>
      %min3A_1318 = arith.minimumf %min3A, %min3A_1316 : vector<16xf32>
      %max3A_1319 = arith.maximumf %max3A, %max3A_1317 : vector<16xf32>
      %max3A_1320 = arith.maximumf %min3A, %min3A_1316 : vector<16xf32>
      %min3A_1321 = arith.minimumf %max3A, %max3A_1317 : vector<16xf32>
      %swap3A = arith.index_cast %add3A_1304 : i32 to index
      %swap3A_1322 = tpu.vector_load %arg19[%swap3A] {strides = array<i32>} : memref<4096xf32, #tpu.memory_space<vmem>>, vector<16xf32>,
      %swap3A_1323 = vector.shape_cast %swap3A_1322 : vector<16xf32> to vector<16xf32>
      %swap3A_1324 = vector.shape_cast %min3A_1318 : vector<16xf32> to vector<16xf32>
      tpu.vector_store %arg19[%swap3A], %swap3A_1324 {strides = array<i32>} : memref<4096xf32, #tpu.memory_space<vmem>>, vector<16xf32>,
      %min3A_1325 = arith.minimumf %max3A_1320, %min3A_1321 : vector<16xf32>
      %swap3A_1326 = arith.index_cast %add3A_1304 : i32 to index
      %swap3A_1327 = tpu.vector_load %arg20[%swap3A_1326] {strides = array<i32>} : memref<4096xf32, #tpu.memory_space<vmem>>, vector<16xf32>,
      %swap3A_1328 = vector.shape_cast %swap3A_1327 : vector<16xf32> to vector<16xf32>
      %swap3A_1329 = vector.shape_cast %min3A_1325 : vector<16xf32> to vector<16xf32>
      tpu.vector_store %arg20[%swap3A_1326], %swap3A_1329 {strides = array<i32>} : memref<4096xf32, #tpu.memory_space<vmem>>, vector<16xf32>,
      %max3A_1330 = arith.maximumf %max3A_1320, %min3A_1321 : vector<16xf32>
      %swap3A_1331 = arith.index_cast %add3A_1304 : i32 to index
      %swap3A_1332 = tpu.vector_load %arg21[%swap3A_1331] {strides = array<i32>} : memref<4096xf32, #tpu.memory_space<vmem>>, vector<16xf32>,
      %swap3A_1333 = vector.shape_cast %swap3A_1332 : vector<16xf32> to vector<16xf32>
      %swap3A_1334 = vector.shape_cast %max3A_1330 : vector<16xf32> to vector<16xf32>
      tpu.vector_store %arg21[%swap3A_1331], %swap3A_1334 {strides = array<i32>} : memref<4096xf32, #tpu.memory_space<vmem>>, vector<16xf32>,
      %swap3A_1335 = arith.index_cast %add3A_1304 : i32 to index
      %swap3A_1336 = tpu.vector_load %arg22[%swap3A_1335] {strides = array<i32>} : memref<4096xf32, #tpu.memory_space<vmem>>, vector<16xf32>,
      %swap3A_1337 = vector.shape_cast %swap3A_1336 : vector<16xf32> to vector<16xf32>
      %swap3A_1338 = vector.shape_cast %max3A_1319 : vector<16xf32> to vector<16xf32>
      tpu.vector_store %arg22[%swap3A_1335], %swap3A_1338 {strides = array<i32>} : memref<4096xf32, #tpu.memory_space<vmem>>, vector<16xf32>,
      %mul3A_1339 = arith.constant 32 : i32
      %mul3A_1340 = arith.muli %scan3A_1300, %mul3A_1339 : i32
      %add3A_1341 = arith.constant 16 : i32
      %add3A_1342 = arith.addi %mul3A_1340, %add3A_1341 : i32
      %get3A_1343 = arith.index_cast %add3A_1342 : i32 to index
      %get3A_1344 = tpu.vector_load %arg7[%get3A_1343] {strides = array<i32>} : memref<4096xf32, #tpu.memory_space<vmem>>, vector<16xf32>,
      %get3A_1345 = vector.shape_cast %get3A_1344 : vector<16xf32> to vector<16xf32>
      %get3A_1346 = arith.index_cast %add3A_1342 : i32 to index
      %get3A_1347 = tpu.vector_load %arg8[%get3A_1346] {strides = array<i32>} : memref<4096xf32, #tpu.memory_space<vmem>>, vector<16xf32>,
      %get3A_1348 = vector.shape_cast %get3A_1347 : vector<16xf32> to vector<16xf32>
      %get3A_1349 = arith.index_cast %add3A_1342 : i32 to index
      %get3A_1350 = tpu.vector_load %arg9[%get3A_1349] {strides = array<i32>} : memref<4096xf32, #tpu.memory_space<vmem>>, vector<16xf32>,
      %get3A_1351 = vector.shape_cast %get3A_1350 : vector<16xf32> to vector<16xf32>
      %get3A_1352 = arith.index_cast %add3A_1342 : i32 to index
      %get3A_1353 = tpu.vector_load %arg10[%get3A_1352] {strides = array<i32>} : memref<4096xf32, #tpu.memory_space<vmem>>, vector<16xf32>,
      %get3A_1354 = vector.shape_cast %get3A_1353 : vector<16xf32> to vector<16xf32>
      %min3A_1355 = arith.minimumf %get3A_1345, %get3A_1348 : vector<16xf32>
      %max3A_1356 = arith.maximumf %get3A_1345, %get3A_1348 : vector<16xf32>
      %min3A_1357 = arith.minimumf %get3A_1351, %get3A_1354 : vector<16xf32>
      %max3A_1358 = arith.maximumf %get3A_1351, %get3A_1354 : vector<16xf32>
      %min3A_1359 = arith.minimumf %min3A_1355, %min3A_1357 : vector<16xf32>
      %max3A_1360 = arith.maximumf %max3A_1356, %max3A_1358 : vector<16xf32>
      %max3A_1361 = arith.maximumf %min3A_1355, %min3A_1357 : vector<16xf32>
      %min3A_1362 = arith.minimumf %max3A_1356, %max3A_1358 : vector<16xf32>
      %swap3A_1363 = arith.index_cast %add3A_1342 : i32 to index
      %swap3A_1364 = tpu.vector_load %arg19[%swap3A_1363] {strides = array<i32>} : memref<4096xf32, #tpu.memory_space<vmem>>, vector<16xf32>,
      %swap3A_1365 = vector.shape_cast %swap3A_1364 : vector<16xf32> to vector<16xf32>
      %swap3A_1366 = vector.shape_cast %min3A_1359 : vector<16xf32> to vector<16xf32>
      tpu.vector_store %arg19[%swap3A_1363], %swap3A_1366 {strides = array<i32>} : memref<4096xf32, #tpu.memory_space<vmem>>, vector<16xf32>,
      %min3A_1367 = arith.minimumf %max3A_1361, %min3A_1362 : vector<16xf32>
      %swap3A_1368 = arith.index_cast %add3A_1342 : i32 to index
      %swap3A_1369 = tpu.vector_load %arg20[%swap3A_1368] {strides = array<i32>} : memref<4096xf32, #tpu.memory_space<vmem>>, vector<16xf32>,
      %swap3A_1370 = vector.shape_cast %swap3A_1369 : vector<16xf32> to vector<16xf32>
      %swap3A_1371 = vector.shape_cast %min3A_1367 : vector<16xf32> to vector<16xf32>
      tpu.vector_store %arg20[%swap3A_1368], %swap3A_1371 {strides = array<i32>} : memref<4096xf32, #tpu.memory_space<vmem>>, vector<16xf32>,
      %max3A_1372 = arith.maximumf %max3A_1361, %min3A_1362 : vector<16xf32>
      %swap3A_1373 = arith.index_cast %add3A_1342 : i32 to index
      %swap3A_1374 = tpu.vector_load %arg21[%swap3A_1373] {strides = array<i32>} : memref<4096xf32, #tpu.memory_space<vmem>>, vector<16xf32>,
      %swap3A_1375 = vector.shape_cast %swap3A_1374 : vector<16xf32> to vector<16xf32>
      %swap3A_1376 = vector.shape_cast %max3A_1372 : vector<16xf32> to vector<16xf32>
      tpu.vector_store %arg21[%swap3A_1373], %swap3A_1376 {strides = array<i32>} : memref<4096xf32, #tpu.memory_space<vmem>>, vector<16xf32>,
      %swap3A_1377 = arith.index_cast %add3A_1342 : i32 to index
      %swap3A_1378 = tpu.vector_load %arg22[%swap3A_1377] {strides = array<i32>} : memref<4096xf32, #tpu.memory_space<vmem>>, vector<16xf32>,
      %swap3A_1379 = vector.shape_cast %swap3A_1378 : vector<16xf32> to vector<16xf32>
      %swap3A_1380 = vector.shape_cast %max3A_1360 : vector<16xf32> to vector<16xf32>
      tpu.vector_store %arg22[%swap3A_1377], %swap3A_1380 {strides = array<i32>} : memref<4096xf32, #tpu.memory_space<vmem>>, vector<16xf32>,
    }
    %scan3A_815 = arith.constant 128 : i32
    %add3A_816 = arith.constant 31744 : i32
    %add3A_817 = arith.addi %mul3A_2, %add3A_816 : i32
    %dma_start3A_818 = arith.constant 0 : i32
    %dma_start3A_819 = tpu.memref_slice %arg7[%dma_start3A_818] : memref<4096xf32, #tpu.memory_space<vmem>> -> memref<1024xf32, #tpu.memory_space<vmem>>
    %dma_start3A_820 = tpu.memref_slice %arg2[%add3A_817] : memref<1048576xf32, #tpu.memory_space<hbm>> -> memref<1024xf32, #tpu.memory_space<hbm>>
    %dma_start3A_821 = arith.constant 0 : i32
    %dma_start3A_822 = tpu.memref_slice %arg7[%dma_start3A_821] : memref<4096xf32, #tpu.memory_space<vmem>> -> memref<1024xf32, #tpu.memory_space<vmem>>
    %dma_start3A_823 = tpu.memref_slice %arg2[%add3A_817] : memref<1048576xf32, #tpu.memory_space<hbm>> -> memref<1024xf32, #tpu.memory_space<hbm>>
    tpu.enqueue_dma source(%dma_start3A_823 : memref<1024xf32, #tpu.memory_space<hbm>>) target(%dma_start3A_822 : memref<1024xf32, #tpu.memory_space<vmem>>) target_semaphore(%arg31 : memref<!tpu.dma_semaphore, #tpu.memory_space<semaphore_mem>>)
    %dma_start3A_824 = arith.constant 0 : i32
    %dma_start3A_825 = tpu.memref_slice %arg8[%dma_start3A_824] : memref<4096xf32, #tpu.memory_space<vmem>> -> memref<1024xf32, #tpu.memory_space<vmem>>
    %dma_start3A_826 = tpu.memref_slice %arg3[%add3A_817] : memref<1048576xf32, #tpu.memory_space<hbm>> -> memref<1024xf32, #tpu.memory_space<hbm>>
    %dma_start3A_827 = arith.constant 0 : i32
    %dma_start3A_828 = tpu.memref_slice %arg8[%dma_start3A_827] : memref<4096xf32, #tpu.memory_space<vmem>> -> memref<1024xf32, #tpu.memory_space<vmem>>
    %dma_start3A_829 = tpu.memref_slice %arg3[%add3A_817] : memref<1048576xf32, #tpu.memory_space<hbm>> -> memref<1024xf32, #tpu.memory_space<hbm>>
    tpu.enqueue_dma source(%dma_start3A_829 : memref<1024xf32, #tpu.memory_space<hbm>>) target(%dma_start3A_828 : memref<1024xf32, #tpu.memory_space<vmem>>) target_semaphore(%arg31 : memref<!tpu.dma_semaphore, #tpu.memory_space<semaphore_mem>>)
    %dma_start3A_830 = arith.constant 0 : i32
    %dma_start3A_831 = tpu.memref_slice %arg9[%dma_start3A_830] : memref<4096xf32, #tpu.memory_space<vmem>> -> memref<1024xf32, #tpu.memory_space<vmem>>
    %dma_start3A_832 = tpu.memref_slice %arg4[%add3A_817] : memref<1048576xf32, #tpu.memory_space<hbm>> -> memref<1024xf32, #tpu.memory_space<hbm>>
    %dma_start3A_833 = arith.constant 0 : i32
    %dma_start3A_834 = tpu.memref_slice %arg9[%dma_start3A_833] : memref<4096xf32, #tpu.memory_space<vmem>> -> memref<1024xf32, #tpu.memory_space<vmem>>
    %dma_start3A_835 = tpu.memref_slice %arg4[%add3A_817] : memref<1048576xf32, #tpu.memory_space<hbm>> -> memref<1024xf32, #tpu.memory_space<hbm>>
    tpu.enqueue_dma source(%dma_start3A_835 : memref<1024xf32, #tpu.memory_space<hbm>>) target(%dma_start3A_834 : memref<1024xf32, #tpu.memory_space<vmem>>) target_semaphore(%arg31 : memref<!tpu.dma_semaphore, #tpu.memory_space<semaphore_mem>>)
    %dma_start3A_836 = arith.constant 0 : i32
    %dma_start3A_837 = tpu.memref_slice %arg10[%dma_start3A_836] : memref<4096xf32, #tpu.memory_space<vmem>> -> memref<1024xf32, #tpu.memory_space<vmem>>
    %dma_start3A_838 = tpu.memref_slice %arg5[%add3A_817] : memref<1048576xf32, #tpu.memory_space<hbm>> -> memref<1024xf32, #tpu.memory_space<hbm>>
    %dma_start3A_839 = arith.constant 0 : i32
    %dma_start3A_840 = tpu.memref_slice %arg10[%dma_start3A_839] : memref<4096xf32, #tpu.memory_space<vmem>> -> memref<1024xf32, #tpu.memory_space<vmem>>
    %dma_start3A_841 = tpu.memref_slice %arg5[%add3A_817] : memref<1048576xf32, #tpu.memory_space<hbm>> -> memref<1024xf32, #tpu.memory_space<hbm>>
    tpu.enqueue_dma source(%dma_start3A_841 : memref<1024xf32, #tpu.memory_space<hbm>>) target(%dma_start3A_840 : memref<1024xf32, #tpu.memory_space<vmem>>) target_semaphore(%arg31 : memref<!tpu.dma_semaphore, #tpu.memory_space<semaphore_mem>>)
    %add3A_842 = arith.constant 20480 : i32
    %add3A_843 = arith.addi %mul3A_2, %add3A_842 : i32
    %dma_start3A_844 = arith.constant 0 : i32
    %dma_start3A_845 = arith.constant 0 : i32
    %dma_start3A_846 = tpu.memref_slice %arg19[%dma_start3A_845] : memref<4096xf32, #tpu.memory_space<vmem>> -> memref<4096xf32, #tpu.memory_space<vmem>>
    %dma_start3A_847 = tpu.memref_slice %arg6[%dma_start3A_844, %add3A_843] : memref<4x1048576xf32, #tpu.memory_space<hbm>> -> memref<1x4096xf32, #tpu.memory_space<hbm>>
    %dma_start3A_848 = tpu.memref_squeeze %dma_start3A_847 : memref<1x4096xf32, #tpu.memory_space<hbm>> -> memref<4096xf32, #tpu.memory_space<hbm>>
    %dma_start3A_849 = tpu.memref_slice %arg6[%dma_start3A_844, %add3A_843] : memref<4x1048576xf32, #tpu.memory_space<hbm>> -> memref<1x4096xf32, #tpu.memory_space<hbm>>
    %dma_start3A_850 = tpu.memref_squeeze %dma_start3A_849 : memref<1x4096xf32, #tpu.memory_space<hbm>> -> memref<4096xf32, #tpu.memory_space<hbm>>
    %dma_start3A_851 = arith.constant 0 : i32
    %dma_start3A_852 = tpu.memref_slice %arg19[%dma_start3A_851] : memref<4096xf32, #tpu.memory_space<vmem>> -> memref<4096xf32, #tpu.memory_space<vmem>>
    tpu.enqueue_dma source(%dma_start3A_852 : memref<4096xf32, #tpu.memory_space<vmem>>) target(%dma_start3A_850 : memref<4096xf32, #tpu.memory_space<hbm>>) target_semaphore(%arg34 : memref<!tpu.dma_semaphore, #tpu.memory_space<semaphore_mem>>)
    %dma_start3A_853 = arith.constant 1 : i32
    %dma_start3A_854 = arith.constant 0 : i32
    %dma_start3A_855 = tpu.memref_slice %arg20[%dma_start3A_854] : memref<4096xf32, #tpu.memory_space<vmem>> -> memref<4096xf32, #tpu.memory_space<vmem>>
    %dma_start3A_856 = tpu.memref_slice %arg6[%dma_start3A_853, %add3A_843] : memref<4x1048576xf32, #tpu.memory_space<hbm>> -> memref<1x4096xf32, #tpu.memory_space<hbm>>
    %dma_start3A_857 = tpu.memref_squeeze %dma_start3A_856 : memref<1x4096xf32, #tpu.memory_space<hbm>> -> memref<4096xf32, #tpu.memory_space<hbm>>
    %dma_start3A_858 = tpu.memref_slice %arg6[%dma_start3A_853, %add3A_843] : memref<4x1048576xf32, #tpu.memory_space<hbm>> -> memref<1x4096xf32, #tpu.memory_space<hbm>>
    %dma_start3A_859 = tpu.memref_squeeze %dma_start3A_858 : memref<1x4096xf32, #tpu.memory_space<hbm>> -> memref<4096xf32, #tpu.memory_space<hbm>>
    %dma_start3A_860 = arith.constant 0 : i32
    %dma_start3A_861 = tpu.memref_slice %arg20[%dma_start3A_860] : memref<4096xf32, #tpu.memory_space<vmem>> -> memref<4096xf32, #tpu.memory_space<vmem>>
    tpu.enqueue_dma source(%dma_start3A_861 : memref<4096xf32, #tpu.memory_space<vmem>>) target(%dma_start3A_859 : memref<4096xf32, #tpu.memory_space<hbm>>) target_semaphore(%arg34 : memref<!tpu.dma_semaphore, #tpu.memory_space<semaphore_mem>>)
    %dma_start3A_862 = arith.constant 2 : i32
    %dma_start3A_863 = arith.constant 0 : i32
    %dma_start3A_864 = tpu.memref_slice %arg21[%dma_start3A_863] : memref<4096xf32, #tpu.memory_space<vmem>> -> memref<4096xf32, #tpu.memory_space<vmem>>
    %dma_start3A_865 = tpu.memref_slice %arg6[%dma_start3A_862, %add3A_843] : memref<4x1048576xf32, #tpu.memory_space<hbm>> -> memref<1x4096xf32, #tpu.memory_space<hbm>>
    %dma_start3A_866 = tpu.memref_squeeze %dma_start3A_865 : memref<1x4096xf32, #tpu.memory_space<hbm>> -> memref<4096xf32, #tpu.memory_space<hbm>>
    %dma_start3A_867 = tpu.memref_slice %arg6[%dma_start3A_862, %add3A_843] : memref<4x1048576xf32, #tpu.memory_space<hbm>> -> memref<1x4096xf32, #tpu.memory_space<hbm>>
    %dma_start3A_868 = tpu.memref_squeeze %dma_start3A_867 : memref<1x4096xf32, #tpu.memory_space<hbm>> -> memref<4096xf32, #tpu.memory_space<hbm>>
    %dma_start3A_869 = arith.constant 0 : i32
    %dma_start3A_870 = tpu.memref_slice %arg21[%dma_start3A_869] : memref<4096xf32, #tpu.memory_space<vmem>> -> memref<4096xf32, #tpu.memory_space<vmem>>
    tpu.enqueue_dma source(%dma_start3A_870 : memref<4096xf32, #tpu.memory_space<vmem>>) target(%dma_start3A_868 : memref<4096xf32, #tpu.memory_space<hbm>>) target_semaphore(%arg34 : memref<!tpu.dma_semaphore, #tpu.memory_space<semaphore_mem>>)
    %dma_start3A_871 = arith.constant 3 : i32
    %dma_start3A_872 = arith.constant 0 : i32
    %dma_start3A_873 = tpu.memref_slice %arg22[%dma_start3A_872] : memref<4096xf32, #tpu.memory_space<vmem>> -> memref<4096xf32, #tpu.memory_space<vmem>>
    %dma_start3A_874 = tpu.memref_slice %arg6[%dma_start3A_871, %add3A_843] : memref<4x1048576xf32, #tpu.memory_space<hbm>> -> memref<1x4096xf32, #tpu.memory_space<hbm>>
    %dma_start3A_875 = tpu.memref_squeeze %dma_start3A_874 : memref<1x4096xf32, #tpu.memory_space<hbm>> -> memref<4096xf32, #tpu.memory_space<hbm>>
    %dma_start3A_876 = tpu.memref_slice %arg6[%dma_start3A_871, %add3A_843] : memref<4x1048576xf32, #tpu.memory_space<hbm>> -> memref<1x4096xf32, #tpu.memory_space<hbm>>
    %dma_start3A_877 = tpu.memref_squeeze %dma_start3A_876 : memref<1x4096xf32, #tpu.memory_space<hbm>> -> memref<4096xf32, #tpu.memory_space<hbm>>
    %dma_start3A_878 = arith.constant 0 : i32
    %dma_start3A_879 = tpu.memref_slice %arg22[%dma_start3A_878] : memref<4096xf32, #tpu.memory_space<vmem>> -> memref<4096xf32, #tpu.memory_space<vmem>>
    tpu.enqueue_dma source(%dma_start3A_879 : memref<4096xf32, #tpu.memory_space<vmem>>) target(%dma_start3A_877 : memref<4096xf32, #tpu.memory_space<hbm>>) target_semaphore(%arg34 : memref<!tpu.dma_semaphore, #tpu.memory_space<semaphore_mem>>)
    %dma_wait3A_880 = arith.constant 0 : i32
    %dma_wait3A_881 = tpu.memref_slice %arg11[%dma_wait3A_880] : memref<4096xf32, #tpu.memory_space<vmem>> -> memref<4096xf32, #tpu.memory_space<vmem>>
    %dma_wait3A_882 = tpu.memref_slice %arg2[%add3A_557] : memref<1048576xf32, #tpu.memory_space<hbm>> -> memref<4096xf32, #tpu.memory_space<hbm>>
    %dma_wait3A_883 = arith.constant 0 : i32
    %dma_wait3A_884 = tpu.memref_slice %arg11[%dma_wait3A_883] : memref<4096xf32, #tpu.memory_space<vmem>> -> memref<4096xf32, #tpu.memory_space<vmem>>
    %dma_wait3A_885 = tpu.memref_slice %arg2[%add3A_557] : memref<1048576xf32, #tpu.memory_space<hbm>> -> memref<4096xf32, #tpu.memory_space<hbm>>
    tpu.wait_dma2 semaphore(%arg32 : memref<!tpu.dma_semaphore, #tpu.memory_space<semaphore_mem>>) src(%dma_wait3A_885 : memref<4096xf32, #tpu.memory_space<hbm>>) dst(%dma_wait3A_884 : memref<4096xf32, #tpu.memory_space<vmem>>)
    %dma_wait3A_886 = arith.constant 0 : i32
    %dma_wait3A_887 = tpu.memref_slice %arg12[%dma_wait3A_886] : memref<4096xf32, #tpu.memory_space<vmem>> -> memref<4096xf32, #tpu.memory_space<vmem>>
    %dma_wait3A_888 = tpu.memref_slice %arg3[%add3A_557] : memref<1048576xf32, #tpu.memory_space<hbm>> -> memref<4096xf32, #tpu.memory_space<hbm>>
    %dma_wait3A_889 = arith.constant 0 : i32
    %dma_wait3A_890 = tpu.memref_slice %arg12[%dma_wait3A_889] : memref<4096xf32, #tpu.memory_space<vmem>> -> memref<4096xf32, #tpu.memory_space<vmem>>
    %dma_wait3A_891 = tpu.memref_slice %arg3[%add3A_557] : memref<1048576xf32, #tpu.memory_space<hbm>> -> memref<4096xf32, #tpu.memory_space<hbm>>
    tpu.wait_dma2 semaphore(%arg32 : memref<!tpu.dma_semaphore, #tpu.memory_space<semaphore_mem>>) src(%dma_wait3A_891 : memref<4096xf32, #tpu.memory_space<hbm>>) dst(%dma_wait3A_890 : memref<4096xf32, #tpu.memory_space<vmem>>)
    %dma_wait3A_892 = arith.constant 0 : i32
    %dma_wait3A_893 = tpu.memref_slice %arg13[%dma_wait3A_892] : memref<4096xf32, #tpu.memory_space<vmem>> -> memref<4096xf32, #tpu.memory_space<vmem>>
    %dma_wait3A_894 = tpu.memref_slice %arg4[%add3A_557] : memref<1048576xf32, #tpu.memory_space<hbm>> -> memref<4096xf32, #tpu.memory_space<hbm>>
    %dma_wait3A_895 = arith.constant 0 : i32
    %dma_wait3A_896 = tpu.memref_slice %arg13[%dma_wait3A_895] : memref<4096xf32, #tpu.memory_space<vmem>> -> memref<4096xf32, #tpu.memory_space<vmem>>
    %dma_wait3A_897 = tpu.memref_slice %arg4[%add3A_557] : memref<1048576xf32, #tpu.memory_space<hbm>> -> memref<4096xf32, #tpu.memory_space<hbm>>
    tpu.wait_dma2 semaphore(%arg32 : memref<!tpu.dma_semaphore, #tpu.memory_space<semaphore_mem>>) src(%dma_wait3A_897 : memref<4096xf32, #tpu.memory_space<hbm>>) dst(%dma_wait3A_896 : memref<4096xf32, #tpu.memory_space<vmem>>)
    %dma_wait3A_898 = arith.constant 0 : i32
    %dma_wait3A_899 = tpu.memref_slice %arg14[%dma_wait3A_898] : memref<4096xf32, #tpu.memory_space<vmem>> -> memref<4096xf32, #tpu.memory_space<vmem>>
    %dma_wait3A_900 = tpu.memref_slice %arg5[%add3A_557] : memref<1048576xf32, #tpu.memory_space<hbm>> -> memref<4096xf32, #tpu.memory_space<hbm>>
    %dma_wait3A_901 = arith.constant 0 : i32
    %dma_wait3A_902 = tpu.memref_slice %arg14[%dma_wait3A_901] : memref<4096xf32, #tpu.memory_space<vmem>> -> memref<4096xf32, #tpu.memory_space<vmem>>
    %dma_wait3A_903 = tpu.memref_slice %arg5[%add3A_557] : memref<1048576xf32, #tpu.memory_space<hbm>> -> memref<4096xf32, #tpu.memory_space<hbm>>
    tpu.wait_dma2 semaphore(%arg32 : memref<!tpu.dma_semaphore, #tpu.memory_space<semaphore_mem>>) src(%dma_wait3A_903 : memref<4096xf32, #tpu.memory_space<hbm>>) dst(%dma_wait3A_902 : memref<4096xf32, #tpu.memory_space<vmem>>)
    %dma_wait3A_904 = arith.constant 0 : i32
    %dma_wait3A_905 = arith.constant 0 : i32
    %dma_wait3A_906 = tpu.memref_slice %arg23[%dma_wait3A_905] : memref<4096xf32, #tpu.memory_space<vmem>> -> memref<4096xf32, #tpu.memory_space<vmem>>
    %dma_wait3A_907 = tpu.memref_slice %arg6[%dma_wait3A_904, %add3A_583] : memref<4x1048576xf32, #tpu.memory_space<hbm>> -> memref<1x4096xf32, #tpu.memory_space<hbm>>
    %dma_wait3A_908 = tpu.memref_squeeze %dma_wait3A_907 : memref<1x4096xf32, #tpu.memory_space<hbm>> -> memref<4096xf32, #tpu.memory_space<hbm>>
    %dma_wait3A_909 = tpu.memref_slice %arg6[%dma_wait3A_904, %add3A_583] : memref<4x1048576xf32, #tpu.memory_space<hbm>> -> memref<1x4096xf32, #tpu.memory_space<hbm>>
    %dma_wait3A_910 = tpu.memref_squeeze %dma_wait3A_909 : memref<1x4096xf32, #tpu.memory_space<hbm>> -> memref<4096xf32, #tpu.memory_space<hbm>>
    %dma_wait3A_911 = arith.constant 0 : i32
    %dma_wait3A_912 = tpu.memref_slice %arg23[%dma_wait3A_911] : memref<4096xf32, #tpu.memory_space<vmem>> -> memref<4096xf32, #tpu.memory_space<vmem>>
    tpu.wait_dma2 semaphore(%arg35 : memref<!tpu.dma_semaphore, #tpu.memory_space<semaphore_mem>>) src(%dma_wait3A_912 : memref<4096xf32, #tpu.memory_space<vmem>>) dst(%dma_wait3A_910 : memref<4096xf32, #tpu.memory_space<hbm>>)
    %dma_wait3A_913 = arith.constant 1 : i32
    %dma_wait3A_914 = arith.constant 0 : i32
    %dma_wait3A_915 = tpu.memref_slice %arg24[%dma_wait3A_914] : memref<4096xf32, #tpu.memory_space<vmem>> -> memref<4096xf32, #tpu.memory_space<vmem>>
    %dma_wait3A_916 = tpu.memref_slice %arg6[%dma_wait3A_913, %add3A_583] : memref<4x1048576xf32, #tpu.memory_space<hbm>> -> memref<1x4096xf32, #tpu.memory_space<hbm>>
    %dma_wait3A_917 = tpu.memref_squeeze %dma_wait3A_916 : memref<1x4096xf32, #tpu.memory_space<hbm>> -> memref<4096xf32, #tpu.memory_space<hbm>>
    %dma_wait3A_918 = tpu.memref_slice %arg6[%dma_wait3A_913, %add3A_583] : memref<4x1048576xf32, #tpu.memory_space<hbm>> -> memref<1x4096xf32, #tpu.memory_space<hbm>>
    %dma_wait3A_919 = tpu.memref_squeeze %dma_wait3A_918 : memref<1x4096xf32, #tpu.memory_space<hbm>> -> memref<4096xf32, #tpu.memory_space<hbm>>
    %dma_wait3A_920 = arith.constant 0 : i32
    %dma_wait3A_921 = tpu.memref_slice %arg24[%dma_wait3A_920] : memref<4096xf32, #tpu.memory_space<vmem>> -> memref<4096xf32, #tpu.memory_space<vmem>>
    tpu.wait_dma2 semaphore(%arg35 : memref<!tpu.dma_semaphore, #tpu.memory_space<semaphore_mem>>) src(%dma_wait3A_921 : memref<4096xf32, #tpu.memory_space<vmem>>) dst(%dma_wait3A_919 : memref<4096xf32, #tpu.memory_space<hbm>>)
    %dma_wait3A_922 = arith.constant 2 : i32
    %dma_wait3A_923 = arith.constant 0 : i32
    %dma_wait3A_924 = tpu.memref_slice %arg25[%dma_wait3A_923] : memref<4096xf32, #tpu.memory_space<vmem>> -> memref<4096xf32, #tpu.memory_space<vmem>>
    %dma_wait3A_925 = tpu.memref_slice %arg6[%dma_wait3A_922, %add3A_583] : memref<4x1048576xf32, #tpu.memory_space<hbm>> -> memref<1x4096xf32, #tpu.memory_space<hbm>>
    %dma_wait3A_926 = tpu.memref_squeeze %dma_wait3A_925 : memref<1x4096xf32, #tpu.memory_space<hbm>> -> memref<4096xf32, #tpu.memory_space<hbm>>
    %dma_wait3A_927 = tpu.memref_slice %arg6[%dma_wait3A_922, %add3A_583] : memref<4x1048576xf32, #tpu.memory_space<hbm>> -> memref<1x4096xf32, #tpu.memory_space<hbm>>
    %dma_wait3A_928 = tpu.memref_squeeze %dma_wait3A_927 : memref<1x4096xf32, #tpu.memory_space<hbm>> -> memref<4096xf32, #tpu.memory_space<hbm>>
    %dma_wait3A_929 = arith.constant 0 : i32
    %dma_wait3A_930 = tpu.memref_slice %arg25[%dma_wait3A_929] : memref<4096xf32, #tpu.memory_space<vmem>> -> memref<4096xf32, #tpu.memory_space<vmem>>
    tpu.wait_dma2 semaphore(%arg35 : memref<!tpu.dma_semaphore, #tpu.memory_space<semaphore_mem>>) src(%dma_wait3A_930 : memref<4096xf32, #tpu.memory_space<vmem>>) dst(%dma_wait3A_928 : memref<4096xf32, #tpu.memory_space<hbm>>)
    %dma_wait3A_931 = arith.constant 3 : i32
    %dma_wait3A_932 = arith.constant 0 : i32
    %dma_wait3A_933 = tpu.memref_slice %arg26[%dma_wait3A_932] : memref<4096xf32, #tpu.memory_space<vmem>> -> memref<4096xf32, #tpu.memory_space<vmem>>
    %dma_wait3A_934 = tpu.memref_slice %arg6[%dma_wait3A_931, %add3A_583] : memref<4x1048576xf32, #tpu.memory_space<hbm>> -> memref<1x4096xf32, #tpu.memory_space<hbm>>
    %dma_wait3A_935 = tpu.memref_squeeze %dma_wait3A_934 : memref<1x4096xf32, #tpu.memory_space<hbm>> -> memref<4096xf32, #tpu.memory_space<hbm>>
    %dma_wait3A_936 = tpu.memref_slice %arg6[%dma_wait3A_931, %add3A_583] : memref<4x1048576xf32, #tpu.memory_space<hbm>> -> memref<1x4096xf32, #tpu.memory_space<hbm>>
    %dma_wait3A_937 = tpu.memref_squeeze %dma_wait3A_936 : memref<1x4096xf32, #tpu.memory_space<hbm>> -> memref<4096xf32, #tpu.memory_space<hbm>>
    %dma_wait3A_938 = arith.constant 0 : i32
    %dma_wait3A_939 = tpu.memref_slice %arg26[%dma_wait3A_938] : memref<4096xf32, #tpu.memory_space<vmem>> -> memref<4096xf32, #tpu.memory_space<vmem>>
    tpu.wait_dma2 semaphore(%arg35 : memref<!tpu.dma_semaphore, #tpu.memory_space<semaphore_mem>>) src(%dma_wait3A_939 : memref<4096xf32, #tpu.memory_space<vmem>>) dst(%dma_wait3A_937 : memref<4096xf32, #tpu.memory_space<hbm>>)
    %scan3A_940 = arith.constant 0 : i32
    %scan3A_941 = arith.constant 0 : i32
    %scan3A_942 = arith.constant 128 : i32
    %scan3A_943 = arith.addi %scan3A_941, %scan3A_942 : i32
    %scan3A_944 = arith.constant 1 : i32
    scf.for %scan3A_1300 = %scan3A_941 to %scan3A_943 step %scan3A_944  : i32 {
      %mul3A_1301 = arith.constant 32 : i32
      %mul3A_1302 = arith.muli %scan3A_1300, %mul3A_1301 : i32
      %add3A_1303 = arith.constant 0 : i32
      %add3A_1304 = arith.addi %mul3A_1302, %add3A_1303 : i32
      %get3A = arith.index_cast %add3A_1304 : i32 to index
      %get3A_1305 = tpu.vector_load %arg11[%get3A] {strides = array<i32>} : memref<4096xf32, #tpu.memory_space<vmem>>, vector<16xf32>,
      %get3A_1306 = vector.shape_cast %get3A_1305 : vector<16xf32> to vector<16xf32>
      %get3A_1307 = arith.index_cast %add3A_1304 : i32 to index
      %get3A_1308 = tpu.vector_load %arg12[%get3A_1307] {strides = array<i32>} : memref<4096xf32, #tpu.memory_space<vmem>>, vector<16xf32>,
      %get3A_1309 = vector.shape_cast %get3A_1308 : vector<16xf32> to vector<16xf32>
      %get3A_1310 = arith.index_cast %add3A_1304 : i32 to index
      %get3A_1311 = tpu.vector_load %arg13[%get3A_1310] {strides = array<i32>} : memref<4096xf32, #tpu.memory_space<vmem>>, vector<16xf32>,
      %get3A_1312 = vector.shape_cast %get3A_1311 : vector<16xf32> to vector<16xf32>
      %get3A_1313 = arith.index_cast %add3A_1304 : i32 to index
      %get3A_1314 = tpu.vector_load %arg14[%get3A_1313] {strides = array<i32>} : memref<4096xf32, #tpu.memory_space<vmem>>, vector<16xf32>,
      %get3A_1315 = vector.shape_cast %get3A_1314 : vector<16xf32> to vector<16xf32>
      %min3A = arith.minimumf %get3A_1306, %get3A_1309 : vector<16xf32>
      %max3A = arith.maximumf %get3A_1306, %get3A_1309 : vector<16xf32>
      %min3A_1316 = arith.minimumf %get3A_1312, %get3A_1315 : vector<16xf32>
      %max3A_1317 = arith.maximumf %get3A_1312, %get3A_1315 : vector<16xf32>
      %min3A_1318 = arith.minimumf %min3A, %min3A_1316 : vector<16xf32>
      %max3A_1319 = arith.maximumf %max3A, %max3A_1317 : vector<16xf32>
      %max3A_1320 = arith.maximumf %min3A, %min3A_1316 : vector<16xf32>
      %min3A_1321 = arith.minimumf %max3A, %max3A_1317 : vector<16xf32>
      %swap3A = arith.index_cast %add3A_1304 : i32 to index
      %swap3A_1322 = tpu.vector_load %arg23[%swap3A] {strides = array<i32>} : memref<4096xf32, #tpu.memory_space<vmem>>, vector<16xf32>,
      %swap3A_1323 = vector.shape_cast %swap3A_1322 : vector<16xf32> to vector<16xf32>
      %swap3A_1324 = vector.shape_cast %min3A_1318 : vector<16xf32> to vector<16xf32>
      tpu.vector_store %arg23[%swap3A], %swap3A_1324 {strides = array<i32>} : memref<4096xf32, #tpu.memory_space<vmem>>, vector<16xf32>,
      %min3A_1325 = arith.minimumf %max3A_1320, %min3A_1321 : vector<16xf32>
      %swap3A_1326 = arith.index_cast %add3A_1304 : i32 to index
      %swap3A_1327 = tpu.vector_load %arg24[%swap3A_1326] {strides = array<i32>} : memref<4096xf32, #tpu.memory_space<vmem>>, vector<16xf32>,
      %swap3A_1328 = vector.shape_cast %swap3A_1327 : vector<16xf32> to vector<16xf32>
      %swap3A_1329 = vector.shape_cast %min3A_1325 : vector<16xf32> to vector<16xf32>
      tpu.vector_store %arg24[%swap3A_1326], %swap3A_1329 {strides = array<i32>} : memref<4096xf32, #tpu.memory_space<vmem>>, vector<16xf32>,
      %max3A_1330 = arith.maximumf %max3A_1320, %min3A_1321 : vector<16xf32>
      %swap3A_1331 = arith.index_cast %add3A_1304 : i32 to index
      %swap3A_1332 = tpu.vector_load %arg25[%swap3A_1331] {strides = array<i32>} : memref<4096xf32, #tpu.memory_space<vmem>>, vector<16xf32>,
      %swap3A_1333 = vector.shape_cast %swap3A_1332 : vector<16xf32> to vector<16xf32>
      %swap3A_1334 = vector.shape_cast %max3A_1330 : vector<16xf32> to vector<16xf32>
      tpu.vector_store %arg25[%swap3A_1331], %swap3A_1334 {strides = array<i32>} : memref<4096xf32, #tpu.memory_space<vmem>>, vector<16xf32>,
      %swap3A_1335 = arith.index_cast %add3A_1304 : i32 to index
      %swap3A_1336 = tpu.vector_load %arg26[%swap3A_1335] {strides = array<i32>} : memref<4096xf32, #tpu.memory_space<vmem>>, vector<16xf32>,
      %swap3A_1337 = vector.shape_cast %swap3A_1336 : vector<16xf32> to vector<16xf32>
      %swap3A_1338 = vector.shape_cast %max3A_1319 : vector<16xf32> to vector<16xf32>
      tpu.vector_store %arg26[%swap3A_1335], %swap3A_1338 {strides = array<i32>} : memref<4096xf32, #tpu.memory_space<vmem>>, vector<16xf32>,
      %mul3A_1339 = arith.constant 32 : i32
      %mul3A_1340 = arith.muli %scan3A_1300, %mul3A_1339 : i32
      %add3A_1341 = arith.constant 16 : i32
      %add3A_1342 = arith.addi %mul3A_1340, %add3A_1341 : i32
      %get3A_1343 = arith.index_cast %add3A_1342 : i32 to index
      %get3A_1344 = tpu.vector_load %arg11[%get3A_1343] {strides = array<i32>} : memref<4096xf32, #tpu.memory_space<vmem>>, vector<16xf32>,
      %get3A_1345 = vector.shape_cast %get3A_1344 : vector<16xf32> to vector<16xf32>
      %get3A_1346 = arith.index_cast %add3A_1342 : i32 to index
      %get3A_1347 = tpu.vector_load %arg12[%get3A_1346] {strides = array<i32>} : memref<4096xf32, #tpu.memory_space<vmem>>, vector<16xf32>,
      %get3A_1348 = vector.shape_cast %get3A_1347 : vector<16xf32> to vector<16xf32>
      %get3A_1349 = arith.index_cast %add3A_1342 : i32 to index
      %get3A_1350 = tpu.vector_load %arg13[%get3A_1349] {strides = array<i32>} : memref<4096xf32, #tpu.memory_space<vmem>>, vector<16xf32>,
      %get3A_1351 = vector.shape_cast %get3A_1350 : vector<16xf32> to vector<16xf32>
      %get3A_1352 = arith.index_cast %add3A_1342 : i32 to index
      %get3A_1353 = tpu.vector_load %arg14[%get3A_1352] {strides = array<i32>} : memref<4096xf32, #tpu.memory_space<vmem>>, vector<16xf32>,
      %get3A_1354 = vector.shape_cast %get3A_1353 : vector<16xf32> to vector<16xf32>
      %min3A_1355 = arith.minimumf %get3A_1345, %get3A_1348 : vector<16xf32>
      %max3A_1356 = arith.maximumf %get3A_1345, %get3A_1348 : vector<16xf32>
      %min3A_1357 = arith.minimumf %get3A_1351, %get3A_1354 : vector<16xf32>
      %max3A_1358 = arith.maximumf %get3A_1351, %get3A_1354 : vector<16xf32>
      %min3A_1359 = arith.minimumf %min3A_1355, %min3A_1357 : vector<16xf32>
      %max3A_1360 = arith.maximumf %max3A_1356, %max3A_1358 : vector<16xf32>
      %max3A_1361 = arith.maximumf %min3A_1355, %min3A_1357 : vector<16xf32>
      %min3A_1362 = arith.minimumf %max3A_1356, %max3A_1358 : vector<16xf32>
      %swap3A_1363 = arith.index_cast %add3A_1342 : i32 to index
      %swap3A_1364 = tpu.vector_load %arg23[%swap3A_1363] {strides = array<i32>} : memref<4096xf32, #tpu.memory_space<vmem>>, vector<16xf32>,
      %swap3A_1365 = vector.shape_cast %swap3A_1364 : vector<16xf32> to vector<16xf32>
      %swap3A_1366 = vector.shape_cast %min3A_1359 : vector<16xf32> to vector<16xf32>
      tpu.vector_store %arg23[%swap3A_1363], %swap3A_1366 {strides = array<i32>} : memref<4096xf32, #tpu.memory_space<vmem>>, vector<16xf32>,
      %min3A_1367 = arith.minimumf %max3A_1361, %min3A_1362 : vector<16xf32>
      %swap3A_1368 = arith.index_cast %add3A_1342 : i32 to index
      %swap3A_1369 = tpu.vector_load %arg24[%swap3A_1368] {strides = array<i32>} : memref<4096xf32, #tpu.memory_space<vmem>>, vector<16xf32>,
      %swap3A_1370 = vector.shape_cast %swap3A_1369 : vector<16xf32> to vector<16xf32>
      %swap3A_1371 = vector.shape_cast %min3A_1367 : vector<16xf32> to vector<16xf32>
      tpu.vector_store %arg24[%swap3A_1368], %swap3A_1371 {strides = array<i32>} : memref<4096xf32, #tpu.memory_space<vmem>>, vector<16xf32>,
      %max3A_1372 = arith.maximumf %max3A_1361, %min3A_1362 : vector<16xf32>
      %swap3A_1373 = arith.index_cast %add3A_1342 : i32 to index
      %swap3A_1374 = tpu.vector_load %arg25[%swap3A_1373] {strides = array<i32>} : memref<4096xf32, #tpu.memory_space<vmem>>, vector<16xf32>,
      %swap3A_1375 = vector.shape_cast %swap3A_1374 : vector<16xf32> to vector<16xf32>
      %swap3A_1376 = vector.shape_cast %max3A_1372 : vector<16xf32> to vector<16xf32>
      tpu.vector_store %arg25[%swap3A_1373], %swap3A_1376 {strides = array<i32>} : memref<4096xf32, #tpu.memory_space<vmem>>, vector<16xf32>,
      %swap3A_1377 = arith.index_cast %add3A_1342 : i32 to index
      %swap3A_1378 = tpu.vector_load %arg26[%swap3A_1377] {strides = array<i32>} : memref<4096xf32, #tpu.memory_space<vmem>>, vector<16xf32>,
      %swap3A_1379 = vector.shape_cast %swap3A_1378 : vector<16xf32> to vector<16xf32>
      %swap3A_1380 = vector.shape_cast %max3A_1360 : vector<16xf32> to vector<16xf32>
      tpu.vector_store %arg26[%swap3A_1377], %swap3A_1380 {strides = array<i32>} : memref<4096xf32, #tpu.memory_space<vmem>>, vector<16xf32>,
    }
    %scan3A_945 = arith.constant 128 : i32
    %add3A_946 = arith.constant 24576 : i32
    %add3A_947 = arith.addi %mul3A_2, %add3A_946 : i32
    %dma_start3A_948 = arith.constant 0 : i32
    %dma_start3A_949 = arith.constant 0 : i32
    %dma_start3A_950 = tpu.memref_slice %arg23[%dma_start3A_949] : memref<4096xf32, #tpu.memory_space<vmem>> -> memref<4096xf32, #tpu.memory_space<vmem>>
    %dma_start3A_951 = tpu.memref_slice %arg6[%dma_start3A_948, %add3A_947] : memref<4x1048576xf32, #tpu.memory_space<hbm>> -> memref<1x4096xf32, #tpu.memory_space<hbm>>
    %dma_start3A_952 = tpu.memref_squeeze %dma_start3A_951 : memref<1x4096xf32, #tpu.memory_space<hbm>> -> memref<4096xf32, #tpu.memory_space<hbm>>
    %dma_start3A_953 = tpu.memref_slice %arg6[%dma_start3A_948, %add3A_947] : memref<4x1048576xf32, #tpu.memory_space<hbm>> -> memref<1x4096xf32, #tpu.memory_space<hbm>>
    %dma_start3A_954 = tpu.memref_squeeze %dma_start3A_953 : memref<1x4096xf32, #tpu.memory_space<hbm>> -> memref<4096xf32, #tpu.memory_space<hbm>>
    %dma_start3A_955 = arith.constant 0 : i32
    %dma_start3A_956 = tpu.memref_slice %arg23[%dma_start3A_955] : memref<4096xf32, #tpu.memory_space<vmem>> -> memref<4096xf32, #tpu.memory_space<vmem>>
    tpu.enqueue_dma source(%dma_start3A_956 : memref<4096xf32, #tpu.memory_space<vmem>>) target(%dma_start3A_954 : memref<4096xf32, #tpu.memory_space<hbm>>) target_semaphore(%arg35 : memref<!tpu.dma_semaphore, #tpu.memory_space<semaphore_mem>>)
    %dma_start3A_957 = arith.constant 1 : i32
    %dma_start3A_958 = arith.constant 0 : i32
    %dma_start3A_959 = tpu.memref_slice %arg24[%dma_start3A_958] : memref<4096xf32, #tpu.memory_space<vmem>> -> memref<4096xf32, #tpu.memory_space<vmem>>
    %dma_start3A_960 = tpu.memref_slice %arg6[%dma_start3A_957, %add3A_947] : memref<4x1048576xf32, #tpu.memory_space<hbm>> -> memref<1x4096xf32, #tpu.memory_space<hbm>>
    %dma_start3A_961 = tpu.memref_squeeze %dma_start3A_960 : memref<1x4096xf32, #tpu.memory_space<hbm>> -> memref<4096xf32, #tpu.memory_space<hbm>>
    %dma_start3A_962 = tpu.memref_slice %arg6[%dma_start3A_957, %add3A_947] : memref<4x1048576xf32, #tpu.memory_space<hbm>> -> memref<1x4096xf32, #tpu.memory_space<hbm>>
    %dma_start3A_963 = tpu.memref_squeeze %dma_start3A_962 : memref<1x4096xf32, #tpu.memory_space<hbm>> -> memref<4096xf32, #tpu.memory_space<hbm>>
    %dma_start3A_964 = arith.constant 0 : i32
    %dma_start3A_965 = tpu.memref_slice %arg24[%dma_start3A_964] : memref<4096xf32, #tpu.memory_space<vmem>> -> memref<4096xf32, #tpu.memory_space<vmem>>
    tpu.enqueue_dma source(%dma_start3A_965 : memref<4096xf32, #tpu.memory_space<vmem>>) target(%dma_start3A_963 : memref<4096xf32, #tpu.memory_space<hbm>>) target_semaphore(%arg35 : memref<!tpu.dma_semaphore, #tpu.memory_space<semaphore_mem>>)
    %dma_start3A_966 = arith.constant 2 : i32
    %dma_start3A_967 = arith.constant 0 : i32
    %dma_start3A_968 = tpu.memref_slice %arg25[%dma_start3A_967] : memref<4096xf32, #tpu.memory_space<vmem>> -> memref<4096xf32, #tpu.memory_space<vmem>>
    %dma_start3A_969 = tpu.memref_slice %arg6[%dma_start3A_966, %add3A_947] : memref<4x1048576xf32, #tpu.memory_space<hbm>> -> memref<1x4096xf32, #tpu.memory_space<hbm>>
    %dma_start3A_970 = tpu.memref_squeeze %dma_start3A_969 : memref<1x4096xf32, #tpu.memory_space<hbm>> -> memref<4096xf32, #tpu.memory_space<hbm>>
    %dma_start3A_971 = tpu.memref_slice %arg6[%dma_start3A_966, %add3A_947] : memref<4x1048576xf32, #tpu.memory_space<hbm>> -> memref<1x4096xf32, #tpu.memory_space<hbm>>
    %dma_start3A_972 = tpu.memref_squeeze %dma_start3A_971 : memref<1x4096xf32, #tpu.memory_space<hbm>> -> memref<4096xf32, #tpu.memory_space<hbm>>
    %dma_start3A_973 = arith.constant 0 : i32
    %dma_start3A_974 = tpu.memref_slice %arg25[%dma_start3A_973] : memref<4096xf32, #tpu.memory_space<vmem>> -> memref<4096xf32, #tpu.memory_space<vmem>>
    tpu.enqueue_dma source(%dma_start3A_974 : memref<4096xf32, #tpu.memory_space<vmem>>) target(%dma_start3A_972 : memref<4096xf32, #tpu.memory_space<hbm>>) target_semaphore(%arg35 : memref<!tpu.dma_semaphore, #tpu.memory_space<semaphore_mem>>)
    %dma_start3A_975 = arith.constant 3 : i32
    %dma_start3A_976 = arith.constant 0 : i32
    %dma_start3A_977 = tpu.memref_slice %arg26[%dma_start3A_976] : memref<4096xf32, #tpu.memory_space<vmem>> -> memref<4096xf32, #tpu.memory_space<vmem>>
    %dma_start3A_978 = tpu.memref_slice %arg6[%dma_start3A_975, %add3A_947] : memref<4x1048576xf32, #tpu.memory_space<hbm>> -> memref<1x4096xf32, #tpu.memory_space<hbm>>
    %dma_start3A_979 = tpu.memref_squeeze %dma_start3A_978 : memref<1x4096xf32, #tpu.memory_space<hbm>> -> memref<4096xf32, #tpu.memory_space<hbm>>
    %dma_start3A_980 = tpu.memref_slice %arg6[%dma_start3A_975, %add3A_947] : memref<4x1048576xf32, #tpu.memory_space<hbm>> -> memref<1x4096xf32, #tpu.memory_space<hbm>>
    %dma_start3A_981 = tpu.memref_squeeze %dma_start3A_980 : memref<1x4096xf32, #tpu.memory_space<hbm>> -> memref<4096xf32, #tpu.memory_space<hbm>>
    %dma_start3A_982 = arith.constant 0 : i32
    %dma_start3A_983 = tpu.memref_slice %arg26[%dma_start3A_982] : memref<4096xf32, #tpu.memory_space<vmem>> -> memref<4096xf32, #tpu.memory_space<vmem>>
    tpu.enqueue_dma source(%dma_start3A_983 : memref<4096xf32, #tpu.memory_space<vmem>>) target(%dma_start3A_981 : memref<4096xf32, #tpu.memory_space<hbm>>) target_semaphore(%arg35 : memref<!tpu.dma_semaphore, #tpu.memory_space<semaphore_mem>>)
    %dma_wait3A_984 = arith.constant 0 : i32
    %dma_wait3A_985 = tpu.memref_slice %arg15[%dma_wait3A_984] : memref<4096xf32, #tpu.memory_space<vmem>> -> memref<3072xf32, #tpu.memory_space<vmem>>
    %dma_wait3A_986 = tpu.memref_slice %arg2[%add3A_687] : memref<1048576xf32, #tpu.memory_space<hbm>> -> memref<3072xf32, #tpu.memory_space<hbm>>
    %dma_wait3A_987 = arith.constant 0 : i32
    %dma_wait3A_988 = tpu.memref_slice %arg15[%dma_wait3A_987] : memref<4096xf32, #tpu.memory_space<vmem>> -> memref<3072xf32, #tpu.memory_space<vmem>>
    %dma_wait3A_989 = tpu.memref_slice %arg2[%add3A_687] : memref<1048576xf32, #tpu.memory_space<hbm>> -> memref<3072xf32, #tpu.memory_space<hbm>>
    tpu.wait_dma2 semaphore(%arg33 : memref<!tpu.dma_semaphore, #tpu.memory_space<semaphore_mem>>) src(%dma_wait3A_989 : memref<3072xf32, #tpu.memory_space<hbm>>) dst(%dma_wait3A_988 : memref<3072xf32, #tpu.memory_space<vmem>>)
    %dma_wait3A_990 = arith.constant 0 : i32
    %dma_wait3A_991 = tpu.memref_slice %arg16[%dma_wait3A_990] : memref<4096xf32, #tpu.memory_space<vmem>> -> memref<3072xf32, #tpu.memory_space<vmem>>
    %dma_wait3A_992 = tpu.memref_slice %arg3[%add3A_687] : memref<1048576xf32, #tpu.memory_space<hbm>> -> memref<3072xf32, #tpu.memory_space<hbm>>
    %dma_wait3A_993 = arith.constant 0 : i32
    %dma_wait3A_994 = tpu.memref_slice %arg16[%dma_wait3A_993] : memref<4096xf32, #tpu.memory_space<vmem>> -> memref<3072xf32, #tpu.memory_space<vmem>>
    %dma_wait3A_995 = tpu.memref_slice %arg3[%add3A_687] : memref<1048576xf32, #tpu.memory_space<hbm>> -> memref<3072xf32, #tpu.memory_space<hbm>>
    tpu.wait_dma2 semaphore(%arg33 : memref<!tpu.dma_semaphore, #tpu.memory_space<semaphore_mem>>) src(%dma_wait3A_995 : memref<3072xf32, #tpu.memory_space<hbm>>) dst(%dma_wait3A_994 : memref<3072xf32, #tpu.memory_space<vmem>>)
    %dma_wait3A_996 = arith.constant 0 : i32
    %dma_wait3A_997 = tpu.memref_slice %arg17[%dma_wait3A_996] : memref<4096xf32, #tpu.memory_space<vmem>> -> memref<3072xf32, #tpu.memory_space<vmem>>
    %dma_wait3A_998 = tpu.memref_slice %arg4[%add3A_687] : memref<1048576xf32, #tpu.memory_space<hbm>> -> memref<3072xf32, #tpu.memory_space<hbm>>
    %dma_wait3A_999 = arith.constant 0 : i32
    %dma_wait3A_1000 = tpu.memref_slice %arg17[%dma_wait3A_999] : memref<4096xf32, #tpu.memory_space<vmem>> -> memref<3072xf32, #tpu.memory_space<vmem>>
    %dma_wait3A_1001 = tpu.memref_slice %arg4[%add3A_687] : memref<1048576xf32, #tpu.memory_space<hbm>> -> memref<3072xf32, #tpu.memory_space<hbm>>
    tpu.wait_dma2 semaphore(%arg33 : memref<!tpu.dma_semaphore, #tpu.memory_space<semaphore_mem>>) src(%dma_wait3A_1001 : memref<3072xf32, #tpu.memory_space<hbm>>) dst(%dma_wait3A_1000 : memref<3072xf32, #tpu.memory_space<vmem>>)
    %dma_wait3A_1002 = arith.constant 0 : i32
    %dma_wait3A_1003 = tpu.memref_slice %arg18[%dma_wait3A_1002] : memref<4096xf32, #tpu.memory_space<vmem>> -> memref<3072xf32, #tpu.memory_space<vmem>>
    %dma_wait3A_1004 = tpu.memref_slice %arg5[%add3A_687] : memref<1048576xf32, #tpu.memory_space<hbm>> -> memref<3072xf32, #tpu.memory_space<hbm>>
    %dma_wait3A_1005 = arith.constant 0 : i32
    %dma_wait3A_1006 = tpu.memref_slice %arg18[%dma_wait3A_1005] : memref<4096xf32, #tpu.memory_space<vmem>> -> memref<3072xf32, #tpu.memory_space<vmem>>
    %dma_wait3A_1007 = tpu.memref_slice %arg5[%add3A_687] : memref<1048576xf32, #tpu.memory_space<hbm>> -> memref<3072xf32, #tpu.memory_space<hbm>>
    tpu.wait_dma2 semaphore(%arg33 : memref<!tpu.dma_semaphore, #tpu.memory_space<semaphore_mem>>) src(%dma_wait3A_1007 : memref<3072xf32, #tpu.memory_space<hbm>>) dst(%dma_wait3A_1006 : memref<3072xf32, #tpu.memory_space<vmem>>)
    %dma_wait3A_1008 = arith.constant 0 : i32
    %dma_wait3A_1009 = arith.constant 0 : i32
    %dma_wait3A_1010 = tpu.memref_slice %arg27[%dma_wait3A_1009] : memref<4096xf32, #tpu.memory_space<vmem>> -> memref<4096xf32, #tpu.memory_space<vmem>>
    %dma_wait3A_1011 = tpu.memref_slice %arg6[%dma_wait3A_1008, %add3A_713] : memref<4x1048576xf32, #tpu.memory_space<hbm>> -> memref<1x4096xf32, #tpu.memory_space<hbm>>
    %dma_wait3A_1012 = tpu.memref_squeeze %dma_wait3A_1011 : memref<1x4096xf32, #tpu.memory_space<hbm>> -> memref<4096xf32, #tpu.memory_space<hbm>>
    %dma_wait3A_1013 = tpu.memref_slice %arg6[%dma_wait3A_1008, %add3A_713] : memref<4x1048576xf32, #tpu.memory_space<hbm>> -> memref<1x4096xf32, #tpu.memory_space<hbm>>
    %dma_wait3A_1014 = tpu.memref_squeeze %dma_wait3A_1013 : memref<1x4096xf32, #tpu.memory_space<hbm>> -> memref<4096xf32, #tpu.memory_space<hbm>>
    %dma_wait3A_1015 = arith.constant 0 : i32
    %dma_wait3A_1016 = tpu.memref_slice %arg27[%dma_wait3A_1015] : memref<4096xf32, #tpu.memory_space<vmem>> -> memref<4096xf32, #tpu.memory_space<vmem>>
    tpu.wait_dma2 semaphore(%arg36 : memref<!tpu.dma_semaphore, #tpu.memory_space<semaphore_mem>>) src(%dma_wait3A_1016 : memref<4096xf32, #tpu.memory_space<vmem>>) dst(%dma_wait3A_1014 : memref<4096xf32, #tpu.memory_space<hbm>>)
    %dma_wait3A_1017 = arith.constant 1 : i32
    %dma_wait3A_1018 = arith.constant 0 : i32
    %dma_wait3A_1019 = tpu.memref_slice %arg28[%dma_wait3A_1018] : memref<4096xf32, #tpu.memory_space<vmem>> -> memref<4096xf32, #tpu.memory_space<vmem>>
    %dma_wait3A_1020 = tpu.memref_slice %arg6[%dma_wait3A_1017, %add3A_713] : memref<4x1048576xf32, #tpu.memory_space<hbm>> -> memref<1x4096xf32, #tpu.memory_space<hbm>>
    %dma_wait3A_1021 = tpu.memref_squeeze %dma_wait3A_1020 : memref<1x4096xf32, #tpu.memory_space<hbm>> -> memref<4096xf32, #tpu.memory_space<hbm>>
    %dma_wait3A_1022 = tpu.memref_slice %arg6[%dma_wait3A_1017, %add3A_713] : memref<4x1048576xf32, #tpu.memory_space<hbm>> -> memref<1x4096xf32, #tpu.memory_space<hbm>>
    %dma_wait3A_1023 = tpu.memref_squeeze %dma_wait3A_1022 : memref<1x4096xf32, #tpu.memory_space<hbm>> -> memref<4096xf32, #tpu.memory_space<hbm>>
    %dma_wait3A_1024 = arith.constant 0 : i32
    %dma_wait3A_1025 = tpu.memref_slice %arg28[%dma_wait3A_1024] : memref<4096xf32, #tpu.memory_space<vmem>> -> memref<4096xf32, #tpu.memory_space<vmem>>
    tpu.wait_dma2 semaphore(%arg36 : memref<!tpu.dma_semaphore, #tpu.memory_space<semaphore_mem>>) src(%dma_wait3A_1025 : memref<4096xf32, #tpu.memory_space<vmem>>) dst(%dma_wait3A_1023 : memref<4096xf32, #tpu.memory_space<hbm>>)
    %dma_wait3A_1026 = arith.constant 2 : i32
    %dma_wait3A_1027 = arith.constant 0 : i32
    %dma_wait3A_1028 = tpu.memref_slice %arg29[%dma_wait3A_1027] : memref<4096xf32, #tpu.memory_space<vmem>> -> memref<4096xf32, #tpu.memory_space<vmem>>
    %dma_wait3A_1029 = tpu.memref_slice %arg6[%dma_wait3A_1026, %add3A_713] : memref<4x1048576xf32, #tpu.memory_space<hbm>> -> memref<1x4096xf32, #tpu.memory_space<hbm>>
    %dma_wait3A_1030 = tpu.memref_squeeze %dma_wait3A_1029 : memref<1x4096xf32, #tpu.memory_space<hbm>> -> memref<4096xf32, #tpu.memory_space<hbm>>
    %dma_wait3A_1031 = tpu.memref_slice %arg6[%dma_wait3A_1026, %add3A_713] : memref<4x1048576xf32, #tpu.memory_space<hbm>> -> memref<1x4096xf32, #tpu.memory_space<hbm>>
    %dma_wait3A_1032 = tpu.memref_squeeze %dma_wait3A_1031 : memref<1x4096xf32, #tpu.memory_space<hbm>> -> memref<4096xf32, #tpu.memory_space<hbm>>
    %dma_wait3A_1033 = arith.constant 0 : i32
    %dma_wait3A_1034 = tpu.memref_slice %arg29[%dma_wait3A_1033] : memref<4096xf32, #tpu.memory_space<vmem>> -> memref<4096xf32, #tpu.memory_space<vmem>>
    tpu.wait_dma2 semaphore(%arg36 : memref<!tpu.dma_semaphore, #tpu.memory_space<semaphore_mem>>) src(%dma_wait3A_1034 : memref<4096xf32, #tpu.memory_space<vmem>>) dst(%dma_wait3A_1032 : memref<4096xf32, #tpu.memory_space<hbm>>)
    %dma_wait3A_1035 = arith.constant 3 : i32
    %dma_wait3A_1036 = arith.constant 0 : i32
    %dma_wait3A_1037 = tpu.memref_slice %arg30[%dma_wait3A_1036] : memref<4096xf32, #tpu.memory_space<vmem>> -> memref<4096xf32, #tpu.memory_space<vmem>>
    %dma_wait3A_1038 = tpu.memref_slice %arg6[%dma_wait3A_1035, %add3A_713] : memref<4x1048576xf32, #tpu.memory_space<hbm>> -> memref<1x4096xf32, #tpu.memory_space<hbm>>
    %dma_wait3A_1039 = tpu.memref_squeeze %dma_wait3A_1038 : memref<1x4096xf32, #tpu.memory_space<hbm>> -> memref<4096xf32, #tpu.memory_space<hbm>>
    %dma_wait3A_1040 = tpu.memref_slice %arg6[%dma_wait3A_1035, %add3A_713] : memref<4x1048576xf32, #tpu.memory_space<hbm>> -> memref<1x4096xf32, #tpu.memory_space<hbm>>
    %dma_wait3A_1041 = tpu.memref_squeeze %dma_wait3A_1040 : memref<1x4096xf32, #tpu.memory_space<hbm>> -> memref<4096xf32, #tpu.memory_space<hbm>>
    %dma_wait3A_1042 = arith.constant 0 : i32
    %dma_wait3A_1043 = tpu.memref_slice %arg30[%dma_wait3A_1042] : memref<4096xf32, #tpu.memory_space<vmem>> -> memref<4096xf32, #tpu.memory_space<vmem>>
    tpu.wait_dma2 semaphore(%arg36 : memref<!tpu.dma_semaphore, #tpu.memory_space<semaphore_mem>>) src(%dma_wait3A_1043 : memref<4096xf32, #tpu.memory_space<vmem>>) dst(%dma_wait3A_1041 : memref<4096xf32, #tpu.memory_space<hbm>>)
    %scan3A_1044 = arith.constant 0 : i32
    %scan3A_1045 = arith.constant 0 : i32
    %scan3A_1046 = arith.constant 96 : i32
    %scan3A_1047 = arith.addi %scan3A_1045, %scan3A_1046 : i32
    %scan3A_1048 = arith.constant 1 : i32
    scf.for %scan3A_1300 = %scan3A_1045 to %scan3A_1047 step %scan3A_1048  : i32 {
      %mul3A_1301 = arith.constant 32 : i32
      %mul3A_1302 = arith.muli %scan3A_1300, %mul3A_1301 : i32
      %add3A_1303 = arith.constant 0 : i32
      %add3A_1304 = arith.addi %mul3A_1302, %add3A_1303 : i32
      %get3A = arith.index_cast %add3A_1304 : i32 to index
      %get3A_1305 = tpu.vector_load %arg15[%get3A] {strides = array<i32>} : memref<4096xf32, #tpu.memory_space<vmem>>, vector<16xf32>,
      %get3A_1306 = vector.shape_cast %get3A_1305 : vector<16xf32> to vector<16xf32>
      %get3A_1307 = arith.index_cast %add3A_1304 : i32 to index
      %get3A_1308 = tpu.vector_load %arg16[%get3A_1307] {strides = array<i32>} : memref<4096xf32, #tpu.memory_space<vmem>>, vector<16xf32>,
      %get3A_1309 = vector.shape_cast %get3A_1308 : vector<16xf32> to vector<16xf32>
      %get3A_1310 = arith.index_cast %add3A_1304 : i32 to index
      %get3A_1311 = tpu.vector_load %arg17[%get3A_1310] {strides = array<i32>} : memref<4096xf32, #tpu.memory_space<vmem>>, vector<16xf32>,
      %get3A_1312 = vector.shape_cast %get3A_1311 : vector<16xf32> to vector<16xf32>
      %get3A_1313 = arith.index_cast %add3A_1304 : i32 to index
      %get3A_1314 = tpu.vector_load %arg18[%get3A_1313] {strides = array<i32>} : memref<4096xf32, #tpu.memory_space<vmem>>, vector<16xf32>,
      %get3A_1315 = vector.shape_cast %get3A_1314 : vector<16xf32> to vector<16xf32>
      %min3A = arith.minimumf %get3A_1306, %get3A_1309 : vector<16xf32>
      %max3A = arith.maximumf %get3A_1306, %get3A_1309 : vector<16xf32>
      %min3A_1316 = arith.minimumf %get3A_1312, %get3A_1315 : vector<16xf32>
      %max3A_1317 = arith.maximumf %get3A_1312, %get3A_1315 : vector<16xf32>
      %min3A_1318 = arith.minimumf %min3A, %min3A_1316 : vector<16xf32>
      %max3A_1319 = arith.maximumf %max3A, %max3A_1317 : vector<16xf32>
      %max3A_1320 = arith.maximumf %min3A, %min3A_1316 : vector<16xf32>
      %min3A_1321 = arith.minimumf %max3A, %max3A_1317 : vector<16xf32>
      %swap3A = arith.index_cast %add3A_1304 : i32 to index
      %swap3A_1322 = tpu.vector_load %arg27[%swap3A] {strides = array<i32>} : memref<4096xf32, #tpu.memory_space<vmem>>, vector<16xf32>,
      %swap3A_1323 = vector.shape_cast %swap3A_1322 : vector<16xf32> to vector<16xf32>
      %swap3A_1324 = vector.shape_cast %min3A_1318 : vector<16xf32> to vector<16xf32>
      tpu.vector_store %arg27[%swap3A], %swap3A_1324 {strides = array<i32>} : memref<4096xf32, #tpu.memory_space<vmem>>, vector<16xf32>,
      %min3A_1325 = arith.minimumf %max3A_1320, %min3A_1321 : vector<16xf32>
      %swap3A_1326 = arith.index_cast %add3A_1304 : i32 to index
      %swap3A_1327 = tpu.vector_load %arg28[%swap3A_1326] {strides = array<i32>} : memref<4096xf32, #tpu.memory_space<vmem>>, vector<16xf32>,
      %swap3A_1328 = vector.shape_cast %swap3A_1327 : vector<16xf32> to vector<16xf32>
      %swap3A_1329 = vector.shape_cast %min3A_1325 : vector<16xf32> to vector<16xf32>
      tpu.vector_store %arg28[%swap3A_1326], %swap3A_1329 {strides = array<i32>} : memref<4096xf32, #tpu.memory_space<vmem>>, vector<16xf32>,
      %max3A_1330 = arith.maximumf %max3A_1320, %min3A_1321 : vector<16xf32>
      %swap3A_1331 = arith.index_cast %add3A_1304 : i32 to index
      %swap3A_1332 = tpu.vector_load %arg29[%swap3A_1331] {strides = array<i32>} : memref<4096xf32, #tpu.memory_space<vmem>>, vector<16xf32>,
      %swap3A_1333 = vector.shape_cast %swap3A_1332 : vector<16xf32> to vector<16xf32>
      %swap3A_1334 = vector.shape_cast %max3A_1330 : vector<16xf32> to vector<16xf32>
      tpu.vector_store %arg29[%swap3A_1331], %swap3A_1334 {strides = array<i32>} : memref<4096xf32, #tpu.memory_space<vmem>>, vector<16xf32>,
      %swap3A_1335 = arith.index_cast %add3A_1304 : i32 to index
      %swap3A_1336 = tpu.vector_load %arg30[%swap3A_1335] {strides = array<i32>} : memref<4096xf32, #tpu.memory_space<vmem>>, vector<16xf32>,
      %swap3A_1337 = vector.shape_cast %swap3A_1336 : vector<16xf32> to vector<16xf32>
      %swap3A_1338 = vector.shape_cast %max3A_1319 : vector<16xf32> to vector<16xf32>
      tpu.vector_store %arg30[%swap3A_1335], %swap3A_1338 {strides = array<i32>} : memref<4096xf32, #tpu.memory_space<vmem>>, vector<16xf32>,
      %mul3A_1339 = arith.constant 32 : i32
      %mul3A_1340 = arith.muli %scan3A_1300, %mul3A_1339 : i32
      %add3A_1341 = arith.constant 16 : i32
      %add3A_1342 = arith.addi %mul3A_1340, %add3A_1341 : i32
      %get3A_1343 = arith.index_cast %add3A_1342 : i32 to index
      %get3A_1344 = tpu.vector_load %arg15[%get3A_1343] {strides = array<i32>} : memref<4096xf32, #tpu.memory_space<vmem>>, vector<16xf32>,
      %get3A_1345 = vector.shape_cast %get3A_1344 : vector<16xf32> to vector<16xf32>
      %get3A_1346 = arith.index_cast %add3A_1342 : i32 to index
      %get3A_1347 = tpu.vector_load %arg16[%get3A_1346] {strides = array<i32>} : memref<4096xf32, #tpu.memory_space<vmem>>, vector<16xf32>,
      %get3A_1348 = vector.shape_cast %get3A_1347 : vector<16xf32> to vector<16xf32>
      %get3A_1349 = arith.index_cast %add3A_1342 : i32 to index
      %get3A_1350 = tpu.vector_load %arg17[%get3A_1349] {strides = array<i32>} : memref<4096xf32, #tpu.memory_space<vmem>>, vector<16xf32>,
      %get3A_1351 = vector.shape_cast %get3A_1350 : vector<16xf32> to vector<16xf32>
      %get3A_1352 = arith.index_cast %add3A_1342 : i32 to index
      %get3A_1353 = tpu.vector_load %arg18[%get3A_1352] {strides = array<i32>} : memref<4096xf32, #tpu.memory_space<vmem>>, vector<16xf32>,
      %get3A_1354 = vector.shape_cast %get3A_1353 : vector<16xf32> to vector<16xf32>
      %min3A_1355 = arith.minimumf %get3A_1345, %get3A_1348 : vector<16xf32>
      %max3A_1356 = arith.maximumf %get3A_1345, %get3A_1348 : vector<16xf32>
      %min3A_1357 = arith.minimumf %get3A_1351, %get3A_1354 : vector<16xf32>
      %max3A_1358 = arith.maximumf %get3A_1351, %get3A_1354 : vector<16xf32>
      %min3A_1359 = arith.minimumf %min3A_1355, %min3A_1357 : vector<16xf32>
      %max3A_1360 = arith.maximumf %max3A_1356, %max3A_1358 : vector<16xf32>
      %max3A_1361 = arith.maximumf %min3A_1355, %min3A_1357 : vector<16xf32>
      %min3A_1362 = arith.minimumf %max3A_1356, %max3A_1358 : vector<16xf32>
      %swap3A_1363 = arith.index_cast %add3A_1342 : i32 to index
      %swap3A_1364 = tpu.vector_load %arg27[%swap3A_1363] {strides = array<i32>} : memref<4096xf32, #tpu.memory_space<vmem>>, vector<16xf32>,
      %swap3A_1365 = vector.shape_cast %swap3A_1364 : vector<16xf32> to vector<16xf32>
      %swap3A_1366 = vector.shape_cast %min3A_1359 : vector<16xf32> to vector<16xf32>
      tpu.vector_store %arg27[%swap3A_1363], %swap3A_1366 {strides = array<i32>} : memref<4096xf32, #tpu.memory_space<vmem>>, vector<16xf32>,
      %min3A_1367 = arith.minimumf %max3A_1361, %min3A_1362 : vector<16xf32>
      %swap3A_1368 = arith.index_cast %add3A_1342 : i32 to index
      %swap3A_1369 = tpu.vector_load %arg28[%swap3A_1368] {strides = array<i32>} : memref<4096xf32, #tpu.memory_space<vmem>>, vector<16xf32>,
      %swap3A_1370 = vector.shape_cast %swap3A_1369 : vector<16xf32> to vector<16xf32>
      %swap3A_1371 = vector.shape_cast %min3A_1367 : vector<16xf32> to vector<16xf32>
      tpu.vector_store %arg28[%swap3A_1368], %swap3A_1371 {strides = array<i32>} : memref<4096xf32, #tpu.memory_space<vmem>>, vector<16xf32>,
      %max3A_1372 = arith.maximumf %max3A_1361, %min3A_1362 : vector<16xf32>
      %swap3A_1373 = arith.index_cast %add3A_1342 : i32 to index
      %swap3A_1374 = tpu.vector_load %arg29[%swap3A_1373] {strides = array<i32>} : memref<4096xf32, #tpu.memory_space<vmem>>, vector<16xf32>,
      %swap3A_1375 = vector.shape_cast %swap3A_1374 : vector<16xf32> to vector<16xf32>
      %swap3A_1376 = vector.shape_cast %max3A_1372 : vector<16xf32> to vector<16xf32>
      tpu.vector_store %arg29[%swap3A_1373], %swap3A_1376 {strides = array<i32>} : memref<4096xf32, #tpu.memory_space<vmem>>, vector<16xf32>,
      %swap3A_1377 = arith.index_cast %add3A_1342 : i32 to index
      %swap3A_1378 = tpu.vector_load %arg30[%swap3A_1377] {strides = array<i32>} : memref<4096xf32, #tpu.memory_space<vmem>>, vector<16xf32>,
      %swap3A_1379 = vector.shape_cast %swap3A_1378 : vector<16xf32> to vector<16xf32>
      %swap3A_1380 = vector.shape_cast %max3A_1360 : vector<16xf32> to vector<16xf32>
      tpu.vector_store %arg30[%swap3A_1377], %swap3A_1380 {strides = array<i32>} : memref<4096xf32, #tpu.memory_space<vmem>>, vector<16xf32>,
    }
    %scan3A_1049 = arith.constant 96 : i32
    %add3A_1050 = arith.constant 28672 : i32
    %add3A_1051 = arith.addi %mul3A_2, %add3A_1050 : i32
    %dma_start3A_1052 = arith.constant 0 : i32
    %dma_start3A_1053 = arith.constant 0 : i32
    %dma_start3A_1054 = tpu.memref_slice %arg27[%dma_start3A_1053] : memref<4096xf32, #tpu.memory_space<vmem>> -> memref<3072xf32, #tpu.memory_space<vmem>>
    %dma_start3A_1055 = tpu.memref_slice %arg6[%dma_start3A_1052, %add3A_1051] : memref<4x1048576xf32, #tpu.memory_space<hbm>> -> memref<1x3072xf32, #tpu.memory_space<hbm>>
    %dma_start3A_1056 = tpu.memref_squeeze %dma_start3A_1055 : memref<1x3072xf32, #tpu.memory_space<hbm>> -> memref<3072xf32, #tpu.memory_space<hbm>>
    %dma_start3A_1057 = tpu.memref_slice %arg6[%dma_start3A_1052, %add3A_1051] : memref<4x1048576xf32, #tpu.memory_space<hbm>> -> memref<1x3072xf32, #tpu.memory_space<hbm>>
    %dma_start3A_1058 = tpu.memref_squeeze %dma_start3A_1057 : memref<1x3072xf32, #tpu.memory_space<hbm>> -> memref<3072xf32, #tpu.memory_space<hbm>>
    %dma_start3A_1059 = arith.constant 0 : i32
    %dma_start3A_1060 = tpu.memref_slice %arg27[%dma_start3A_1059] : memref<4096xf32, #tpu.memory_space<vmem>> -> memref<3072xf32, #tpu.memory_space<vmem>>
    tpu.enqueue_dma source(%dma_start3A_1060 : memref<3072xf32, #tpu.memory_space<vmem>>) target(%dma_start3A_1058 : memref<3072xf32, #tpu.memory_space<hbm>>) target_semaphore(%arg36 : memref<!tpu.dma_semaphore, #tpu.memory_space<semaphore_mem>>)
    %dma_start3A_1061 = arith.constant 1 : i32
    %dma_start3A_1062 = arith.constant 0 : i32
    %dma_start3A_1063 = tpu.memref_slice %arg28[%dma_start3A_1062] : memref<4096xf32, #tpu.memory_space<vmem>> -> memref<3072xf32, #tpu.memory_space<vmem>>
    %dma_start3A_1064 = tpu.memref_slice %arg6[%dma_start3A_1061, %add3A_1051] : memref<4x1048576xf32, #tpu.memory_space<hbm>> -> memref<1x3072xf32, #tpu.memory_space<hbm>>
    %dma_start3A_1065 = tpu.memref_squeeze %dma_start3A_1064 : memref<1x3072xf32, #tpu.memory_space<hbm>> -> memref<3072xf32, #tpu.memory_space<hbm>>
    %dma_start3A_1066 = tpu.memref_slice %arg6[%dma_start3A_1061, %add3A_1051] : memref<4x1048576xf32, #tpu.memory_space<hbm>> -> memref<1x3072xf32, #tpu.memory_space<hbm>>
    %dma_start3A_1067 = tpu.memref_squeeze %dma_start3A_1066 : memref<1x3072xf32, #tpu.memory_space<hbm>> -> memref<3072xf32, #tpu.memory_space<hbm>>
    %dma_start3A_1068 = arith.constant 0 : i32
    %dma_start3A_1069 = tpu.memref_slice %arg28[%dma_start3A_1068] : memref<4096xf32, #tpu.memory_space<vmem>> -> memref<3072xf32, #tpu.memory_space<vmem>>
    tpu.enqueue_dma source(%dma_start3A_1069 : memref<3072xf32, #tpu.memory_space<vmem>>) target(%dma_start3A_1067 : memref<3072xf32, #tpu.memory_space<hbm>>) target_semaphore(%arg36 : memref<!tpu.dma_semaphore, #tpu.memory_space<semaphore_mem>>)
    %dma_start3A_1070 = arith.constant 2 : i32
    %dma_start3A_1071 = arith.constant 0 : i32
    %dma_start3A_1072 = tpu.memref_slice %arg29[%dma_start3A_1071] : memref<4096xf32, #tpu.memory_space<vmem>> -> memref<3072xf32, #tpu.memory_space<vmem>>
    %dma_start3A_1073 = tpu.memref_slice %arg6[%dma_start3A_1070, %add3A_1051] : memref<4x1048576xf32, #tpu.memory_space<hbm>> -> memref<1x3072xf32, #tpu.memory_space<hbm>>
    %dma_start3A_1074 = tpu.memref_squeeze %dma_start3A_1073 : memref<1x3072xf32, #tpu.memory_space<hbm>> -> memref<3072xf32, #tpu.memory_space<hbm>>
    %dma_start3A_1075 = tpu.memref_slice %arg6[%dma_start3A_1070, %add3A_1051] : memref<4x1048576xf32, #tpu.memory_space<hbm>> -> memref<1x3072xf32, #tpu.memory_space<hbm>>
    %dma_start3A_1076 = tpu.memref_squeeze %dma_start3A_1075 : memref<1x3072xf32, #tpu.memory_space<hbm>> -> memref<3072xf32, #tpu.memory_space<hbm>>
    %dma_start3A_1077 = arith.constant 0 : i32
    %dma_start3A_1078 = tpu.memref_slice %arg29[%dma_start3A_1077] : memref<4096xf32, #tpu.memory_space<vmem>> -> memref<3072xf32, #tpu.memory_space<vmem>>
    tpu.enqueue_dma source(%dma_start3A_1078 : memref<3072xf32, #tpu.memory_space<vmem>>) target(%dma_start3A_1076 : memref<3072xf32, #tpu.memory_space<hbm>>) target_semaphore(%arg36 : memref<!tpu.dma_semaphore, #tpu.memory_space<semaphore_mem>>)
    %dma_start3A_1079 = arith.constant 3 : i32
    %dma_start3A_1080 = arith.constant 0 : i32
    %dma_start3A_1081 = tpu.memref_slice %arg30[%dma_start3A_1080] : memref<4096xf32, #tpu.memory_space<vmem>> -> memref<3072xf32, #tpu.memory_space<vmem>>
    %dma_start3A_1082 = tpu.memref_slice %arg6[%dma_start3A_1079, %add3A_1051] : memref<4x1048576xf32, #tpu.memory_space<hbm>> -> memref<1x3072xf32, #tpu.memory_space<hbm>>
    %dma_start3A_1083 = tpu.memref_squeeze %dma_start3A_1082 : memref<1x3072xf32, #tpu.memory_space<hbm>> -> memref<3072xf32, #tpu.memory_space<hbm>>
    %dma_start3A_1084 = tpu.memref_slice %arg6[%dma_start3A_1079, %add3A_1051] : memref<4x1048576xf32, #tpu.memory_space<hbm>> -> memref<1x3072xf32, #tpu.memory_space<hbm>>
    %dma_start3A_1085 = tpu.memref_squeeze %dma_start3A_1084 : memref<1x3072xf32, #tpu.memory_space<hbm>> -> memref<3072xf32, #tpu.memory_space<hbm>>
    %dma_start3A_1086 = arith.constant 0 : i32
    %dma_start3A_1087 = tpu.memref_slice %arg30[%dma_start3A_1086] : memref<4096xf32, #tpu.memory_space<vmem>> -> memref<3072xf32, #tpu.memory_space<vmem>>
    tpu.enqueue_dma source(%dma_start3A_1087 : memref<3072xf32, #tpu.memory_space<vmem>>) target(%dma_start3A_1085 : memref<3072xf32, #tpu.memory_space<hbm>>) target_semaphore(%arg36 : memref<!tpu.dma_semaphore, #tpu.memory_space<semaphore_mem>>)
    %dma_wait3A_1088 = arith.constant 0 : i32
    %dma_wait3A_1089 = tpu.memref_slice %arg7[%dma_wait3A_1088] : memref<4096xf32, #tpu.memory_space<vmem>> -> memref<1024xf32, #tpu.memory_space<vmem>>
    %dma_wait3A_1090 = tpu.memref_slice %arg2[%add3A_817] : memref<1048576xf32, #tpu.memory_space<hbm>> -> memref<1024xf32, #tpu.memory_space<hbm>>
    %dma_wait3A_1091 = arith.constant 0 : i32
    %dma_wait3A_1092 = tpu.memref_slice %arg7[%dma_wait3A_1091] : memref<4096xf32, #tpu.memory_space<vmem>> -> memref<1024xf32, #tpu.memory_space<vmem>>
    %dma_wait3A_1093 = tpu.memref_slice %arg2[%add3A_817] : memref<1048576xf32, #tpu.memory_space<hbm>> -> memref<1024xf32, #tpu.memory_space<hbm>>
    tpu.wait_dma2 semaphore(%arg31 : memref<!tpu.dma_semaphore, #tpu.memory_space<semaphore_mem>>) src(%dma_wait3A_1093 : memref<1024xf32, #tpu.memory_space<hbm>>) dst(%dma_wait3A_1092 : memref<1024xf32, #tpu.memory_space<vmem>>)
    %dma_wait3A_1094 = arith.constant 0 : i32
    %dma_wait3A_1095 = tpu.memref_slice %arg8[%dma_wait3A_1094] : memref<4096xf32, #tpu.memory_space<vmem>> -> memref<1024xf32, #tpu.memory_space<vmem>>
    %dma_wait3A_1096 = tpu.memref_slice %arg3[%add3A_817] : memref<1048576xf32, #tpu.memory_space<hbm>> -> memref<1024xf32, #tpu.memory_space<hbm>>
    %dma_wait3A_1097 = arith.constant 0 : i32
    %dma_wait3A_1098 = tpu.memref_slice %arg8[%dma_wait3A_1097] : memref<4096xf32, #tpu.memory_space<vmem>> -> memref<1024xf32, #tpu.memory_space<vmem>>
    %dma_wait3A_1099 = tpu.memref_slice %arg3[%add3A_817] : memref<1048576xf32, #tpu.memory_space<hbm>> -> memref<1024xf32, #tpu.memory_space<hbm>>
    tpu.wait_dma2 semaphore(%arg31 : memref<!tpu.dma_semaphore, #tpu.memory_space<semaphore_mem>>) src(%dma_wait3A_1099 : memref<1024xf32, #tpu.memory_space<hbm>>) dst(%dma_wait3A_1098 : memref<1024xf32, #tpu.memory_space<vmem>>)
    %dma_wait3A_1100 = arith.constant 0 : i32
    %dma_wait3A_1101 = tpu.memref_slice %arg9[%dma_wait3A_1100] : memref<4096xf32, #tpu.memory_space<vmem>> -> memref<1024xf32, #tpu.memory_space<vmem>>
    %dma_wait3A_1102 = tpu.memref_slice %arg4[%add3A_817] : memref<1048576xf32, #tpu.memory_space<hbm>> -> memref<1024xf32, #tpu.memory_space<hbm>>
    %dma_wait3A_1103 = arith.constant 0 : i32
    %dma_wait3A_1104 = tpu.memref_slice %arg9[%dma_wait3A_1103] : memref<4096xf32, #tpu.memory_space<vmem>> -> memref<1024xf32, #tpu.memory_space<vmem>>
    %dma_wait3A_1105 = tpu.memref_slice %arg4[%add3A_817] : memref<1048576xf32, #tpu.memory_space<hbm>> -> memref<1024xf32, #tpu.memory_space<hbm>>
    tpu.wait_dma2 semaphore(%arg31 : memref<!tpu.dma_semaphore, #tpu.memory_space<semaphore_mem>>) src(%dma_wait3A_1105 : memref<1024xf32, #tpu.memory_space<hbm>>) dst(%dma_wait3A_1104 : memref<1024xf32, #tpu.memory_space<vmem>>)
    %dma_wait3A_1106 = arith.constant 0 : i32
    %dma_wait3A_1107 = tpu.memref_slice %arg10[%dma_wait3A_1106] : memref<4096xf32, #tpu.memory_space<vmem>> -> memref<1024xf32, #tpu.memory_space<vmem>>
    %dma_wait3A_1108 = tpu.memref_slice %arg5[%add3A_817] : memref<1048576xf32, #tpu.memory_space<hbm>> -> memref<1024xf32, #tpu.memory_space<hbm>>
    %dma_wait3A_1109 = arith.constant 0 : i32
    %dma_wait3A_1110 = tpu.memref_slice %arg10[%dma_wait3A_1109] : memref<4096xf32, #tpu.memory_space<vmem>> -> memref<1024xf32, #tpu.memory_space<vmem>>
    %dma_wait3A_1111 = tpu.memref_slice %arg5[%add3A_817] : memref<1048576xf32, #tpu.memory_space<hbm>> -> memref<1024xf32, #tpu.memory_space<hbm>>
    tpu.wait_dma2 semaphore(%arg31 : memref<!tpu.dma_semaphore, #tpu.memory_space<semaphore_mem>>) src(%dma_wait3A_1111 : memref<1024xf32, #tpu.memory_space<hbm>>) dst(%dma_wait3A_1110 : memref<1024xf32, #tpu.memory_space<vmem>>)
    %dma_wait3A_1112 = arith.constant 0 : i32
    %dma_wait3A_1113 = arith.constant 0 : i32
    %dma_wait3A_1114 = tpu.memref_slice %arg19[%dma_wait3A_1113] : memref<4096xf32, #tpu.memory_space<vmem>> -> memref<4096xf32, #tpu.memory_space<vmem>>
    %dma_wait3A_1115 = tpu.memref_slice %arg6[%dma_wait3A_1112, %add3A_843] : memref<4x1048576xf32, #tpu.memory_space<hbm>> -> memref<1x4096xf32, #tpu.memory_space<hbm>>
    %dma_wait3A_1116 = tpu.memref_squeeze %dma_wait3A_1115 : memref<1x4096xf32, #tpu.memory_space<hbm>> -> memref<4096xf32, #tpu.memory_space<hbm>>
    %dma_wait3A_1117 = tpu.memref_slice %arg6[%dma_wait3A_1112, %add3A_843] : memref<4x1048576xf32, #tpu.memory_space<hbm>> -> memref<1x4096xf32, #tpu.memory_space<hbm>>
    %dma_wait3A_1118 = tpu.memref_squeeze %dma_wait3A_1117 : memref<1x4096xf32, #tpu.memory_space<hbm>> -> memref<4096xf32, #tpu.memory_space<hbm>>
    %dma_wait3A_1119 = arith.constant 0 : i32
    %dma_wait3A_1120 = tpu.memref_slice %arg19[%dma_wait3A_1119] : memref<4096xf32, #tpu.memory_space<vmem>> -> memref<4096xf32, #tpu.memory_space<vmem>>
    tpu.wait_dma2 semaphore(%arg34 : memref<!tpu.dma_semaphore, #tpu.memory_space<semaphore_mem>>) src(%dma_wait3A_1120 : memref<4096xf32, #tpu.memory_space<vmem>>) dst(%dma_wait3A_1118 : memref<4096xf32, #tpu.memory_space<hbm>>)
    %dma_wait3A_1121 = arith.constant 1 : i32
    %dma_wait3A_1122 = arith.constant 0 : i32
    %dma_wait3A_1123 = tpu.memref_slice %arg20[%dma_wait3A_1122] : memref<4096xf32, #tpu.memory_space<vmem>> -> memref<4096xf32, #tpu.memory_space<vmem>>
    %dma_wait3A_1124 = tpu.memref_slice %arg6[%dma_wait3A_1121, %add3A_843] : memref<4x1048576xf32, #tpu.memory_space<hbm>> -> memref<1x4096xf32, #tpu.memory_space<hbm>>
    %dma_wait3A_1125 = tpu.memref_squeeze %dma_wait3A_1124 : memref<1x4096xf32, #tpu.memory_space<hbm>> -> memref<4096xf32, #tpu.memory_space<hbm>>
    %dma_wait3A_1126 = tpu.memref_slice %arg6[%dma_wait3A_1121, %add3A_843] : memref<4x1048576xf32, #tpu.memory_space<hbm>> -> memref<1x4096xf32, #tpu.memory_space<hbm>>
    %dma_wait3A_1127 = tpu.memref_squeeze %dma_wait3A_1126 : memref<1x4096xf32, #tpu.memory_space<hbm>> -> memref<4096xf32, #tpu.memory_space<hbm>>
    %dma_wait3A_1128 = arith.constant 0 : i32
    %dma_wait3A_1129 = tpu.memref_slice %arg20[%dma_wait3A_1128] : memref<4096xf32, #tpu.memory_space<vmem>> -> memref<4096xf32, #tpu.memory_space<vmem>>
    tpu.wait_dma2 semaphore(%arg34 : memref<!tpu.dma_semaphore, #tpu.memory_space<semaphore_mem>>) src(%dma_wait3A_1129 : memref<4096xf32, #tpu.memory_space<vmem>>) dst(%dma_wait3A_1127 : memref<4096xf32, #tpu.memory_space<hbm>>)
    %dma_wait3A_1130 = arith.constant 2 : i32
    %dma_wait3A_1131 = arith.constant 0 : i32
    %dma_wait3A_1132 = tpu.memref_slice %arg21[%dma_wait3A_1131] : memref<4096xf32, #tpu.memory_space<vmem>> -> memref<4096xf32, #tpu.memory_space<vmem>>
    %dma_wait3A_1133 = tpu.memref_slice %arg6[%dma_wait3A_1130, %add3A_843] : memref<4x1048576xf32, #tpu.memory_space<hbm>> -> memref<1x4096xf32, #tpu.memory_space<hbm>>
    %dma_wait3A_1134 = tpu.memref_squeeze %dma_wait3A_1133 : memref<1x4096xf32, #tpu.memory_space<hbm>> -> memref<4096xf32, #tpu.memory_space<hbm>>
    %dma_wait3A_1135 = tpu.memref_slice %arg6[%dma_wait3A_1130, %add3A_843] : memref<4x1048576xf32, #tpu.memory_space<hbm>> -> memref<1x4096xf32, #tpu.memory_space<hbm>>
    %dma_wait3A_1136 = tpu.memref_squeeze %dma_wait3A_1135 : memref<1x4096xf32, #tpu.memory_space<hbm>> -> memref<4096xf32, #tpu.memory_space<hbm>>
    %dma_wait3A_1137 = arith.constant 0 : i32
    %dma_wait3A_1138 = tpu.memref_slice %arg21[%dma_wait3A_1137] : memref<4096xf32, #tpu.memory_space<vmem>> -> memref<4096xf32, #tpu.memory_space<vmem>>
    tpu.wait_dma2 semaphore(%arg34 : memref<!tpu.dma_semaphore, #tpu.memory_space<semaphore_mem>>) src(%dma_wait3A_1138 : memref<4096xf32, #tpu.memory_space<vmem>>) dst(%dma_wait3A_1136 : memref<4096xf32, #tpu.memory_space<hbm>>)
    %dma_wait3A_1139 = arith.constant 3 : i32
    %dma_wait3A_1140 = arith.constant 0 : i32
    %dma_wait3A_1141 = tpu.memref_slice %arg22[%dma_wait3A_1140] : memref<4096xf32, #tpu.memory_space<vmem>> -> memref<4096xf32, #tpu.memory_space<vmem>>
    %dma_wait3A_1142 = tpu.memref_slice %arg6[%dma_wait3A_1139, %add3A_843] : memref<4x1048576xf32, #tpu.memory_space<hbm>> -> memref<1x4096xf32, #tpu.memory_space<hbm>>
    %dma_wait3A_1143 = tpu.memref_squeeze %dma_wait3A_1142 : memref<1x4096xf32, #tpu.memory_space<hbm>> -> memref<4096xf32, #tpu.memory_space<hbm>>
    %dma_wait3A_1144 = tpu.memref_slice %arg6[%dma_wait3A_1139, %add3A_843] : memref<4x1048576xf32, #tpu.memory_space<hbm>> -> memref<1x4096xf32, #tpu.memory_space<hbm>>
    %dma_wait3A_1145 = tpu.memref_squeeze %dma_wait3A_1144 : memref<1x4096xf32, #tpu.memory_space<hbm>> -> memref<4096xf32, #tpu.memory_space<hbm>>
    %dma_wait3A_1146 = arith.constant 0 : i32
    %dma_wait3A_1147 = tpu.memref_slice %arg22[%dma_wait3A_1146] : memref<4096xf32, #tpu.memory_space<vmem>> -> memref<4096xf32, #tpu.memory_space<vmem>>
    tpu.wait_dma2 semaphore(%arg34 : memref<!tpu.dma_semaphore, #tpu.memory_space<semaphore_mem>>) src(%dma_wait3A_1147 : memref<4096xf32, #tpu.memory_space<vmem>>) dst(%dma_wait3A_1145 : memref<4096xf32, #tpu.memory_space<hbm>>)
    %scan3A_1148 = arith.constant 0 : i32
    %scan3A_1149 = arith.constant 0 : i32
    %scan3A_1150 = arith.constant 32 : i32
    %scan3A_1151 = arith.addi %scan3A_1149, %scan3A_1150 : i32
    %scan3A_1152 = arith.constant 1 : i32
    scf.for %scan3A_1300 = %scan3A_1149 to %scan3A_1151 step %scan3A_1152  : i32 {
      %mul3A_1301 = arith.constant 32 : i32
      %mul3A_1302 = arith.muli %scan3A_1300, %mul3A_1301 : i32
      %add3A_1303 = arith.constant 0 : i32
      %add3A_1304 = arith.addi %mul3A_1302, %add3A_1303 : i32
      %get3A = arith.index_cast %add3A_1304 : i32 to index
      %get3A_1305 = tpu.vector_load %arg7[%get3A] {strides = array<i32>} : memref<4096xf32, #tpu.memory_space<vmem>>, vector<16xf32>,
      %get3A_1306 = vector.shape_cast %get3A_1305 : vector<16xf32> to vector<16xf32>
      %get3A_1307 = arith.index_cast %add3A_1304 : i32 to index
      %get3A_1308 = tpu.vector_load %arg8[%get3A_1307] {strides = array<i32>} : memref<4096xf32, #tpu.memory_space<vmem>>, vector<16xf32>,
      %get3A_1309 = vector.shape_cast %get3A_1308 : vector<16xf32> to vector<16xf32>
      %get3A_1310 = arith.index_cast %add3A_1304 : i32 to index
      %get3A_1311 = tpu.vector_load %arg9[%get3A_1310] {strides = array<i32>} : memref<4096xf32, #tpu.memory_space<vmem>>, vector<16xf32>,
      %get3A_1312 = vector.shape_cast %get3A_1311 : vector<16xf32> to vector<16xf32>
      %get3A_1313 = arith.index_cast %add3A_1304 : i32 to index
      %get3A_1314 = tpu.vector_load %arg10[%get3A_1313] {strides = array<i32>} : memref<4096xf32, #tpu.memory_space<vmem>>, vector<16xf32>,
      %get3A_1315 = vector.shape_cast %get3A_1314 : vector<16xf32> to vector<16xf32>
      %min3A = arith.minimumf %get3A_1306, %get3A_1309 : vector<16xf32>
      %max3A = arith.maximumf %get3A_1306, %get3A_1309 : vector<16xf32>
      %min3A_1316 = arith.minimumf %get3A_1312, %get3A_1315 : vector<16xf32>
      %max3A_1317 = arith.maximumf %get3A_1312, %get3A_1315 : vector<16xf32>
      %min3A_1318 = arith.minimumf %min3A, %min3A_1316 : vector<16xf32>
      %max3A_1319 = arith.maximumf %max3A, %max3A_1317 : vector<16xf32>
      %max3A_1320 = arith.maximumf %min3A, %min3A_1316 : vector<16xf32>
      %min3A_1321 = arith.minimumf %max3A, %max3A_1317 : vector<16xf32>
      %swap3A = arith.index_cast %add3A_1304 : i32 to index
      %swap3A_1322 = tpu.vector_load %arg19[%swap3A] {strides = array<i32>} : memref<4096xf32, #tpu.memory_space<vmem>>, vector<16xf32>,
      %swap3A_1323 = vector.shape_cast %swap3A_1322 : vector<16xf32> to vector<16xf32>
      %swap3A_1324 = vector.shape_cast %min3A_1318 : vector<16xf32> to vector<16xf32>
      tpu.vector_store %arg19[%swap3A], %swap3A_1324 {strides = array<i32>} : memref<4096xf32, #tpu.memory_space<vmem>>, vector<16xf32>,
      %min3A_1325 = arith.minimumf %max3A_1320, %min3A_1321 : vector<16xf32>
      %swap3A_1326 = arith.index_cast %add3A_1304 : i32 to index
      %swap3A_1327 = tpu.vector_load %arg20[%swap3A_1326] {strides = array<i32>} : memref<4096xf32, #tpu.memory_space<vmem>>, vector<16xf32>,
      %swap3A_1328 = vector.shape_cast %swap3A_1327 : vector<16xf32> to vector<16xf32>
      %swap3A_1329 = vector.shape_cast %min3A_1325 : vector<16xf32> to vector<16xf32>
      tpu.vector_store %arg20[%swap3A_1326], %swap3A_1329 {strides = array<i32>} : memref<4096xf32, #tpu.memory_space<vmem>>, vector<16xf32>,
      %max3A_1330 = arith.maximumf %max3A_1320, %min3A_1321 : vector<16xf32>
      %swap3A_1331 = arith.index_cast %add3A_1304 : i32 to index
      %swap3A_1332 = tpu.vector_load %arg21[%swap3A_1331] {strides = array<i32>} : memref<4096xf32, #tpu.memory_space<vmem>>, vector<16xf32>,
      %swap3A_1333 = vector.shape_cast %swap3A_1332 : vector<16xf32> to vector<16xf32>
      %swap3A_1334 = vector.shape_cast %max3A_1330 : vector<16xf32> to vector<16xf32>
      tpu.vector_store %arg21[%swap3A_1331], %swap3A_1334 {strides = array<i32>} : memref<4096xf32, #tpu.memory_space<vmem>>, vector<16xf32>,
      %swap3A_1335 = arith.index_cast %add3A_1304 : i32 to index
      %swap3A_1336 = tpu.vector_load %arg22[%swap3A_1335] {strides = array<i32>} : memref<4096xf32, #tpu.memory_space<vmem>>, vector<16xf32>,
      %swap3A_1337 = vector.shape_cast %swap3A_1336 : vector<16xf32> to vector<16xf32>
      %swap3A_1338 = vector.shape_cast %max3A_1319 : vector<16xf32> to vector<16xf32>
      tpu.vector_store %arg22[%swap3A_1335], %swap3A_1338 {strides = array<i32>} : memref<4096xf32, #tpu.memory_space<vmem>>, vector<16xf32>,
      %mul3A_1339 = arith.constant 32 : i32
      %mul3A_1340 = arith.muli %scan3A_1300, %mul3A_1339 : i32
      %add3A_1341 = arith.constant 16 : i32
      %add3A_1342 = arith.addi %mul3A_1340, %add3A_1341 : i32
      %get3A_1343 = arith.index_cast %add3A_1342 : i32 to index
      %get3A_1344 = tpu.vector_load %arg7[%get3A_1343] {strides = array<i32>} : memref<4096xf32, #tpu.memory_space<vmem>>, vector<16xf32>,
      %get3A_1345 = vector.shape_cast %get3A_1344 : vector<16xf32> to vector<16xf32>
      %get3A_1346 = arith.index_cast %add3A_1342 : i32 to index
      %get3A_1347 = tpu.vector_load %arg8[%get3A_1346] {strides = array<i32>} : memref<4096xf32, #tpu.memory_space<vmem>>, vector<16xf32>,
      %get3A_1348 = vector.shape_cast %get3A_1347 : vector<16xf32> to vector<16xf32>
      %get3A_1349 = arith.index_cast %add3A_1342 : i32 to index
      %get3A_1350 = tpu.vector_load %arg9[%get3A_1349] {strides = array<i32>} : memref<4096xf32, #tpu.memory_space<vmem>>, vector<16xf32>,
      %get3A_1351 = vector.shape_cast %get3A_1350 : vector<16xf32> to vector<16xf32>
      %get3A_1352 = arith.index_cast %add3A_1342 : i32 to index
      %get3A_1353 = tpu.vector_load %arg10[%get3A_1352] {strides = array<i32>} : memref<4096xf32, #tpu.memory_space<vmem>>, vector<16xf32>,
      %get3A_1354 = vector.shape_cast %get3A_1353 : vector<16xf32> to vector<16xf32>
      %min3A_1355 = arith.minimumf %get3A_1345, %get3A_1348 : vector<16xf32>
      %max3A_1356 = arith.maximumf %get3A_1345, %get3A_1348 : vector<16xf32>
      %min3A_1357 = arith.minimumf %get3A_1351, %get3A_1354 : vector<16xf32>
      %max3A_1358 = arith.maximumf %get3A_1351, %get3A_1354 : vector<16xf32>
      %min3A_1359 = arith.minimumf %min3A_1355, %min3A_1357 : vector<16xf32>
      %max3A_1360 = arith.maximumf %max3A_1356, %max3A_1358 : vector<16xf32>
      %max3A_1361 = arith.maximumf %min3A_1355, %min3A_1357 : vector<16xf32>
      %min3A_1362 = arith.minimumf %max3A_1356, %max3A_1358 : vector<16xf32>
      %swap3A_1363 = arith.index_cast %add3A_1342 : i32 to index
      %swap3A_1364 = tpu.vector_load %arg19[%swap3A_1363] {strides = array<i32>} : memref<4096xf32, #tpu.memory_space<vmem>>, vector<16xf32>,
      %swap3A_1365 = vector.shape_cast %swap3A_1364 : vector<16xf32> to vector<16xf32>
      %swap3A_1366 = vector.shape_cast %min3A_1359 : vector<16xf32> to vector<16xf32>
      tpu.vector_store %arg19[%swap3A_1363], %swap3A_1366 {strides = array<i32>} : memref<4096xf32, #tpu.memory_space<vmem>>, vector<16xf32>,
      %min3A_1367 = arith.minimumf %max3A_1361, %min3A_1362 : vector<16xf32>
      %swap3A_1368 = arith.index_cast %add3A_1342 : i32 to index
      %swap3A_1369 = tpu.vector_load %arg20[%swap3A_1368] {strides = array<i32>} : memref<4096xf32, #tpu.memory_space<vmem>>, vector<16xf32>,
      %swap3A_1370 = vector.shape_cast %swap3A_1369 : vector<16xf32> to vector<16xf32>
      %swap3A_1371 = vector.shape_cast %min3A_1367 : vector<16xf32> to vector<16xf32>
      tpu.vector_store %arg20[%swap3A_1368], %swap3A_1371 {strides = array<i32>} : memref<4096xf32, #tpu.memory_space<vmem>>, vector<16xf32>,
      %max3A_1372 = arith.maximumf %max3A_1361, %min3A_1362 : vector<16xf32>
      %swap3A_1373 = arith.index_cast %add3A_1342 : i32 to index
      %swap3A_1374 = tpu.vector_load %arg21[%swap3A_1373] {strides = array<i32>} : memref<4096xf32, #tpu.memory_space<vmem>>, vector<16xf32>,
      %swap3A_1375 = vector.shape_cast %swap3A_1374 : vector<16xf32> to vector<16xf32>
      %swap3A_1376 = vector.shape_cast %max3A_1372 : vector<16xf32> to vector<16xf32>
      tpu.vector_store %arg21[%swap3A_1373], %swap3A_1376 {strides = array<i32>} : memref<4096xf32, #tpu.memory_space<vmem>>, vector<16xf32>,
      %swap3A_1377 = arith.index_cast %add3A_1342 : i32 to index
      %swap3A_1378 = tpu.vector_load %arg22[%swap3A_1377] {strides = array<i32>} : memref<4096xf32, #tpu.memory_space<vmem>>, vector<16xf32>,
      %swap3A_1379 = vector.shape_cast %swap3A_1378 : vector<16xf32> to vector<16xf32>
      %swap3A_1380 = vector.shape_cast %max3A_1360 : vector<16xf32> to vector<16xf32>
      tpu.vector_store %arg22[%swap3A_1377], %swap3A_1380 {strides = array<i32>} : memref<4096xf32, #tpu.memory_space<vmem>>, vector<16xf32>,
    }
    %scan3A_1153 = arith.constant 32 : i32
    %add3A_1154 = arith.constant 31744 : i32
    %add3A_1155 = arith.addi %mul3A_2, %add3A_1154 : i32
    %dma_start3A_1156 = arith.constant 0 : i32
    %dma_start3A_1157 = arith.constant 0 : i32
    %dma_start3A_1158 = tpu.memref_slice %arg19[%dma_start3A_1157] : memref<4096xf32, #tpu.memory_space<vmem>> -> memref<1024xf32, #tpu.memory_space<vmem>>
    %dma_start3A_1159 = tpu.memref_slice %arg6[%dma_start3A_1156, %add3A_1155] : memref<4x1048576xf32, #tpu.memory_space<hbm>> -> memref<1x1024xf32, #tpu.memory_space<hbm>>
    %dma_start3A_1160 = tpu.memref_squeeze %dma_start3A_1159 : memref<1x1024xf32, #tpu.memory_space<hbm>> -> memref<1024xf32, #tpu.memory_space<hbm>>
    %dma_start3A_1161 = tpu.memref_slice %arg6[%dma_start3A_1156, %add3A_1155] : memref<4x1048576xf32, #tpu.memory_space<hbm>> -> memref<1x1024xf32, #tpu.memory_space<hbm>>
    %dma_start3A_1162 = tpu.memref_squeeze %dma_start3A_1161 : memref<1x1024xf32, #tpu.memory_space<hbm>> -> memref<1024xf32, #tpu.memory_space<hbm>>
    %dma_start3A_1163 = arith.constant 0 : i32
    %dma_start3A_1164 = tpu.memref_slice %arg19[%dma_start3A_1163] : memref<4096xf32, #tpu.memory_space<vmem>> -> memref<1024xf32, #tpu.memory_space<vmem>>
    tpu.enqueue_dma source(%dma_start3A_1164 : memref<1024xf32, #tpu.memory_space<vmem>>) target(%dma_start3A_1162 : memref<1024xf32, #tpu.memory_space<hbm>>) target_semaphore(%arg34 : memref<!tpu.dma_semaphore, #tpu.memory_space<semaphore_mem>>)
    %dma_start3A_1165 = arith.constant 1 : i32
    %dma_start3A_1166 = arith.constant 0 : i32
    %dma_start3A_1167 = tpu.memref_slice %arg20[%dma_start3A_1166] : memref<4096xf32, #tpu.memory_space<vmem>> -> memref<1024xf32, #tpu.memory_space<vmem>>
    %dma_start3A_1168 = tpu.memref_slice %arg6[%dma_start3A_1165, %add3A_1155] : memref<4x1048576xf32, #tpu.memory_space<hbm>> -> memref<1x1024xf32, #tpu.memory_space<hbm>>
    %dma_start3A_1169 = tpu.memref_squeeze %dma_start3A_1168 : memref<1x1024xf32, #tpu.memory_space<hbm>> -> memref<1024xf32, #tpu.memory_space<hbm>>
    %dma_start3A_1170 = tpu.memref_slice %arg6[%dma_start3A_1165, %add3A_1155] : memref<4x1048576xf32, #tpu.memory_space<hbm>> -> memref<1x1024xf32, #tpu.memory_space<hbm>>
    %dma_start3A_1171 = tpu.memref_squeeze %dma_start3A_1170 : memref<1x1024xf32, #tpu.memory_space<hbm>> -> memref<1024xf32, #tpu.memory_space<hbm>>
    %dma_start3A_1172 = arith.constant 0 : i32
    %dma_start3A_1173 = tpu.memref_slice %arg20[%dma_start3A_1172] : memref<4096xf32, #tpu.memory_space<vmem>> -> memref<1024xf32, #tpu.memory_space<vmem>>
    tpu.enqueue_dma source(%dma_start3A_1173 : memref<1024xf32, #tpu.memory_space<vmem>>) target(%dma_start3A_1171 : memref<1024xf32, #tpu.memory_space<hbm>>) target_semaphore(%arg34 : memref<!tpu.dma_semaphore, #tpu.memory_space<semaphore_mem>>)
    %dma_start3A_1174 = arith.constant 2 : i32
    %dma_start3A_1175 = arith.constant 0 : i32
    %dma_start3A_1176 = tpu.memref_slice %arg21[%dma_start3A_1175] : memref<4096xf32, #tpu.memory_space<vmem>> -> memref<1024xf32, #tpu.memory_space<vmem>>
    %dma_start3A_1177 = tpu.memref_slice %arg6[%dma_start3A_1174, %add3A_1155] : memref<4x1048576xf32, #tpu.memory_space<hbm>> -> memref<1x1024xf32, #tpu.memory_space<hbm>>
    %dma_start3A_1178 = tpu.memref_squeeze %dma_start3A_1177 : memref<1x1024xf32, #tpu.memory_space<hbm>> -> memref<1024xf32, #tpu.memory_space<hbm>>
    %dma_start3A_1179 = tpu.memref_slice %arg6[%dma_start3A_1174, %add3A_1155] : memref<4x1048576xf32, #tpu.memory_space<hbm>> -> memref<1x1024xf32, #tpu.memory_space<hbm>>
    %dma_start3A_1180 = tpu.memref_squeeze %dma_start3A_1179 : memref<1x1024xf32, #tpu.memory_space<hbm>> -> memref<1024xf32, #tpu.memory_space<hbm>>
    %dma_start3A_1181 = arith.constant 0 : i32
    %dma_start3A_1182 = tpu.memref_slice %arg21[%dma_start3A_1181] : memref<4096xf32, #tpu.memory_space<vmem>> -> memref<1024xf32, #tpu.memory_space<vmem>>
    tpu.enqueue_dma source(%dma_start3A_1182 : memref<1024xf32, #tpu.memory_space<vmem>>) target(%dma_start3A_1180 : memref<1024xf32, #tpu.memory_space<hbm>>) target_semaphore(%arg34 : memref<!tpu.dma_semaphore, #tpu.memory_space<semaphore_mem>>)
    %dma_start3A_1183 = arith.constant 3 : i32
    %dma_start3A_1184 = arith.constant 0 : i32
    %dma_start3A_1185 = tpu.memref_slice %arg22[%dma_start3A_1184] : memref<4096xf32, #tpu.memory_space<vmem>> -> memref<1024xf32, #tpu.memory_space<vmem>>
    %dma_start3A_1186 = tpu.memref_slice %arg6[%dma_start3A_1183, %add3A_1155] : memref<4x1048576xf32, #tpu.memory_space<hbm>> -> memref<1x1024xf32, #tpu.memory_space<hbm>>
    %dma_start3A_1187 = tpu.memref_squeeze %dma_start3A_1186 : memref<1x1024xf32, #tpu.memory_space<hbm>> -> memref<1024xf32, #tpu.memory_space<hbm>>
    %dma_start3A_1188 = tpu.memref_slice %arg6[%dma_start3A_1183, %add3A_1155] : memref<4x1048576xf32, #tpu.memory_space<hbm>> -> memref<1x1024xf32, #tpu.memory_space<hbm>>
    %dma_start3A_1189 = tpu.memref_squeeze %dma_start3A_1188 : memref<1x1024xf32, #tpu.memory_space<hbm>> -> memref<1024xf32, #tpu.memory_space<hbm>>
    %dma_start3A_1190 = arith.constant 0 : i32
    %dma_start3A_1191 = tpu.memref_slice %arg22[%dma_start3A_1190] : memref<4096xf32, #tpu.memory_space<vmem>> -> memref<1024xf32, #tpu.memory_space<vmem>>
    tpu.enqueue_dma source(%dma_start3A_1191 : memref<1024xf32, #tpu.memory_space<vmem>>) target(%dma_start3A_1189 : memref<1024xf32, #tpu.memory_space<hbm>>) target_semaphore(%arg34 : memref<!tpu.dma_semaphore, #tpu.memory_space<semaphore_mem>>)
    %dma_wait3A_1192 = arith.constant 0 : i32
    %dma_wait3A_1193 = arith.constant 0 : i32
    %dma_wait3A_1194 = tpu.memref_slice %arg19[%dma_wait3A_1193] : memref<4096xf32, #tpu.memory_space<vmem>> -> memref<1024xf32, #tpu.memory_space<vmem>>
    %dma_wait3A_1195 = tpu.memref_slice %arg6[%dma_wait3A_1192, %add3A_1155] : memref<4x1048576xf32, #tpu.memory_space<hbm>> -> memref<1x1024xf32, #tpu.memory_space<hbm>>
    %dma_wait3A_1196 = tpu.memref_squeeze %dma_wait3A_1195 : memref<1x1024xf32, #tpu.memory_space<hbm>> -> memref<1024xf32, #tpu.memory_space<hbm>>
    %dma_wait3A_1197 = tpu.memref_slice %arg6[%dma_wait3A_1192, %add3A_1155] : memref<4x1048576xf32, #tpu.memory_space<hbm>> -> memref<1x1024xf32, #tpu.memory_space<hbm>>
    %dma_wait3A_1198 = tpu.memref_squeeze %dma_wait3A_1197 : memref<1x1024xf32, #tpu.memory_space<hbm>> -> memref<1024xf32, #tpu.memory_space<hbm>>
    %dma_wait3A_1199 = arith.constant 0 : i32
    %dma_wait3A_1200 = tpu.memref_slice %arg19[%dma_wait3A_1199] : memref<4096xf32, #tpu.memory_space<vmem>> -> memref<1024xf32, #tpu.memory_space<vmem>>
    tpu.wait_dma2 semaphore(%arg34 : memref<!tpu.dma_semaphore, #tpu.memory_space<semaphore_mem>>) src(%dma_wait3A_1200 : memref<1024xf32, #tpu.memory_space<vmem>>) dst(%dma_wait3A_1198 : memref<1024xf32, #tpu.memory_space<hbm>>)
    %dma_wait3A_1201 = arith.constant 1 : i32
    %dma_wait3A_1202 = arith.constant 0 : i32
    %dma_wait3A_1203 = tpu.memref_slice %arg20[%dma_wait3A_1202] : memref<4096xf32, #tpu.memory_space<vmem>> -> memref<1024xf32, #tpu.memory_space<vmem>>
    %dma_wait3A_1204 = tpu.memref_slice %arg6[%dma_wait3A_1201, %add3A_1155] : memref<4x1048576xf32, #tpu.memory_space<hbm>> -> memref<1x1024xf32, #tpu.memory_space<hbm>>
    %dma_wait3A_1205 = tpu.memref_squeeze %dma_wait3A_1204 : memref<1x1024xf32, #tpu.memory_space<hbm>> -> memref<1024xf32, #tpu.memory_space<hbm>>
    %dma_wait3A_1206 = tpu.memref_slice %arg6[%dma_wait3A_1201, %add3A_1155] : memref<4x1048576xf32, #tpu.memory_space<hbm>> -> memref<1x1024xf32, #tpu.memory_space<hbm>>
    %dma_wait3A_1207 = tpu.memref_squeeze %dma_wait3A_1206 : memref<1x1024xf32, #tpu.memory_space<hbm>> -> memref<1024xf32, #tpu.memory_space<hbm>>
    %dma_wait3A_1208 = arith.constant 0 : i32
    %dma_wait3A_1209 = tpu.memref_slice %arg20[%dma_wait3A_1208] : memref<4096xf32, #tpu.memory_space<vmem>> -> memref<1024xf32, #tpu.memory_space<vmem>>
    tpu.wait_dma2 semaphore(%arg34 : memref<!tpu.dma_semaphore, #tpu.memory_space<semaphore_mem>>) src(%dma_wait3A_1209 : memref<1024xf32, #tpu.memory_space<vmem>>) dst(%dma_wait3A_1207 : memref<1024xf32, #tpu.memory_space<hbm>>)
    %dma_wait3A_1210 = arith.constant 2 : i32
    %dma_wait3A_1211 = arith.constant 0 : i32
    %dma_wait3A_1212 = tpu.memref_slice %arg21[%dma_wait3A_1211] : memref<4096xf32, #tpu.memory_space<vmem>> -> memref<1024xf32, #tpu.memory_space<vmem>>
    %dma_wait3A_1213 = tpu.memref_slice %arg6[%dma_wait3A_1210, %add3A_1155] : memref<4x1048576xf32, #tpu.memory_space<hbm>> -> memref<1x1024xf32, #tpu.memory_space<hbm>>
    %dma_wait3A_1214 = tpu.memref_squeeze %dma_wait3A_1213 : memref<1x1024xf32, #tpu.memory_space<hbm>> -> memref<1024xf32, #tpu.memory_space<hbm>>
    %dma_wait3A_1215 = tpu.memref_slice %arg6[%dma_wait3A_1210, %add3A_1155] : memref<4x1048576xf32, #tpu.memory_space<hbm>> -> memref<1x1024xf32, #tpu.memory_space<hbm>>
    %dma_wait3A_1216 = tpu.memref_squeeze %dma_wait3A_1215 : memref<1x1024xf32, #tpu.memory_space<hbm>> -> memref<1024xf32, #tpu.memory_space<hbm>>
    %dma_wait3A_1217 = arith.constant 0 : i32
    %dma_wait3A_1218 = tpu.memref_slice %arg21[%dma_wait3A_1217] : memref<4096xf32, #tpu.memory_space<vmem>> -> memref<1024xf32, #tpu.memory_space<vmem>>
    tpu.wait_dma2 semaphore(%arg34 : memref<!tpu.dma_semaphore, #tpu.memory_space<semaphore_mem>>) src(%dma_wait3A_1218 : memref<1024xf32, #tpu.memory_space<vmem>>) dst(%dma_wait3A_1216 : memref<1024xf32, #tpu.memory_space<hbm>>)
    %dma_wait3A_1219 = arith.constant 3 : i32
    %dma_wait3A_1220 = arith.constant 0 : i32
    %dma_wait3A_1221 = tpu.memref_slice %arg22[%dma_wait3A_1220] : memref<4096xf32, #tpu.memory_space<vmem>> -> memref<1024xf32, #tpu.memory_space<vmem>>
    %dma_wait3A_1222 = tpu.memref_slice %arg6[%dma_wait3A_1219, %add3A_1155] : memref<4x1048576xf32, #tpu.memory_space<hbm>> -> memref<1x1024xf32, #tpu.memory_space<hbm>>
    %dma_wait3A_1223 = tpu.memref_squeeze %dma_wait3A_1222 : memref<1x1024xf32, #tpu.memory_space<hbm>> -> memref<1024xf32, #tpu.memory_space<hbm>>
    %dma_wait3A_1224 = tpu.memref_slice %arg6[%dma_wait3A_1219, %add3A_1155] : memref<4x1048576xf32, #tpu.memory_space<hbm>> -> memref<1x1024xf32, #tpu.memory_space<hbm>>
    %dma_wait3A_1225 = tpu.memref_squeeze %dma_wait3A_1224 : memref<1x1024xf32, #tpu.memory_space<hbm>> -> memref<1024xf32, #tpu.memory_space<hbm>>
    %dma_wait3A_1226 = arith.constant 0 : i32
    %dma_wait3A_1227 = tpu.memref_slice %arg22[%dma_wait3A_1226] : memref<4096xf32, #tpu.memory_space<vmem>> -> memref<1024xf32, #tpu.memory_space<vmem>>
    tpu.wait_dma2 semaphore(%arg34 : memref<!tpu.dma_semaphore, #tpu.memory_space<semaphore_mem>>) src(%dma_wait3A_1227 : memref<1024xf32, #tpu.memory_space<vmem>>) dst(%dma_wait3A_1225 : memref<1024xf32, #tpu.memory_space<hbm>>)
    %dma_wait3A_1228 = arith.constant 0 : i32
    %dma_wait3A_1229 = arith.constant 0 : i32
    %dma_wait3A_1230 = tpu.memref_slice %arg23[%dma_wait3A_1229] : memref<4096xf32, #tpu.memory_space<vmem>> -> memref<4096xf32, #tpu.memory_space<vmem>>
    %dma_wait3A_1231 = tpu.memref_slice %arg6[%dma_wait3A_1228, %add3A_947] : memref<4x1048576xf32, #tpu.memory_space<hbm>> -> memref<1x4096xf32, #tpu.memory_space<hbm>>
    %dma_wait3A_1232 = tpu.memref_squeeze %dma_wait3A_1231 : memref<1x4096xf32, #tpu.memory_space<hbm>> -> memref<4096xf32, #tpu.memory_space<hbm>>
    %dma_wait3A_1233 = tpu.memref_slice %arg6[%dma_wait3A_1228, %add3A_947] : memref<4x1048576xf32, #tpu.memory_space<hbm>> -> memref<1x4096xf32, #tpu.memory_space<hbm>>
    %dma_wait3A_1234 = tpu.memref_squeeze %dma_wait3A_1233 : memref<1x4096xf32, #tpu.memory_space<hbm>> -> memref<4096xf32, #tpu.memory_space<hbm>>
    %dma_wait3A_1235 = arith.constant 0 : i32
    %dma_wait3A_1236 = tpu.memref_slice %arg23[%dma_wait3A_1235] : memref<4096xf32, #tpu.memory_space<vmem>> -> memref<4096xf32, #tpu.memory_space<vmem>>
    tpu.wait_dma2 semaphore(%arg35 : memref<!tpu.dma_semaphore, #tpu.memory_space<semaphore_mem>>) src(%dma_wait3A_1236 : memref<4096xf32, #tpu.memory_space<vmem>>) dst(%dma_wait3A_1234 : memref<4096xf32, #tpu.memory_space<hbm>>)
    %dma_wait3A_1237 = arith.constant 1 : i32
    %dma_wait3A_1238 = arith.constant 0 : i32
    %dma_wait3A_1239 = tpu.memref_slice %arg24[%dma_wait3A_1238] : memref<4096xf32, #tpu.memory_space<vmem>> -> memref<4096xf32, #tpu.memory_space<vmem>>
    %dma_wait3A_1240 = tpu.memref_slice %arg6[%dma_wait3A_1237, %add3A_947] : memref<4x1048576xf32, #tpu.memory_space<hbm>> -> memref<1x4096xf32, #tpu.memory_space<hbm>>
    %dma_wait3A_1241 = tpu.memref_squeeze %dma_wait3A_1240 : memref<1x4096xf32, #tpu.memory_space<hbm>> -> memref<4096xf32, #tpu.memory_space<hbm>>
    %dma_wait3A_1242 = tpu.memref_slice %arg6[%dma_wait3A_1237, %add3A_947] : memref<4x1048576xf32, #tpu.memory_space<hbm>> -> memref<1x4096xf32, #tpu.memory_space<hbm>>
    %dma_wait3A_1243 = tpu.memref_squeeze %dma_wait3A_1242 : memref<1x4096xf32, #tpu.memory_space<hbm>> -> memref<4096xf32, #tpu.memory_space<hbm>>
    %dma_wait3A_1244 = arith.constant 0 : i32
    %dma_wait3A_1245 = tpu.memref_slice %arg24[%dma_wait3A_1244] : memref<4096xf32, #tpu.memory_space<vmem>> -> memref<4096xf32, #tpu.memory_space<vmem>>
    tpu.wait_dma2 semaphore(%arg35 : memref<!tpu.dma_semaphore, #tpu.memory_space<semaphore_mem>>) src(%dma_wait3A_1245 : memref<4096xf32, #tpu.memory_space<vmem>>) dst(%dma_wait3A_1243 : memref<4096xf32, #tpu.memory_space<hbm>>)
    %dma_wait3A_1246 = arith.constant 2 : i32
    %dma_wait3A_1247 = arith.constant 0 : i32
    %dma_wait3A_1248 = tpu.memref_slice %arg25[%dma_wait3A_1247] : memref<4096xf32, #tpu.memory_space<vmem>> -> memref<4096xf32, #tpu.memory_space<vmem>>
    %dma_wait3A_1249 = tpu.memref_slice %arg6[%dma_wait3A_1246, %add3A_947] : memref<4x1048576xf32, #tpu.memory_space<hbm>> -> memref<1x4096xf32, #tpu.memory_space<hbm>>
    %dma_wait3A_1250 = tpu.memref_squeeze %dma_wait3A_1249 : memref<1x4096xf32, #tpu.memory_space<hbm>> -> memref<4096xf32, #tpu.memory_space<hbm>>
    %dma_wait3A_1251 = tpu.memref_slice %arg6[%dma_wait3A_1246, %add3A_947] : memref<4x1048576xf32, #tpu.memory_space<hbm>> -> memref<1x4096xf32, #tpu.memory_space<hbm>>
    %dma_wait3A_1252 = tpu.memref_squeeze %dma_wait3A_1251 : memref<1x4096xf32, #tpu.memory_space<hbm>> -> memref<4096xf32, #tpu.memory_space<hbm>>
    %dma_wait3A_1253 = arith.constant 0 : i32
    %dma_wait3A_1254 = tpu.memref_slice %arg25[%dma_wait3A_1253] : memref<4096xf32, #tpu.memory_space<vmem>> -> memref<4096xf32, #tpu.memory_space<vmem>>
    tpu.wait_dma2 semaphore(%arg35 : memref<!tpu.dma_semaphore, #tpu.memory_space<semaphore_mem>>) src(%dma_wait3A_1254 : memref<4096xf32, #tpu.memory_space<vmem>>) dst(%dma_wait3A_1252 : memref<4096xf32, #tpu.memory_space<hbm>>)
    %dma_wait3A_1255 = arith.constant 3 : i32
    %dma_wait3A_1256 = arith.constant 0 : i32
    %dma_wait3A_1257 = tpu.memref_slice %arg26[%dma_wait3A_1256] : memref<4096xf32, #tpu.memory_space<vmem>> -> memref<4096xf32, #tpu.memory_space<vmem>>
    %dma_wait3A_1258 = tpu.memref_slice %arg6[%dma_wait3A_1255, %add3A_947] : memref<4x1048576xf32, #tpu.memory_space<hbm>> -> memref<1x4096xf32, #tpu.memory_space<hbm>>
    %dma_wait3A_1259 = tpu.memref_squeeze %dma_wait3A_1258 : memref<1x4096xf32, #tpu.memory_space<hbm>> -> memref<4096xf32, #tpu.memory_space<hbm>>
    %dma_wait3A_1260 = tpu.memref_slice %arg6[%dma_wait3A_1255, %add3A_947] : memref<4x1048576xf32, #tpu.memory_space<hbm>> -> memref<1x4096xf32, #tpu.memory_space<hbm>>
    %dma_wait3A_1261 = tpu.memref_squeeze %dma_wait3A_1260 : memref<1x4096xf32, #tpu.memory_space<hbm>> -> memref<4096xf32, #tpu.memory_space<hbm>>
    %dma_wait3A_1262 = arith.constant 0 : i32
    %dma_wait3A_1263 = tpu.memref_slice %arg26[%dma_wait3A_1262] : memref<4096xf32, #tpu.memory_space<vmem>> -> memref<4096xf32, #tpu.memory_space<vmem>>
    tpu.wait_dma2 semaphore(%arg35 : memref<!tpu.dma_semaphore, #tpu.memory_space<semaphore_mem>>) src(%dma_wait3A_1263 : memref<4096xf32, #tpu.memory_space<vmem>>) dst(%dma_wait3A_1261 : memref<4096xf32, #tpu.memory_space<hbm>>)
    %dma_wait3A_1264 = arith.constant 0 : i32
    %dma_wait3A_1265 = arith.constant 0 : i32
    %dma_wait3A_1266 = tpu.memref_slice %arg27[%dma_wait3A_1265] : memref<4096xf32, #tpu.memory_space<vmem>> -> memref<3072xf32, #tpu.memory_space<vmem>>
    %dma_wait3A_1267 = tpu.memref_slice %arg6[%dma_wait3A_1264, %add3A_1051] : memref<4x1048576xf32, #tpu.memory_space<hbm>> -> memref<1x3072xf32, #tpu.memory_space<hbm>>
    %dma_wait3A_1268 = tpu.memref_squeeze %dma_wait3A_1267 : memref<1x3072xf32, #tpu.memory_space<hbm>> -> memref<3072xf32, #tpu.memory_space<hbm>>
    %dma_wait3A_1269 = tpu.memref_slice %arg6[%dma_wait3A_1264, %add3A_1051] : memref<4x1048576xf32, #tpu.memory_space<hbm>> -> memref<1x3072xf32, #tpu.memory_space<hbm>>
    %dma_wait3A_1270 = tpu.memref_squeeze %dma_wait3A_1269 : memref<1x3072xf32, #tpu.memory_space<hbm>> -> memref<3072xf32, #tpu.memory_space<hbm>>
    %dma_wait3A_1271 = arith.constant 0 : i32
    %dma_wait3A_1272 = tpu.memref_slice %arg27[%dma_wait3A_1271] : memref<4096xf32, #tpu.memory_space<vmem>> -> memref<3072xf32, #tpu.memory_space<vmem>>
    tpu.wait_dma2 semaphore(%arg36 : memref<!tpu.dma_semaphore, #tpu.memory_space<semaphore_mem>>) src(%dma_wait3A_1272 : memref<3072xf32, #tpu.memory_space<vmem>>) dst(%dma_wait3A_1270 : memref<3072xf32, #tpu.memory_space<hbm>>)
    %dma_wait3A_1273 = arith.constant 1 : i32
    %dma_wait3A_1274 = arith.constant 0 : i32
    %dma_wait3A_1275 = tpu.memref_slice %arg28[%dma_wait3A_1274] : memref<4096xf32, #tpu.memory_space<vmem>> -> memref<3072xf32, #tpu.memory_space<vmem>>
    %dma_wait3A_1276 = tpu.memref_slice %arg6[%dma_wait3A_1273, %add3A_1051] : memref<4x1048576xf32, #tpu.memory_space<hbm>> -> memref<1x3072xf32, #tpu.memory_space<hbm>>
    %dma_wait3A_1277 = tpu.memref_squeeze %dma_wait3A_1276 : memref<1x3072xf32, #tpu.memory_space<hbm>> -> memref<3072xf32, #tpu.memory_space<hbm>>
    %dma_wait3A_1278 = tpu.memref_slice %arg6[%dma_wait3A_1273, %add3A_1051] : memref<4x1048576xf32, #tpu.memory_space<hbm>> -> memref<1x3072xf32, #tpu.memory_space<hbm>>
    %dma_wait3A_1279 = tpu.memref_squeeze %dma_wait3A_1278 : memref<1x3072xf32, #tpu.memory_space<hbm>> -> memref<3072xf32, #tpu.memory_space<hbm>>
    %dma_wait3A_1280 = arith.constant 0 : i32
    %dma_wait3A_1281 = tpu.memref_slice %arg28[%dma_wait3A_1280] : memref<4096xf32, #tpu.memory_space<vmem>> -> memref<3072xf32, #tpu.memory_space<vmem>>
    tpu.wait_dma2 semaphore(%arg36 : memref<!tpu.dma_semaphore, #tpu.memory_space<semaphore_mem>>) src(%dma_wait3A_1281 : memref<3072xf32, #tpu.memory_space<vmem>>) dst(%dma_wait3A_1279 : memref<3072xf32, #tpu.memory_space<hbm>>)
    %dma_wait3A_1282 = arith.constant 2 : i32
    %dma_wait3A_1283 = arith.constant 0 : i32
    %dma_wait3A_1284 = tpu.memref_slice %arg29[%dma_wait3A_1283] : memref<4096xf32, #tpu.memory_space<vmem>> -> memref<3072xf32, #tpu.memory_space<vmem>>
    %dma_wait3A_1285 = tpu.memref_slice %arg6[%dma_wait3A_1282, %add3A_1051] : memref<4x1048576xf32, #tpu.memory_space<hbm>> -> memref<1x3072xf32, #tpu.memory_space<hbm>>
    %dma_wait3A_1286 = tpu.memref_squeeze %dma_wait3A_1285 : memref<1x3072xf32, #tpu.memory_space<hbm>> -> memref<3072xf32, #tpu.memory_space<hbm>>
    %dma_wait3A_1287 = tpu.memref_slice %arg6[%dma_wait3A_1282, %add3A_1051] : memref<4x1048576xf32, #tpu.memory_space<hbm>> -> memref<1x3072xf32, #tpu.memory_space<hbm>>
    %dma_wait3A_1288 = tpu.memref_squeeze %dma_wait3A_1287 : memref<1x3072xf32, #tpu.memory_space<hbm>> -> memref<3072xf32, #tpu.memory_space<hbm>>
    %dma_wait3A_1289 = arith.constant 0 : i32
    %dma_wait3A_1290 = tpu.memref_slice %arg29[%dma_wait3A_1289] : memref<4096xf32, #tpu.memory_space<vmem>> -> memref<3072xf32, #tpu.memory_space<vmem>>
    tpu.wait_dma2 semaphore(%arg36 : memref<!tpu.dma_semaphore, #tpu.memory_space<semaphore_mem>>) src(%dma_wait3A_1290 : memref<3072xf32, #tpu.memory_space<vmem>>) dst(%dma_wait3A_1288 : memref<3072xf32, #tpu.memory_space<hbm>>)
    %dma_wait3A_1291 = arith.constant 3 : i32
    %dma_wait3A_1292 = arith.constant 0 : i32
    %dma_wait3A_1293 = tpu.memref_slice %arg30[%dma_wait3A_1292] : memref<4096xf32, #tpu.memory_space<vmem>> -> memref<3072xf32, #tpu.memory_space<vmem>>
    %dma_wait3A_1294 = tpu.memref_slice %arg6[%dma_wait3A_1291, %add3A_1051] : memref<4x1048576xf32, #tpu.memory_space<hbm>> -> memref<1x3072xf32, #tpu.memory_space<hbm>>
    %dma_wait3A_1295 = tpu.memref_squeeze %dma_wait3A_1294 : memref<1x3072xf32, #tpu.memory_space<hbm>> -> memref<3072xf32, #tpu.memory_space<hbm>>
    %dma_wait3A_1296 = tpu.memref_slice %arg6[%dma_wait3A_1291, %add3A_1051] : memref<4x1048576xf32, #tpu.memory_space<hbm>> -> memref<1x3072xf32, #tpu.memory_space<hbm>>
    %dma_wait3A_1297 = tpu.memref_squeeze %dma_wait3A_1296 : memref<1x3072xf32, #tpu.memory_space<hbm>> -> memref<3072xf32, #tpu.memory_space<hbm>>
    %dma_wait3A_1298 = arith.constant 0 : i32
    %dma_wait3A_1299 = tpu.memref_slice %arg30[%dma_wait3A_1298] : memref<4096xf32, #tpu.memory_space<vmem>> -> memref<3072xf32, #tpu.memory_space<vmem>>
    tpu.wait_dma2 semaphore(%arg36 : memref<!tpu.dma_semaphore, #tpu.memory_space<semaphore_mem>>) src(%dma_wait3A_1299 : memref<3072xf32, #tpu.memory_space<vmem>>) dst(%dma_wait3A_1297 : memref<3072xf32, #tpu.memory_space<hbm>>)
    return
  }
}

</mosaic_0001>

<sc_bundles>
// kernel: kernel.3.cloned.1.call-start
scs
__scs_entry_jumppad:
0x0: {  	(pc) =	sbr.rel $0x88, $3  }
0x1: {  	(tag) =	ssettag $0x0;
	lr =	simm.s32 $0x1  }
0x2: {  	[smem:$0x3F9D] =	sst lr;
	_ =	strace $0xD0000000  }
0x3: {  	_ = 	snop  }
0x4: {  	_ = 	snop  }
0x5: {  	_ = 	snop  }
0x6: {  	_ = 	snop  }
0x7: {  	_ = 	snop  }
__scs_overlays_trampoline_lowered:
0x8: {  	[smem:$0x3FAC] =	sst s0  }
0x9: {  	[smem:$0x3FAD] =	sst s1  }
0xa: {  	[smem:$0x3FAE] =	sst s2  }
0xb: {  	[smem:$0x3FAF] =	sst s3  }
0xc: {  	[smem:$0x3FB0] =	sst s4  }
0xd: {  	[smem:$0x3FB1] =	sst s5  }
0xe: {  	[smem:$0x3FB2] =	sst s6  }
0xf: {  	[smem:$0x3FB3] =	sst s7  }
0x10: {  	[smem:$0x3FB4] =	sst s8  }
0x11: {  	[smem:$0x3FB5] =	sst s9;
	s0 =	simm.s32 @!p0 $0x0  }
0x12: {  	s1 =	sld [smem:$0x3F9B];
	s0 =	simm.s32 @p0 $0x1  }
0x13: {  	[smem:$0x3FB6] =	sst s0;
	s0 =	simm.s32 @!p1 $0x0  }
0x14: {  	s2 =	sld [smem:$0x3F9A];
	s0 =	simm.s32 @p1 $0x1  }
0x15: {  	[smem:$0x3FB7] =	sst s0;
	s0 =	simm.s32 @!p2 $0x0  }
0x16: {  	s3 =	sld [smem:$0x3FDB];
	s0 =	simm.s32 @p2 $0x1  }
0x17: {  	s4 =	simm.s32 $0x1BF5;
	[smem:$0x3FB9] =	sst s0  }
0x18: {  	s0 =	sld [smem:$0x3F9C];
	_ =	swait.ge [sflag:s4], $0x0  }
0x19: {  	s7 =	sld [smem:$0x3F9D]  }
0x1a: {  	s8 =	sadd.s32 $0xFFFFE003, lr  }
0x1b: {  	s9 =	sadd.s32 $0xFFFFFEF7, lr;
	s5 =	simm.s32 $0xFFFFFFFF;
	p2 =	slt.u32 s8, $0xFFFFF086  }
0x1c: {  	p1 =	slt.u32 s9, $0xF7A;
	s5 =	simm.s32 @!p2 $0x0  }
0x1d: {  	s5 =	simm.s32 @p1 $0x1;
	p0 =	seq.s32 s7, s2  }
0x1e: {  	s7 =	smul.u32 @!p0 $0xF7A, s2;
	p2 =	seq.s32 @!p0 s5, $0x0  }
0x1f: {  	s9 =	smul.u32 $0xF7A, s1;
	s8 =	simm.s32 @!p0 $0x1BF5;
	p2 =	por !p2, p0  }
0x20: {  	[sflag:s8] =	ssyncset.s32 @!p0 $0xFFFFF086;
	s6 =	sadd.s32 @!p0 s3, s7;
	s7 =	simm.s32 @!p0 $0x108  }
0x21: {  	s3 =	sadd.s32 s3, s9;
	s6 =	sadd.s32 @!p0 $0x88, s6;
	s7 =	simm.s32 @p2 $0x1082  }
0x22: {  	[simem:s7], [sflag:s8] =	dma.local @!p0 [hbm:s6], $0xF7A  }
0x23: {  	s9 =	sor.u32 $0xD0000000, s2;
	s6 =	simm.s32 $0x108;
	_ =	swait.ge @!p0 [sflag:s8], $0x0  }
0x24: {  	s3 =	sadd.s32 $0x88, s3;
	s6 =	simm.s32 @!p1 $0x1082;
	[sflag:s4] =	ssyncset.s32 $0xFFFFF086  }
0x25: {  	[simem:s6], [sflag:s4] =	dma.local [hbm:s3], $0xF7A  }
0x26: {  	[smem:$0x3F9D] =	sst s1;
	(tag) =	ssettag s2;
	_ =	strace s9  }
0x27: {  	s1 =	sld [smem:$0x3FAD]  }
0x28: {  	s2 =	sld [smem:$0x3FAE]  }
0x29: {  	s4 =	sld [smem:$0x3FB0]  }
0x2a: {  	p0 =	seq.s32 s5, $0x0;
	s5 =	sld [smem:$0x3FB1]  }
0x2b: {  	s6 =	sld [smem:$0x3FB2]  }
0x2c: {  	s7 =	sld [smem:$0x3FB3]  }
0x2d: {  	s3 =	simm.s32 $0x108;
	s8 =	sld [smem:$0x3FB4]  }
0x2e: {  	s3 =	simm.s32 @!p0 $0x1082;
	s9 =	sld [smem:$0x3FB5]  }
0x2f: {  	lr =	sadd.s32 s0, s3;
	s0 =	sld [smem:$0x3FAC]  }
0x30: {  	s3 =	sld [smem:$0x3FAF]  }
0x31: {  	[smem:$0x3FB8] =	sst s10  }
0x32: {  	s10 =	sld [smem:$0x3FB6];
	_ =	sdelay $0x3  }
0x33: {  	p0 =	seq.s32 s10, $0x1;
	s10 =	sld [smem:$0x3FB8];
	_ =	sdelay $0x3  }
0x34: {  	[smem:$0x3FB8] =	sst s10  }
0x35: {  	s10 =	sld [smem:$0x3FB7];
	_ =	sdelay $0x3  }
0x36: {  	p1 =	seq.s32 s10, $0x1;
	s10 =	sld [smem:$0x3FB8];
	_ =	sdelay $0x3  }
0x37: {  	[smem:$0x3FB8] =	sst s10  }
0x38: {  	s10 =	sld [smem:$0x3FB9]  }
0x39: {  	_ = 	snop;
	(pc) =	sbr.ind lr, $3  }
0x3a: {  	_ = 	snop  }
0x3b: {  	_ = 	snop  }
0x3c: {  	p2 =	seq.s32 s10, $0x1;
	s10 =	sld [smem:$0x3FB8]  }
0x3d: {  	_ =	shalt  }
0x3e: {  	_ =	shalt  }
0x3f: {  	_ =	shalt  }
0x40: {  	_ =	shalt  }
0x41: {  	_ =	shalt  }
0x42: {  	_ =	shalt  }
0x43: {  	_ =	shalt  }
0x44: {  	_ =	shalt  }
0x45: {  	_ =	shalt  }
0x46: {  	_ =	shalt  }
0x47: {  	_ =	shalt  }
0x48: {  	_ =	shalt  }
0x49: {  	_ =	shalt  }
0x4a: {  	_ =	shalt  }
0x4b: {  	_ =	shalt  }
0x4c: {  	_ =	shalt  }
0x4d: {  	_ =	shalt  }
0x4e: {  	_ =	shalt  }
0x4f: {  	_ =	shalt  }
0x50: {  	_ =	shalt  }
0x51: {  	_ =	shalt  }
0x52: {  	_ =	shalt  }
0x53: {  	_ =	shalt  }
0x54: {  	_ =	shalt  }
0x55: {  	_ =	shalt  }
0x56: {  	_ =	shalt  }
0x57: {  	_ =	shalt  }
0x58: {  	_ =	shalt  }
0x59: {  	_ =	shalt  }
0x5a: {  	_ =	shalt  }
0x5b: {  	_ =	shalt  }
0x5c: {  	_ =	shalt  }
0x5d: {  	_ =	shalt  }
0x5e: {  	_ =	shalt  }
0x5f: {  	_ =	shalt  }
0x60: {  	_ =	shalt  }
0x61: {  	_ =	shalt  }
0x62: {  	_ =	shalt  }
0x63: {  	_ =	shalt  }
0x64: {  	_ =	shalt  }
0x65: {  	_ =	shalt  }
0x66: {  	_ =	shalt  }
0x67: {  	_ =	shalt  }
0x68: {  	_ =	shalt  }
0x69: {  	_ =	shalt  }
0x6a: {  	_ =	shalt  }
0x6b: {  	_ =	shalt  }
0x6c: {  	_ =	shalt  }
0x6d: {  	_ =	shalt  }
0x6e: {  	_ =	shalt  }
0x6f: {  	_ =	shalt  }
0x70: {  	_ =	shalt  }
0x71: {  	_ =	shalt  }
0x72: {  	_ =	shalt  }
0x73: {  	_ =	shalt  }
0x74: {  	_ =	shalt  }
0x75: {  	_ =	shalt  }
0x76: {  	_ =	shalt  }
0x77: {  	_ =	shalt  }
0x78: {  	_ =	shalt  }
0x79: {  	_ =	shalt  }
0x7a: {  	_ =	shalt  }
0x7b: {  	_ =	shalt  }
0x7c: {  	_ =	shalt  }
0x7d: {  	_ =	shalt  }
0x7e: {  	_ =	shalt  }
0x7f: {  	_ =	shalt  }
0x80: {  	_ =	shalt  }
0x81: {  	_ =	shalt  }
0x82: {  	_ =	shalt  }
0x83: {  	_ =	shalt  }
0x84: {  	_ =	shalt  }
0x85: {  	_ =	shalt  }
0x86: {  	_ =	shalt  }
0x87: {  	_ =	shalt  }
.Lfunc_end0:
.L_simem_size_0:
called_computation_lowered:
.L_overlay_start_0:
0x88: {  	s2 =	sld [smem:$0x3FD9]  }
0x89: {  	s3 =	sld [smem:$0x3FFE];
	_ =	sdelay $0x1  }
0x8a: {  	s1 =	srdreg.scid  }
0x8b: {  	s0 =	sand.u32 $0x1, s1  }
0x8c: {  	s18 =	sshll.u32 s0, $0xA;
	s2 =	sadd.s32 s3, s2  }
0x8d: {  	s2 =	sadd.s32 s2, s18  }
0x8e: {  	[smem:$0x3FC4] =	sst s2  }
0x8f: {  	_ = 	snop  }
0x90: {  	s2 =	sld [smem:$0x3FC9]  }
0x91: {  	s19 =	sld [smem:$0x3FC8]  }
0x92: {  	s4 =	sld [smem:$0x3FC7]  }
0x93: {  	s5 =	sld [smem:$0x3FC6]  }
0x94: {  	s6 =	sld [smem:$0x3FD0];
	(tm) =	ssettm $0x1  }
0x95: {  	s7 =	sld [smem:$0x3FFB];
	_ =	sdelay $0x3  }
0x96: {  	_ =	strace s7  }
0x97: {  	s7 =	sld [smem:$0x3FFC];
	_ =	sdelay $0x3  }
0x98: {  	_ =	strace s7  }
0x99: {  	s7 =	sld [smem:$0x3FFD];
	_ =	sdelay $0x3  }
0x9a: {  	_ =	strace s7  }
0x9b: {  	_ =	strace $0x8FFFFFFF  }
0x9c: {  	s20 =	sld [smem:$0x3FDB];
	_ =	sdelay $0x1  }
0x9d: {  	s8 =	simm.s32 $_scs_section_size  }
0x9e: {  	s9 =	simm.s32 $_size__tile_overlayer_lowered;
	s10 =	simm.s32 $_tile_overlayer_lowered  }
0x9f: {  	s23 =	simm.s32 $0x1BFF;
	s22 =	sshll.u32 s10, $0x1;
	s7 =	sadd.s32 s8, s20  }
0xa0: {  	s11 =	simm.s32 $0x0;
	s21 =	sshll.u32 s9, $0x1;
	s9 =	sadd.s32 s22, s7  }
0xa1: {  	[timem:s11], [sflag:s23] =	dma.local [hbm:s9], s21  }
0xa2: {  	_ =	swait.ge [sflag:s23], s21  }
0xa3: {  	s8 =	ssub.s32 $0x0, s21;
	[sflag:s23] =	ssyncset.done $0x0  }
0xa4: {  	[sflag:s23] =	ssyncadd.s32 s8;
	_ =	sdelay $0x1  }
0xa5: {  	s24 =	simm.s32 $0x1B8B  }
0xa6: {  	_ =	swait.ge [sflag:s24], $0x1  }
0xa7: {  	[sflag:s24] =	ssyncset.done $0x0  }
0xa8: {  	s25 =	simm.s32 $0x1B8E;
	[sflag:s24] =	ssyncadd.s32 $0xFFFFFFFF  }
0xa9: {  	s26 =	simm.s32 $execute0_lowered;
	[smem:$0x3FD2] =	sst s25  }
0xaa: {  	s8 =	sshll.u32 s26, $0x1;
	_ =	strace $0x80000046;
	[dreg:$0x1] =	wrdreg $0xFFFFFFFF  }
0xab: {  	s28 =	simm.s32 $_size_execute0_lowered;
	s7 =	sadd.s32 s7, s8;
	[dreg:$0x0] =	wrdreg $0x0  }
0xac: {  	s8 =	sshll.u32 s28, $0x1;
	[dreg:$0x2] =	wrdreg s7  }
0xad: {  	[dreg:$0x3] =	wrdreg s8  }
0xae: {  	[dreg:$0x4] =	wrdreg $0xC0  }
0xaf: {  	_ =	task [dreg:s11], $0x5FFFF  }
0xb0: {  	[dreg:$0x1] =	wrdreg $0xFFFFFFFF  }
0xb1: {  	[dreg:$0x0] =	wrdreg $0x60  }
0xb2: {  	[dreg:$0x2] =	wrdreg s2  }
0xb3: {  	[dreg:$0x3] =	wrdreg s19  }
0xb4: {  	[dreg:$0x4] =	wrdreg s4  }
0xb5: {  	[dreg:$0x5] =	wrdreg s5  }
0xb6: {  	[dreg:$0x6] =	wrdreg s6  }
0xb7: {  	[dreg:$0x7] =	wrdreg $0x9  }
0xb8: {  	_ =	task.clear_ibuf [dreg:s11], $0x8FFFF;
	_ =	strace $0x90000046  }
0xb9: {  	s29 =	simm.s32 $0x9;
	_ =	strace $0x80000048  }
0xba: {  	_ =	swait.ge [sflag:s29], $0x1  }
0xbb: {  	[sflag:s29] =	ssyncadd.s32 $0xFFFFFFFF  }
0xbc: {  	_ =	strace $0x90000048  }
0xbd: {  	_ =	sfence  }
0xbe: {  	s30 =	sld [smem:$0x0];
	_ =	sdelay $0x2  }
0xbf: {  	s31 =	sshll.u32 s1, $0xD;
	s1 =	sshrl.u32 s1, $0x2  }
0xc0: {  	s3 =	sand.u32 $0x4000, s31;
	s1 =	sadd.s32 s1, s30  }
0xc1: {  	s0 =	sor.u32 s3, s0;
	s1 =	sshll.u32 s1, $0x11  }
0xc2: {  	s0 =	sor.u32 s1, s0  }
0xc3: {  	s0 =	sadd.s32 $0x8F2B, s0  }
0xc4: {  	[sflag:s0] =	ssyncadd.remote.s32 $0x1  }
0xc5: {  	_ =	sfence.sel $0xFFFF  }
0xc6: {  	[dreg:$0x0] =	wrdreg $0xFFFFFFFF;
	(pc) =	sbr.abs _section_cstart, $3  }
0xc7: {  	[dreg:$0x1] =	wrdreg $0xFFFFFFFF  }
0xc8: {  	_ =	task.clear_ibuf [dreg:s11], $0x2FFFF;
	_ =	strace $0x9FFFFFFF  }
0xc9: {  	(tm) =	ssettm $0x7FFFFFFF  }
tec
execute0_lowered:
.L_overlay_start_1:
0x0: {  	(tag) =	ssettag $0x1  }
0x1: {  	s2 =	rddreg [dreg:$0x0]  }
0x2: {  	s3 =	rddreg [dreg:$0x1];
	s0 =	srdreg.scid  }
0x3: {  	s4 =	rddreg [dreg:$0x2];
	s7 =	stileid.u32;
	s0 =	sand.u32 $0x1, s0  }
0x4: {  	s7 =	sshll.u32 s7, $0x10;
	s6 =	ssub.s32 $0x2, s0;
	s0 =	sshll.u32 s0, $0xF  }
0x5: {  	s5 =	rddreg [dreg:$0x3];
	s9 =	sor.u32 s0, s7  }
0x6: {  	s1 =	simm.s32 $0x0;
	s8 =	sshrl.u32 s6, $0x1;
	s7 =	sshrl.u32 s9, $0x3  }
0x7: {  	[smem:$0x7FF] =	sst s1;
	s0 =	ssub.s32 s6, s8;
	s18 =	sadd.s32 s2, s7  }
0x8: {  	s8 =	sshrl.u32 s9, $0x7;
	s19 =	sadd.s32 s3, s7;
	[dreg:$0x6] =	wrdreg s18  }
0x9: {  	s6 =	sor.u32 $0x8, s8;
	s10 =	sadd.s32 s4, s7;
	[dreg:$0x7] =	wrdreg s19  }
0xa: {  	s7 =	sadd.s32 s5, s7;
	[dreg:$0x8] =	wrdreg s10;
	s20 =	sshll.u32 s6, $0x4  }
0xb: {  	[dreg:$0x9] =	wrdreg s7;
	s21 =	sadd.s32 s2, s20  }
0xc: {  	s22 =	sadd.s32 s3, s20;
	[dreg:$0xa] =	wrdreg s21  }
0xd: {  	s10 =	sor.u32 $0x20, s8;
	s11 =	sadd.s32 s4, s20;
	[dreg:$0xb] =	wrdreg s22  }
0xe: {  	s7 =	sadd.s32 s5, s20;
	s23 =	sshll.u32 s10, $0x4;
	[dreg:$0xc] =	wrdreg s11  }
0xf: {  	[dreg:$0xd] =	wrdreg s7;
	s24 =	sadd.s32 s2, s23  }
0x10: {  	s25 =	sadd.s32 s3, s23;
	[dreg:$0xe] =	wrdreg s24  }
0x11: {  	s7 =	sor.u32 $0x40, s8;
	s12 =	sadd.s32 s4, s23;
	[dreg:$0xf] =	wrdreg s25  }
0x12: {  	s11 =	sadd.s32 s5, s23;
	[dreg:$0x10] =	wrdreg s12;
	s26 =	sshll.u32 s7, $0x4  }
0x13: {  	[dreg:$0x11] =	wrdreg s11;
	s29 =	sadd.s32 s2, s26  }
0x14: {  	s30 =	sadd.s32 s3, s26;
	[dreg:$0x12] =	wrdreg s29  }
0x15: {  	s12 =	sor.u32 $0x60, s8;
	s13 =	sadd.s32 s4, s26;
	[dreg:$0x13] =	wrdreg s30  }
0x16: {  	s11 =	sadd.s32 s5, s26;
	s31 =	sshll.u32 s12, $0x4;
	[dreg:$0x14] =	wrdreg s13  }
0x17: {  	[dreg:$0x15] =	wrdreg s11;
	s15 =	sadd.s32 s2, s31  }
0x18: {  	s16 =	sadd.s32 s3, s31;
	[dreg:$0x16] =	wrdreg s15  }
0x19: {  	s13 =	sor.u32 $0x80, s8;
	s14 =	sadd.s32 s4, s31;
	[dreg:$0x17] =	wrdreg s16  }
0x1a: {  	s11 =	sadd.s32 s5, s31;
	[dreg:$0x18] =	wrdreg s14;
	s17 =	sshll.u32 s13, $0x4  }
0x1b: {  	[dreg:$0x19] =	wrdreg s11;
	s18 =	sadd.s32 s2, s17  }
0x1c: {  	s19 =	sadd.s32 s3, s17;
	[dreg:$0x1a] =	wrdreg s18  }
0x1d: {  	s14 =	sor.u32 $0xA0, s8;
	s15 =	sadd.s32 s4, s17;
	[dreg:$0x1b] =	wrdreg s19  }
0x1e: {  	s11 =	sadd.s32 s5, s17;
	s20 =	sshll.u32 s14, $0x4;
	[dreg:$0x1c] =	wrdreg s15  }
0x1f: {  	[dreg:$0x1d] =	wrdreg s11;
	s21 =	sadd.s32 s2, s20  }
0x20: {  	s22 =	sadd.s32 s3, s20;
	[dreg:$0x1e] =	wrdreg s21  }
0x21: {  	s15 =	sor.u32 $0xC0, s8;
	s16 =	sadd.s32 s4, s20;
	[dreg:$0x1f] =	wrdreg s22  }
0x22: {  	s11 =	sadd.s32 s5, s20;
	[smem:$0x7C7] =	sst s16;
	s23 =	sshll.u32 s15, $0x4  }
0x23: {  	[smem:$0x7C8] =	sst s11;
	s24 =	sadd.s32 s2, s23  }
0x24: {  	s16 =	sor.u32 $0xE0, s8;
	s25 =	sadd.s32 s3, s23;
	[smem:$0x7C9] =	sst s24  }
0x25: {  	s8 =	sor.u32 $0xF8, s8;
	s17 =	sadd.s32 s4, s23;
	[smem:$0x7CA] =	sst s25  }
0x26: {  	s11 =	sadd.s32 s5, s23;
	s26 =	sshll.u32 s16, $0x4;
	[smem:$0x7CB] =	sst s17  }
0x27: {  	s18 =	sshll.u32 s8, $0x4;
	[smem:$0x7CC] =	sst s11;
	s29 =	sadd.s32 s2, s26  }
0x28: {  	s30 =	sadd.s32 s3, s26;
	s19 =	sadd.s32 s3, s18;
	s3 =	rddreg [dreg:$0x4]  }
0x29: {  	[smem:$0x7CD] =	sst s29  }
0x2a: {  	s31 =	sadd.s32 s4, s26;
	[smem:$0x7CE] =	sst s30  }
0x2b: {  	s11 =	sadd.s32 s5, s26;
	[smem:$0x7CF] =	sst s31  }
0x2c: {  	s2 =	sadd.s32 s2, s18;
	[smem:$0x7D0] =	sst s11  }
0x2d: {  	[smem:$0x7D1] =	sst s2  }
0x2e: {  	s20 =	sadd.s32 s4, s18;
	[smem:$0x7D2] =	sst s19  }
0x2f: {  	s22 =	sshrl.u32 s9, $0x1;
	s21 =	sadd.s32 s5, s18;
	[smem:$0x7D3] =	sst s20  }
0x30: {  	s25 =	sshll.u32 s6, $0x6;
	[smem:$0x7D4] =	sst s21;
	s23 =	sadd.s32 s3, s22  }
0x31: {  	s26 =	sshll.u32 s10, $0x6;
	s29 =	sadd.s32 s3, s25;
	[smem:$0x7D5] =	sst s23  }
0x32: {  	s4 =	sadd.s32 $0x10, s3;
	s11 =	sadd.s32 s3, s26;
	[smem:$0x7D9] =	sst s29  }
0x33: {  	s5 =	sadd.s32 $0x20, s3;
	s9 =	sadd.s32 s22, s4;
	[smem:$0x7DD] =	sst s11  }
0x34: {  	s24 =	sadd.s32 s22, s5;
	[smem:$0x7D6] =	sst s9  }
0x35: {  	s30 =	sadd.s32 s25, s4;
	[smem:$0x7D7] =	sst s24  }
0x36: {  	s31 =	sadd.s32 s25, s5;
	[smem:$0x7DA] =	sst s30  }
0x37: {  	s17 =	sadd.s32 s26, s4;
	[smem:$0x7DB] =	sst s31  }
0x38: {  	s20 =	sshll.u32 s7, $0x6;
	s18 =	sadd.s32 s26, s5;
	[smem:$0x7DE] =	sst s17  }
0x39: {  	s21 =	sadd.s32 s3, s20;
	[smem:$0x7DF] =	sst s18  }
0x3a: {  	s23 =	sadd.s32 s20, s5;
	s9 =	sadd.s32 $0x30, s3;
	[smem:$0x7E1] =	sst s21  }
0x3b: {  	[smem:$0x7E3] =	sst s23;
	s2 =	sadd.s32 s22, s9  }
0x3c: {  	s19 =	sadd.s32 s26, s9;
	[smem:$0x7D8] =	sst s2  }
0x3d: {  	s24 =	sshll.u32 s12, $0x6;
	s22 =	sadd.s32 s20, s4;
	[smem:$0x7E0] =	sst s19  }
0x3e: {  	s26 =	sadd.s32 s3, s24;
	[smem:$0x7E2] =	sst s22  }
0x3f: {  	s29 =	sadd.s32 s24, s4;
	[smem:$0x7E5] =	sst s26  }
0x40: {  	s12 =	sshll.u32 s14, $0x6;
	s30 =	sadd.s32 s24, s5;
	[smem:$0x7E6] =	sst s29  }
0x41: {  	s14 =	sadd.s32 s12, s4;
	[smem:$0x7E7] =	sst s30  }
0x42: {  	s18 =	sshll.u32 s15, $0x6;
	s17 =	sadd.s32 s12, s5;
	[smem:$0x7EE] =	sst s14  }
0x43: {  	s28 =	simm.s32 $0x0;
	s21 =	sadd.s32 s18, s4;
	[smem:$0x7EF] =	sst s17  }
0x44: {  	s0 =	smax.u32 s0, $0x1;
	s2 =	sadd.s32 s25, s9;
	[smem:$0x7F2] =	sst s21  }
0x45: {  	s25 =	sshll.u32 s13, $0x6;
	s13 =	sadd.s32 s3, s12;
	[smem:$0x7DC] =	sst s2  }
0x46: {  	s6 =	simm.s32 $0x200;
	s22 =	sadd.s32 s18, s5;
	[smem:$0x7ED] =	sst s13  }
0x47: {  	s15 =	simm.s32 $0x13000;
	s2 =	sadd.s32 s20, s9;
	[smem:$0x7F3] =	sst s22  }
0x48: {  	s19 =	sshll.u32 s16, $0x6;
	s31 =	sadd.s32 s3, s25;
	[smem:$0x7E4] =	sst s2  }
0x49: {  	s29 =	sshll.u32 s8, $0x6;
	s7 =	sadd.s32 s25, s4;
	[smem:$0x7E9] =	sst s31  }
0x4a: {  	s8 =	simm.s32 $0xD000;
	s10 =	sadd.s32 s25, s5;
	[smem:$0x7EA] =	sst s7  }
0x4b: {  	s14 =	simm.s32 $0x12000;
	s11 =	sadd.s32 s25, s9;
	[smem:$0x7EB] =	sst s10  }
0x4c: {  	s16 =	simm.s32 $0x3;
	s20 =	sadd.s32 s3, s18;
	[smem:$0x7EC] =	sst s11  }
0x4d: {  	s17 =	simm.s32 $0x14000;
	s23 =	sadd.s32 s3, s19;
	[smem:$0x7F1] =	sst s20  }
0x4e: {  	s21 =	simm.s32 $0x4;
	s25 =	sadd.s32 s19, s5;
	[smem:$0x7F5] =	sst s23  }
0x4f: {  	s26 =	sadd.s32 s19, s9;
	s3 =	sadd.s32 s3, s29;
	[smem:$0x7F7] =	sst s25  }
0x50: {  	s30 =	sadd.s32 s29, s4;
	s13 =	simm.s32 $0x11000;
	[smem:$0x7F8] =	sst s26  }
0x51: {  	s22 =	simm.s32 $0x5;
	s2 =	sadd.s32 s24, s9;
	[smem:$0x7F9] =	sst s3  }
0x52: {  	s24 =	sadd.s32 s19, s4;
	[smem:$0x7FA] =	sst s30;
	s31 =	sadd.s32 s29, s5  }
0x53: {  	s23 =	simm.s32 $0x1000;
	s25 =	simm.s32 $0x3000;
	s3 =	simm.s32 $0xB000  }
0x54: {  	s4 =	simm.s32 $0x1;
	s5 =	simm.s32 $0x80;
	s7 =	simm.s32 $0xC000  }
0x55: {  	s10 =	simm.s32 $0xF000;
	s11 =	simm.s32 $0x2;
	[smem:$0x7E8] =	sst s2  }
0x56: {  	s19 =	simm.s32 $0x16000;
	s20 =	simm.s32 $0x17000;
	[smem:$0x7F6] =	sst s24  }
0x57: {  	s26 =	simm.s32 $0x6;
	s2 =	sadd.s32 s12, s9;
	[smem:$0x7FB] =	sst s31  }
0x58: {  	s24 =	simm.s32 $0x2000;
	[smem:$0x7F0] =	sst s2;
	s2 =	sadd.s32 s18, s9  }
0x59: {  	s12 =	simm.s32 $0x10000;
	[smem:$0x7F4] =	sst s2;
	s2 =	sadd.s32 s29, s9  }
0x5a: {  	s18 =	simm.s32 $0x15000;
	s9 =	simm.s32 $0xE000;
	[smem:$0x7FC] =	sst s2  }
0x5b: {  	s2 =	simm.s32 $0xA000;
	_ =	strace $0x80000047;
	[smem:$0x7FD] =	sst s0  }
.LBB2_1:
0x5c: {  	s0 =	rddreg [dreg:$0x6]  }
0x5d: {  	[tilespmem:s1], [sflag:$0x1] =	stream.linear.gather [hbm4b:s0+s1], $0x400, $0x38;
	[tilespmem:$0x18000] =	vst v63  }
0x5e: {  	s0 =	rddreg [dreg:$0x7]  }
0x5f: {  	[tilespmem:s23], [sflag:$0x1] =	stream.linear.gather [hbm4b:s0+s1], $0x400, $0x38;
	[tilespmem:$0x18000] =	vst v63  }
0x60: {  	s0 =	rddreg [dreg:$0x8]  }
0x61: {  	[tilespmem:s24], [sflag:$0x1] =	stream.linear.gather [hbm4b:s0+s1], $0x400, $0x38;
	[tilespmem:$0x18000] =	vst v63  }
0x62: {  	s0 =	rddreg [dreg:$0x9]  }
0x63: {  	[tilespmem:s25], [sflag:$0x1] =	stream.linear.gather [hbm4b:s0+s1], $0x400, $0x38;
	[tilespmem:$0x18000] =	vst v63  }
0x64: {  	s29 =	simm.s32 $0x4000;
	s0 =	rddreg [dreg:$0xa]  }
0x65: {  	[tilespmem:s29], [sflag:$0x2] =	stream.linear.gather [hbm4b:s0+s1], $0xC00, $0x38;
	[tilespmem:$0x18000] =	vst v63  }
0x66: {  	s0 =	rddreg [dreg:$0xb];
	s29 =	simm.s32 $0x5000  }
0x67: {  	[tilespmem:s29], [sflag:$0x2] =	stream.linear.gather [hbm4b:s0+s1], $0xC00, $0x38;
	[tilespmem:$0x18000] =	vst v63  }
0x68: {  	s0 =	rddreg [dreg:$0xc];
	s29 =	simm.s32 $0x6000  }
0x69: {  	[tilespmem:s29], [sflag:$0x2] =	stream.linear.gather [hbm4b:s0+s1], $0xC00, $0x38;
	[tilespmem:$0x18000] =	vst v63  }
0x6a: {  	s0 =	rddreg [dreg:$0xd];
	s29 =	simm.s32 $0x7000  }
0x6b: {  	[tilespmem:s29], [sflag:$0x2] =	stream.linear.gather [hbm4b:s0+s1], $0xC00, $0x38;
	[tilespmem:$0x18000] =	vst v63  }
0x6c: {  	s0 =	rddreg [dreg:$0xe];
	s29 =	simm.s32 $0x8000  }
0x6d: {  	[tilespmem:s29], [sflag:$0x3] =	stream.linear.gather [hbm4b:s0+s1], $0x1000, $0x38;
	[tilespmem:$0x18000] =	vst v63  }
0x6e: {  	s0 =	rddreg [dreg:$0xf];
	s29 =	simm.s32 $0x9000  }
0x6f: {  	[tilespmem:s29], [sflag:$0x3] =	stream.linear.gather [hbm4b:s0+s1], $0x1000, $0x38;
	[tilespmem:$0x18000] =	vst v63  }
0x70: {  	s0 =	rddreg [dreg:$0x10]  }
0x71: {  	[tilespmem:s2], [sflag:$0x3] =	stream.linear.gather [hbm4b:s0+s1], $0x1000, $0x38;
	[tilespmem:$0x18000] =	vst v63  }
0x72: {  	s0 =	rddreg [dreg:$0x11]  }
0x73: {  	[tilespmem:s3], [sflag:$0x3] =	stream.linear.gather [hbm4b:s0+s1], $0x1000, $0x38;
	[tilespmem:$0x18000] =	vst v63  }
0x74: {  	_ =	swait.ge [sflag:s4], $0x400  }
0x75: {  	[sflag:s4] =	ssyncset.done $0x0  }
0x76: {  	[sflag:s4] =	ssyncadd.s32 $0xFFFFFC00  }
0x77: {  	_ =	swait.ge [sflag:s4], $0x400  }
0x78: {  	[sflag:s4] =	ssyncset.done $0x0  }
0x79: {  	[sflag:s4] =	ssyncadd.s32 $0xFFFFFC00  }
0x7a: {  	_ =	swait.ge [sflag:s4], $0x400  }
0x7b: {  	[sflag:s4] =	ssyncset.done $0x0  }
0x7c: {  	[sflag:s4] =	ssyncadd.s32 $0xFFFFFC00  }
0x7d: {  	_ =	swait.ge [sflag:s4], $0x400  }
0x7e: {  	[sflag:s4] =	ssyncset.done $0x0  }
0x7f: {  	s30 =	simm.s32 $0x0;
	[sflag:s4] =	ssyncadd.s32 $0xFFFFFC00  }
0x80: {  	v1 =	vld [tilespmem:s30+$0x10]  }
0x81: {  	v3 =	vld [tilespmem:s30+$0x1010]  }
0x82: {  	v5 =	vld [tilespmem:s30+$0x2010]  }
0x83: {  	v7 =	vld [tilespmem:s30+$0x3010]  }
0x84: {  	v11 =	vld [tilespmem:s30+$0x0]  }
0x85: {  	v12 =	vld [tilespmem:s30+$0x1000]  }
0x86: {  	v2 =	vld [tilespmem:s30+$0x2000]  }
0x87: {  	s29 =	simm.s32 $0x20;
	v4 =	vld [tilespmem:s30+$0x3000];
	v8 =	vmin.f32 v1, v3  }
0x88: {  	v0 =	vld [tilespmem:s29+$0x10];
	v6 =	vmax.f32 v1, v3;
	v3 =	vmin.f32 v5, v7;
	v7 =	vmax.f32 v5, v7  }
0x89: {  	v1 =	vld [tilespmem:s29+$0x1010];
	v13 =	vmin.f32 v8, v3;
	v9 =	vmax.f32 v8, v3;
	v10 =	vmin.f32 v6, v7  }
0x8a: {  	s31 =	simm.s32 $0x100;
	v5 =	vmax.f32 v11, v12;
	v3 =	vld [tilespmem:s29+$0x2010];
	v8 =	vmin.f32 v11, v12;
	[tilespmem:s30+$0xC010] =	vst v13;
	v11 =	vmax.f32 v9, v10  }
.LBB2_2:
0x8b: {  	p0 =	sne.s32 s31, $0xF80;
	v12 =	vld [tilespmem:s29+$0x3010];
	v6 =	vmax.f32 v6, v7;
	v7 =	vmin.f32 v9, v10;
	[tilespmem:s30+$0xE010] =	vst v11  }
0x8c: {  	v11 =	vld [tilespmem:s29+$0x0];
	v9 =	vmin.f32 v2, v4;
	v4 =	vmax.f32 v2, v4;
	[tilespmem:s30+$0xD010] =	vst v7  }
0x8d: {  	v13 =	vld [tilespmem:s29+$0x1000];
	v7 =	vmin.f32 v8, v9;
	v8 =	vmax.f32 v8, v9;
	v9 =	vmin.f32 v5, v4;
	[tilespmem:s30+$0xF010] =	vst v6  }
.Ltmp0:
0x8e: {  	v5 =	vmax.f32 v5, v4;
	v2 =	vld [tilespmem:s29+$0x2000];
	[tilespmem:s30+$0xC000] =	vst v7;
	v6 =	vmin.f32 v8, v9;
	v8 =	vmax.f32 v8, v9;
	(pc) =	sbr.rel @p0 .LBB2_2-.Ltmp0, $4  }
0x8f: {  	s0 =	sshra.s32 s31, $0x2;
	v9 =	vmin.f32 v0, v1;
	v4 =	vld [tilespmem:s29+$0x3000];
	[tilespmem:s30+$0xD000] =	vst v6  }
0x90: {  	v6 =	vmax.f32 v0, v1;
	v0 =	vld [tilespmem:s0+$0x10];
	v10 =	vmin.f32 v3, v12;
	v7 =	vmax.f32 v3, v12;
	[tilespmem:s30+$0xE000] =	vst v8  }
0x91: {  	v1 =	vld [tilespmem:s0+$0x1010];
	v12 =	vmin.f32 v9, v10;
	v9 =	vmax.f32 v9, v10;
	v10 =	vmin.f32 v6, v7;
	[tilespmem:s30+$0xF000] =	vst v5;
	s30 =	smov.u32 s29;
	s29 =	smov.u32 s0  }
0x92: {  	s31 =	sadd.s32 $0x80, s31;
	v3 =	vld [tilespmem:s29+$0x2010];
	v8 =	vmin.f32 v11, v13;
	v5 =	vmax.f32 v11, v13;
	[tilespmem:s30+$0xC010] =	vst v12;
	v11 =	vmax.f32 v9, v10  }
0x93: {  	v12 =	vld [tilespmem:s29+$0x3010];
	[tilespmem:s30+$0xE010] =	vst v11;
	v9 =	vmin.f32 v9, v10  }
0x94: {  	v6 =	vmax.f32 v6, v7;
	v10 =	vld [tilespmem:s29+$0x0];
	[tilespmem:s30+$0xD010] =	vst v9;
	v9 =	vmin.f32 v2, v4;
	v2 =	vmax.f32 v2, v4  }
0x95: {  	v7 =	vld [tilespmem:s29+$0x1000];
	[tilespmem:s30+$0xF010] =	vst v6;
	v4 =	vmin.f32 v8, v9;
	v8 =	vmax.f32 v8, v9;
	v9 =	vmin.f32 v5, v2  }
0x96: {  	v6 =	vld [tilespmem:s29+$0x2000];
	[tilespmem:s30+$0xC000] =	vst v4;
	v4 =	vmin.f32 v8, v9  }
0x97: {  	v2 =	vmax.f32 v5, v2;
	v5 =	vmax.f32 v8, v9;
	v11 =	vld [tilespmem:s29+$0x3000];
	[tilespmem:s30+$0xD000] =	vst v4  }
0x98: {  	v8 =	vmin.f32 v0, v1;
	v0 =	vmax.f32 v0, v1;
	[tilespmem:s30+$0xE000] =	vst v5;
	v1 =	vmin.f32 v3, v12  }
0x99: {  	[tilespmem:s30+$0xF000] =	vst v2;
	v3 =	vmax.f32 v3, v12;
	v4 =	vmin.f32 v8, v1  }
0x9a: {  	v1 =	vmax.f32 v8, v1;
	v5 =	vmin.f32 v0, v3;
	v0 =	vmax.f32 v0, v3;
	[tilespmem:s29+$0xC010] =	vst v4  }
0x9b: {  	v2 =	vmax.f32 v1, v5;
	v4 =	vmin.f32 v10, v7;
	v7 =	vmax.f32 v10, v7;
	[tilespmem:s29+$0xF010] =	vst v0  }
0x9c: {  	v1 =	vmin.f32 v1, v5;
	[tilespmem:s29+$0xE010] =	vst v2;
	v2 =	vmin.f32 v6, v11;
	v3 =	vmax.f32 v6, v11  }
0x9d: {  	[tilespmem:s29+$0xD010] =	vst v1;
	v1 =	vmin.f32 v4, v2;
	v2 =	vmax.f32 v4, v2;
	v4 =	vmin.f32 v7, v3  }
0x9e: {  	[tilespmem:s29+$0xC000] =	vst v1;
	v0 =	vmin.f32 v2, v4  }
0x9f: {  	v1 =	vmax.f32 v2, v4;
	[tilespmem:s29+$0xD000] =	vst v0  }
0xa0: {  	v0 =	vmax.f32 v7, v3;
	[tilespmem:s29+$0xE000] =	vst v1  }
0xa1: {  	s0 =	simm.s32 $0x0;
	[tilespmem:s29+$0xF000] =	vst v0;
	s29 =	rddreg [dreg:$0x12]  }
0xa2: {  	[tilespmem:s0], [sflag:$0x1] =	stream.linear.gather [hbm4b:s29+s0], $0x1000, $0x38;
	[tilespmem:$0x18000] =	vst v63  }
0xa3: {  	s29 =	rddreg [dreg:$0x13]  }
0xa4: {  	[tilespmem:s23], [sflag:$0x1] =	stream.linear.gather [hbm4b:s29+s0], $0x1000, $0x38;
	[tilespmem:$0x18000] =	vst v63  }
0xa5: {  	s29 =	rddreg [dreg:$0x14]  }
0xa6: {  	[tilespmem:s24], [sflag:$0x1] =	stream.linear.gather [hbm4b:s29+s0], $0x1000, $0x38;
	[tilespmem:$0x18000] =	vst v63  }
0xa7: {  	s29 =	rddreg [dreg:$0x15]  }
0xa8: {  	[tilespmem:s25], [sflag:$0x1] =	stream.linear.gather [hbm4b:s29+s0], $0x1000, $0x38;
	[tilespmem:$0x18000] =	vst v63  }
0xa9: {  	s0 =	sld [smem:$0x7D5];
	_ =	sdelay $0x2  }
0xaa: {  	[hbm4b:s0+s5] =	stream.strided.scatter [tilespmem:s7], [sflag:$0x4], $0x400, s6, s5, $0x38;
	[tilespmem:$0x18000] =	vst v63  }
0xab: {  	s0 =	sld [smem:$0x7D6];
	_ =	sdelay $0x2  }
0xac: {  	[hbm4b:s0+s5] =	stream.strided.scatter [tilespmem:s8], [sflag:$0x4], $0x400, s6, s5, $0x38;
	[tilespmem:$0x18000] =	vst v63  }
0xad: {  	s0 =	sld [smem:$0x7D7];
	_ =	sdelay $0x2  }
0xae: {  	[hbm4b:s0+s5] =	stream.strided.scatter [tilespmem:s9], [sflag:$0x4], $0x400, s6, s5, $0x38;
	[tilespmem:$0x18000] =	vst v63  }
0xaf: {  	s0 =	sld [smem:$0x7D8];
	_ =	sdelay $0x2  }
0xb0: {  	[hbm4b:s0+s5] =	stream.strided.scatter [tilespmem:s10], [sflag:$0x4], $0x400, s6, s5, $0x38;
	[tilespmem:$0x18000] =	vst v63  }
0xb1: {  	_ =	swait.ge [sflag:s11], $0xC00  }
0xb2: {  	[sflag:s11] =	ssyncset.done $0x0  }
0xb3: {  	[sflag:s11] =	ssyncadd.s32 $0xFFFFF400  }
0xb4: {  	_ =	swait.ge [sflag:s11], $0xC00  }
0xb5: {  	[sflag:s11] =	ssyncset.done $0x0  }
0xb6: {  	[sflag:s11] =	ssyncadd.s32 $0xFFFFF400  }
0xb7: {  	_ =	swait.ge [sflag:s11], $0xC00  }
0xb8: {  	[sflag:s11] =	ssyncset.done $0x0  }
0xb9: {  	[sflag:s11] =	ssyncadd.s32 $0xFFFFF400  }
0xba: {  	_ =	swait.ge [sflag:s11], $0xC00  }
0xbb: {  	[sflag:s11] =	ssyncset.done $0x0  }
0xbc: {  	s30 =	simm.s32 $0x0;
	[sflag:s11] =	ssyncadd.s32 $0xFFFFF400  }
0xbd: {  	v1 =	vld [tilespmem:s30+$0x4010]  }
0xbe: {  	v3 =	vld [tilespmem:s30+$0x5010]  }
0xbf: {  	v5 =	vld [tilespmem:s30+$0x6010]  }
0xc0: {  	v7 =	vld [tilespmem:s30+$0x7010]  }
0xc1: {  	v11 =	vld [tilespmem:s30+$0x4000]  }
0xc2: {  	v63 =	vld [tilespmem:s30+$0x5000]  }
0xc3: {  	v2 =	vld [tilespmem:s30+$0x6000]  }
0xc4: {  	s29 =	simm.s32 $0x20;
	v4 =	vld [tilespmem:s30+$0x7000];
	v8 =	vmin.f32 v1, v3  }
0xc5: {  	v0 =	vld [tilespmem:s29+$0x4010];
	v6 =	vmax.f32 v1, v3;
	v3 =	vmin.f32 v5, v7;
	v7 =	vmax.f32 v5, v7  }
0xc6: {  	v1 =	vld [tilespmem:s29+$0x5010];
	v13 =	vmin.f32 v8, v3;
	v9 =	vmax.f32 v8, v3;
	v10 =	vmin.f32 v6, v7  }
0xc7: {  	s31 =	simm.s32 $0x100;
	v5 =	vmax.f32 v11, v63;
	v3 =	vld [tilespmem:s29+$0x6010];
	v8 =	vmin.f32 v11, v63;
	[tilespmem:s30+$0x10010] =	vst v13;
	v11 =	vmax.f32 v9, v10  }
.LBB2_4:
0xc8: {  	p0 =	sne.s32 s31, $0x2F80;
	v12 =	vld [tilespmem:s29+$0x7010];
	v6 =	vmax.f32 v6, v7;
	v7 =	vmin.f32 v9, v10;
	[tilespmem:s30+$0x12010] =	vst v11  }
0xc9: {  	v11 =	vld [tilespmem:s29+$0x4000];
	v9 =	vmin.f32 v2, v4;
	v4 =	vmax.f32 v2, v4;
	[tilespmem:s30+$0x11010] =	vst v7  }
0xca: {  	v13 =	vld [tilespmem:s29+$0x5000];
	v7 =	vmin.f32 v8, v9;
	v8 =	vmax.f32 v8, v9;
	v9 =	vmin.f32 v5, v4;
	[tilespmem:s30+$0x13010] =	vst v6  }
.Ltmp1:
0xcb: {  	v5 =	vmax.f32 v5, v4;
	v2 =	vld [tilespmem:s29+$0x6000];
	[tilespmem:s30+$0x10000] =	vst v7;
	v6 =	vmin.f32 v8, v9;
	v8 =	vmax.f32 v8, v9;
	(pc) =	sbr.rel @p0 .LBB2_4-.Ltmp1, $4  }
0xcc: {  	s0 =	sshra.s32 s31, $0x2;
	v9 =	vmin.f32 v0, v1;
	v4 =	vld [tilespmem:s29+$0x7000];
	[tilespmem:s30+$0x11000] =	vst v6  }
0xcd: {  	v6 =	vmax.f32 v0, v1;
	v0 =	vld [tilespmem:s0+$0x4010];
	v10 =	vmin.f32 v3, v12;
	v7 =	vmax.f32 v3, v12;
	[tilespmem:s30+$0x12000] =	vst v8  }
0xce: {  	v1 =	vld [tilespmem:s0+$0x5010];
	v12 =	vmin.f32 v9, v10;
	v9 =	vmax.f32 v9, v10;
	v10 =	vmin.f32 v6, v7;
	[tilespmem:s30+$0x13000] =	vst v5;
	s30 =	smov.u32 s29;
	s29 =	smov.u32 s0  }
0xcf: {  	s31 =	sadd.s32 $0x80, s31;
	v3 =	vld [tilespmem:s29+$0x6010];
	v8 =	vmin.f32 v11, v13;
	v5 =	vmax.f32 v11, v13;
	[tilespmem:s30+$0x10010] =	vst v12;
	v11 =	vmax.f32 v9, v10  }
0xd0: {  	v12 =	vld [tilespmem:s29+$0x7010];
	[tilespmem:s30+$0x12010] =	vst v11;
	v9 =	vmin.f32 v9, v10  }
0xd1: {  	v6 =	vmax.f32 v6, v7;
	v10 =	vld [tilespmem:s29+$0x4000];
	[tilespmem:s30+$0x11010] =	vst v9;
	v9 =	vmin.f32 v2, v4;
	v2 =	vmax.f32 v2, v4  }
0xd2: {  	v7 =	vld [tilespmem:s29+$0x5000];
	[tilespmem:s30+$0x13010] =	vst v6;
	v4 =	vmin.f32 v8, v9;
	v8 =	vmax.f32 v8, v9;
	v9 =	vmin.f32 v5, v2  }
0xd3: {  	v6 =	vld [tilespmem:s29+$0x6000];
	[tilespmem:s30+$0x10000] =	vst v4;
	v4 =	vmin.f32 v8, v9  }
0xd4: {  	v2 =	vmax.f32 v5, v2;
	v5 =	vmax.f32 v8, v9;
	v11 =	vld [tilespmem:s29+$0x7000];
	[tilespmem:s30+$0x11000] =	vst v4  }
0xd5: {  	v8 =	vmin.f32 v0, v1;
	v0 =	vmax.f32 v0, v1;
	[tilespmem:s30+$0x12000] =	vst v5;
	v1 =	vmin.f32 v3, v12  }
0xd6: {  	[tilespmem:s30+$0x13000] =	vst v2;
	v3 =	vmax.f32 v3, v12;
	v4 =	vmin.f32 v8, v1  }
0xd7: {  	v1 =	vmax.f32 v8, v1;
	v5 =	vmin.f32 v0, v3;
	v0 =	vmax.f32 v0, v3;
	[tilespmem:s29+$0x10010] =	vst v4  }
0xd8: {  	v2 =	vmax.f32 v1, v5;
	v4 =	vmin.f32 v10, v7;
	v7 =	vmax.f32 v10, v7;
	[tilespmem:s29+$0x13010] =	vst v0  }
0xd9: {  	v1 =	vmin.f32 v1, v5;
	[tilespmem:s29+$0x12010] =	vst v2;
	v2 =	vmin.f32 v6, v11;
	v3 =	vmax.f32 v6, v11  }
0xda: {  	[tilespmem:s29+$0x11010] =	vst v1;
	v1 =	vmin.f32 v4, v2;
	v2 =	vmax.f32 v4, v2;
	v4 =	vmin.f32 v7, v3  }
0xdb: {  	[tilespmem:s29+$0x10000] =	vst v1;
	v0 =	vmin.f32 v2, v4  }
0xdc: {  	v1 =	vmax.f32 v2, v4;
	[tilespmem:s29+$0x11000] =	vst v0  }
0xdd: {  	v0 =	vmax.f32 v7, v3;
	[tilespmem:s29+$0x12000] =	vst v1  }
0xde: {  	s0 =	simm.s32 $0x0;
	s30 =	simm.s32 $0x4000;
	[tilespmem:s29+$0x13000] =	vst v0;
	s29 =	rddreg [dreg:$0x16]  }
0xdf: {  	[tilespmem:s30], [sflag:$0x2] =	stream.linear.gather [hbm4b:s29+s0], $0x1000, $0x38;
	[tilespmem:$0x18000] =	vst v63  }
0xe0: {  	s29 =	rddreg [dreg:$0x17];
	s30 =	simm.s32 $0x5000  }
0xe1: {  	[tilespmem:s30], [sflag:$0x2] =	stream.linear.gather [hbm4b:s29+s0], $0x1000, $0x38;
	[tilespmem:$0x18000] =	vst v63  }
0xe2: {  	s29 =	rddreg [dreg:$0x18];
	s30 =	simm.s32 $0x6000  }
0xe3: {  	[tilespmem:s30], [sflag:$0x2] =	stream.linear.gather [hbm4b:s29+s0], $0x1000, $0x38;
	[tilespmem:$0x18000] =	vst v63  }
0xe4: {  	s29 =	rddreg [dreg:$0x19];
	s30 =	simm.s32 $0x7000  }
0xe5: {  	[tilespmem:s30], [sflag:$0x2] =	stream.linear.gather [hbm4b:s29+s0], $0x1000, $0x38;
	[tilespmem:$0x18000] =	vst v63  }
0xe6: {  	s0 =	sld [smem:$0x7D9];
	_ =	sdelay $0x2  }
0xe7: {  	[hbm4b:s0+s5] =	stream.strided.scatter [tilespmem:s12], [sflag:$0x5], $0xC00, s6, s5, $0x38;
	[tilespmem:$0x18000] =	vst v63  }
0xe8: {  	s0 =	sld [smem:$0x7DA];
	_ =	sdelay $0x2  }
0xe9: {  	[hbm4b:s0+s5] =	stream.strided.scatter [tilespmem:s13], [sflag:$0x5], $0xC00, s6, s5, $0x38;
	[tilespmem:$0x18000] =	vst v63  }
0xea: {  	s0 =	sld [smem:$0x7DB];
	_ =	sdelay $0x2  }
0xeb: {  	[hbm4b:s0+s5] =	stream.strided.scatter [tilespmem:s14], [sflag:$0x5], $0xC00, s6, s5, $0x38;
	[tilespmem:$0x18000] =	vst v63  }
0xec: {  	s0 =	sld [smem:$0x7DC];
	_ =	sdelay $0x2  }
0xed: {  	[hbm4b:s0+s5] =	stream.strided.scatter [tilespmem:s15], [sflag:$0x5], $0xC00, s6, s5, $0x38;
	[tilespmem:$0x18000] =	vst v63  }
0xee: {  	_ =	swait.ge [sflag:s16], $0x1000  }
0xef: {  	[sflag:s16] =	ssyncset.done $0x0  }
0xf0: {  	[sflag:s16] =	ssyncadd.s32 $0xFFFFF000  }
0xf1: {  	_ =	swait.ge [sflag:s16], $0x1000  }
0xf2: {  	[sflag:s16] =	ssyncset.done $0x0  }
0xf3: {  	[sflag:s16] =	ssyncadd.s32 $0xFFFFF000  }
0xf4: {  	_ =	swait.ge [sflag:s16], $0x1000  }
0xf5: {  	[sflag:s16] =	ssyncset.done $0x0  }
0xf6: {  	[sflag:s16] =	ssyncadd.s32 $0xFFFFF000  }
0xf7: {  	_ =	swait.ge [sflag:s16], $0x1000  }
0xf8: {  	[sflag:s16] =	ssyncset.done $0x0  }
0xf9: {  	s30 =	simm.s32 $0x0;
	[sflag:s16] =	ssyncadd.s32 $0xFFFFF000  }
0xfa: {  	v1 =	vld [tilespmem:s30+$0x8010]  }
0xfb: {  	v3 =	vld [tilespmem:s30+$0x9010]  }
0xfc: {  	v5 =	vld [tilespmem:s30+$0xA010]  }
0xfd: {  	v7 =	vld [tilespmem:s30+$0xB010]  }
0xfe: {  	v11 =	vld [tilespmem:s30+$0x8000]  }
0xff: {  	v63 =	vld [tilespmem:s30+$0x9000]  }
0x100: {  	v2 =	vld [tilespmem:s30+$0xA000]  }
0x101: {  	s29 =	simm.s32 $0x20;
	v4 =	vld [tilespmem:s30+$0xB000];
	v8 =	vmin.f32 v1, v3  }
0x102: {  	v0 =	vld [tilespmem:s29+$0x8010];
	v6 =	vmax.f32 v1, v3;
	v3 =	vmin.f32 v5, v7;
	v7 =	vmax.f32 v5, v7  }
0x103: {  	v1 =	vld [tilespmem:s29+$0x9010];
	v13 =	vmin.f32 v8, v3;
	v9 =	vmax.f32 v8, v3;
	v10 =	vmin.f32 v6, v7  }
0x104: {  	s31 =	simm.s32 $0x100;
	v5 =	vmax.f32 v11, v63;
	v3 =	vld [tilespmem:s29+$0xA010];
	v8 =	vmin.f32 v11, v63;
	[tilespmem:s30+$0x14010] =	vst v13;
	v11 =	vmax.f32 v9, v10  }
.LBB2_6:
0x105: {  	p0 =	sne.s32 s31, $0x3F80;
	v12 =	vld [tilespmem:s29+$0xB010];
	v6 =	vmax.f32 v6, v7;
	v7 =	vmin.f32 v9, v10;
	[tilespmem:s30+$0x16010] =	vst v11  }
0x106: {  	v11 =	vld [tilespmem:s29+$0x8000];
	v9 =	vmin.f32 v2, v4;
	v4 =	vmax.f32 v2, v4;
	[tilespmem:s30+$0x15010] =	vst v7  }
0x107: {  	v13 =	vld [tilespmem:s29+$0x9000];
	v7 =	vmin.f32 v8, v9;
	v8 =	vmax.f32 v8, v9;
	v9 =	vmin.f32 v5, v4;
	[tilespmem:s30+$0x17010] =	vst v6  }
.Ltmp2:
0x108: {  	v5 =	vmax.f32 v5, v4;
	v2 =	vld [tilespmem:s29+$0xA000];
	[tilespmem:s30+$0x14000] =	vst v7;
	v6 =	vmin.f32 v8, v9;
	v8 =	vmax.f32 v8, v9;
	(pc) =	sbr.rel @p0 .LBB2_6-.Ltmp2, $4  }
0x109: {  	s0 =	sshra.s32 s31, $0x2;
	v9 =	vmin.f32 v0, v1;
	v4 =	vld [tilespmem:s29+$0xB000];
	[tilespmem:s30+$0x15000] =	vst v6  }
0x10a: {  	v6 =	vmax.f32 v0, v1;
	v0 =	vld [tilespmem:s0+$0x8010];
	v10 =	vmin.f32 v3, v12;
	v7 =	vmax.f32 v3, v12;
	[tilespmem:s30+$0x16000] =	vst v8  }
0x10b: {  	v1 =	vld [tilespmem:s0+$0x9010];
	v12 =	vmin.f32 v9, v10;
	v9 =	vmax.f32 v9, v10;
	v10 =	vmin.f32 v6, v7;
	[tilespmem:s30+$0x17000] =	vst v5;
	s30 =	smov.u32 s29;
	s29 =	smov.u32 s0  }
0x10c: {  	s31 =	sadd.s32 $0x80, s31;
	v3 =	vld [tilespmem:s29+$0xA010];
	v8 =	vmin.f32 v11, v13;
	v5 =	vmax.f32 v11, v13;
	[tilespmem:s30+$0x14010] =	vst v12;
	v11 =	vmax.f32 v9, v10  }
0x10d: {  	v12 =	vld [tilespmem:s29+$0xB010];
	[tilespmem:s30+$0x16010] =	vst v11;
	v9 =	vmin.f32 v9, v10  }
0x10e: {  	v6 =	vmax.f32 v6, v7;
	v10 =	vld [tilespmem:s29+$0x8000];
	[tilespmem:s30+$0x15010] =	vst v9;
	v9 =	vmin.f32 v2, v4;
	v2 =	vmax.f32 v2, v4  }
0x10f: {  	v7 =	vld [tilespmem:s29+$0x9000];
	[tilespmem:s30+$0x17010] =	vst v6;
	v4 =	vmin.f32 v8, v9;
	v8 =	vmax.f32 v8, v9;
	v9 =	vmin.f32 v5, v2  }
0x110: {  	v6 =	vld [tilespmem:s29+$0xA000];
	[tilespmem:s30+$0x14000] =	vst v4;
	v4 =	vmin.f32 v8, v9  }
0x111: {  	v2 =	vmax.f32 v5, v2;
	v5 =	vmax.f32 v8, v9;
	v11 =	vld [tilespmem:s29+$0xB000];
	[tilespmem:s30+$0x15000] =	vst v4  }
0x112: {  	v8 =	vmin.f32 v0, v1;
	v0 =	vmax.f32 v0, v1;
	[tilespmem:s30+$0x16000] =	vst v5;
	v1 =	vmin.f32 v3, v12  }
0x113: {  	[tilespmem:s30+$0x17000] =	vst v2;
	v3 =	vmax.f32 v3, v12;
	v4 =	vmin.f32 v8, v1  }
0x114: {  	v1 =	vmax.f32 v8, v1;
	v5 =	vmin.f32 v0, v3;
	v0 =	vmax.f32 v0, v3;
	[tilespmem:s29+$0x14010] =	vst v4  }
0x115: {  	v2 =	vmax.f32 v1, v5;
	v4 =	vmin.f32 v10, v7;
	v7 =	vmax.f32 v10, v7;
	[tilespmem:s29+$0x17010] =	vst v0  }
0x116: {  	v1 =	vmin.f32 v1, v5;
	[tilespmem:s29+$0x16010] =	vst v2;
	v2 =	vmin.f32 v6, v11;
	v3 =	vmax.f32 v6, v11  }
0x117: {  	[tilespmem:s29+$0x15010] =	vst v1;
	v1 =	vmin.f32 v4, v2;
	v2 =	vmax.f32 v4, v2;
	v4 =	vmin.f32 v7, v3  }
0x118: {  	[tilespmem:s29+$0x14000] =	vst v1;
	v0 =	vmin.f32 v2, v4  }
0x119: {  	v1 =	vmax.f32 v2, v4;
	[tilespmem:s29+$0x15000] =	vst v0  }
0x11a: {  	v0 =	vmax.f32 v7, v3;
	[tilespmem:s29+$0x16000] =	vst v1  }
0x11b: {  	s0 =	simm.s32 $0x0;
	s30 =	simm.s32 $0x8000;
	[tilespmem:s29+$0x17000] =	vst v0;
	s29 =	rddreg [dreg:$0x1a]  }
0x11c: {  	[tilespmem:s30], [sflag:$0x3] =	stream.linear.gather [hbm4b:s29+s0], $0x1000, $0x38;
	[tilespmem:$0x18000] =	vst v63  }
0x11d: {  	s29 =	rddreg [dreg:$0x1b];
	s30 =	simm.s32 $0x9000  }
0x11e: {  	[tilespmem:s30], [sflag:$0x3] =	stream.linear.gather [hbm4b:s29+s0], $0x1000, $0x38;
	[tilespmem:$0x18000] =	vst v63  }
0x11f: {  	s29 =	rddreg [dreg:$0x1c]  }
0x120: {  	[tilespmem:s2], [sflag:$0x3] =	stream.linear.gather [hbm4b:s29+s0], $0x1000, $0x38;
	[tilespmem:$0x18000] =	vst v63  }
0x121: {  	s29 =	rddreg [dreg:$0x1d]  }
0x122: {  	[tilespmem:s3], [sflag:$0x3] =	stream.linear.gather [hbm4b:s29+s0], $0x1000, $0x38;
	[tilespmem:$0x18000] =	vst v63  }
0x123: {  	s0 =	sld [smem:$0x7DD];
	_ =	sdelay $0x2  }
0x124: {  	[hbm4b:s0+s5] =	stream.strided.scatter [tilespmem:s17], [sflag:$0x6], $0x1000, s6, s5, $0x38;
	[tilespmem:$0x18000] =	vst v63  }
0x125: {  	s0 =	sld [smem:$0x7DE];
	_ =	sdelay $0x2  }
0x126: {  	[hbm4b:s0+s5] =	stream.strided.scatter [tilespmem:s18], [sflag:$0x6], $0x1000, s6, s5, $0x38;
	[tilespmem:$0x18000] =	vst v63  }
0x127: {  	s0 =	sld [smem:$0x7DF];
	_ =	sdelay $0x2  }
0x128: {  	[hbm4b:s0+s5] =	stream.strided.scatter [tilespmem:s19], [sflag:$0x6], $0x1000, s6, s5, $0x38;
	[tilespmem:$0x18000] =	vst v63  }
0x129: {  	s0 =	sld [smem:$0x7E0];
	_ =	sdelay $0x2  }
0x12a: {  	[hbm4b:s0+s5] =	stream.strided.scatter [tilespmem:s20], [sflag:$0x6], $0x1000, s6, s5, $0x38;
	[tilespmem:$0x18000] =	vst v63  }
0x12b: {  	_ =	swait.ge [sflag:s4], $0x1000  }
0x12c: {  	[sflag:s4] =	ssyncset.done $0x0  }
0x12d: {  	[sflag:s4] =	ssyncadd.s32 $0xFFFFF000  }
0x12e: {  	_ =	swait.ge [sflag:s4], $0x1000  }
0x12f: {  	[sflag:s4] =	ssyncset.done $0x0  }
0x130: {  	[sflag:s4] =	ssyncadd.s32 $0xFFFFF000  }
0x131: {  	_ =	swait.ge [sflag:s4], $0x1000  }
0x132: {  	[sflag:s4] =	ssyncset.done $0x0  }
0x133: {  	[sflag:s4] =	ssyncadd.s32 $0xFFFFF000  }
0x134: {  	_ =	swait.ge [sflag:s4], $0x1000  }
0x135: {  	[sflag:s4] =	ssyncset.done $0x0  }
0x136: {  	[sflag:s4] =	ssyncadd.s32 $0xFFFFF000  }
0x137: {  	_ =	swait.ge [sflag:s21], $0x400  }
0x138: {  	[sflag:s21] =	ssyncset.done $0x0  }
0x139: {  	[sflag:s21] =	ssyncadd.s32 $0xFFFFFC00  }
0x13a: {  	_ =	swait.ge [sflag:s21], $0x400  }
0x13b: {  	[sflag:s21] =	ssyncset.done $0x0  }
0x13c: {  	[sflag:s21] =	ssyncadd.s32 $0xFFFFFC00  }
0x13d: {  	_ =	swait.ge [sflag:s21], $0x400  }
0x13e: {  	[sflag:s21] =	ssyncset.done $0x0  }
0x13f: {  	[sflag:s21] =	ssyncadd.s32 $0xFFFFFC00  }
0x140: {  	_ =	swait.ge [sflag:s21], $0x400  }
0x141: {  	[sflag:s21] =	ssyncset.done $0x0  }
0x142: {  	s30 =	simm.s32 $0x0;
	[sflag:s21] =	ssyncadd.s32 $0xFFFFFC00  }
0x143: {  	v1 =	vld [tilespmem:s30+$0x10]  }
0x144: {  	v3 =	vld [tilespmem:s30+$0x1010]  }
0x145: {  	v5 =	vld [tilespmem:s30+$0x2010]  }
0x146: {  	v7 =	vld [tilespmem:s30+$0x3010]  }
0x147: {  	v11 =	vld [tilespmem:s30+$0x0]  }
0x148: {  	v63 =	vld [tilespmem:s30+$0x1000]  }
0x149: {  	v2 =	vld [tilespmem:s30+$0x2000]  }
0x14a: {  	s29 =	simm.s32 $0x20;
	v4 =	vld [tilespmem:s30+$0x3000];
	v8 =	vmin.f32 v1, v3  }
0x14b: {  	v0 =	vld [tilespmem:s29+$0x10];
	v6 =	vmax.f32 v1, v3;
	v3 =	vmin.f32 v5, v7;
	v7 =	vmax.f32 v5, v7  }
0x14c: {  	v1 =	vld [tilespmem:s29+$0x1010];
	v13 =	vmin.f32 v8, v3;
	v9 =	vmax.f32 v8, v3;
	v10 =	vmin.f32 v6, v7  }
0x14d: {  	s31 =	simm.s32 $0x100;
	v5 =	vmax.f32 v11, v63;
	v3 =	vld [tilespmem:s29+$0x2010];
	v8 =	vmin.f32 v11, v63;
	[tilespmem:s30+$0xC010] =	vst v13;
	v11 =	vmax.f32 v9, v10  }
.LBB2_8:
0x14e: {  	p0 =	sne.s32 s31, $0x3F80;
	v12 =	vld [tilespmem:s29+$0x3010];
	v6 =	vmax.f32 v6, v7;
	v7 =	vmin.f32 v9, v10;
	[tilespmem:s30+$0xE010] =	vst v11  }
0x14f: {  	v11 =	vld [tilespmem:s29+$0x0];
	v9 =	vmin.f32 v2, v4;
	v4 =	vmax.f32 v2, v4;
	[tilespmem:s30+$0xD010] =	vst v7  }
0x150: {  	v13 =	vld [tilespmem:s29+$0x1000];
	v7 =	vmin.f32 v8, v9;
	v8 =	vmax.f32 v8, v9;
	v9 =	vmin.f32 v5, v4;
	[tilespmem:s30+$0xF010] =	vst v6  }
.Ltmp3:
0x151: {  	v5 =	vmax.f32 v5, v4;
	v2 =	vld [tilespmem:s29+$0x2000];
	[tilespmem:s30+$0xC000] =	vst v7;
	v6 =	vmin.f32 v8, v9;
	v8 =	vmax.f32 v8, v9;
	(pc) =	sbr.rel @p0 .LBB2_8-.Ltmp3, $4  }
0x152: {  	s0 =	sshra.s32 s31, $0x2;
	v9 =	vmin.f32 v0, v1;
	v4 =	vld [tilespmem:s29+$0x3000];
	[tilespmem:s30+$0xD000] =	vst v6  }
0x153: {  	v6 =	vmax.f32 v0, v1;
	v0 =	vld [tilespmem:s0+$0x10];
	v10 =	vmin.f32 v3, v12;
	v7 =	vmax.f32 v3, v12;
	[tilespmem:s30+$0xE000] =	vst v8  }
0x154: {  	v1 =	vld [tilespmem:s0+$0x1010];
	v12 =	vmin.f32 v9, v10;
	v9 =	vmax.f32 v9, v10;
	v10 =	vmin.f32 v6, v7;
	[tilespmem:s30+$0xF000] =	vst v5;
	s30 =	smov.u32 s29;
	s29 =	smov.u32 s0  }
0x155: {  	s31 =	sadd.s32 $0x80, s31;
	v3 =	vld [tilespmem:s29+$0x2010];
	v8 =	vmin.f32 v11, v13;
	v5 =	vmax.f32 v11, v13;
	[tilespmem:s30+$0xC010] =	vst v12;
	v11 =	vmax.f32 v9, v10  }
0x156: {  	v12 =	vld [tilespmem:s29+$0x3010];
	[tilespmem:s30+$0xE010] =	vst v11;
	v9 =	vmin.f32 v9, v10  }
0x157: {  	v6 =	vmax.f32 v6, v7;
	v10 =	vld [tilespmem:s29+$0x0];
	[tilespmem:s30+$0xD010] =	vst v9;
	v9 =	vmin.f32 v2, v4;
	v2 =	vmax.f32 v2, v4  }
0x158: {  	v7 =	vld [tilespmem:s29+$0x1000];
	[tilespmem:s30+$0xF010] =	vst v6;
	v4 =	vmin.f32 v8, v9;
	v8 =	vmax.f32 v8, v9;
	v9 =	vmin.f32 v5, v2  }
0x159: {  	v6 =	vld [tilespmem:s29+$0x2000];
	[tilespmem:s30+$0xC000] =	vst v4;
	v4 =	vmin.f32 v8, v9  }
0x15a: {  	v2 =	vmax.f32 v5, v2;
	v5 =	vmax.f32 v8, v9;
	v11 =	vld [tilespmem:s29+$0x3000];
	[tilespmem:s30+$0xD000] =	vst v4  }
0x15b: {  	v8 =	vmin.f32 v0, v1;
	v0 =	vmax.f32 v0, v1;
	[tilespmem:s30+$0xE000] =	vst v5;
	v1 =	vmin.f32 v3, v12  }
0x15c: {  	[tilespmem:s30+$0xF000] =	vst v2;
	v3 =	vmax.f32 v3, v12;
	v4 =	vmin.f32 v8, v1  }
0x15d: {  	v1 =	vmax.f32 v8, v1;
	v5 =	vmin.f32 v0, v3;
	v0 =	vmax.f32 v0, v3;
	[tilespmem:s29+$0xC010] =	vst v4  }
0x15e: {  	v2 =	vmax.f32 v1, v5;
	v4 =	vmin.f32 v10, v7;
	v7 =	vmax.f32 v10, v7;
	[tilespmem:s29+$0xF010] =	vst v0  }
0x15f: {  	v1 =	vmin.f32 v1, v5;
	[tilespmem:s29+$0xE010] =	vst v2;
	v2 =	vmin.f32 v6, v11;
	v3 =	vmax.f32 v6, v11  }
0x160: {  	[tilespmem:s29+$0xD010] =	vst v1;
	v1 =	vmin.f32 v4, v2;
	v2 =	vmax.f32 v4, v2;
	v4 =	vmin.f32 v7, v3  }
0x161: {  	[tilespmem:s29+$0xC000] =	vst v1;
	v0 =	vmin.f32 v2, v4  }
0x162: {  	v1 =	vmax.f32 v2, v4;
	[tilespmem:s29+$0xD000] =	vst v0  }
0x163: {  	v0 =	vmax.f32 v7, v3;
	[tilespmem:s29+$0xE000] =	vst v1  }
0x164: {  	s0 =	simm.s32 $0x0;
	[tilespmem:s29+$0xF000] =	vst v0;
	s29 =	rddreg [dreg:$0x1e]  }
0x165: {  	[tilespmem:s0], [sflag:$0x1] =	stream.linear.gather [hbm4b:s29+s0], $0x1000, $0x38;
	[tilespmem:$0x18000] =	vst v63  }
0x166: {  	s29 =	rddreg [dreg:$0x1f]  }
0x167: {  	[tilespmem:s23], [sflag:$0x1] =	stream.linear.gather [hbm4b:s29+s0], $0x1000, $0x38;
	[tilespmem:$0x18000] =	vst v63  }
0x168: {  	s29 =	sld [smem:$0x7C7];
	_ =	sdelay $0x2  }
0x169: {  	[tilespmem:s24], [sflag:$0x1] =	stream.linear.gather [hbm4b:s29+s0], $0x1000, $0x38;
	[tilespmem:$0x18000] =	vst v63  }
0x16a: {  	s29 =	sld [smem:$0x7C8];
	_ =	sdelay $0x2  }
0x16b: {  	[tilespmem:s25], [sflag:$0x1] =	stream.linear.gather [hbm4b:s29+s0], $0x1000, $0x38;
	[tilespmem:$0x18000] =	vst v63  }
0x16c: {  	s0 =	sld [smem:$0x7E1];
	_ =	sdelay $0x2  }
0x16d: {  	[hbm4b:s0+s5] =	stream.strided.scatter [tilespmem:s7], [sflag:$0x4], $0x1000, s6, s5, $0x38;
	[tilespmem:$0x18000] =	vst v63  }
0x16e: {  	s0 =	sld [smem:$0x7E2];
	_ =	sdelay $0x2  }
0x16f: {  	[hbm4b:s0+s5] =	stream.strided.scatter [tilespmem:s8], [sflag:$0x4], $0x1000, s6, s5, $0x38;
	[tilespmem:$0x18000] =	vst v63  }
0x170: {  	s0 =	sld [smem:$0x7E3];
	_ =	sdelay $0x2  }
0x171: {  	[hbm4b:s0+s5] =	stream.strided.scatter [tilespmem:s9], [sflag:$0x4], $0x1000, s6, s5, $0x38;
	[tilespmem:$0x18000] =	vst v63  }
0x172: {  	s0 =	sld [smem:$0x7E4];
	_ =	sdelay $0x2  }
0x173: {  	[hbm4b:s0+s5] =	stream.strided.scatter [tilespmem:s10], [sflag:$0x4], $0x1000, s6, s5, $0x38;
	[tilespmem:$0x18000] =	vst v63  }
0x174: {  	_ =	swait.ge [sflag:s11], $0x1000  }
0x175: {  	[sflag:s11] =	ssyncset.done $0x0  }
0x176: {  	[sflag:s11] =	ssyncadd.s32 $0xFFFFF000  }
0x177: {  	_ =	swait.ge [sflag:s11], $0x1000  }
0x178: {  	[sflag:s11] =	ssyncset.done $0x0  }
0x179: {  	[sflag:s11] =	ssyncadd.s32 $0xFFFFF000  }
0x17a: {  	_ =	swait.ge [sflag:s11], $0x1000  }
0x17b: {  	[sflag:s11] =	ssyncset.done $0x0  }
0x17c: {  	[sflag:s11] =	ssyncadd.s32 $0xFFFFF000  }
0x17d: {  	_ =	swait.ge [sflag:s11], $0x1000  }
0x17e: {  	[sflag:s11] =	ssyncset.done $0x0  }
0x17f: {  	[sflag:s11] =	ssyncadd.s32 $0xFFFFF000  }
0x180: {  	_ =	swait.ge [sflag:s22], $0xC00  }
0x181: {  	[sflag:s22] =	ssyncset.done $0x0  }
0x182: {  	[sflag:s22] =	ssyncadd.s32 $0xFFFFF400  }
0x183: {  	_ =	swait.ge [sflag:s22], $0xC00  }
0x184: {  	[sflag:s22] =	ssyncset.done $0x0  }
0x185: {  	[sflag:s22] =	ssyncadd.s32 $0xFFFFF400  }
0x186: {  	_ =	swait.ge [sflag:s22], $0xC00  }
0x187: {  	[sflag:s22] =	ssyncset.done $0x0  }
0x188: {  	[sflag:s22] =	ssyncadd.s32 $0xFFFFF400  }
0x189: {  	_ =	swait.ge [sflag:s22], $0xC00  }
0x18a: {  	[sflag:s22] =	ssyncset.done $0x0  }
0x18b: {  	s30 =	simm.s32 $0x0;
	[sflag:s22] =	ssyncadd.s32 $0xFFFFF400  }
0x18c: {  	v1 =	vld [tilespmem:s30+$0x4010]  }
0x18d: {  	v3 =	vld [tilespmem:s30+$0x5010]  }
0x18e: {  	v5 =	vld [tilespmem:s30+$0x6010]  }
0x18f: {  	v7 =	vld [tilespmem:s30+$0x7010]  }
0x190: {  	v11 =	vld [tilespmem:s30+$0x4000]  }
0x191: {  	v63 =	vld [tilespmem:s30+$0x5000]  }
0x192: {  	v2 =	vld [tilespmem:s30+$0x6000]  }
0x193: {  	s29 =	simm.s32 $0x20;
	v4 =	vld [tilespmem:s30+$0x7000];
	v8 =	vmin.f32 v1, v3  }
0x194: {  	v0 =	vld [tilespmem:s29+$0x4010];
	v6 =	vmax.f32 v1, v3;
	v3 =	vmin.f32 v5, v7;
	v7 =	vmax.f32 v5, v7  }
0x195: {  	v1 =	vld [tilespmem:s29+$0x5010];
	v13 =	vmin.f32 v8, v3;
	v9 =	vmax.f32 v8, v3;
	v10 =	vmin.f32 v6, v7  }
0x196: {  	s31 =	simm.s32 $0x100;
	v5 =	vmax.f32 v11, v63;
	v3 =	vld [tilespmem:s29+$0x6010];
	v8 =	vmin.f32 v11, v63;
	[tilespmem:s30+$0x10010] =	vst v13;
	v11 =	vmax.f32 v9, v10  }
.LBB2_10:
0x197: {  	p0 =	sne.s32 s31, $0x3F80;
	v12 =	vld [tilespmem:s29+$0x7010];
	v6 =	vmax.f32 v6, v7;
	v7 =	vmin.f32 v9, v10;
	[tilespmem:s30+$0x12010] =	vst v11  }
0x198: {  	v11 =	vld [tilespmem:s29+$0x4000];
	v9 =	vmin.f32 v2, v4;
	v4 =	vmax.f32 v2, v4;
	[tilespmem:s30+$0x11010] =	vst v7  }
0x199: {  	v13 =	vld [tilespmem:s29+$0x5000];
	v7 =	vmin.f32 v8, v9;
	v8 =	vmax.f32 v8, v9;
	v9 =	vmin.f32 v5, v4;
	[tilespmem:s30+$0x13010] =	vst v6  }
.Ltmp4:
0x19a: {  	v5 =	vmax.f32 v5, v4;
	v2 =	vld [tilespmem:s29+$0x6000];
	[tilespmem:s30+$0x10000] =	vst v7;
	v6 =	vmin.f32 v8, v9;
	v8 =	vmax.f32 v8, v9;
	(pc) =	sbr.rel @p0 .LBB2_10-.Ltmp4, $4  }
0x19b: {  	s0 =	sshra.s32 s31, $0x2;
	v9 =	vmin.f32 v0, v1;
	v4 =	vld [tilespmem:s29+$0x7000];
	[tilespmem:s30+$0x11000] =	vst v6  }
0x19c: {  	v6 =	vmax.f32 v0, v1;
	v0 =	vld [tilespmem:s0+$0x4010];
	v10 =	vmin.f32 v3, v12;
	v7 =	vmax.f32 v3, v12;
	[tilespmem:s30+$0x12000] =	vst v8  }
0x19d: {  	v1 =	vld [tilespmem:s0+$0x5010];
	v12 =	vmin.f32 v9, v10;
	v9 =	vmax.f32 v9, v10;
	v10 =	vmin.f32 v6, v7;
	[tilespmem:s30+$0x13000] =	vst v5;
	s30 =	smov.u32 s29;
	s29 =	smov.u32 s0  }
0x19e: {  	s31 =	sadd.s32 $0x80, s31;
	v3 =	vld [tilespmem:s29+$0x6010];
	v8 =	vmin.f32 v11, v13;
	v5 =	vmax.f32 v11, v13;
	[tilespmem:s30+$0x10010] =	vst v12;
	v11 =	vmax.f32 v9, v10  }
0x19f: {  	v12 =	vld [tilespmem:s29+$0x7010];
	[tilespmem:s30+$0x12010] =	vst v11;
	v9 =	vmin.f32 v9, v10  }
0x1a0: {  	v6 =	vmax.f32 v6, v7;
	v10 =	vld [tilespmem:s29+$0x4000];
	[tilespmem:s30+$0x11010] =	vst v9;
	v9 =	vmin.f32 v2, v4;
	v2 =	vmax.f32 v2, v4  }
0x1a1: {  	v7 =	vld [tilespmem:s29+$0x5000];
	[tilespmem:s30+$0x13010] =	vst v6;
	v4 =	vmin.f32 v8, v9;
	v8 =	vmax.f32 v8, v9;
	v9 =	vmin.f32 v5, v2  }
0x1a2: {  	v6 =	vld [tilespmem:s29+$0x6000];
	[tilespmem:s30+$0x10000] =	vst v4;
	v4 =	vmin.f32 v8, v9  }
0x1a3: {  	v2 =	vmax.f32 v5, v2;
	v5 =	vmax.f32 v8, v9;
	v11 =	vld [tilespmem:s29+$0x7000];
	[tilespmem:s30+$0x11000] =	vst v4  }
0x1a4: {  	v8 =	vmin.f32 v0, v1;
	v0 =	vmax.f32 v0, v1;
	[tilespmem:s30+$0x12000] =	vst v5;
	v1 =	vmin.f32 v3, v12  }
0x1a5: {  	[tilespmem:s30+$0x13000] =	vst v2;
	v3 =	vmax.f32 v3, v12;
	v4 =	vmin.f32 v8, v1  }
0x1a6: {  	v1 =	vmax.f32 v8, v1;
	v5 =	vmin.f32 v0, v3;
	v0 =	vmax.f32 v0, v3;
	[tilespmem:s29+$0x10010] =	vst v4  }
0x1a7: {  	v2 =	vmax.f32 v1, v5;
	v4 =	vmin.f32 v10, v7;
	v7 =	vmax.f32 v10, v7;
	[tilespmem:s29+$0x13010] =	vst v0  }
0x1a8: {  	v1 =	vmin.f32 v1, v5;
	[tilespmem:s29+$0x12010] =	vst v2;
	v2 =	vmin.f32 v6, v11;
	v3 =	vmax.f32 v6, v11  }
0x1a9: {  	[tilespmem:s29+$0x11010] =	vst v1;
	v1 =	vmin.f32 v4, v2;
	v2 =	vmax.f32 v4, v2;
	v4 =	vmin.f32 v7, v3  }
0x1aa: {  	[tilespmem:s29+$0x10000] =	vst v1;
	v0 =	vmin.f32 v2, v4  }
0x1ab: {  	v1 =	vmax.f32 v2, v4;
	[tilespmem:s29+$0x11000] =	vst v0  }
0x1ac: {  	v0 =	vmax.f32 v7, v3;
	[tilespmem:s29+$0x12000] =	vst v1  }
0x1ad: {  	[tilespmem:s29+$0x13000] =	vst v0;
	s29 =	sld [smem:$0x7C9];
	_ =	sdelay $0x1  }
0x1ae: {  	s0 =	simm.s32 $0x0;
	s30 =	simm.s32 $0x4000  }
0x1af: {  	[tilespmem:s30], [sflag:$0x2] =	stream.linear.gather [hbm4b:s29+s0], $0x1000, $0x38;
	[tilespmem:$0x18000] =	vst v63  }
0x1b0: {  	s29 =	sld [smem:$0x7CA];
	_ =	sdelay $0x1  }
0x1b1: {  	s30 =	simm.s32 $0x5000  }
0x1b2: {  	[tilespmem:s30], [sflag:$0x2] =	stream.linear.gather [hbm4b:s29+s0], $0x1000, $0x38;
	[tilespmem:$0x18000] =	vst v63  }
0x1b3: {  	s29 =	sld [smem:$0x7CB];
	_ =	sdelay $0x1  }
0x1b4: {  	s30 =	simm.s32 $0x6000  }
0x1b5: {  	[tilespmem:s30], [sflag:$0x2] =	stream.linear.gather [hbm4b:s29+s0], $0x1000, $0x38;
	[tilespmem:$0x18000] =	vst v63  }
0x1b6: {  	s29 =	sld [smem:$0x7CC];
	_ =	sdelay $0x1  }
0x1b7: {  	s30 =	simm.s32 $0x7000  }
0x1b8: {  	[tilespmem:s30], [sflag:$0x2] =	stream.linear.gather [hbm4b:s29+s0], $0x1000, $0x38;
	[tilespmem:$0x18000] =	vst v63  }
0x1b9: {  	s0 =	sld [smem:$0x7E5];
	_ =	sdelay $0x2  }
0x1ba: {  	[hbm4b:s0+s5] =	stream.strided.scatter [tilespmem:s12], [sflag:$0x5], $0x1000, s6, s5, $0x38;
	[tilespmem:$0x18000] =	vst v63  }
0x1bb: {  	s0 =	sld [smem:$0x7E6];
	_ =	sdelay $0x2  }
0x1bc: {  	[hbm4b:s0+s5] =	stream.strided.scatter [tilespmem:s13], [sflag:$0x5], $0x1000, s6, s5, $0x38;
	[tilespmem:$0x18000] =	vst v63  }
0x1bd: {  	s0 =	sld [smem:$0x7E7];
	_ =	sdelay $0x2  }
0x1be: {  	[hbm4b:s0+s5] =	stream.strided.scatter [tilespmem:s14], [sflag:$0x5], $0x1000, s6, s5, $0x38;
	[tilespmem:$0x18000] =	vst v63  }
0x1bf: {  	s0 =	sld [smem:$0x7E8];
	_ =	sdelay $0x2  }
0x1c0: {  	[hbm4b:s0+s5] =	stream.strided.scatter [tilespmem:s15], [sflag:$0x5], $0x1000, s6, s5, $0x38;
	[tilespmem:$0x18000] =	vst v63  }
0x1c1: {  	_ =	swait.ge [sflag:s16], $0x1000  }
0x1c2: {  	[sflag:s16] =	ssyncset.done $0x0  }
0x1c3: {  	[sflag:s16] =	ssyncadd.s32 $0xFFFFF000  }
0x1c4: {  	_ =	swait.ge [sflag:s16], $0x1000  }
0x1c5: {  	[sflag:s16] =	ssyncset.done $0x0  }
0x1c6: {  	[sflag:s16] =	ssyncadd.s32 $0xFFFFF000  }
0x1c7: {  	_ =	swait.ge [sflag:s16], $0x1000  }
0x1c8: {  	[sflag:s16] =	ssyncset.done $0x0  }
0x1c9: {  	[sflag:s16] =	ssyncadd.s32 $0xFFFFF000  }
0x1ca: {  	_ =	swait.ge [sflag:s16], $0x1000  }
0x1cb: {  	[sflag:s16] =	ssyncset.done $0x0  }
0x1cc: {  	[sflag:s16] =	ssyncadd.s32 $0xFFFFF000  }
0x1cd: {  	_ =	swait.ge [sflag:s26], $0x1000  }
0x1ce: {  	[sflag:s26] =	ssyncset.done $0x0  }
0x1cf: {  	[sflag:s26] =	ssyncadd.s32 $0xFFFFF000  }
0x1d0: {  	_ =	swait.ge [sflag:s26], $0x1000  }
0x1d1: {  	[sflag:s26] =	ssyncset.done $0x0  }
0x1d2: {  	[sflag:s26] =	ssyncadd.s32 $0xFFFFF000  }
0x1d3: {  	_ =	swait.ge [sflag:s26], $0x1000  }
0x1d4: {  	[sflag:s26] =	ssyncset.done $0x0  }
0x1d5: {  	[sflag:s26] =	ssyncadd.s32 $0xFFFFF000  }
0x1d6: {  	_ =	swait.ge [sflag:s26], $0x1000  }
0x1d7: {  	[sflag:s26] =	ssyncset.done $0x0  }
0x1d8: {  	s30 =	simm.s32 $0x0;
	[sflag:s26] =	ssyncadd.s32 $0xFFFFF000  }
0x1d9: {  	v1 =	vld [tilespmem:s30+$0x8010]  }
0x1da: {  	v3 =	vld [tilespmem:s30+$0x9010]  }
0x1db: {  	v5 =	vld [tilespmem:s30+$0xA010]  }
0x1dc: {  	v7 =	vld [tilespmem:s30+$0xB010]  }
0x1dd: {  	v11 =	vld [tilespmem:s30+$0x8000]  }
0x1de: {  	v63 =	vld [tilespmem:s30+$0x9000]  }
0x1df: {  	v2 =	vld [tilespmem:s30+$0xA000]  }
0x1e0: {  	s29 =	simm.s32 $0x20;
	v4 =	vld [tilespmem:s30+$0xB000];
	v8 =	vmin.f32 v1, v3  }
0x1e1: {  	v0 =	vld [tilespmem:s29+$0x8010];
	v6 =	vmax.f32 v1, v3;
	v3 =	vmin.f32 v5, v7;
	v7 =	vmax.f32 v5, v7  }
0x1e2: {  	v1 =	vld [tilespmem:s29+$0x9010];
	v13 =	vmin.f32 v8, v3;
	v9 =	vmax.f32 v8, v3;
	v10 =	vmin.f32 v6, v7  }
0x1e3: {  	s31 =	simm.s32 $0x100;
	v5 =	vmax.f32 v11, v63;
	v3 =	vld [tilespmem:s29+$0xA010];
	v8 =	vmin.f32 v11, v63;
	[tilespmem:s30+$0x14010] =	vst v13;
	v11 =	vmax.f32 v9, v10  }
.LBB2_12:
0x1e4: {  	p0 =	sne.s32 s31, $0x3F80;
	v12 =	vld [tilespmem:s29+$0xB010];
	v6 =	vmax.f32 v6, v7;
	v7 =	vmin.f32 v9, v10;
	[tilespmem:s30+$0x16010] =	vst v11  }
0x1e5: {  	v11 =	vld [tilespmem:s29+$0x8000];
	v9 =	vmin.f32 v2, v4;
	v4 =	vmax.f32 v2, v4;
	[tilespmem:s30+$0x15010] =	vst v7  }
0x1e6: {  	v13 =	vld [tilespmem:s29+$0x9000];
	v7 =	vmin.f32 v8, v9;
	v8 =	vmax.f32 v8, v9;
	v9 =	vmin.f32 v5, v4;
	[tilespmem:s30+$0x17010] =	vst v6  }
.Ltmp5:
0x1e7: {  	v5 =	vmax.f32 v5, v4;
	v2 =	vld [tilespmem:s29+$0xA000];
	[tilespmem:s30+$0x14000] =	vst v7;
	v6 =	vmin.f32 v8, v9;
	v8 =	vmax.f32 v8, v9;
	(pc) =	sbr.rel @p0 .LBB2_12-.Ltmp5, $4  }
0x1e8: {  	s0 =	sshra.s32 s31, $0x2;
	v9 =	vmin.f32 v0, v1;
	v4 =	vld [tilespmem:s29+$0xB000];
	[tilespmem:s30+$0x15000] =	vst v6  }
0x1e9: {  	v6 =	vmax.f32 v0, v1;
	v0 =	vld [tilespmem:s0+$0x8010];
	v10 =	vmin.f32 v3, v12;
	v7 =	vmax.f32 v3, v12;
	[tilespmem:s30+$0x16000] =	vst v8  }
0x1ea: {  	v1 =	vld [tilespmem:s0+$0x9010];
	v12 =	vmin.f32 v9, v10;
	v9 =	vmax.f32 v9, v10;
	v10 =	vmin.f32 v6, v7;
	[tilespmem:s30+$0x17000] =	vst v5;
	s30 =	smov.u32 s29;
	s29 =	smov.u32 s0  }
0x1eb: {  	s31 =	sadd.s32 $0x80, s31;
	v3 =	vld [tilespmem:s29+$0xA010];
	v8 =	vmin.f32 v11, v13;
	v5 =	vmax.f32 v11, v13;
	[tilespmem:s30+$0x14010] =	vst v12;
	v11 =	vmax.f32 v9, v10  }
0x1ec: {  	v12 =	vld [tilespmem:s29+$0xB010];
	[tilespmem:s30+$0x16010] =	vst v11;
	v9 =	vmin.f32 v9, v10  }
0x1ed: {  	v6 =	vmax.f32 v6, v7;
	v10 =	vld [tilespmem:s29+$0x8000];
	[tilespmem:s30+$0x15010] =	vst v9;
	v9 =	vmin.f32 v2, v4;
	v2 =	vmax.f32 v2, v4  }
0x1ee: {  	v7 =	vld [tilespmem:s29+$0x9000];
	[tilespmem:s30+$0x17010] =	vst v6;
	v4 =	vmin.f32 v8, v9;
	v8 =	vmax.f32 v8, v9;
	v9 =	vmin.f32 v5, v2  }
0x1ef: {  	v6 =	vld [tilespmem:s29+$0xA000];
	[tilespmem:s30+$0x14000] =	vst v4;
	v4 =	vmin.f32 v8, v9  }
0x1f0: {  	v2 =	vmax.f32 v5, v2;
	v5 =	vmax.f32 v8, v9;
	v11 =	vld [tilespmem:s29+$0xB000];
	[tilespmem:s30+$0x15000] =	vst v4  }
0x1f1: {  	v8 =	vmin.f32 v0, v1;
	v0 =	vmax.f32 v0, v1;
	[tilespmem:s30+$0x16000] =	vst v5;
	v1 =	vmin.f32 v3, v12  }
0x1f2: {  	[tilespmem:s30+$0x17000] =	vst v2;
	v3 =	vmax.f32 v3, v12;
	v4 =	vmin.f32 v8, v1  }
0x1f3: {  	v1 =	vmax.f32 v8, v1;
	v5 =	vmin.f32 v0, v3;
	v0 =	vmax.f32 v0, v3;
	[tilespmem:s29+$0x14010] =	vst v4  }
0x1f4: {  	v2 =	vmax.f32 v1, v5;
	v4 =	vmin.f32 v10, v7;
	v7 =	vmax.f32 v10, v7;
	[tilespmem:s29+$0x17010] =	vst v0  }
0x1f5: {  	v1 =	vmin.f32 v1, v5;
	[tilespmem:s29+$0x16010] =	vst v2;
	v2 =	vmin.f32 v6, v11;
	v3 =	vmax.f32 v6, v11  }
0x1f6: {  	[tilespmem:s29+$0x15010] =	vst v1;
	v1 =	vmin.f32 v4, v2;
	v2 =	vmax.f32 v4, v2;
	v4 =	vmin.f32 v7, v3  }
0x1f7: {  	[tilespmem:s29+$0x14000] =	vst v1;
	v0 =	vmin.f32 v2, v4  }
0x1f8: {  	v1 =	vmax.f32 v2, v4;
	[tilespmem:s29+$0x15000] =	vst v0  }
0x1f9: {  	v0 =	vmax.f32 v7, v3;
	[tilespmem:s29+$0x16000] =	vst v1  }
0x1fa: {  	[tilespmem:s29+$0x17000] =	vst v0;
	s29 =	sld [smem:$0x7CD];
	_ =	sdelay $0x1  }
0x1fb: {  	s0 =	simm.s32 $0x0;
	s30 =	simm.s32 $0x8000  }
0x1fc: {  	[tilespmem:s30], [sflag:$0x3] =	stream.linear.gather [hbm4b:s29+s0], $0xC00, $0x38;
	[tilespmem:$0x18000] =	vst v63  }
0x1fd: {  	s29 =	sld [smem:$0x7CE];
	_ =	sdelay $0x1  }
0x1fe: {  	s30 =	simm.s32 $0x9000  }
0x1ff: {  	[tilespmem:s30], [sflag:$0x3] =	stream.linear.gather [hbm4b:s29+s0], $0xC00, $0x38;
	[tilespmem:$0x18000] =	vst v63  }
0x200: {  	s29 =	sld [smem:$0x7CF];
	_ =	sdelay $0x2  }
0x201: {  	[tilespmem:s2], [sflag:$0x3] =	stream.linear.gather [hbm4b:s29+s0], $0xC00, $0x38;
	[tilespmem:$0x18000] =	vst v63  }
0x202: {  	s29 =	sld [smem:$0x7D0];
	_ =	sdelay $0x2  }
0x203: {  	[tilespmem:s3], [sflag:$0x3] =	stream.linear.gather [hbm4b:s29+s0], $0xC00, $0x38;
	[tilespmem:$0x18000] =	vst v63  }
0x204: {  	s0 =	sld [smem:$0x7E9];
	_ =	sdelay $0x2  }
0x205: {  	[hbm4b:s0+s5] =	stream.strided.scatter [tilespmem:s17], [sflag:$0x6], $0x1000, s6, s5, $0x38;
	[tilespmem:$0x18000] =	vst v63  }
0x206: {  	s0 =	sld [smem:$0x7EA];
	_ =	sdelay $0x2  }
0x207: {  	[hbm4b:s0+s5] =	stream.strided.scatter [tilespmem:s18], [sflag:$0x6], $0x1000, s6, s5, $0x38;
	[tilespmem:$0x18000] =	vst v63  }
0x208: {  	s0 =	sld [smem:$0x7EB];
	_ =	sdelay $0x2  }
0x209: {  	[hbm4b:s0+s5] =	stream.strided.scatter [tilespmem:s19], [sflag:$0x6], $0x1000, s6, s5, $0x38;
	[tilespmem:$0x18000] =	vst v63  }
0x20a: {  	s0 =	sld [smem:$0x7EC];
	_ =	sdelay $0x2  }
0x20b: {  	[hbm4b:s0+s5] =	stream.strided.scatter [tilespmem:s20], [sflag:$0x6], $0x1000, s6, s5, $0x38;
	[tilespmem:$0x18000] =	vst v63  }
0x20c: {  	_ =	swait.ge [sflag:s4], $0x1000  }
0x20d: {  	[sflag:s4] =	ssyncset.done $0x0  }
0x20e: {  	[sflag:s4] =	ssyncadd.s32 $0xFFFFF000  }
0x20f: {  	_ =	swait.ge [sflag:s4], $0x1000  }
0x210: {  	[sflag:s4] =	ssyncset.done $0x0  }
0x211: {  	[sflag:s4] =	ssyncadd.s32 $0xFFFFF000  }
0x212: {  	_ =	swait.ge [sflag:s4], $0x1000  }
0x213: {  	[sflag:s4] =	ssyncset.done $0x0  }
0x214: {  	[sflag:s4] =	ssyncadd.s32 $0xFFFFF000  }
0x215: {  	_ =	swait.ge [sflag:s4], $0x1000  }
0x216: {  	[sflag:s4] =	ssyncset.done $0x0  }
0x217: {  	[sflag:s4] =	ssyncadd.s32 $0xFFFFF000  }
0x218: {  	_ =	swait.ge [sflag:s21], $0x1000  }
0x219: {  	[sflag:s21] =	ssyncset.done $0x0  }
0x21a: {  	[sflag:s21] =	ssyncadd.s32 $0xFFFFF000  }
0x21b: {  	_ =	swait.ge [sflag:s21], $0x1000  }
0x21c: {  	[sflag:s21] =	ssyncset.done $0x0  }
0x21d: {  	[sflag:s21] =	ssyncadd.s32 $0xFFFFF000  }
0x21e: {  	_ =	swait.ge [sflag:s21], $0x1000  }
0x21f: {  	[sflag:s21] =	ssyncset.done $0x0  }
0x220: {  	[sflag:s21] =	ssyncadd.s32 $0xFFFFF000  }
0x221: {  	_ =	swait.ge [sflag:s21], $0x1000  }
0x222: {  	[sflag:s21] =	ssyncset.done $0x0  }
0x223: {  	s30 =	simm.s32 $0x0;
	[sflag:s21] =	ssyncadd.s32 $0xFFFFF000  }
0x224: {  	v1 =	vld [tilespmem:s30+$0x10]  }
0x225: {  	v3 =	vld [tilespmem:s30+$0x1010]  }
0x226: {  	v5 =	vld [tilespmem:s30+$0x2010]  }
0x227: {  	v7 =	vld [tilespmem:s30+$0x3010]  }
0x228: {  	v11 =	vld [tilespmem:s30+$0x0]  }
0x229: {  	v63 =	vld [tilespmem:s30+$0x1000]  }
0x22a: {  	v2 =	vld [tilespmem:s30+$0x2000]  }
0x22b: {  	s29 =	simm.s32 $0x20;
	v4 =	vld [tilespmem:s30+$0x3000];
	v8 =	vmin.f32 v1, v3  }
0x22c: {  	v0 =	vld [tilespmem:s29+$0x10];
	v6 =	vmax.f32 v1, v3;
	v3 =	vmin.f32 v5, v7;
	v7 =	vmax.f32 v5, v7  }
0x22d: {  	v1 =	vld [tilespmem:s29+$0x1010];
	v13 =	vmin.f32 v8, v3;
	v9 =	vmax.f32 v8, v3;
	v10 =	vmin.f32 v6, v7  }
0x22e: {  	s31 =	simm.s32 $0x100;
	v5 =	vmax.f32 v11, v63;
	v3 =	vld [tilespmem:s29+$0x2010];
	v8 =	vmin.f32 v11, v63;
	[tilespmem:s30+$0xC010] =	vst v13;
	v11 =	vmax.f32 v9, v10  }
.LBB2_14:
0x22f: {  	p0 =	sne.s32 s31, $0x3F80;
	v12 =	vld [tilespmem:s29+$0x3010];
	v6 =	vmax.f32 v6, v7;
	v7 =	vmin.f32 v9, v10;
	[tilespmem:s30+$0xE010] =	vst v11  }
0x230: {  	v11 =	vld [tilespmem:s29+$0x0];
	v9 =	vmin.f32 v2, v4;
	v4 =	vmax.f32 v2, v4;
	[tilespmem:s30+$0xD010] =	vst v7  }
0x231: {  	v13 =	vld [tilespmem:s29+$0x1000];
	v7 =	vmin.f32 v8, v9;
	v8 =	vmax.f32 v8, v9;
	v9 =	vmin.f32 v5, v4;
	[tilespmem:s30+$0xF010] =	vst v6  }
.Ltmp6:
0x232: {  	v5 =	vmax.f32 v5, v4;
	v2 =	vld [tilespmem:s29+$0x2000];
	[tilespmem:s30+$0xC000] =	vst v7;
	v6 =	vmin.f32 v8, v9;
	v8 =	vmax.f32 v8, v9;
	(pc) =	sbr.rel @p0 .LBB2_14-.Ltmp6, $4  }
0x233: {  	s0 =	sshra.s32 s31, $0x2;
	v9 =	vmin.f32 v0, v1;
	v4 =	vld [tilespmem:s29+$0x3000];
	[tilespmem:s30+$0xD000] =	vst v6  }
0x234: {  	v6 =	vmax.f32 v0, v1;
	v0 =	vld [tilespmem:s0+$0x10];
	v10 =	vmin.f32 v3, v12;
	v7 =	vmax.f32 v3, v12;
	[tilespmem:s30+$0xE000] =	vst v8  }
0x235: {  	v1 =	vld [tilespmem:s0+$0x1010];
	v12 =	vmin.f32 v9, v10;
	v9 =	vmax.f32 v9, v10;
	v10 =	vmin.f32 v6, v7;
	[tilespmem:s30+$0xF000] =	vst v5;
	s30 =	smov.u32 s29;
	s29 =	smov.u32 s0  }
0x236: {  	s31 =	sadd.s32 $0x80, s31;
	v3 =	vld [tilespmem:s29+$0x2010];
	v8 =	vmin.f32 v11, v13;
	v5 =	vmax.f32 v11, v13;
	[tilespmem:s30+$0xC010] =	vst v12;
	v11 =	vmax.f32 v9, v10  }
0x237: {  	v12 =	vld [tilespmem:s29+$0x3010];
	[tilespmem:s30+$0xE010] =	vst v11;
	v9 =	vmin.f32 v9, v10  }
0x238: {  	v6 =	vmax.f32 v6, v7;
	v10 =	vld [tilespmem:s29+$0x0];
	[tilespmem:s30+$0xD010] =	vst v9;
	v9 =	vmin.f32 v2, v4;
	v2 =	vmax.f32 v2, v4  }
0x239: {  	v7 =	vld [tilespmem:s29+$0x1000];
	[tilespmem:s30+$0xF010] =	vst v6;
	v4 =	vmin.f32 v8, v9;
	v8 =	vmax.f32 v8, v9;
	v9 =	vmin.f32 v5, v2  }
0x23a: {  	v6 =	vld [tilespmem:s29+$0x2000];
	[tilespmem:s30+$0xC000] =	vst v4;
	v4 =	vmin.f32 v8, v9  }
0x23b: {  	v2 =	vmax.f32 v5, v2;
	v5 =	vmax.f32 v8, v9;
	v11 =	vld [tilespmem:s29+$0x3000];
	[tilespmem:s30+$0xD000] =	vst v4  }
0x23c: {  	v8 =	vmin.f32 v0, v1;
	v0 =	vmax.f32 v0, v1;
	[tilespmem:s30+$0xE000] =	vst v5;
	v1 =	vmin.f32 v3, v12  }
0x23d: {  	[tilespmem:s30+$0xF000] =	vst v2;
	v3 =	vmax.f32 v3, v12;
	v4 =	vmin.f32 v8, v1  }
0x23e: {  	v1 =	vmax.f32 v8, v1;
	v5 =	vmin.f32 v0, v3;
	v0 =	vmax.f32 v0, v3;
	[tilespmem:s29+$0xC010] =	vst v4  }
0x23f: {  	v2 =	vmax.f32 v1, v5;
	v4 =	vmin.f32 v10, v7;
	v7 =	vmax.f32 v10, v7;
	[tilespmem:s29+$0xF010] =	vst v0  }
0x240: {  	v1 =	vmin.f32 v1, v5;
	[tilespmem:s29+$0xE010] =	vst v2;
	v2 =	vmin.f32 v6, v11;
	v3 =	vmax.f32 v6, v11  }
0x241: {  	[tilespmem:s29+$0xD010] =	vst v1;
	v1 =	vmin.f32 v4, v2;
	v2 =	vmax.f32 v4, v2;
	v4 =	vmin.f32 v7, v3  }
0x242: {  	[tilespmem:s29+$0xC000] =	vst v1;
	v0 =	vmin.f32 v2, v4  }
0x243: {  	v1 =	vmax.f32 v2, v4;
	[tilespmem:s29+$0xD000] =	vst v0  }
0x244: {  	v0 =	vmax.f32 v7, v3;
	[tilespmem:s29+$0xE000] =	vst v1  }
0x245: {  	[tilespmem:s29+$0xF000] =	vst v0;
	s29 =	sld [smem:$0x7D1];
	_ =	sdelay $0x1  }
0x246: {  	s0 =	simm.s32 $0x0  }
0x247: {  	[tilespmem:s0], [sflag:$0x1] =	stream.linear.gather [hbm4b:s29+s0], $0x400, $0x38;
	[tilespmem:$0x18000] =	vst v63  }
0x248: {  	s29 =	sld [smem:$0x7D2];
	_ =	sdelay $0x2  }
0x249: {  	[tilespmem:s23], [sflag:$0x1] =	stream.linear.gather [hbm4b:s29+s0], $0x400, $0x38;
	[tilespmem:$0x18000] =	vst v63  }
0x24a: {  	s29 =	sld [smem:$0x7D3];
	_ =	sdelay $0x2  }
0x24b: {  	[tilespmem:s24], [sflag:$0x1] =	stream.linear.gather [hbm4b:s29+s0], $0x400, $0x38;
	[tilespmem:$0x18000] =	vst v63  }
0x24c: {  	s29 =	sld [smem:$0x7D4];
	_ =	sdelay $0x2  }
0x24d: {  	[tilespmem:s25], [sflag:$0x1] =	stream.linear.gather [hbm4b:s29+s0], $0x400, $0x38;
	[tilespmem:$0x18000] =	vst v63  }
0x24e: {  	s0 =	sld [smem:$0x7ED];
	_ =	sdelay $0x2  }
0x24f: {  	[hbm4b:s0+s5] =	stream.strided.scatter [tilespmem:s7], [sflag:$0x4], $0x1000, s6, s5, $0x38;
	[tilespmem:$0x18000] =	vst v63  }
0x250: {  	s0 =	sld [smem:$0x7EE];
	_ =	sdelay $0x2  }
0x251: {  	[hbm4b:s0+s5] =	stream.strided.scatter [tilespmem:s8], [sflag:$0x4], $0x1000, s6, s5, $0x38;
	[tilespmem:$0x18000] =	vst v63  }
0x252: {  	s0 =	sld [smem:$0x7EF];
	_ =	sdelay $0x2  }
0x253: {  	[hbm4b:s0+s5] =	stream.strided.scatter [tilespmem:s9], [sflag:$0x4], $0x1000, s6, s5, $0x38;
	[tilespmem:$0x18000] =	vst v63  }
0x254: {  	s0 =	sld [smem:$0x7F0];
	_ =	sdelay $0x2  }
0x255: {  	[hbm4b:s0+s5] =	stream.strided.scatter [tilespmem:s10], [sflag:$0x4], $0x1000, s6, s5, $0x38;
	[tilespmem:$0x18000] =	vst v63  }
0x256: {  	_ =	swait.ge [sflag:s11], $0x1000  }
0x257: {  	[sflag:s11] =	ssyncset.done $0x0  }
0x258: {  	[sflag:s11] =	ssyncadd.s32 $0xFFFFF000  }
0x259: {  	_ =	swait.ge [sflag:s11], $0x1000  }
0x25a: {  	[sflag:s11] =	ssyncset.done $0x0  }
0x25b: {  	[sflag:s11] =	ssyncadd.s32 $0xFFFFF000  }
0x25c: {  	_ =	swait.ge [sflag:s11], $0x1000  }
0x25d: {  	[sflag:s11] =	ssyncset.done $0x0  }
0x25e: {  	[sflag:s11] =	ssyncadd.s32 $0xFFFFF000  }
0x25f: {  	_ =	swait.ge [sflag:s11], $0x1000  }
0x260: {  	[sflag:s11] =	ssyncset.done $0x0  }
0x261: {  	[sflag:s11] =	ssyncadd.s32 $0xFFFFF000  }
0x262: {  	_ =	swait.ge [sflag:s22], $0x1000  }
0x263: {  	[sflag:s22] =	ssyncset.done $0x0  }
0x264: {  	[sflag:s22] =	ssyncadd.s32 $0xFFFFF000  }
0x265: {  	_ =	swait.ge [sflag:s22], $0x1000  }
0x266: {  	[sflag:s22] =	ssyncset.done $0x0  }
0x267: {  	[sflag:s22] =	ssyncadd.s32 $0xFFFFF000  }
0x268: {  	_ =	swait.ge [sflag:s22], $0x1000  }
0x269: {  	[sflag:s22] =	ssyncset.done $0x0  }
0x26a: {  	[sflag:s22] =	ssyncadd.s32 $0xFFFFF000  }
0x26b: {  	_ =	swait.ge [sflag:s22], $0x1000  }
0x26c: {  	[sflag:s22] =	ssyncset.done $0x0  }
0x26d: {  	s30 =	simm.s32 $0x0;
	[sflag:s22] =	ssyncadd.s32 $0xFFFFF000  }
0x26e: {  	v1 =	vld [tilespmem:s30+$0x4010]  }
0x26f: {  	v3 =	vld [tilespmem:s30+$0x5010]  }
0x270: {  	v5 =	vld [tilespmem:s30+$0x6010]  }
0x271: {  	v7 =	vld [tilespmem:s30+$0x7010]  }
0x272: {  	v11 =	vld [tilespmem:s30+$0x4000]  }
0x273: {  	v63 =	vld [tilespmem:s30+$0x5000]  }
0x274: {  	v2 =	vld [tilespmem:s30+$0x6000]  }
0x275: {  	s29 =	simm.s32 $0x20;
	v4 =	vld [tilespmem:s30+$0x7000];
	v8 =	vmin.f32 v1, v3  }
0x276: {  	v0 =	vld [tilespmem:s29+$0x4010];
	v6 =	vmax.f32 v1, v3;
	v3 =	vmin.f32 v5, v7;
	v7 =	vmax.f32 v5, v7  }
0x277: {  	v1 =	vld [tilespmem:s29+$0x5010];
	v13 =	vmin.f32 v8, v3;
	v9 =	vmax.f32 v8, v3;
	v10 =	vmin.f32 v6, v7  }
0x278: {  	s31 =	simm.s32 $0x100;
	v5 =	vmax.f32 v11, v63;
	v3 =	vld [tilespmem:s29+$0x6010];
	v8 =	vmin.f32 v11, v63;
	[tilespmem:s30+$0x10010] =	vst v13;
	v11 =	vmax.f32 v9, v10  }
.LBB2_16:
0x279: {  	p0 =	sne.s32 s31, $0x3F80;
	v12 =	vld [tilespmem:s29+$0x7010];
	v6 =	vmax.f32 v6, v7;
	v7 =	vmin.f32 v9, v10;
	[tilespmem:s30+$0x12010] =	vst v11  }
0x27a: {  	v11 =	vld [tilespmem:s29+$0x4000];
	v9 =	vmin.f32 v2, v4;
	v4 =	vmax.f32 v2, v4;
	[tilespmem:s30+$0x11010] =	vst v7  }
0x27b: {  	v13 =	vld [tilespmem:s29+$0x5000];
	v7 =	vmin.f32 v8, v9;
	v8 =	vmax.f32 v8, v9;
	v9 =	vmin.f32 v5, v4;
	[tilespmem:s30+$0x13010] =	vst v6  }
.Ltmp7:
0x27c: {  	v5 =	vmax.f32 v5, v4;
	v2 =	vld [tilespmem:s29+$0x6000];
	[tilespmem:s30+$0x10000] =	vst v7;
	v6 =	vmin.f32 v8, v9;
	v8 =	vmax.f32 v8, v9;
	(pc) =	sbr.rel @p0 .LBB2_16-.Ltmp7, $4  }
0x27d: {  	s0 =	sshra.s32 s31, $0x2;
	v9 =	vmin.f32 v0, v1;
	v4 =	vld [tilespmem:s29+$0x7000];
	[tilespmem:s30+$0x11000] =	vst v6  }
0x27e: {  	v6 =	vmax.f32 v0, v1;
	v0 =	vld [tilespmem:s0+$0x4010];
	v10 =	vmin.f32 v3, v12;
	v7 =	vmax.f32 v3, v12;
	[tilespmem:s30+$0x12000] =	vst v8  }
0x27f: {  	v1 =	vld [tilespmem:s0+$0x5010];
	v12 =	vmin.f32 v9, v10;
	v9 =	vmax.f32 v9, v10;
	v10 =	vmin.f32 v6, v7;
	[tilespmem:s30+$0x13000] =	vst v5;
	s30 =	smov.u32 s29;
	s29 =	smov.u32 s0  }
0x280: {  	s31 =	sadd.s32 $0x80, s31;
	v3 =	vld [tilespmem:s29+$0x6010];
	v8 =	vmin.f32 v11, v13;
	v5 =	vmax.f32 v11, v13;
	[tilespmem:s30+$0x10010] =	vst v12;
	v11 =	vmax.f32 v9, v10  }
0x281: {  	v12 =	vld [tilespmem:s29+$0x7010];
	[tilespmem:s30+$0x12010] =	vst v11;
	v9 =	vmin.f32 v9, v10  }
0x282: {  	v6 =	vmax.f32 v6, v7;
	v10 =	vld [tilespmem:s29+$0x4000];
	[tilespmem:s30+$0x11010] =	vst v9;
	v9 =	vmin.f32 v2, v4;
	v2 =	vmax.f32 v2, v4  }
0x283: {  	v7 =	vld [tilespmem:s29+$0x5000];
	[tilespmem:s30+$0x13010] =	vst v6;
	v4 =	vmin.f32 v8, v9;
	v8 =	vmax.f32 v8, v9;
	v9 =	vmin.f32 v5, v2  }
0x284: {  	v6 =	vld [tilespmem:s29+$0x6000];
	[tilespmem:s30+$0x10000] =	vst v4;
	v4 =	vmin.f32 v8, v9  }
0x285: {  	v2 =	vmax.f32 v5, v2;
	v5 =	vmax.f32 v8, v9;
	v11 =	vld [tilespmem:s29+$0x7000];
	[tilespmem:s30+$0x11000] =	vst v4  }
0x286: {  	v8 =	vmin.f32 v0, v1;
	v0 =	vmax.f32 v0, v1;
	[tilespmem:s30+$0x12000] =	vst v5;
	v1 =	vmin.f32 v3, v12  }
0x287: {  	[tilespmem:s30+$0x13000] =	vst v2;
	v3 =	vmax.f32 v3, v12;
	v4 =	vmin.f32 v8, v1  }
0x288: {  	v1 =	vmax.f32 v8, v1;
	v5 =	vmin.f32 v0, v3;
	v0 =	vmax.f32 v0, v3;
	[tilespmem:s29+$0x10010] =	vst v4  }
0x289: {  	v2 =	vmax.f32 v1, v5;
	v4 =	vmin.f32 v10, v7;
	v7 =	vmax.f32 v10, v7;
	[tilespmem:s29+$0x13010] =	vst v0  }
0x28a: {  	v1 =	vmin.f32 v1, v5;
	[tilespmem:s29+$0x12010] =	vst v2;
	v2 =	vmin.f32 v6, v11;
	v3 =	vmax.f32 v6, v11  }
0x28b: {  	[tilespmem:s29+$0x11010] =	vst v1;
	v1 =	vmin.f32 v4, v2;
	v2 =	vmax.f32 v4, v2;
	v4 =	vmin.f32 v7, v3  }
0x28c: {  	[tilespmem:s29+$0x10000] =	vst v1;
	v0 =	vmin.f32 v2, v4  }
0x28d: {  	s0 =	sld [smem:$0x7F1];
	v1 =	vmax.f32 v2, v4;
	[tilespmem:s29+$0x11000] =	vst v0  }
0x28e: {  	v0 =	vmax.f32 v7, v3;
	[tilespmem:s29+$0x12000] =	vst v1  }
0x28f: {  	[tilespmem:s29+$0x13000] =	vst v0  }
0x290: {  	[hbm4b:s0+s5] =	stream.strided.scatter [tilespmem:s12], [sflag:$0x5], $0x1000, s6, s5, $0x38;
	[tilespmem:$0x18000] =	vst v63  }
0x291: {  	s0 =	sld [smem:$0x7F2];
	_ =	sdelay $0x2  }
0x292: {  	[hbm4b:s0+s5] =	stream.strided.scatter [tilespmem:s13], [sflag:$0x5], $0x1000, s6, s5, $0x38;
	[tilespmem:$0x18000] =	vst v63  }
0x293: {  	s0 =	sld [smem:$0x7F3];
	_ =	sdelay $0x2  }
0x294: {  	[hbm4b:s0+s5] =	stream.strided.scatter [tilespmem:s14], [sflag:$0x5], $0x1000, s6, s5, $0x38;
	[tilespmem:$0x18000] =	vst v63  }
0x295: {  	s0 =	sld [smem:$0x7F4];
	_ =	sdelay $0x2  }
0x296: {  	[hbm4b:s0+s5] =	stream.strided.scatter [tilespmem:s15], [sflag:$0x5], $0x1000, s6, s5, $0x38;
	[tilespmem:$0x18000] =	vst v63  }
0x297: {  	_ =	swait.ge [sflag:s16], $0xC00  }
0x298: {  	[sflag:s16] =	ssyncset.done $0x0  }
0x299: {  	[sflag:s16] =	ssyncadd.s32 $0xFFFFF400  }
0x29a: {  	_ =	swait.ge [sflag:s16], $0xC00  }
0x29b: {  	[sflag:s16] =	ssyncset.done $0x0  }
0x29c: {  	[sflag:s16] =	ssyncadd.s32 $0xFFFFF400  }
0x29d: {  	_ =	swait.ge [sflag:s16], $0xC00  }
0x29e: {  	[sflag:s16] =	ssyncset.done $0x0  }
0x29f: {  	[sflag:s16] =	ssyncadd.s32 $0xFFFFF400  }
0x2a0: {  	_ =	swait.ge [sflag:s16], $0xC00  }
0x2a1: {  	[sflag:s16] =	ssyncset.done $0x0  }
0x2a2: {  	[sflag:s16] =	ssyncadd.s32 $0xFFFFF400  }
0x2a3: {  	_ =	swait.ge [sflag:s26], $0x1000  }
0x2a4: {  	[sflag:s26] =	ssyncset.done $0x0  }
0x2a5: {  	[sflag:s26] =	ssyncadd.s32 $0xFFFFF000  }
0x2a6: {  	_ =	swait.ge [sflag:s26], $0x1000  }
0x2a7: {  	[sflag:s26] =	ssyncset.done $0x0  }
0x2a8: {  	[sflag:s26] =	ssyncadd.s32 $0xFFFFF000  }
0x2a9: {  	_ =	swait.ge [sflag:s26], $0x1000  }
0x2aa: {  	[sflag:s26] =	ssyncset.done $0x0  }
0x2ab: {  	[sflag:s26] =	ssyncadd.s32 $0xFFFFF000  }
0x2ac: {  	_ =	swait.ge [sflag:s26], $0x1000  }
0x2ad: {  	[sflag:s26] =	ssyncset.done $0x0  }
0x2ae: {  	s30 =	simm.s32 $0x0;
	[sflag:s26] =	ssyncadd.s32 $0xFFFFF000  }
0x2af: {  	v1 =	vld [tilespmem:s30+$0x8010]  }
0x2b0: {  	v3 =	vld [tilespmem:s30+$0x9010]  }
0x2b1: {  	v5 =	vld [tilespmem:s30+$0xA010]  }
0x2b2: {  	v7 =	vld [tilespmem:s30+$0xB010]  }
0x2b3: {  	v11 =	vld [tilespmem:s30+$0x8000]  }
0x2b4: {  	v63 =	vld [tilespmem:s30+$0x9000]  }
0x2b5: {  	v2 =	vld [tilespmem:s30+$0xA000]  }
0x2b6: {  	s29 =	simm.s32 $0x20;
	v4 =	vld [tilespmem:s30+$0xB000];
	v8 =	vmin.f32 v1, v3  }
0x2b7: {  	v0 =	vld [tilespmem:s29+$0x8010];
	v6 =	vmax.f32 v1, v3;
	v3 =	vmin.f32 v5, v7;
	v7 =	vmax.f32 v5, v7  }
0x2b8: {  	v1 =	vld [tilespmem:s29+$0x9010];
	v13 =	vmin.f32 v8, v3;
	v9 =	vmax.f32 v8, v3;
	v10 =	vmin.f32 v6, v7  }
0x2b9: {  	s31 =	simm.s32 $0x100;
	v5 =	vmax.f32 v11, v63;
	v3 =	vld [tilespmem:s29+$0xA010];
	v8 =	vmin.f32 v11, v63;
	[tilespmem:s30+$0x14010] =	vst v13;
	v11 =	vmax.f32 v9, v10  }
.LBB2_18:
0x2ba: {  	p0 =	sne.s32 s31, $0x2F80;
	v12 =	vld [tilespmem:s29+$0xB010];
	v6 =	vmax.f32 v6, v7;
	v7 =	vmin.f32 v9, v10;
	[tilespmem:s30+$0x16010] =	vst v11  }
0x2bb: {  	v11 =	vld [tilespmem:s29+$0x8000];
	v9 =	vmin.f32 v2, v4;
	v4 =	vmax.f32 v2, v4;
	[tilespmem:s30+$0x15010] =	vst v7  }
0x2bc: {  	v13 =	vld [tilespmem:s29+$0x9000];
	v7 =	vmin.f32 v8, v9;
	v8 =	vmax.f32 v8, v9;
	v9 =	vmin.f32 v5, v4;
	[tilespmem:s30+$0x17010] =	vst v6  }
.Ltmp8:
0x2bd: {  	v5 =	vmax.f32 v5, v4;
	v2 =	vld [tilespmem:s29+$0xA000];
	[tilespmem:s30+$0x14000] =	vst v7;
	v6 =	vmin.f32 v8, v9;
	v8 =	vmax.f32 v8, v9;
	(pc) =	sbr.rel @p0 .LBB2_18-.Ltmp8, $4  }
0x2be: {  	s0 =	sshra.s32 s31, $0x2;
	v9 =	vmin.f32 v0, v1;
	v4 =	vld [tilespmem:s29+$0xB000];
	[tilespmem:s30+$0x15000] =	vst v6  }
0x2bf: {  	v6 =	vmax.f32 v0, v1;
	v0 =	vld [tilespmem:s0+$0x8010];
	v10 =	vmin.f32 v3, v12;
	v7 =	vmax.f32 v3, v12;
	[tilespmem:s30+$0x16000] =	vst v8  }
0x2c0: {  	v1 =	vld [tilespmem:s0+$0x9010];
	v12 =	vmin.f32 v9, v10;
	v9 =	vmax.f32 v9, v10;
	v10 =	vmin.f32 v6, v7;
	[tilespmem:s30+$0x17000] =	vst v5;
	s30 =	smov.u32 s29;
	s29 =	smov.u32 s0  }
0x2c1: {  	s31 =	sadd.s32 $0x80, s31;
	v3 =	vld [tilespmem:s29+$0xA010];
	v8 =	vmin.f32 v11, v13;
	v5 =	vmax.f32 v11, v13;
	[tilespmem:s30+$0x14010] =	vst v12;
	v11 =	vmax.f32 v9, v10  }
0x2c2: {  	v12 =	vld [tilespmem:s29+$0xB010];
	[tilespmem:s30+$0x16010] =	vst v11;
	v9 =	vmin.f32 v9, v10  }
0x2c3: {  	v6 =	vmax.f32 v6, v7;
	v10 =	vld [tilespmem:s29+$0x8000];
	[tilespmem:s30+$0x15010] =	vst v9;
	v9 =	vmin.f32 v2, v4;
	v2 =	vmax.f32 v2, v4  }
0x2c4: {  	v7 =	vld [tilespmem:s29+$0x9000];
	[tilespmem:s30+$0x17010] =	vst v6;
	v4 =	vmin.f32 v8, v9;
	v8 =	vmax.f32 v8, v9;
	v9 =	vmin.f32 v5, v2  }
0x2c5: {  	v6 =	vld [tilespmem:s29+$0xA000];
	[tilespmem:s30+$0x14000] =	vst v4;
	v4 =	vmin.f32 v8, v9  }
0x2c6: {  	v2 =	vmax.f32 v5, v2;
	v5 =	vmax.f32 v8, v9;
	v11 =	vld [tilespmem:s29+$0xB000];
	[tilespmem:s30+$0x15000] =	vst v4  }
0x2c7: {  	v8 =	vmin.f32 v0, v1;
	v0 =	vmax.f32 v0, v1;
	[tilespmem:s30+$0x16000] =	vst v5;
	v1 =	vmin.f32 v3, v12  }
0x2c8: {  	[tilespmem:s30+$0x17000] =	vst v2;
	v3 =	vmax.f32 v3, v12;
	v4 =	vmin.f32 v8, v1  }
0x2c9: {  	v1 =	vmax.f32 v8, v1;
	v5 =	vmin.f32 v0, v3;
	v0 =	vmax.f32 v0, v3;
	[tilespmem:s29+$0x14010] =	vst v4  }
0x2ca: {  	v2 =	vmax.f32 v1, v5;
	v4 =	vmin.f32 v10, v7;
	v7 =	vmax.f32 v10, v7;
	[tilespmem:s29+$0x17010] =	vst v0  }
0x2cb: {  	v1 =	vmin.f32 v1, v5;
	[tilespmem:s29+$0x16010] =	vst v2;
	v2 =	vmin.f32 v6, v11;
	v3 =	vmax.f32 v6, v11  }
0x2cc: {  	[tilespmem:s29+$0x15010] =	vst v1;
	v1 =	vmin.f32 v4, v2;
	v2 =	vmax.f32 v4, v2;
	v4 =	vmin.f32 v7, v3  }
0x2cd: {  	[tilespmem:s29+$0x14000] =	vst v1;
	v0 =	vmin.f32 v2, v4  }
0x2ce: {  	s0 =	sld [smem:$0x7F5];
	v1 =	vmax.f32 v2, v4;
	[tilespmem:s29+$0x15000] =	vst v0  }
0x2cf: {  	v0 =	vmax.f32 v7, v3;
	[tilespmem:s29+$0x16000] =	vst v1  }
0x2d0: {  	[tilespmem:s29+$0x17000] =	vst v0  }
0x2d1: {  	[hbm4b:s0+s5] =	stream.strided.scatter [tilespmem:s17], [sflag:$0x6], $0xC00, s6, s5, $0x38;
	[tilespmem:$0x18000] =	vst v63  }
0x2d2: {  	s0 =	sld [smem:$0x7F6];
	_ =	sdelay $0x2  }
0x2d3: {  	[hbm4b:s0+s5] =	stream.strided.scatter [tilespmem:s18], [sflag:$0x6], $0xC00, s6, s5, $0x38;
	[tilespmem:$0x18000] =	vst v63  }
0x2d4: {  	s0 =	sld [smem:$0x7F7];
	_ =	sdelay $0x2  }
0x2d5: {  	[hbm4b:s0+s5] =	stream.strided.scatter [tilespmem:s19], [sflag:$0x6], $0xC00, s6, s5, $0x38;
	[tilespmem:$0x18000] =	vst v63  }
0x2d6: {  	s0 =	sld [smem:$0x7F8];
	_ =	sdelay $0x2  }
0x2d7: {  	[hbm4b:s0+s5] =	stream.strided.scatter [tilespmem:s20], [sflag:$0x6], $0xC00, s6, s5, $0x38;
	[tilespmem:$0x18000] =	vst v63  }
0x2d8: {  	_ =	swait.ge [sflag:s4], $0x400  }
0x2d9: {  	[sflag:s4] =	ssyncset.done $0x0  }
0x2da: {  	[sflag:s4] =	ssyncadd.s32 $0xFFFFFC00  }
0x2db: {  	_ =	swait.ge [sflag:s4], $0x400  }
0x2dc: {  	[sflag:s4] =	ssyncset.done $0x0  }
0x2dd: {  	[sflag:s4] =	ssyncadd.s32 $0xFFFFFC00  }
0x2de: {  	_ =	swait.ge [sflag:s4], $0x400  }
0x2df: {  	[sflag:s4] =	ssyncset.done $0x0  }
0x2e0: {  	[sflag:s4] =	ssyncadd.s32 $0xFFFFFC00  }
0x2e1: {  	_ =	swait.ge [sflag:s4], $0x400  }
0x2e2: {  	[sflag:s4] =	ssyncset.done $0x0  }
0x2e3: {  	[sflag:s4] =	ssyncadd.s32 $0xFFFFFC00  }
0x2e4: {  	_ =	swait.ge [sflag:s21], $0x1000  }
0x2e5: {  	[sflag:s21] =	ssyncset.done $0x0  }
0x2e6: {  	[sflag:s21] =	ssyncadd.s32 $0xFFFFF000  }
0x2e7: {  	_ =	swait.ge [sflag:s21], $0x1000  }
0x2e8: {  	[sflag:s21] =	ssyncset.done $0x0  }
0x2e9: {  	[sflag:s21] =	ssyncadd.s32 $0xFFFFF000  }
0x2ea: {  	_ =	swait.ge [sflag:s21], $0x1000  }
0x2eb: {  	[sflag:s21] =	ssyncset.done $0x0  }
0x2ec: {  	[sflag:s21] =	ssyncadd.s32 $0xFFFFF000  }
0x2ed: {  	_ =	swait.ge [sflag:s21], $0x1000  }
0x2ee: {  	[sflag:s21] =	ssyncset.done $0x0  }
0x2ef: {  	s30 =	simm.s32 $0x0;
	[sflag:s21] =	ssyncadd.s32 $0xFFFFF000  }
0x2f0: {  	v1 =	vld [tilespmem:s30+$0x10]  }
0x2f1: {  	v3 =	vld [tilespmem:s30+$0x1010]  }
0x2f2: {  	v5 =	vld [tilespmem:s30+$0x2010]  }
0x2f3: {  	v7 =	vld [tilespmem:s30+$0x3010]  }
0x2f4: {  	v11 =	vld [tilespmem:s30+$0x0]  }
0x2f5: {  	v63 =	vld [tilespmem:s30+$0x1000]  }
0x2f6: {  	v2 =	vld [tilespmem:s30+$0x2000]  }
0x2f7: {  	s29 =	simm.s32 $0x20;
	v4 =	vld [tilespmem:s30+$0x3000];
	v8 =	vmin.f32 v1, v3  }
0x2f8: {  	v0 =	vld [tilespmem:s29+$0x10];
	v6 =	vmax.f32 v1, v3;
	v3 =	vmin.f32 v5, v7;
	v7 =	vmax.f32 v5, v7  }
0x2f9: {  	v1 =	vld [tilespmem:s29+$0x1010];
	v13 =	vmin.f32 v8, v3;
	v9 =	vmax.f32 v8, v3;
	v10 =	vmin.f32 v6, v7  }
0x2fa: {  	s31 =	simm.s32 $0x100;
	v5 =	vmax.f32 v11, v63;
	v3 =	vld [tilespmem:s29+$0x2010];
	v8 =	vmin.f32 v11, v63;
	[tilespmem:s30+$0xC010] =	vst v13;
	v11 =	vmax.f32 v9, v10  }
.LBB2_20:
0x2fb: {  	p0 =	sne.s32 s31, $0xF80;
	v12 =	vld [tilespmem:s29+$0x3010];
	v6 =	vmax.f32 v6, v7;
	v7 =	vmin.f32 v9, v10;
	[tilespmem:s30+$0xE010] =	vst v11  }
0x2fc: {  	v11 =	vld [tilespmem:s29+$0x0];
	v9 =	vmin.f32 v2, v4;
	v4 =	vmax.f32 v2, v4;
	[tilespmem:s30+$0xD010] =	vst v7  }
0x2fd: {  	v13 =	vld [tilespmem:s29+$0x1000];
	v7 =	vmin.f32 v8, v9;
	v8 =	vmax.f32 v8, v9;
	v9 =	vmin.f32 v5, v4;
	[tilespmem:s30+$0xF010] =	vst v6  }
.Ltmp9:
0x2fe: {  	v5 =	vmax.f32 v5, v4;
	v2 =	vld [tilespmem:s29+$0x2000];
	[tilespmem:s30+$0xC000] =	vst v7;
	v6 =	vmin.f32 v8, v9;
	v8 =	vmax.f32 v8, v9;
	(pc) =	sbr.rel @p0 .LBB2_20-.Ltmp9, $4  }
0x2ff: {  	s0 =	sshra.s32 s31, $0x2;
	v9 =	vmin.f32 v0, v1;
	v4 =	vld [tilespmem:s29+$0x3000];
	[tilespmem:s30+$0xD000] =	vst v6  }
0x300: {  	v6 =	vmax.f32 v0, v1;
	v0 =	vld [tilespmem:s0+$0x10];
	v10 =	vmin.f32 v3, v12;
	v7 =	vmax.f32 v3, v12;
	[tilespmem:s30+$0xE000] =	vst v8  }
0x301: {  	v1 =	vld [tilespmem:s0+$0x1010];
	v12 =	vmin.f32 v9, v10;
	v9 =	vmax.f32 v9, v10;
	v10 =	vmin.f32 v6, v7;
	[tilespmem:s30+$0xF000] =	vst v5;
	s30 =	smov.u32 s29;
	s29 =	smov.u32 s0  }
0x302: {  	s31 =	sadd.s32 $0x80, s31;
	v3 =	vld [tilespmem:s29+$0x2010];
	v8 =	vmin.f32 v11, v13;
	v5 =	vmax.f32 v11, v13;
	[tilespmem:s30+$0xC010] =	vst v12;
	v11 =	vmax.f32 v9, v10  }
0x303: {  	v12 =	vld [tilespmem:s29+$0x3010];
	[tilespmem:s30+$0xE010] =	vst v11;
	v9 =	vmin.f32 v9, v10  }
0x304: {  	v6 =	vmax.f32 v6, v7;
	v40 =	vld [tilespmem:s29+$0x0];
	[tilespmem:s30+$0xD010] =	vst v9;
	v42 =	vmin.f32 v2, v4;
	v43 =	vmax.f32 v2, v4  }
0x305: {  	v41 =	vld [tilespmem:s29+$0x1000];
	[tilespmem:s30+$0xF010] =	vst v6;
	v44 =	vmin.f32 v8, v42;
	v45 =	vmax.f32 v8, v42;
	v46 =	vmin.f32 v5, v43  }
0x306: {  	v6 =	vld [tilespmem:s29+$0x2000];
	[tilespmem:s30+$0xC000] =	vst v44;
	v47 =	vmin.f32 v45, v46  }
0x307: {  	v48 =	vmax.f32 v45, v46;
	v11 =	vld [tilespmem:s29+$0x3000];
	[tilespmem:s30+$0xD000] =	vst v47  }
0x308: {  	v2 =	vmax.f32 v5, v43;
	v49 =	vmin.f32 v0, v1;
	[tilespmem:s30+$0xE000] =	vst v48;
	v51 =	vmin.f32 v3, v12  }
0x309: {  	v50 =	vmax.f32 v0, v1;
	[tilespmem:s30+$0xF000] =	vst v2;
	v52 =	vmax.f32 v3, v12;
	v53 =	vmin.f32 v49, v51  }
0x30a: {  	v1 =	vmax.f32 v49, v51;
	v54 =	vmin.f32 v50, v52;
	v0 =	vmax.f32 v50, v52;
	[tilespmem:s29+$0xC010] =	vst v53  }
0x30b: {  	v55 =	vmax.f32 v1, v54;
	[tilespmem:s29+$0xF010] =	vst v0  }
0x30c: {  	v56 =	vmin.f32 v40, v41;
	v1 =	vmin.f32 v1, v54;
	[tilespmem:s29+$0xE010] =	vst v55;
	v57 =	vmin.f32 v6, v11  }
0x30d: {  	v7 =	vmax.f32 v40, v41;
	[tilespmem:s29+$0xD010] =	vst v1;
	v58 =	vmax.f32 v6, v11;
	v59 =	vmin.f32 v56, v57  }
0x30e: {  	v2 =	vmax.f32 v56, v57;
	v60 =	vmin.f32 v7, v58;
	v63 =	vmax.f32 v7, v58;
	[tilespmem:s29+$0xC000] =	vst v59  }
0x30f: {  	s0 =	sld [smem:$0x7F9];
	v61 =	vmin.f32 v2, v60;
	[tilespmem:s29+$0xF000] =	vst v63  }
0x310: {  	v62 =	vmax.f32 v2, v60;
	[tilespmem:s29+$0xD000] =	vst v61  }
0x311: {  	s31 =	sld [smem:$0x7FA];
	[tilespmem:s29+$0xE000] =	vst v62  }
0x312: {  	[hbm4b:s0+s5] =	stream.strided.scatter [tilespmem:s7], [sflag:$0x4], $0x400, s6, s5, $0x38;
	[tilespmem:$0x18000] =	vst v63  }
0x313: {  	s29 =	sld [smem:$0x7FB]  }
0x314: {  	[hbm4b:s31+s5] =	stream.strided.scatter [tilespmem:s8], [sflag:$0x4], $0x400, s6, s5, $0x38;
	[tilespmem:$0x18000] =	vst v63  }
0x315: {  	s30 =	sld [smem:$0x7FC]  }
0x316: {  	[hbm4b:s29+s5] =	stream.strided.scatter [tilespmem:s9], [sflag:$0x4], $0x400, s6, s5, $0x38;
	[tilespmem:$0x18000] =	vst v63  }
0x317: {  	_ = 	snop  }
0x318: {  	[hbm4b:s30+s5] =	stream.strided.scatter [tilespmem:s10], [sflag:$0x4], $0x400, s6, s5, $0x38;
	[tilespmem:$0x18000] =	vst v63  }
0x319: {  	_ =	swait.ge [sflag:s21], $0x400  }
0x31a: {  	[sflag:s21] =	ssyncset.done $0x0  }
0x31b: {  	[sflag:s21] =	ssyncadd.s32 $0xFFFFFC00  }
0x31c: {  	_ =	swait.ge [sflag:s21], $0x400  }
0x31d: {  	[sflag:s21] =	ssyncset.done $0x0  }
0x31e: {  	[sflag:s21] =	ssyncadd.s32 $0xFFFFFC00  }
0x31f: {  	_ =	swait.ge [sflag:s21], $0x400  }
0x320: {  	[sflag:s21] =	ssyncset.done $0x0  }
0x321: {  	[sflag:s21] =	ssyncadd.s32 $0xFFFFFC00  }
0x322: {  	_ =	swait.ge [sflag:s21], $0x400  }
0x323: {  	[sflag:s21] =	ssyncset.done $0x0  }
0x324: {  	[sflag:s21] =	ssyncadd.s32 $0xFFFFFC00  }
0x325: {  	_ =	swait.ge [sflag:s22], $0x1000  }
0x326: {  	[sflag:s22] =	ssyncset.done $0x0  }
0x327: {  	[sflag:s22] =	ssyncadd.s32 $0xFFFFF000  }
0x328: {  	_ =	swait.ge [sflag:s22], $0x1000  }
0x329: {  	[sflag:s22] =	ssyncset.done $0x0  }
0x32a: {  	[sflag:s22] =	ssyncadd.s32 $0xFFFFF000  }
0x32b: {  	_ =	swait.ge [sflag:s22], $0x1000  }
0x32c: {  	[sflag:s22] =	ssyncset.done $0x0  }
0x32d: {  	[sflag:s22] =	ssyncadd.s32 $0xFFFFF000  }
0x32e: {  	_ =	swait.ge [sflag:s22], $0x1000  }
0x32f: {  	[sflag:s22] =	ssyncset.done $0x0  }
0x330: {  	[sflag:s22] =	ssyncadd.s32 $0xFFFFF000  }
0x331: {  	_ =	swait.ge [sflag:s26], $0xC00  }
0x332: {  	[sflag:s26] =	ssyncset.done $0x0  }
0x333: {  	[sflag:s26] =	ssyncadd.s32 $0xFFFFF400  }
0x334: {  	_ =	swait.ge [sflag:s26], $0xC00  }
0x335: {  	[sflag:s26] =	ssyncset.done $0x0  }
0x336: {  	[sflag:s26] =	ssyncadd.s32 $0xFFFFF400  }
0x337: {  	_ =	swait.ge [sflag:s26], $0xC00  }
0x338: {  	[sflag:s26] =	ssyncset.done $0x0  }
0x339: {  	[sflag:s26] =	ssyncadd.s32 $0xFFFFF400  }
0x33a: {  	_ =	swait.ge [sflag:s26], $0xC00  }
0x33b: {  	s31 =	sld [smem:$0x7FD];
	_ =	sdelay $0x1  }
0x33c: {  	s28 =	sadd.s32 $0x1, s28  }
0x33d: {  	p0 =	sne.s32 s28, s31  }
.Ltmp10:
0x33e: {  	_ = 	snop;
	(pc) =	sbr.rel @p0 .LBB2_1-.Ltmp10, $3  }
0x33f: {  	_ =	sdelay $0x1  }
0x340: {  	[sflag:s26] =	ssyncset.done $0x0  }
0x341: {  	[sflag:s26] =	ssyncadd.s32 $0xFFFFF400  }
0x342: {  	_ =	sfence.sel $0x180000  }
0x343: {  	[bflag:$0x0] =	sbarrier.arrive $0xFFFF  }
0x344: {  	_ =	strace $0x90000047  }
0x345: {  	s0 =	stileid.u32;
	[bflag:$0x2] =	sbarrier.arrive $0xFFFF  }
0x346: {  	p0 =	sne.s32 s0, $0x0;
	s0 =	rddreg [dreg:$0x5]  }
0x347: {  	s0 =	sadd.s32 @!p0 $0x100000, s0  }
0x348: {  	[sflag:s0] =	ssyncadd.tile.s32 @!p0 $0x1;
	_ =	shalt  }
.Lfunc_end2:
_tile_overlayer_lowered:
.L_overlay_start_2:
0x349: {  	(tag) =	ssettag $0x2  }
0x34a: {  	s0 =	rddreg [dreg:$0x0];
	s2 =	stileid.u32  }
0x34b: {  	s1 =	rddreg [dreg:$0x1];
	p0 =	sne.s32 s2, $0x0  }
0x34c: {  	s3 =	rddreg [dreg:$0x2];
	[bflag:$0x3] =	sbarrier.arrive $0xFFFF;
	s2 =	simm.s32 @!p0 $0x1C07  }
0x34d: {  	[timem:s3], [sflag:s2] =	dma.local @!p0 [hbm:s0], s1  }
0x34e: {  	s0 =	simm.s32 @!p0 $0x7  }
0x34f: {  	_ =	swait.ge @!p0 [sflag:s0], s1  }
0x350: {  	s1 =	ssub.s32 @!p0 $0x0, s1;
	[sflag:s0] =	ssyncset.done @!p0 $0x0  }
0x351: {  	[sflag:s0] =	ssyncadd.s32 @!p0 s1  }
0x352: {  	[bflag:$0x3] =	sbarrier.arrive $0xFFFF  }
0x353: {  	_ =	shalt  }

</sc_bundles>
